<compile_context>
chip_gen: v7x
topology: tpu7x:2x2x1
jax: 0.10.2.dev20260603
libtpu: 0.0.44.dev20260713+nightly
codegen_flags: <defaults>
</compile_context>

<pallas_src>
import functools

import jax
import jax.numpy as jnp
from jax import lax
from jax.experimental import pallas as pl
from jax.experimental.pallas import tpu as pltpu
from jax.experimental.pallas import tpu_sc as plsc

N = 10000
NPAD = 10240
E = 320000
D_EDGE = 16
INV_NEIGH = 1.0 / 3.0

CHUNK = 128
NCHUNKS = 160
ETILE = NCHUNKS * CHUNK
EPAD = 16 * ETILE
BE = 2048
RB = 2000

F32 = jnp.float32


HQ = 80


def _sc_message_pass(nq):
    per_core = nq // 2
    rows_slice = NPAD // 16
    mesh = plsc.VectorSubcoreMesh(core_axis_name="c", subcore_axis_name="s")

    @functools.partial(
        pl.kernel,
        mesh=mesh,
        compiler_params=pltpu.CompilerParams(use_tc_tiling_on_sc=False),
        out_type=jax.ShapeDtypeStruct((nq, NPAD, HQ), F32),
        scratch_types=[
            [pltpu.VMEM((CHUNK,), jnp.int32)] * 2,
            [pltpu.VMEM((CHUNK,), jnp.int32)] * 2,
            pltpu.VMEM((2, CHUNK, HQ), F32),
            pltpu.VMEM((2, CHUNK, HQ), F32),
            [pltpu.SemaphoreType.DMA] * 6,
            pltpu.VMEM_SHARED((NPAD, HQ), F32),
        ],
    )
    def msg(srcq_hbm, dst_hbm, ycat_hbm, ecat_hbm, out_hbm,
            sidx_b, didx_b, rows_v, e_v, sems, acc_sh):
        sem_g = sems[:2]
        sem_e = sems[2:4]
        sem_i = sems[4:]
        cid = lax.axis_index("c")
        sid = lax.axis_index("s")
        ebase = sid * ETILE

        def zrow(r, carry):
            for j in range(HQ // 16):
                rows_v[0, r, pl.ds(j * 16, 16)] = jnp.zeros((16,), F32)
            return carry

        def mulrow(b):
            def go(r, c2):
                for j in range(HQ // 16):
                    sl = pl.ds(j * 16, 16)
                    rows_v[b, r, sl] = rows_v[b, r, sl] * e_v[b, r, sl]
                return c2
            return go

        def issue_idx(i, b, q):
            pltpu.async_copy(srcq_hbm.at[q, sid, i], sidx_b[b], sem_i[b])
            pltpu.async_copy(dst_hbm.at[sid, i], didx_b[b], sem_i[b])

        def wait_idx(b, q):
            pltpu.make_async_copy(srcq_hbm.at[q, sid, 0], sidx_b[b],
                                  sem_i[b]).wait()
            pltpu.make_async_copy(dst_hbm.at[sid, 0], didx_b[b],
                                  sem_i[b]).wait()

        def fetch(i, b, q):
            pltpu.async_copy(ycat_hbm.at[sidx_b[b]], rows_v.at[b], sem_g[b])
            pltpu.async_copy(
                ecat_hbm.at[q, pl.ds(ebase + i * CHUNK, CHUNK)],
                e_v.at[b], sem_e[b])

        def wait_fetch(b):
            pltpu.make_async_copy(ycat_hbm.at[sidx_b[b]], rows_v.at[b],
                                  sem_g[b]).wait()
            pltpu.make_async_copy(
                ecat_hbm.at[0, pl.ds(0, CHUNK)], e_v.at[b], sem_e[b]).wait()

        def scatter(b):
            pltpu.sync_copy(rows_v.at[b], acc_sh.at[didx_b[b]], add=True)

        for p in range(per_core):
            q = cid * per_core + p
            lax.fori_loop(0, CHUNK, zrow, None)
            for k in range(5):
                pltpu.sync_copy(
                    rows_v.at[0],
                    acc_sh.at[pl.ds(sid * rows_slice + k * CHUNK, CHUNK)])
            plsc.subcore_barrier()

            pltpu.sync_copy(srcq_hbm.at[q, sid, 0], sidx_b[0])
            pltpu.sync_copy(dst_hbm.at[sid, 0], didx_b[0])
            fetch(0, 0, q)
            issue_idx(1, 1, q)

            def group(g, carry):
                for b in range(2):
                    l = 2 * g + b
                    nb = 1 - b
                    @pl.when(l + 1 < NCHUNKS)
                    def _():
                        wait_idx(nb, q)
                        fetch(l + 1, nb, q)
                    wait_fetch(b)
                    lax.fori_loop(0, CHUNK, mulrow(b), None)
                    scatter(b)
                    @pl.when(l + 2 < NCHUNKS)
                    def _():
                        issue_idx(l + 2, b, q)
                return carry
            lax.fori_loop(0, NCHUNKS // 2, group, None)

            plsc.subcore_barrier()
            for k in range(5):
                r0 = sid * rows_slice + k * CHUNK
                pltpu.sync_copy(acc_sh.at[pl.ds(r0, CHUNK)], rows_v.at[0])
                pltpu.sync_copy(rows_v.at[0], out_hbm.at[q, pl.ds(r0, CHUNK)])

    return msg


def _tc_init(x0, z2, canonical, Zemb, Wc, Wm0):
    def body(x0_r, z_r, can_r, zemb_r, wc_r, wm_r, x_r, yc_r):
        zb = z_r[...]
        onehot = (zb == lax.broadcasted_iota(jnp.int32, (RB, 100), 1)
                  ).astype(F32)
        xv = (x0_r[...]
              + jnp.dot(onehot, zemb_r[...], preferred_element_type=F32)
              + jnp.dot(can_r[...], wc_r[...], preferred_element_type=F32))
        x_r[...] = xv
        y = jnp.dot(xv, wm_r[...], preferred_element_type=F32)
        yc_r[0] = y[:, :80]
        yc_r[1] = jnp.concatenate([y[:, 80:], jnp.zeros((RB, 8), F32)], axis=1)

    return pl.pallas_call(
        body,
        grid=(N // RB,),
        in_specs=[
            pl.BlockSpec((RB, 152), lambda i: (i, 0)),
            pl.BlockSpec((RB, 1), lambda i: (i, 0)),
            pl.BlockSpec((RB, 3), lambda i: (i, 0)),
            pl.BlockSpec((100, 152), lambda i: (0, 0)),
            pl.BlockSpec((3, 152), lambda i: (0, 0)),
            pl.BlockSpec((152, 152), lambda i: (0, 0)),
        ],
        out_specs=[
            pl.BlockSpec((RB, 152), lambda i: (i, 0)),
            pl.BlockSpec((2, RB, 80), lambda i: (0, i, 0)),
        ],
        out_shape=[
            jax.ShapeDtypeStruct((N, 152), F32),
            jax.ShapeDtypeStruct((2, N, 80), F32),
        ],
    )(x0, z2, canonical, Zemb, Wc, Wm0)


def _tc_edge_coeffs(ea_p, We0, We1):
    def body(ea_r, w0_r, w1_r, e0_r, e1_r):
        a = ea_r[...]
        e0 = jnp.dot(a, w0_r[...], preferred_element_type=F32) * INV_NEIGH
        e0_r[0] = e0[:, :80]
        e0_r[1] = jnp.concatenate([e0[:, 80:], jnp.zeros((BE, 8), F32)],
                                  axis=1)
        e1 = jnp.dot(a, w1_r[...], preferred_element_type=F32) * INV_NEIGH
        e1_r[0] = e1[:, :80]
        e1_r[1] = e1[:, 80:160]
        e1_r[2] = e1[:, 160:240]
        e1_r[3] = jnp.concatenate([e1[:, 240:], jnp.zeros((BE, 16), F32)],
                                  axis=1)

    return pl.pallas_call(
        body,
        grid=(EPAD // BE,),
        in_specs=[
            pl.BlockSpec((BE, D_EDGE), lambda i: (i, 0)),
            pl.BlockSpec((D_EDGE, 152), lambda i: (0, 0)),
            pl.BlockSpec((D_EDGE, 304), lambda i: (0, 0)),
        ],
        out_specs=[
            pl.BlockSpec((2, BE, 80), lambda i: (0, i, 0)),
            pl.BlockSpec((4, BE, 80), lambda i: (0, i, 0)),
        ],
        out_shape=[
            jax.ShapeDtypeStruct((2, EPAD, 80), F32),
            jax.ShapeDtypeStruct((4, EPAD, 80), F32),
        ],
    )(ea_p, We0, We1)


def _tc_mid(agg0c, x, Wg0, Ws0, Wm1):
    def body(ag_r, x_r, wg_r, ws_r, wm_r, x1_r, yc_r):
        agg = jnp.concatenate([ag_r[0], ag_r[1][:, :72]], axis=1)
        gate = jax.nn.sigmoid(jnp.dot(agg, wg_r[...],
                                      preferred_element_type=F32))
        x1 = jnp.dot(x_r[...], ws_r[...],
                     preferred_element_type=F32) + agg * gate
        x1_r[...] = x1
        y1 = jnp.dot(x1, wm_r[...], preferred_element_type=F32)
        yc_r[0] = y1[:, :80]
        yc_r[1] = y1[:, 80:160]
        yc_r[2] = y1[:, 160:240]
        yc_r[3] = jnp.concatenate([y1[:, 240:], jnp.zeros((RB, 16), F32)],
                                  axis=1)

    return pl.pallas_call(
        body,
        grid=(N // RB,),
        in_specs=[
            pl.BlockSpec((2, RB, 80), lambda i: (0, i, 0)),
            pl.BlockSpec((RB, 152), lambda i: (i, 0)),
            pl.BlockSpec((152, 152), lambda i: (0, 0)),
            pl.BlockSpec((152, 152), lambda i: (0, 0)),
            pl.BlockSpec((152, 304), lambda i: (0, 0)),
        ],
        out_specs=[
            pl.BlockSpec((RB, 152), lambda i: (i, 0)),
            pl.BlockSpec((4, RB, 80), lambda i: (0, i, 0)),
        ],
        out_shape=[
            jax.ShapeDtypeStruct((N, 152), F32),
            jax.ShapeDtypeStruct((4, N, 80), F32),
        ],
    )(agg0c, x, Wg0, Ws0, Wm1)


def _tc_final(agg1c, x1, Wg1, Ws1):
    def body(ag_r, x1_r, wg_r, ws_r, out_r):
        agg = jnp.concatenate(
            [ag_r[0], ag_r[1], ag_r[2], ag_r[3][:, :64]], axis=1)
        gate = jax.nn.sigmoid(jnp.dot(agg, wg_r[...],
                                      preferred_element_type=F32))
        out_r[...] = jnp.dot(x1_r[...], ws_r[...],
                             preferred_element_type=F32) + agg * gate

    return pl.pallas_call(
        body,
        grid=(N // RB,),
        in_specs=[
            pl.BlockSpec((4, RB, 80), lambda i: (0, i, 0)),
            pl.BlockSpec((RB, 152), lambda i: (i, 0)),
            pl.BlockSpec((304, 304), lambda i: (0, 0)),
            pl.BlockSpec((152, 304), lambda i: (0, 0)),
        ],
        out_specs=pl.BlockSpec((RB, 304), lambda i: (i, 0)),
        out_shape=jax.ShapeDtypeStruct((N, 304), F32),
    )(agg1c, x1, Wg1, Ws1)


@jax.jit
def kernel(x0, edge_index, edge_attr, z, canonical, Zemb, Wc,
           Wmsg0, Wedge0, Wself0, Wg0, Wmsg1, Wedge1, Wself1, Wg1):
    src = edge_index[0].astype(jnp.int32)
    dst = edge_index[1].astype(jnp.int32)
    pad = EPAD - E
    src_p = jnp.pad(src, (0, pad))
    dst_p = jnp.pad(dst, (0, pad))
    ea_p = jnp.pad(edge_attr, ((0, pad), (0, 0)))
    tile4 = (16, NCHUNKS, CHUNK)
    src2 = jnp.stack([src_p, src_p + N]).reshape((2,) + tile4)
    src4 = jnp.stack([src_p + q * N for q in range(4)]).reshape((4,) + tile4)
    dst_t = dst_p.reshape(tile4)
    z2 = z.astype(jnp.int32).reshape(N, 1)

    x, y0c = _tc_init(x0, z2, canonical, Zemb, Wc, Wmsg0)
    e0c, e1c = _tc_edge_coeffs(ea_p, Wedge0, Wedge1)

    agg0c = _sc_message_pass(2)(src2, dst_t, y0c.reshape(2 * N, HQ), e0c)
    x1, y1c = _tc_mid(agg0c, x, Wg0, Wself0, Wmsg1)
    agg1c = _sc_message_pass(4)(src4, dst_t, y1c.reshape(4 * N, HQ), e1c)
    return _tc_final(agg1c, x1, Wg1, Wself1)

# --- scband reference (transcript-rebuilt; emitter-appended) ---
"""Pipeline reference for scband-encoder-74388833566985 (READ-ONLY COPY).

The authoritative reference and input builder live on the scoring server;
editing this copy changes nothing except your own understanding.
"""

import jax, jax.numpy as jnp
import numpy as np

N = 10000
E = 320000
D_EDGE = 16
BASE = 152
DIMS = [152, 152, 304]  # in, after layer0 (width 1), after layer1 (width 2)
NUM_NEIGHBORS = 3.0
Z_MAX = 100


def setup_inputs(seed: int = 0) -> dict:
    key = jax.random.key(seed)
    ks = jax.random.split(key, 16)
    x0 = jax.random.normal(ks[0], (N, BASE), dtype=jnp.float32)
    edge_index = jax.random.randint(ks[1], (2, E), 0, N)
    edge_attr = jax.random.normal(ks[2], (E, D_EDGE), dtype=jnp.float32)
    z = jax.random.randint(ks[3], (N,), 0, Z_MAX)
    canonical = jax.random.normal(ks[4], (N, 3), dtype=jnp.float32)
    # learned parameters
    Zemb = jax.random.normal(ks[5], (Z_MAX, BASE), dtype=jnp.float32) * 0.1
    Wc = jax.random.normal(ks[6], (3, BASE), dtype=jnp.float32) * (1.0 / np.sqrt(3.0))
    Wmsg0 = jax.random.normal(ks[7], (DIMS[0], DIMS[1]), dtype=jnp.float32) * (1.0 / np.sqrt(DIMS[0]))
    Wedge0 = jax.random.normal(ks[8], (D_EDGE, DIMS[1]), dtype=jnp.float32) * (1.0 / np.sqrt(D_EDGE))
    Wself0 = jax.random.normal(ks[9], (DIMS[0], DIMS[1]), dtype=jnp.float32) * (1.0 / np.sqrt(DIMS[0]))
    Wg0 = jax.random.normal(ks[10], (DIMS[1], DIMS[1]), dtype=jnp.float32) * (1.0 / np.sqrt(DIMS[1]))
    Wmsg1 = jax.random.normal(ks[11], (DIMS[1], DIMS[2]), dtype=jnp.float32) * (1.0 / np.sqrt(DIMS[1]))
    Wedge1 = jax.random.normal(ks[12], (D_EDGE, DIMS[2]), dtype=jnp.float32) * (1.0 / np.sqrt(D_EDGE))
    Wself1 = jax.random.normal(ks[13], (DIMS[1], DIMS[2]), dtype=jnp.float32) * (1.0 / np.sqrt(DIMS[1]))
    Wg1 = jax.random.normal(ks[14], (DIMS[2], DIMS[2]), dtype=jnp.float32) * (1.0 / np.sqrt(DIMS[2]))
    return {
        "x0": x0, "edge_index": edge_index, "edge_attr": edge_attr,
        "z": z, "canonical": canonical,
        "Zemb": Zemb, "Wc": Wc,
        "Wmsg0": Wmsg0, "Wedge0": Wedge0, "Wself0": Wself0, "Wg0": Wg0,
        "Wmsg1": Wmsg1, "Wedge1": Wedge1, "Wself1": Wself1, "Wg1": Wg1,
    }


def reference(x0, edge_index, edge_attr, z, canonical, Zemb, Wc,
              Wmsg0, Wedge0, Wself0, Wg0, Wmsg1, Wedge1, Wself1, Wg1):
    src = edge_index[0]
    dst = edge_index[1]
    # initial embedding: node features + species embedding + canonical-frame projection
    x = x0 + jnp.take(Zemb, z, axis=0) + canonical @ Wc
    for (Wm, We, Ws, Wg) in ((Wmsg0, Wedge0, Wself0, Wg0),
                             (Wmsg1, Wedge1, Wself1, Wg1)):
        # message: tensor-product-style modulation of gathered source features by edge attrs
        x_src = jnp.take(x, src, axis=0)
        m = (x_src @ Wm) * (edge_attr @ We)
        # scatter-add aggregation to destination nodes, normalized by avg num neighbors
        agg = jax.ops.segment_sum(m, dst, num_segments=N) / NUM_NEIGHBORS
        # self-connection + gated nonlinearity (Gate-style)
        gate = jax.nn.sigmoid(agg @ Wg)
        x = x @ Ws + agg * gate
    return x

if __name__ == "__main__":
    import jax
    _d = setup_inputs()
    print(jax.jit(kernel)(*tuple(_d.values())))

</pallas_src>

<mosaic_0001>
#map = affine_map<(d0, d1) -> (0, 0, 0, 0)>
#map1 = affine_map<(d0, d1) -> (0, 0, 0)>
#map2 = affine_map<(d0, d1) -> (0, 0)>
module attributes {stable_mosaic.version = 14 : i64} {
  func.func @msg(%arg0: i32, %arg1: i32, %arg2: memref<2x16x160x128xi32, #tpu.memory_space<hbm>>, %arg3: memref<16x160x128xi32, #tpu.memory_space<hbm>>, %arg4: memref<20000x80xf32, #tpu.memory_space<hbm>>, %arg5: memref<2x327680x80xf32, #tpu.memory_space<hbm>>, %arg6: memref<2x10240x80xf32, #tpu.memory_space<hbm>>, %arg7: memref<128xi32, #tpu.memory_space<vmem>>, %arg8: memref<128xi32, #tpu.memory_space<vmem>>, %arg9: memref<128xi32, #tpu.memory_space<vmem>>, %arg10: memref<128xi32, #tpu.memory_space<vmem>>, %arg11: memref<2x128x80xf32, #tpu.memory_space<vmem>>, %arg12: memref<2x128x80xf32, #tpu.memory_space<vmem>>, %arg13: memref<!tpu.dma_semaphore, #tpu.memory_space<semaphore_mem>>, %arg14: memref<!tpu.dma_semaphore, #tpu.memory_space<semaphore_mem>>, %arg15: memref<!tpu.dma_semaphore, #tpu.memory_space<semaphore_mem>>, %arg16: memref<!tpu.dma_semaphore, #tpu.memory_space<semaphore_mem>>, %arg17: memref<!tpu.dma_semaphore, #tpu.memory_space<semaphore_mem>>, %arg18: memref<!tpu.dma_semaphore, #tpu.memory_space<semaphore_mem>>, %arg19: memref<10240x80xf32, #tpu.memory_space<vmem_shared>>) attributes {dimension_semantics = [#tpu.dimension_semantics<core_parallel>, #tpu.dimension_semantics<subcore_parallel>], iteration_bounds = array<i64: 2, 16>, scalar_prefetch = 0 : i64, scratch_operands = 13 : i64, tpu.core_type = #tpu.core_type<sc_vector_subcore>, window_params = [{transform_indices = #map}, {transform_indices = #map1}, {transform_indices = #map2}, {transform_indices = #map1}, {transform_indices = #map1}]} {
    %mul3A = arith.constant 20480 : i32
    %mul3A_0 = arith.muli %arg1, %mul3A : i32
    %mul3A_1 = arith.constant 1 : i32
    %mul3A_2 = arith.muli %arg0, %mul3A_1 : i32
    %add3A = arith.constant 0 : i32
    %add3A_3 = arith.addi %mul3A_2, %add3A : i32
    %scan3A = arith.constant 0 : i32
    %scan3A_4 = arith.constant 128 : i32
    %scan3A_5 = arith.addi %scan3A, %scan3A_4 : i32
    %scan3A_6 = arith.constant 1 : i32
    scf.for %scan3A_108 = %scan3A to %scan3A_5 step %scan3A_6  : i32 {
      %broadcast_in_dim3A = arith.constant 0.000000e+00 : f32
      %broadcast_in_dim3A_109 = vector.broadcast %broadcast_in_dim3A : f32 to vector<16xf32>
      %swap3A = arith.constant 0 : i32
      %swap3A_110 = arith.index_cast %swap3A : i32 to index
      %swap3A_111 = arith.index_cast %scan3A_108 : i32 to index
      %swap3A_112 = arith.constant 0 : index
      %swap3A_113 = tpu.vector_load %arg11[%swap3A_110, %swap3A_111, %swap3A_112] {strides = array<i32>} : memref<2x128x80xf32, #tpu.memory_space<vmem>>, vector<1x1x16xf32>,
      %swap3A_114 = vector.shape_cast %swap3A_113 : vector<1x1x16xf32> to vector<16xf32>
      %swap3A_115 = vector.shape_cast %broadcast_in_dim3A_109 : vector<16xf32> to vector<1x1x16xf32>
      tpu.vector_store %arg11[%swap3A_110, %swap3A_111, %swap3A_112], %swap3A_115 {strides = array<i32>} : memref<2x128x80xf32, #tpu.memory_space<vmem>>, vector<1x1x16xf32>,
      %broadcast_in_dim3A_116 = arith.constant 0.000000e+00 : f32
      %broadcast_in_dim3A_117 = vector.broadcast %broadcast_in_dim3A_116 : f32 to vector<16xf32>
      %swap3A_118 = arith.constant 0 : i32
      %swap3A_119 = arith.index_cast %swap3A_118 : i32 to index
      %swap3A_120 = arith.index_cast %scan3A_108 : i32 to index
      %swap3A_121 = arith.constant 16 : index
      %swap3A_122 = tpu.vector_load %arg11[%swap3A_119, %swap3A_120, %swap3A_121] {strides = array<i32>} : memref<2x128x80xf32, #tpu.memory_space<vmem>>, vector<1x1x16xf32>,
      %swap3A_123 = vector.shape_cast %swap3A_122 : vector<1x1x16xf32> to vector<16xf32>
      %swap3A_124 = vector.shape_cast %broadcast_in_dim3A_117 : vector<16xf32> to vector<1x1x16xf32>
      tpu.vector_store %arg11[%swap3A_119, %swap3A_120, %swap3A_121], %swap3A_124 {strides = array<i32>} : memref<2x128x80xf32, #tpu.memory_space<vmem>>, vector<1x1x16xf32>,
      %broadcast_in_dim3A_125 = arith.constant 0.000000e+00 : f32
      %broadcast_in_dim3A_126 = vector.broadcast %broadcast_in_dim3A_125 : f32 to vector<16xf32>
      %swap3A_127 = arith.constant 0 : i32
      %swap3A_128 = arith.index_cast %swap3A_127 : i32 to index
      %swap3A_129 = arith.index_cast %scan3A_108 : i32 to index
      %swap3A_130 = arith.constant 32 : index
      %swap3A_131 = tpu.vector_load %arg11[%swap3A_128, %swap3A_129, %swap3A_130] {strides = array<i32>} : memref<2x128x80xf32, #tpu.memory_space<vmem>>, vector<1x1x16xf32>,
      %swap3A_132 = vector.shape_cast %swap3A_131 : vector<1x1x16xf32> to vector<16xf32>
      %swap3A_133 = vector.shape_cast %broadcast_in_dim3A_126 : vector<16xf32> to vector<1x1x16xf32>
      tpu.vector_store %arg11[%swap3A_128, %swap3A_129, %swap3A_130], %swap3A_133 {strides = array<i32>} : memref<2x128x80xf32, #tpu.memory_space<vmem>>, vector<1x1x16xf32>,
      %broadcast_in_dim3A_134 = arith.constant 0.000000e+00 : f32
      %broadcast_in_dim3A_135 = vector.broadcast %broadcast_in_dim3A_134 : f32 to vector<16xf32>
      %swap3A_136 = arith.constant 0 : i32
      %swap3A_137 = arith.index_cast %swap3A_136 : i32 to index
      %swap3A_138 = arith.index_cast %scan3A_108 : i32 to index
      %swap3A_139 = arith.constant 48 : index
      %swap3A_140 = tpu.vector_load %arg11[%swap3A_137, %swap3A_138, %swap3A_139] {strides = array<i32>} : memref<2x128x80xf32, #tpu.memory_space<vmem>>, vector<1x1x16xf32>,
      %swap3A_141 = vector.shape_cast %swap3A_140 : vector<1x1x16xf32> to vector<16xf32>
      %swap3A_142 = vector.shape_cast %broadcast_in_dim3A_135 : vector<16xf32> to vector<1x1x16xf32>
      tpu.vector_store %arg11[%swap3A_137, %swap3A_138, %swap3A_139], %swap3A_142 {strides = array<i32>} : memref<2x128x80xf32, #tpu.memory_space<vmem>>, vector<1x1x16xf32>,
      %broadcast_in_dim3A_143 = arith.constant 0.000000e+00 : f32
      %broadcast_in_dim3A_144 = vector.broadcast %broadcast_in_dim3A_143 : f32 to vector<16xf32>
      %swap3A_145 = arith.constant 0 : i32
      %swap3A_146 = arith.index_cast %swap3A_145 : i32 to index
      %swap3A_147 = arith.index_cast %scan3A_108 : i32 to index
      %swap3A_148 = arith.constant 64 : index
      %swap3A_149 = tpu.vector_load %arg11[%swap3A_146, %swap3A_147, %swap3A_148] {strides = array<i32>} : memref<2x128x80xf32, #tpu.memory_space<vmem>>, vector<1x1x16xf32>,
      %swap3A_150 = vector.shape_cast %swap3A_149 : vector<1x1x16xf32> to vector<16xf32>
      %swap3A_151 = vector.shape_cast %broadcast_in_dim3A_144 : vector<16xf32> to vector<1x1x16xf32>
      tpu.vector_store %arg11[%swap3A_146, %swap3A_147, %swap3A_148], %swap3A_151 {strides = array<i32>} : memref<2x128x80xf32, #tpu.memory_space<vmem>>, vector<1x1x16xf32>,
    }
    %scan3A_7 = arith.constant 128 : i32
    %mul3A_8 = arith.constant 640 : i32
    %mul3A_9 = arith.muli %arg1, %mul3A_8 : i32
    %add3A_10 = arith.constant 0 : i32
    %add3A_11 = arith.addi %mul3A_9, %add3A_10 : i32
    %run_scoped3A = arith.constant 0 : i32
    "tpu.region"() ({
      %run_scoped3A_108 = tpu.sem_alloc : memref<!tpu.dma_semaphore, #tpu.memory_space<semaphore_mem>>
      %dma_start3A_109 = arith.constant 0 : i32
      %dma_start3A_110 = arith.constant 0 : i32
      %dma_start3A_111 = tpu.memref_slice %arg11[%run_scoped3A, %dma_start3A_109, %dma_start3A_110] : memref<2x128x80xf32, #tpu.memory_space<vmem>> -> memref<1x128x80xf32, #tpu.memory_space<vmem>>
      %dma_start3A_112 = tpu.memref_squeeze %dma_start3A_111 : memref<1x128x80xf32, #tpu.memory_space<vmem>> -> memref<128x80xf32, #tpu.memory_space<vmem>>
      %dma_start3A_113 = arith.constant 0 : i32
      %dma_start3A_114 = tpu.memref_slice %arg19[%add3A_11, %dma_start3A_113] : memref<10240x80xf32, #tpu.memory_space<vmem_shared>> -> memref<128x80xf32, #tpu.memory_space<vmem_shared>>
      %dma_start3A_115 = arith.constant 0 : i32
      %dma_start3A_116 = tpu.memref_slice %arg19[%add3A_11, %dma_start3A_115] : memref<10240x80xf32, #tpu.memory_space<vmem_shared>> -> memref<128x80xf32, #tpu.memory_space<vmem_shared>>
      %dma_start3A_117 = arith.constant 0 : i32
      %dma_start3A_118 = arith.constant 0 : i32
      %dma_start3A_119 = tpu.memref_slice %arg11[%run_scoped3A, %dma_start3A_117, %dma_start3A_118] : memref<2x128x80xf32, #tpu.memory_space<vmem>> -> memref<1x128x80xf32, #tpu.memory_space<vmem>>
      %dma_start3A_120 = tpu.memref_squeeze %dma_start3A_119 : memref<1x128x80xf32, #tpu.memory_space<vmem>> -> memref<128x80xf32, #tpu.memory_space<vmem>>
      tpu.enqueue_dma source(%dma_start3A_120 : memref<128x80xf32, #tpu.memory_space<vmem>>) target(%dma_start3A_116 : memref<128x80xf32, #tpu.memory_space<vmem_shared>>) target_semaphore(%run_scoped3A_108 : memref<!tpu.dma_semaphore, #tpu.memory_space<semaphore_mem>>)
      %dma_wait3A = arith.constant 0 : i32
      %dma_wait3A_121 = arith.constant 0 : i32
      %dma_wait3A_122 = tpu.memref_slice %arg11[%run_scoped3A, %dma_wait3A, %dma_wait3A_121] : memref<2x128x80xf32, #tpu.memory_space<vmem>> -> memref<1x128x80xf32, #tpu.memory_space<vmem>>
      %dma_wait3A_123 = tpu.memref_squeeze %dma_wait3A_122 : memref<1x128x80xf32, #tpu.memory_space<vmem>> -> memref<128x80xf32, #tpu.memory_space<vmem>>
      %dma_wait3A_124 = arith.constant 0 : i32
      %dma_wait3A_125 = tpu.memref_slice %arg19[%add3A_11, %dma_wait3A_124] : memref<10240x80xf32, #tpu.memory_space<vmem_shared>> -> memref<128x80xf32, #tpu.memory_space<vmem_shared>>
      %dma_wait3A_126 = arith.constant 0 : i32
      %dma_wait3A_127 = tpu.memref_slice %arg19[%add3A_11, %dma_wait3A_126] : memref<10240x80xf32, #tpu.memory_space<vmem_shared>> -> memref<128x80xf32, #tpu.memory_space<vmem_shared>>
      %dma_wait3A_128 = arith.constant 0 : i32
      %dma_wait3A_129 = arith.constant 0 : i32
      %dma_wait3A_130 = tpu.memref_slice %arg11[%run_scoped3A, %dma_wait3A_128, %dma_wait3A_129] : memref<2x128x80xf32, #tpu.memory_space<vmem>> -> memref<1x128x80xf32, #tpu.memory_space<vmem>>
      %dma_wait3A_131 = tpu.memref_squeeze %dma_wait3A_130 : memref<1x128x80xf32, #tpu.memory_space<vmem>> -> memref<128x80xf32, #tpu.memory_space<vmem>>
      tpu.wait_dma2 semaphore(%run_scoped3A_108 : memref<!tpu.dma_semaphore, #tpu.memory_space<semaphore_mem>>) src(%dma_wait3A_131 : memref<128x80xf32, #tpu.memory_space<vmem>>) dst(%dma_wait3A_127 : memref<128x80xf32, #tpu.memory_space<vmem_shared>>)
      tpu.yield
    }) : () -> ()
    %mul3A_12 = arith.constant 640 : i32
    %mul3A_13 = arith.muli %arg1, %mul3A_12 : i32
    %add3A_14 = arith.constant 128 : i32
    %add3A_15 = arith.addi %mul3A_13, %add3A_14 : i32
    %run_scoped3A_16 = arith.constant 0 : i32
    "tpu.region"() ({
      %run_scoped3A_108 = tpu.sem_alloc : memref<!tpu.dma_semaphore, #tpu.memory_space<semaphore_mem>>
      %dma_start3A_109 = arith.constant 0 : i32
      %dma_start3A_110 = arith.constant 0 : i32
      %dma_start3A_111 = tpu.memref_slice %arg11[%run_scoped3A_16, %dma_start3A_109, %dma_start3A_110] : memref<2x128x80xf32, #tpu.memory_space<vmem>> -> memref<1x128x80xf32, #tpu.memory_space<vmem>>
      %dma_start3A_112 = tpu.memref_squeeze %dma_start3A_111 : memref<1x128x80xf32, #tpu.memory_space<vmem>> -> memref<128x80xf32, #tpu.memory_space<vmem>>
      %dma_start3A_113 = arith.constant 0 : i32
      %dma_start3A_114 = tpu.memref_slice %arg19[%add3A_15, %dma_start3A_113] : memref<10240x80xf32, #tpu.memory_space<vmem_shared>> -> memref<128x80xf32, #tpu.memory_space<vmem_shared>>
      %dma_start3A_115 = arith.constant 0 : i32
      %dma_start3A_116 = tpu.memref_slice %arg19[%add3A_15, %dma_start3A_115] : memref<10240x80xf32, #tpu.memory_space<vmem_shared>> -> memref<128x80xf32, #tpu.memory_space<vmem_shared>>
      %dma_start3A_117 = arith.constant 0 : i32
      %dma_start3A_118 = arith.constant 0 : i32
      %dma_start3A_119 = tpu.memref_slice %arg11[%run_scoped3A_16, %dma_start3A_117, %dma_start3A_118] : memref<2x128x80xf32, #tpu.memory_space<vmem>> -> memref<1x128x80xf32, #tpu.memory_space<vmem>>
      %dma_start3A_120 = tpu.memref_squeeze %dma_start3A_119 : memref<1x128x80xf32, #tpu.memory_space<vmem>> -> memref<128x80xf32, #tpu.memory_space<vmem>>
      tpu.enqueue_dma source(%dma_start3A_120 : memref<128x80xf32, #tpu.memory_space<vmem>>) target(%dma_start3A_116 : memref<128x80xf32, #tpu.memory_space<vmem_shared>>) target_semaphore(%run_scoped3A_108 : memref<!tpu.dma_semaphore, #tpu.memory_space<semaphore_mem>>)
      %dma_wait3A = arith.constant 0 : i32
      %dma_wait3A_121 = arith.constant 0 : i32
      %dma_wait3A_122 = tpu.memref_slice %arg11[%run_scoped3A_16, %dma_wait3A, %dma_wait3A_121] : memref<2x128x80xf32, #tpu.memory_space<vmem>> -> memref<1x128x80xf32, #tpu.memory_space<vmem>>
      %dma_wait3A_123 = tpu.memref_squeeze %dma_wait3A_122 : memref<1x128x80xf32, #tpu.memory_space<vmem>> -> memref<128x80xf32, #tpu.memory_space<vmem>>
      %dma_wait3A_124 = arith.constant 0 : i32
      %dma_wait3A_125 = tpu.memref_slice %arg19[%add3A_15, %dma_wait3A_124] : memref<10240x80xf32, #tpu.memory_space<vmem_shared>> -> memref<128x80xf32, #tpu.memory_space<vmem_shared>>
      %dma_wait3A_126 = arith.constant 0 : i32
      %dma_wait3A_127 = tpu.memref_slice %arg19[%add3A_15, %dma_wait3A_126] : memref<10240x80xf32, #tpu.memory_space<vmem_shared>> -> memref<128x80xf32, #tpu.memory_space<vmem_shared>>
      %dma_wait3A_128 = arith.constant 0 : i32
      %dma_wait3A_129 = arith.constant 0 : i32
      %dma_wait3A_130 = tpu.memref_slice %arg11[%run_scoped3A_16, %dma_wait3A_128, %dma_wait3A_129] : memref<2x128x80xf32, #tpu.memory_space<vmem>> -> memref<1x128x80xf32, #tpu.memory_space<vmem>>
      %dma_wait3A_131 = tpu.memref_squeeze %dma_wait3A_130 : memref<1x128x80xf32, #tpu.memory_space<vmem>> -> memref<128x80xf32, #tpu.memory_space<vmem>>
      tpu.wait_dma2 semaphore(%run_scoped3A_108 : memref<!tpu.dma_semaphore, #tpu.memory_space<semaphore_mem>>) src(%dma_wait3A_131 : memref<128x80xf32, #tpu.memory_space<vmem>>) dst(%dma_wait3A_127 : memref<128x80xf32, #tpu.memory_space<vmem_shared>>)
      tpu.yield
    }) : () -> ()
    %mul3A_17 = arith.constant 640 : i32
    %mul3A_18 = arith.muli %arg1, %mul3A_17 : i32
    %add3A_19 = arith.constant 256 : i32
    %add3A_20 = arith.addi %mul3A_18, %add3A_19 : i32
    %run_scoped3A_21 = arith.constant 0 : i32
    "tpu.region"() ({
      %run_scoped3A_108 = tpu.sem_alloc : memref<!tpu.dma_semaphore, #tpu.memory_space<semaphore_mem>>
      %dma_start3A_109 = arith.constant 0 : i32
      %dma_start3A_110 = arith.constant 0 : i32
      %dma_start3A_111 = tpu.memref_slice %arg11[%run_scoped3A_21, %dma_start3A_109, %dma_start3A_110] : memref<2x128x80xf32, #tpu.memory_space<vmem>> -> memref<1x128x80xf32, #tpu.memory_space<vmem>>
      %dma_start3A_112 = tpu.memref_squeeze %dma_start3A_111 : memref<1x128x80xf32, #tpu.memory_space<vmem>> -> memref<128x80xf32, #tpu.memory_space<vmem>>
      %dma_start3A_113 = arith.constant 0 : i32
      %dma_start3A_114 = tpu.memref_slice %arg19[%add3A_20, %dma_start3A_113] : memref<10240x80xf32, #tpu.memory_space<vmem_shared>> -> memref<128x80xf32, #tpu.memory_space<vmem_shared>>
      %dma_start3A_115 = arith.constant 0 : i32
      %dma_start3A_116 = tpu.memref_slice %arg19[%add3A_20, %dma_start3A_115] : memref<10240x80xf32, #tpu.memory_space<vmem_shared>> -> memref<128x80xf32, #tpu.memory_space<vmem_shared>>
      %dma_start3A_117 = arith.constant 0 : i32
      %dma_start3A_118 = arith.constant 0 : i32
      %dma_start3A_119 = tpu.memref_slice %arg11[%run_scoped3A_21, %dma_start3A_117, %dma_start3A_118] : memref<2x128x80xf32, #tpu.memory_space<vmem>> -> memref<1x128x80xf32, #tpu.memory_space<vmem>>
      %dma_start3A_120 = tpu.memref_squeeze %dma_start3A_119 : memref<1x128x80xf32, #tpu.memory_space<vmem>> -> memref<128x80xf32, #tpu.memory_space<vmem>>
      tpu.enqueue_dma source(%dma_start3A_120 : memref<128x80xf32, #tpu.memory_space<vmem>>) target(%dma_start3A_116 : memref<128x80xf32, #tpu.memory_space<vmem_shared>>) target_semaphore(%run_scoped3A_108 : memref<!tpu.dma_semaphore, #tpu.memory_space<semaphore_mem>>)
      %dma_wait3A = arith.constant 0 : i32
      %dma_wait3A_121 = arith.constant 0 : i32
      %dma_wait3A_122 = tpu.memref_slice %arg11[%run_scoped3A_21, %dma_wait3A, %dma_wait3A_121] : memref<2x128x80xf32, #tpu.memory_space<vmem>> -> memref<1x128x80xf32, #tpu.memory_space<vmem>>
      %dma_wait3A_123 = tpu.memref_squeeze %dma_wait3A_122 : memref<1x128x80xf32, #tpu.memory_space<vmem>> -> memref<128x80xf32, #tpu.memory_space<vmem>>
      %dma_wait3A_124 = arith.constant 0 : i32
      %dma_wait3A_125 = tpu.memref_slice %arg19[%add3A_20, %dma_wait3A_124] : memref<10240x80xf32, #tpu.memory_space<vmem_shared>> -> memref<128x80xf32, #tpu.memory_space<vmem_shared>>
      %dma_wait3A_126 = arith.constant 0 : i32
      %dma_wait3A_127 = tpu.memref_slice %arg19[%add3A_20, %dma_wait3A_126] : memref<10240x80xf32, #tpu.memory_space<vmem_shared>> -> memref<128x80xf32, #tpu.memory_space<vmem_shared>>
      %dma_wait3A_128 = arith.constant 0 : i32
      %dma_wait3A_129 = arith.constant 0 : i32
      %dma_wait3A_130 = tpu.memref_slice %arg11[%run_scoped3A_21, %dma_wait3A_128, %dma_wait3A_129] : memref<2x128x80xf32, #tpu.memory_space<vmem>> -> memref<1x128x80xf32, #tpu.memory_space<vmem>>
      %dma_wait3A_131 = tpu.memref_squeeze %dma_wait3A_130 : memref<1x128x80xf32, #tpu.memory_space<vmem>> -> memref<128x80xf32, #tpu.memory_space<vmem>>
      tpu.wait_dma2 semaphore(%run_scoped3A_108 : memref<!tpu.dma_semaphore, #tpu.memory_space<semaphore_mem>>) src(%dma_wait3A_131 : memref<128x80xf32, #tpu.memory_space<vmem>>) dst(%dma_wait3A_127 : memref<128x80xf32, #tpu.memory_space<vmem_shared>>)
      tpu.yield
    }) : () -> ()
    %mul3A_22 = arith.constant 640 : i32
    %mul3A_23 = arith.muli %arg1, %mul3A_22 : i32
    %add3A_24 = arith.constant 384 : i32
    %add3A_25 = arith.addi %mul3A_23, %add3A_24 : i32
    %run_scoped3A_26 = arith.constant 0 : i32
    "tpu.region"() ({
      %run_scoped3A_108 = tpu.sem_alloc : memref<!tpu.dma_semaphore, #tpu.memory_space<semaphore_mem>>
      %dma_start3A_109 = arith.constant 0 : i32
      %dma_start3A_110 = arith.constant 0 : i32
      %dma_start3A_111 = tpu.memref_slice %arg11[%run_scoped3A_26, %dma_start3A_109, %dma_start3A_110] : memref<2x128x80xf32, #tpu.memory_space<vmem>> -> memref<1x128x80xf32, #tpu.memory_space<vmem>>
      %dma_start3A_112 = tpu.memref_squeeze %dma_start3A_111 : memref<1x128x80xf32, #tpu.memory_space<vmem>> -> memref<128x80xf32, #tpu.memory_space<vmem>>
      %dma_start3A_113 = arith.constant 0 : i32
      %dma_start3A_114 = tpu.memref_slice %arg19[%add3A_25, %dma_start3A_113] : memref<10240x80xf32, #tpu.memory_space<vmem_shared>> -> memref<128x80xf32, #tpu.memory_space<vmem_shared>>
      %dma_start3A_115 = arith.constant 0 : i32
      %dma_start3A_116 = tpu.memref_slice %arg19[%add3A_25, %dma_start3A_115] : memref<10240x80xf32, #tpu.memory_space<vmem_shared>> -> memref<128x80xf32, #tpu.memory_space<vmem_shared>>
      %dma_start3A_117 = arith.constant 0 : i32
      %dma_start3A_118 = arith.constant 0 : i32
      %dma_start3A_119 = tpu.memref_slice %arg11[%run_scoped3A_26, %dma_start3A_117, %dma_start3A_118] : memref<2x128x80xf32, #tpu.memory_space<vmem>> -> memref<1x128x80xf32, #tpu.memory_space<vmem>>
      %dma_start3A_120 = tpu.memref_squeeze %dma_start3A_119 : memref<1x128x80xf32, #tpu.memory_space<vmem>> -> memref<128x80xf32, #tpu.memory_space<vmem>>
      tpu.enqueue_dma source(%dma_start3A_120 : memref<128x80xf32, #tpu.memory_space<vmem>>) target(%dma_start3A_116 : memref<128x80xf32, #tpu.memory_space<vmem_shared>>) target_semaphore(%run_scoped3A_108 : memref<!tpu.dma_semaphore, #tpu.memory_space<semaphore_mem>>)
      %dma_wait3A = arith.constant 0 : i32
      %dma_wait3A_121 = arith.constant 0 : i32
      %dma_wait3A_122 = tpu.memref_slice %arg11[%run_scoped3A_26, %dma_wait3A, %dma_wait3A_121] : memref<2x128x80xf32, #tpu.memory_space<vmem>> -> memref<1x128x80xf32, #tpu.memory_space<vmem>>
      %dma_wait3A_123 = tpu.memref_squeeze %dma_wait3A_122 : memref<1x128x80xf32, #tpu.memory_space<vmem>> -> memref<128x80xf32, #tpu.memory_space<vmem>>
      %dma_wait3A_124 = arith.constant 0 : i32
      %dma_wait3A_125 = tpu.memref_slice %arg19[%add3A_25, %dma_wait3A_124] : memref<10240x80xf32, #tpu.memory_space<vmem_shared>> -> memref<128x80xf32, #tpu.memory_space<vmem_shared>>
      %dma_wait3A_126 = arith.constant 0 : i32
      %dma_wait3A_127 = tpu.memref_slice %arg19[%add3A_25, %dma_wait3A_126] : memref<10240x80xf32, #tpu.memory_space<vmem_shared>> -> memref<128x80xf32, #tpu.memory_space<vmem_shared>>
      %dma_wait3A_128 = arith.constant 0 : i32
      %dma_wait3A_129 = arith.constant 0 : i32
      %dma_wait3A_130 = tpu.memref_slice %arg11[%run_scoped3A_26, %dma_wait3A_128, %dma_wait3A_129] : memref<2x128x80xf32, #tpu.memory_space<vmem>> -> memref<1x128x80xf32, #tpu.memory_space<vmem>>
      %dma_wait3A_131 = tpu.memref_squeeze %dma_wait3A_130 : memref<1x128x80xf32, #tpu.memory_space<vmem>> -> memref<128x80xf32, #tpu.memory_space<vmem>>
      tpu.wait_dma2 semaphore(%run_scoped3A_108 : memref<!tpu.dma_semaphore, #tpu.memory_space<semaphore_mem>>) src(%dma_wait3A_131 : memref<128x80xf32, #tpu.memory_space<vmem>>) dst(%dma_wait3A_127 : memref<128x80xf32, #tpu.memory_space<vmem_shared>>)
      tpu.yield
    }) : () -> ()
    %mul3A_27 = arith.constant 640 : i32
    %mul3A_28 = arith.muli %arg1, %mul3A_27 : i32
    %add3A_29 = arith.constant 512 : i32
    %add3A_30 = arith.addi %mul3A_28, %add3A_29 : i32
    %run_scoped3A_31 = arith.constant 0 : i32
    "tpu.region"() ({
      %run_scoped3A_108 = tpu.sem_alloc : memref<!tpu.dma_semaphore, #tpu.memory_space<semaphore_mem>>
      %dma_start3A_109 = arith.constant 0 : i32
      %dma_start3A_110 = arith.constant 0 : i32
      %dma_start3A_111 = tpu.memref_slice %arg11[%run_scoped3A_31, %dma_start3A_109, %dma_start3A_110] : memref<2x128x80xf32, #tpu.memory_space<vmem>> -> memref<1x128x80xf32, #tpu.memory_space<vmem>>
      %dma_start3A_112 = tpu.memref_squeeze %dma_start3A_111 : memref<1x128x80xf32, #tpu.memory_space<vmem>> -> memref<128x80xf32, #tpu.memory_space<vmem>>
      %dma_start3A_113 = arith.constant 0 : i32
      %dma_start3A_114 = tpu.memref_slice %arg19[%add3A_30, %dma_start3A_113] : memref<10240x80xf32, #tpu.memory_space<vmem_shared>> -> memref<128x80xf32, #tpu.memory_space<vmem_shared>>
      %dma_start3A_115 = arith.constant 0 : i32
      %dma_start3A_116 = tpu.memref_slice %arg19[%add3A_30, %dma_start3A_115] : memref<10240x80xf32, #tpu.memory_space<vmem_shared>> -> memref<128x80xf32, #tpu.memory_space<vmem_shared>>
      %dma_start3A_117 = arith.constant 0 : i32
      %dma_start3A_118 = arith.constant 0 : i32
      %dma_start3A_119 = tpu.memref_slice %arg11[%run_scoped3A_31, %dma_start3A_117, %dma_start3A_118] : memref<2x128x80xf32, #tpu.memory_space<vmem>> -> memref<1x128x80xf32, #tpu.memory_space<vmem>>
      %dma_start3A_120 = tpu.memref_squeeze %dma_start3A_119 : memref<1x128x80xf32, #tpu.memory_space<vmem>> -> memref<128x80xf32, #tpu.memory_space<vmem>>
      tpu.enqueue_dma source(%dma_start3A_120 : memref<128x80xf32, #tpu.memory_space<vmem>>) target(%dma_start3A_116 : memref<128x80xf32, #tpu.memory_space<vmem_shared>>) target_semaphore(%run_scoped3A_108 : memref<!tpu.dma_semaphore, #tpu.memory_space<semaphore_mem>>)
      %dma_wait3A = arith.constant 0 : i32
      %dma_wait3A_121 = arith.constant 0 : i32
      %dma_wait3A_122 = tpu.memref_slice %arg11[%run_scoped3A_31, %dma_wait3A, %dma_wait3A_121] : memref<2x128x80xf32, #tpu.memory_space<vmem>> -> memref<1x128x80xf32, #tpu.memory_space<vmem>>
      %dma_wait3A_123 = tpu.memref_squeeze %dma_wait3A_122 : memref<1x128x80xf32, #tpu.memory_space<vmem>> -> memref<128x80xf32, #tpu.memory_space<vmem>>
      %dma_wait3A_124 = arith.constant 0 : i32
      %dma_wait3A_125 = tpu.memref_slice %arg19[%add3A_30, %dma_wait3A_124] : memref<10240x80xf32, #tpu.memory_space<vmem_shared>> -> memref<128x80xf32, #tpu.memory_space<vmem_shared>>
      %dma_wait3A_126 = arith.constant 0 : i32
      %dma_wait3A_127 = tpu.memref_slice %arg19[%add3A_30, %dma_wait3A_126] : memref<10240x80xf32, #tpu.memory_space<vmem_shared>> -> memref<128x80xf32, #tpu.memory_space<vmem_shared>>
      %dma_wait3A_128 = arith.constant 0 : i32
      %dma_wait3A_129 = arith.constant 0 : i32
      %dma_wait3A_130 = tpu.memref_slice %arg11[%run_scoped3A_31, %dma_wait3A_128, %dma_wait3A_129] : memref<2x128x80xf32, #tpu.memory_space<vmem>> -> memref<1x128x80xf32, #tpu.memory_space<vmem>>
      %dma_wait3A_131 = tpu.memref_squeeze %dma_wait3A_130 : memref<1x128x80xf32, #tpu.memory_space<vmem>> -> memref<128x80xf32, #tpu.memory_space<vmem>>
      tpu.wait_dma2 semaphore(%run_scoped3A_108 : memref<!tpu.dma_semaphore, #tpu.memory_space<semaphore_mem>>) src(%dma_wait3A_131 : memref<128x80xf32, #tpu.memory_space<vmem>>) dst(%dma_wait3A_127 : memref<128x80xf32, #tpu.memory_space<vmem_shared>>)
      tpu.yield
    }) : () -> ()
    %barrier3A = arith.constant 0 : index
    tpu.barrier barrier_id(%barrier3A)
    %run_scoped3A_32 = arith.constant 0 : i32
    "tpu.region"() ({
      %run_scoped3A_108 = tpu.sem_alloc : memref<!tpu.dma_semaphore, #tpu.memory_space<semaphore_mem>>
      %dma_start3A_109 = arith.constant 0 : i32
      %dma_start3A_110 = tpu.memref_slice %arg2[%add3A_3, %arg1, %run_scoped3A_32, %dma_start3A_109] : memref<2x16x160x128xi32, #tpu.memory_space<hbm>> -> memref<1x1x1x128xi32, #tpu.memory_space<hbm>>
      %dma_start3A_111 = tpu.memref_squeeze %dma_start3A_110 : memref<1x1x1x128xi32, #tpu.memory_space<hbm>> -> memref<128xi32, #tpu.memory_space<hbm>>
      %dma_start3A_112 = arith.constant 0 : i32
      %dma_start3A_113 = tpu.memref_slice %arg2[%add3A_3, %arg1, %run_scoped3A_32, %dma_start3A_112] : memref<2x16x160x128xi32, #tpu.memory_space<hbm>> -> memref<1x1x1x128xi32, #tpu.memory_space<hbm>>
      %dma_start3A_114 = tpu.memref_squeeze %dma_start3A_113 : memref<1x1x1x128xi32, #tpu.memory_space<hbm>> -> memref<128xi32, #tpu.memory_space<hbm>>
      tpu.enqueue_dma source(%dma_start3A_114 : memref<128xi32, #tpu.memory_space<hbm>>) target(%arg7 : memref<128xi32, #tpu.memory_space<vmem>>) target_semaphore(%run_scoped3A_108 : memref<!tpu.dma_semaphore, #tpu.memory_space<semaphore_mem>>)
      %dma_wait3A = arith.constant 0 : i32
      %dma_wait3A_115 = tpu.memref_slice %arg2[%add3A_3, %arg1, %run_scoped3A_32, %dma_wait3A] : memref<2x16x160x128xi32, #tpu.memory_space<hbm>> -> memref<1x1x1x128xi32, #tpu.memory_space<hbm>>
      %dma_wait3A_116 = tpu.memref_squeeze %dma_wait3A_115 : memref<1x1x1x128xi32, #tpu.memory_space<hbm>> -> memref<128xi32, #tpu.memory_space<hbm>>
      %dma_wait3A_117 = arith.constant 0 : i32
      %dma_wait3A_118 = tpu.memref_slice %arg2[%add3A_3, %arg1, %run_scoped3A_32, %dma_wait3A_117] : memref<2x16x160x128xi32, #tpu.memory_space<hbm>> -> memref<1x1x1x128xi32, #tpu.memory_space<hbm>>
      %dma_wait3A_119 = tpu.memref_squeeze %dma_wait3A_118 : memref<1x1x1x128xi32, #tpu.memory_space<hbm>> -> memref<128xi32, #tpu.memory_space<hbm>>
      tpu.wait_dma2 semaphore(%run_scoped3A_108 : memref<!tpu.dma_semaphore, #tpu.memory_space<semaphore_mem>>) src(%dma_wait3A_119 : memref<128xi32, #tpu.memory_space<hbm>>) dst(%arg7 : memref<128xi32, #tpu.memory_space<vmem>>)
      tpu.yield
    }) : () -> ()
    %run_scoped3A_33 = arith.constant 0 : i32
    "tpu.region"() ({
      %run_scoped3A_108 = tpu.sem_alloc : memref<!tpu.dma_semaphore, #tpu.memory_space<semaphore_mem>>
      %dma_start3A_109 = arith.constant 0 : i32
      %dma_start3A_110 = tpu.memref_slice %arg3[%arg1, %run_scoped3A_33, %dma_start3A_109] : memref<16x160x128xi32, #tpu.memory_space<hbm>> -> memref<1x1x128xi32, #tpu.memory_space<hbm>>
      %dma_start3A_111 = tpu.memref_squeeze %dma_start3A_110 : memref<1x1x128xi32, #tpu.memory_space<hbm>> -> memref<128xi32, #tpu.memory_space<hbm>>
      %dma_start3A_112 = arith.constant 0 : i32
      %dma_start3A_113 = tpu.memref_slice %arg3[%arg1, %run_scoped3A_33, %dma_start3A_112] : memref<16x160x128xi32, #tpu.memory_space<hbm>> -> memref<1x1x128xi32, #tpu.memory_space<hbm>>
      %dma_start3A_114 = tpu.memref_squeeze %dma_start3A_113 : memref<1x1x128xi32, #tpu.memory_space<hbm>> -> memref<128xi32, #tpu.memory_space<hbm>>
      tpu.enqueue_dma source(%dma_start3A_114 : memref<128xi32, #tpu.memory_space<hbm>>) target(%arg9 : memref<128xi32, #tpu.memory_space<vmem>>) target_semaphore(%run_scoped3A_108 : memref<!tpu.dma_semaphore, #tpu.memory_space<semaphore_mem>>)
      %dma_wait3A = arith.constant 0 : i32
      %dma_wait3A_115 = tpu.memref_slice %arg3[%arg1, %run_scoped3A_33, %dma_wait3A] : memref<16x160x128xi32, #tpu.memory_space<hbm>> -> memref<1x1x128xi32, #tpu.memory_space<hbm>>
      %dma_wait3A_116 = tpu.memref_squeeze %dma_wait3A_115 : memref<1x1x128xi32, #tpu.memory_space<hbm>> -> memref<128xi32, #tpu.memory_space<hbm>>
      %dma_wait3A_117 = arith.constant 0 : i32
      %dma_wait3A_118 = tpu.memref_slice %arg3[%arg1, %run_scoped3A_33, %dma_wait3A_117] : memref<16x160x128xi32, #tpu.memory_space<hbm>> -> memref<1x1x128xi32, #tpu.memory_space<hbm>>
      %dma_wait3A_119 = tpu.memref_squeeze %dma_wait3A_118 : memref<1x1x128xi32, #tpu.memory_space<hbm>> -> memref<128xi32, #tpu.memory_space<hbm>>
      tpu.wait_dma2 semaphore(%run_scoped3A_108 : memref<!tpu.dma_semaphore, #tpu.memory_space<semaphore_mem>>) src(%dma_wait3A_119 : memref<128xi32, #tpu.memory_space<hbm>>) dst(%arg9 : memref<128xi32, #tpu.memory_space<vmem>>)
      tpu.yield
    }) : () -> ()
    %dma_start3A = arith.constant 0 : i32
    %dma_start3A_34 = arith.constant 0 : i32
    %dma_start3A_35 = arith.constant 0 : i32
    %dma_start3A_36 = tpu.memref_slice %arg11[%dma_start3A, %dma_start3A_34, %dma_start3A_35] : memref<2x128x80xf32, #tpu.memory_space<vmem>> -> memref<1x128x80xf32, #tpu.memory_space<vmem>>
    %dma_start3A_37 = tpu.memref_squeeze %dma_start3A_36 : memref<1x128x80xf32, #tpu.memory_space<vmem>> -> memref<128x80xf32, #tpu.memory_space<vmem>>
    %dma_start3A_38 = arith.constant 0 : i32
    %dma_start3A_39 = arith.constant 0 : i32
    %dma_start3A_40 = tpu.memref_slice %arg4[%dma_start3A_38, %dma_start3A_39] : memref<20000x80xf32, #tpu.memory_space<hbm>> -> memref<20000x80xf32, #tpu.memory_space<hbm>>
    tpu.enqueue_indirect_dma source(%dma_start3A_40 : memref<20000x80xf32, #tpu.memory_space<hbm>>) target(%dma_start3A_37 : memref<128x80xf32, #tpu.memory_space<vmem>>) offsets(%arg7 : memref<128xi32, #tpu.memory_space<vmem>>) semaphore(%arg13 : memref<!tpu.dma_semaphore, #tpu.memory_space<semaphore_mem>>)
    %add3A_41 = arith.constant 0 : i32
    %add3A_42 = arith.addi %mul3A_0, %add3A_41 : i32
    %dma_start3A_43 = arith.constant 0 : i32
    %dma_start3A_44 = arith.constant 0 : i32
    %dma_start3A_45 = arith.constant 0 : i32
    %dma_start3A_46 = tpu.memref_slice %arg12[%dma_start3A_43, %dma_start3A_44, %dma_start3A_45] : memref<2x128x80xf32, #tpu.memory_space<vmem>> -> memref<1x128x80xf32, #tpu.memory_space<vmem>>
    %dma_start3A_47 = tpu.memref_squeeze %dma_start3A_46 : memref<1x128x80xf32, #tpu.memory_space<vmem>> -> memref<128x80xf32, #tpu.memory_space<vmem>>
    %dma_start3A_48 = arith.constant 0 : i32
    %dma_start3A_49 = tpu.memref_slice %arg5[%add3A_3, %add3A_42, %dma_start3A_48] : memref<2x327680x80xf32, #tpu.memory_space<hbm>> -> memref<1x128x80xf32, #tpu.memory_space<hbm>>
    %dma_start3A_50 = tpu.memref_squeeze %dma_start3A_49 : memref<1x128x80xf32, #tpu.memory_space<hbm>> -> memref<128x80xf32, #tpu.memory_space<hbm>>
    %dma_start3A_51 = arith.constant 0 : i32
    %dma_start3A_52 = arith.constant 0 : i32
    %dma_start3A_53 = tpu.memref_slice %arg12[%dma_start3A_43, %dma_start3A_51, %dma_start3A_52] : memref<2x128x80xf32, #tpu.memory_space<vmem>> -> memref<1x128x80xf32, #tpu.memory_space<vmem>>
    %dma_start3A_54 = tpu.memref_squeeze %dma_start3A_53 : memref<1x128x80xf32, #tpu.memory_space<vmem>> -> memref<128x80xf32, #tpu.memory_space<vmem>>
    %dma_start3A_55 = arith.constant 0 : i32
    %dma_start3A_56 = tpu.memref_slice %arg5[%add3A_3, %add3A_42, %dma_start3A_55] : memref<2x327680x80xf32, #tpu.memory_space<hbm>> -> memref<1x128x80xf32, #tpu.memory_space<hbm>>
    %dma_start3A_57 = tpu.memref_squeeze %dma_start3A_56 : memref<1x128x80xf32, #tpu.memory_space<hbm>> -> memref<128x80xf32, #tpu.memory_space<hbm>>
    tpu.enqueue_dma source(%dma_start3A_57 : memref<128x80xf32, #tpu.memory_space<hbm>>) target(%dma_start3A_54 : memref<128x80xf32, #tpu.memory_space<vmem>>) target_semaphore(%arg15 : memref<!tpu.dma_semaphore, #tpu.memory_space<semaphore_mem>>)
    %dma_start3A_58 = arith.constant 1 : i32
    %dma_start3A_59 = arith.constant 0 : i32
    %dma_start3A_60 = tpu.memref_slice %arg2[%add3A_3, %arg1, %dma_start3A_58, %dma_start3A_59] : memref<2x16x160x128xi32, #tpu.memory_space<hbm>> -> memref<1x1x1x128xi32, #tpu.memory_space<hbm>>
    %dma_start3A_61 = tpu.memref_squeeze %dma_start3A_60 : memref<1x1x1x128xi32, #tpu.memory_space<hbm>> -> memref<128xi32, #tpu.memory_space<hbm>>
    %dma_start3A_62 = arith.constant 0 : i32
    %dma_start3A_63 = tpu.memref_slice %arg2[%add3A_3, %arg1, %dma_start3A_58, %dma_start3A_62] : memref<2x16x160x128xi32, #tpu.memory_space<hbm>> -> memref<1x1x1x128xi32, #tpu.memory_space<hbm>>
    %dma_start3A_64 = tpu.memref_squeeze %dma_start3A_63 : memref<1x1x1x128xi32, #tpu.memory_space<hbm>> -> memref<128xi32, #tpu.memory_space<hbm>>
    tpu.enqueue_dma source(%dma_start3A_64 : memref<128xi32, #tpu.memory_space<hbm>>) target(%arg8 : memref<128xi32, #tpu.memory_space<vmem>>) target_semaphore(%arg18 : memref<!tpu.dma_semaphore, #tpu.memory_space<semaphore_mem>>)
    %dma_start3A_65 = arith.constant 1 : i32
    %dma_start3A_66 = arith.constant 0 : i32
    %dma_start3A_67 = tpu.memref_slice %arg3[%arg1, %dma_start3A_65, %dma_start3A_66] : memref<16x160x128xi32, #tpu.memory_space<hbm>> -> memref<1x1x128xi32, #tpu.memory_space<hbm>>
    %dma_start3A_68 = tpu.memref_squeeze %dma_start3A_67 : memref<1x1x128xi32, #tpu.memory_space<hbm>> -> memref<128xi32, #tpu.memory_space<hbm>>
    %dma_start3A_69 = arith.constant 0 : i32
    %dma_start3A_70 = tpu.memref_slice %arg3[%arg1, %dma_start3A_65, %dma_start3A_69] : memref<16x160x128xi32, #tpu.memory_space<hbm>> -> memref<1x1x128xi32, #tpu.memory_space<hbm>>
    %dma_start3A_71 = tpu.memref_squeeze %dma_start3A_70 : memref<1x1x128xi32, #tpu.memory_space<hbm>> -> memref<128xi32, #tpu.memory_space<hbm>>
    tpu.enqueue_dma source(%dma_start3A_71 : memref<128xi32, #tpu.memory_space<hbm>>) target(%arg10 : memref<128xi32, #tpu.memory_space<vmem>>) target_semaphore(%arg18 : memref<!tpu.dma_semaphore, #tpu.memory_space<semaphore_mem>>)
    %scan3A_72 = arith.constant 0 : i32
    %scan3A_73 = arith.constant 80 : i32
    %scan3A_74 = arith.addi %scan3A_72, %scan3A_73 : i32
    %scan3A_75 = arith.constant 1 : i32
    scf.for %scan3A_108 = %scan3A_72 to %scan3A_74 step %scan3A_75  : i32 {
      %mul3A_109 = arith.constant 2 : i32
      %mul3A_110 = arith.muli %mul3A_109, %scan3A_108 : i32
      %add3A_111 = arith.constant 0 : i32
      %add3A_112 = arith.addi %mul3A_110, %add3A_111 : i32
      %add3A_113 = arith.constant 1 : i32
      %add3A_114 = arith.addi %add3A_112, %add3A_113 : i32
      %lt3A = arith.constant 160 : i32
      %lt3A_115 = arith.cmpi slt, %add3A_114, %lt3A : i32
      %convert_element_type3A = arith.extui %lt3A_115 : i1 to i32
      %cond3A = arith.constant 0 : i32
      %cond3A_116 = arith.cmpi ne, %convert_element_type3A, %cond3A : i32
      scf.if %cond3A_116 {
        %dma_wait3A_205 = arith.constant 0 : i32
        %dma_wait3A_206 = arith.constant 0 : i32
        %dma_wait3A_207 = tpu.memref_slice %arg2[%add3A_3, %arg1, %dma_wait3A_205, %dma_wait3A_206] : memref<2x16x160x128xi32, #tpu.memory_space<hbm>> -> memref<1x1x1x128xi32, #tpu.memory_space<hbm>>
        %dma_wait3A_208 = tpu.memref_squeeze %dma_wait3A_207 : memref<1x1x1x128xi32, #tpu.memory_space<hbm>> -> memref<128xi32, #tpu.memory_space<hbm>>
        %dma_wait3A_209 = arith.constant 0 : i32
        %dma_wait3A_210 = tpu.memref_slice %arg2[%add3A_3, %arg1, %dma_wait3A_205, %dma_wait3A_209] : memref<2x16x160x128xi32, #tpu.memory_space<hbm>> -> memref<1x1x1x128xi32, #tpu.memory_space<hbm>>
        %dma_wait3A_211 = tpu.memref_squeeze %dma_wait3A_210 : memref<1x1x1x128xi32, #tpu.memory_space<hbm>> -> memref<128xi32, #tpu.memory_space<hbm>>
        tpu.wait_dma2 semaphore(%arg18 : memref<!tpu.dma_semaphore, #tpu.memory_space<semaphore_mem>>) src(%dma_wait3A_211 : memref<128xi32, #tpu.memory_space<hbm>>) dst(%arg8 : memref<128xi32, #tpu.memory_space<vmem>>)
        %dma_wait3A_212 = arith.constant 0 : i32
        %dma_wait3A_213 = arith.constant 0 : i32
        %dma_wait3A_214 = tpu.memref_slice %arg3[%arg1, %dma_wait3A_212, %dma_wait3A_213] : memref<16x160x128xi32, #tpu.memory_space<hbm>> -> memref<1x1x128xi32, #tpu.memory_space<hbm>>
        %dma_wait3A_215 = tpu.memref_squeeze %dma_wait3A_214 : memref<1x1x128xi32, #tpu.memory_space<hbm>> -> memref<128xi32, #tpu.memory_space<hbm>>
        %dma_wait3A_216 = arith.constant 0 : i32
        %dma_wait3A_217 = tpu.memref_slice %arg3[%arg1, %dma_wait3A_212, %dma_wait3A_216] : memref<16x160x128xi32, #tpu.memory_space<hbm>> -> memref<1x1x128xi32, #tpu.memory_space<hbm>>
        %dma_wait3A_218 = tpu.memref_squeeze %dma_wait3A_217 : memref<1x1x128xi32, #tpu.memory_space<hbm>> -> memref<128xi32, #tpu.memory_space<hbm>>
        tpu.wait_dma2 semaphore(%arg18 : memref<!tpu.dma_semaphore, #tpu.memory_space<semaphore_mem>>) src(%dma_wait3A_218 : memref<128xi32, #tpu.memory_space<hbm>>) dst(%arg10 : memref<128xi32, #tpu.memory_space<vmem>>)
        %add3A_219 = arith.constant 1 : i32
        %add3A_220 = arith.addi %add3A_112, %add3A_219 : i32
        %dma_start3A_221 = arith.constant 1 : i32
        %dma_start3A_222 = arith.constant 0 : i32
        %dma_start3A_223 = arith.constant 0 : i32
        %dma_start3A_224 = tpu.memref_slice %arg11[%dma_start3A_221, %dma_start3A_222, %dma_start3A_223] : memref<2x128x80xf32, #tpu.memory_space<vmem>> -> memref<1x128x80xf32, #tpu.memory_space<vmem>>
        %dma_start3A_225 = tpu.memref_squeeze %dma_start3A_224 : memref<1x128x80xf32, #tpu.memory_space<vmem>> -> memref<128x80xf32, #tpu.memory_space<vmem>>
        %dma_start3A_226 = arith.constant 0 : i32
        %dma_start3A_227 = arith.constant 0 : i32
        %dma_start3A_228 = tpu.memref_slice %arg4[%dma_start3A_226, %dma_start3A_227] : memref<20000x80xf32, #tpu.memory_space<hbm>> -> memref<20000x80xf32, #tpu.memory_space<hbm>>
        tpu.enqueue_indirect_dma source(%dma_start3A_228 : memref<20000x80xf32, #tpu.memory_space<hbm>>) target(%dma_start3A_225 : memref<128x80xf32, #tpu.memory_space<vmem>>) offsets(%arg8 : memref<128xi32, #tpu.memory_space<vmem>>) semaphore(%arg14 : memref<!tpu.dma_semaphore, #tpu.memory_space<semaphore_mem>>)
        %mul3A_229 = arith.constant 128 : i32
        %mul3A_230 = arith.muli %add3A_220, %mul3A_229 : i32
        %add3A_231 = arith.addi %mul3A_0, %mul3A_230 : i32
        %dma_start3A_232 = arith.constant 1 : i32
        %dma_start3A_233 = arith.constant 0 : i32
        %dma_start3A_234 = arith.constant 0 : i32
        %dma_start3A_235 = tpu.memref_slice %arg12[%dma_start3A_232, %dma_start3A_233, %dma_start3A_234] : memref<2x128x80xf32, #tpu.memory_space<vmem>> -> memref<1x128x80xf32, #tpu.memory_space<vmem>>
        %dma_start3A_236 = tpu.memref_squeeze %dma_start3A_235 : memref<1x128x80xf32, #tpu.memory_space<vmem>> -> memref<128x80xf32, #tpu.memory_space<vmem>>
        %dma_start3A_237 = arith.constant 0 : i32
        %dma_start3A_238 = tpu.memref_slice %arg5[%add3A_3, %add3A_231, %dma_start3A_237] : memref<2x327680x80xf32, #tpu.memory_space<hbm>> -> memref<1x128x80xf32, #tpu.memory_space<hbm>>
        %dma_start3A_239 = tpu.memref_squeeze %dma_start3A_238 : memref<1x128x80xf32, #tpu.memory_space<hbm>> -> memref<128x80xf32, #tpu.memory_space<hbm>>
        %dma_start3A_240 = arith.constant 0 : i32
        %dma_start3A_241 = arith.constant 0 : i32
        %dma_start3A_242 = tpu.memref_slice %arg12[%dma_start3A_232, %dma_start3A_240, %dma_start3A_241] : memref<2x128x80xf32, #tpu.memory_space<vmem>> -> memref<1x128x80xf32, #tpu.memory_space<vmem>>
        %dma_start3A_243 = tpu.memref_squeeze %dma_start3A_242 : memref<1x128x80xf32, #tpu.memory_space<vmem>> -> memref<128x80xf32, #tpu.memory_space<vmem>>
        %dma_start3A_244 = arith.constant 0 : i32
        %dma_start3A_245 = tpu.memref_slice %arg5[%add3A_3, %add3A_231, %dma_start3A_244] : memref<2x327680x80xf32, #tpu.memory_space<hbm>> -> memref<1x128x80xf32, #tpu.memory_space<hbm>>
        %dma_start3A_246 = tpu.memref_squeeze %dma_start3A_245 : memref<1x128x80xf32, #tpu.memory_space<hbm>> -> memref<128x80xf32, #tpu.memory_space<hbm>>
        tpu.enqueue_dma source(%dma_start3A_246 : memref<128x80xf32, #tpu.memory_space<hbm>>) target(%dma_start3A_243 : memref<128x80xf32, #tpu.memory_space<vmem>>) target_semaphore(%arg16 : memref<!tpu.dma_semaphore, #tpu.memory_space<semaphore_mem>>)
      } else {
      }
      %dma_wait3A = arith.constant 0 : i32
      %dma_wait3A_117 = arith.constant 0 : i32
      %dma_wait3A_118 = arith.constant 0 : i32
      %dma_wait3A_119 = tpu.memref_slice %arg11[%dma_wait3A, %dma_wait3A_117, %dma_wait3A_118] : memref<2x128x80xf32, #tpu.memory_space<vmem>> -> memref<1x128x80xf32, #tpu.memory_space<vmem>>
      %dma_wait3A_120 = tpu.memref_squeeze %dma_wait3A_119 : memref<1x128x80xf32, #tpu.memory_space<vmem>> -> memref<128x80xf32, #tpu.memory_space<vmem>>
      %dma_wait3A_121 = arith.constant 0 : i32
      %dma_wait3A_122 = arith.constant 0 : i32
      %dma_wait3A_123 = tpu.memref_slice %arg4[%dma_wait3A_121, %dma_wait3A_122] : memref<20000x80xf32, #tpu.memory_space<hbm>> -> memref<20000x80xf32, #tpu.memory_space<hbm>>
      tpu.wait_indirect_dma semaphore(%arg13 : memref<!tpu.dma_semaphore, #tpu.memory_space<semaphore_mem>>) src(%dma_wait3A_123 : memref<20000x80xf32, #tpu.memory_space<hbm>>) dst(%dma_wait3A_120 : memref<128x80xf32, #tpu.memory_space<vmem>>)
      %dma_wait3A_124 = arith.constant 0 : i32
      %dma_wait3A_125 = arith.constant 0 : i32
      %dma_wait3A_126 = arith.constant 0 : i32
      %dma_wait3A_127 = arith.constant 0 : i32
      %dma_wait3A_128 = tpu.memref_slice %arg12[%dma_wait3A_125, %dma_wait3A_126, %dma_wait3A_127] : memref<2x128x80xf32, #tpu.memory_space<vmem>> -> memref<1x128x80xf32, #tpu.memory_space<vmem>>
      %dma_wait3A_129 = tpu.memref_squeeze %dma_wait3A_128 : memref<1x128x80xf32, #tpu.memory_space<vmem>> -> memref<128x80xf32, #tpu.memory_space<vmem>>
      %dma_wait3A_130 = arith.constant 0 : i32
      %dma_wait3A_131 = arith.constant 0 : i32
      %dma_wait3A_132 = tpu.memref_slice %arg5[%dma_wait3A_124, %dma_wait3A_130, %dma_wait3A_131] : memref<2x327680x80xf32, #tpu.memory_space<hbm>> -> memref<1x128x80xf32, #tpu.memory_space<hbm>>
      %dma_wait3A_133 = tpu.memref_squeeze %dma_wait3A_132 : memref<1x128x80xf32, #tpu.memory_space<hbm>> -> memref<128x80xf32, #tpu.memory_space<hbm>>
      %dma_wait3A_134 = arith.constant 0 : i32
      %dma_wait3A_135 = arith.constant 0 : i32
      %dma_wait3A_136 = tpu.memref_slice %arg12[%dma_wait3A_125, %dma_wait3A_134, %dma_wait3A_135] : memref<2x128x80xf32, #tpu.memory_space<vmem>> -> memref<1x128x80xf32, #tpu.memory_space<vmem>>
      %dma_wait3A_137 = tpu.memref_squeeze %dma_wait3A_136 : memref<1x128x80xf32, #tpu.memory_space<vmem>> -> memref<128x80xf32, #tpu.memory_space<vmem>>
      %dma_wait3A_138 = arith.constant 0 : i32
      %dma_wait3A_139 = arith.constant 0 : i32
      %dma_wait3A_140 = tpu.memref_slice %arg5[%dma_wait3A_124, %dma_wait3A_138, %dma_wait3A_139] : memref<2x327680x80xf32, #tpu.memory_space<hbm>> -> memref<1x128x80xf32, #tpu.memory_space<hbm>>
      %dma_wait3A_141 = tpu.memref_squeeze %dma_wait3A_140 : memref<1x128x80xf32, #tpu.memory_space<hbm>> -> memref<128x80xf32, #tpu.memory_space<hbm>>
      tpu.wait_dma2 semaphore(%arg15 : memref<!tpu.dma_semaphore, #tpu.memory_space<semaphore_mem>>) src(%dma_wait3A_141 : memref<128x80xf32, #tpu.memory_space<hbm>>) dst(%dma_wait3A_137 : memref<128x80xf32, #tpu.memory_space<vmem>>)
      %scan3A_142 = arith.constant 0 : i32
      %scan3A_143 = arith.constant 128 : i32
      %scan3A_144 = arith.addi %scan3A_142, %scan3A_143 : i32
      %scan3A_145 = arith.constant 1 : i32
      scf.for %scan3A_205 = %scan3A_142 to %scan3A_144 step %scan3A_145  : i32 {
        %get3A = arith.constant 0 : i32
        %get3A_206 = arith.index_cast %get3A : i32 to index
        %get3A_207 = arith.index_cast %scan3A_205 : i32 to index
        %get3A_208 = arith.constant 0 : index
        %get3A_209 = tpu.vector_load %arg11[%get3A_206, %get3A_207, %get3A_208] {strides = array<i32>} : memref<2x128x80xf32, #tpu.memory_space<vmem>>, vector<1x1x16xf32>,
        %get3A_210 = vector.shape_cast %get3A_209 : vector<1x1x16xf32> to vector<16xf32>
        %get3A_211 = arith.constant 0 : i32
        %get3A_212 = arith.index_cast %get3A_211 : i32 to index
        %get3A_213 = arith.index_cast %scan3A_205 : i32 to index
        %get3A_214 = arith.constant 0 : index
        %get3A_215 = tpu.vector_load %arg12[%get3A_212, %get3A_213, %get3A_214] {strides = array<i32>} : memref<2x128x80xf32, #tpu.memory_space<vmem>>, vector<1x1x16xf32>,
        %get3A_216 = vector.shape_cast %get3A_215 : vector<1x1x16xf32> to vector<16xf32>
        %mul3A_217 = arith.mulf %get3A_210, %get3A_216 : vector<16xf32>
        %swap3A = arith.constant 0 : i32
        %swap3A_218 = arith.index_cast %swap3A : i32 to index
        %swap3A_219 = arith.index_cast %scan3A_205 : i32 to index
        %swap3A_220 = arith.constant 0 : index
        %swap3A_221 = tpu.vector_load %arg11[%swap3A_218, %swap3A_219, %swap3A_220] {strides = array<i32>} : memref<2x128x80xf32, #tpu.memory_space<vmem>>, vector<1x1x16xf32>,
        %swap3A_222 = vector.shape_cast %swap3A_221 : vector<1x1x16xf32> to vector<16xf32>
        %swap3A_223 = vector.shape_cast %mul3A_217 : vector<16xf32> to vector<1x1x16xf32>
        tpu.vector_store %arg11[%swap3A_218, %swap3A_219, %swap3A_220], %swap3A_223 {strides = array<i32>} : memref<2x128x80xf32, #tpu.memory_space<vmem>>, vector<1x1x16xf32>,
        %get3A_224 = arith.constant 0 : i32
        %get3A_225 = arith.index_cast %get3A_224 : i32 to index
        %get3A_226 = arith.index_cast %scan3A_205 : i32 to index
        %get3A_227 = arith.constant 16 : index
        %get3A_228 = tpu.vector_load %arg11[%get3A_225, %get3A_226, %get3A_227] {strides = array<i32>} : memref<2x128x80xf32, #tpu.memory_space<vmem>>, vector<1x1x16xf32>,
        %get3A_229 = vector.shape_cast %get3A_228 : vector<1x1x16xf32> to vector<16xf32>
        %get3A_230 = arith.constant 0 : i32
        %get3A_231 = arith.index_cast %get3A_230 : i32 to index
        %get3A_232 = arith.index_cast %scan3A_205 : i32 to index
        %get3A_233 = arith.constant 16 : index
        %get3A_234 = tpu.vector_load %arg12[%get3A_231, %get3A_232, %get3A_233] {strides = array<i32>} : memref<2x128x80xf32, #tpu.memory_space<vmem>>, vector<1x1x16xf32>,
        %get3A_235 = vector.shape_cast %get3A_234 : vector<1x1x16xf32> to vector<16xf32>
        %mul3A_236 = arith.mulf %get3A_229, %get3A_235 : vector<16xf32>
        %swap3A_237 = arith.constant 0 : i32
        %swap3A_238 = arith.index_cast %swap3A_237 : i32 to index
        %swap3A_239 = arith.index_cast %scan3A_205 : i32 to index
        %swap3A_240 = arith.constant 16 : index
        %swap3A_241 = tpu.vector_load %arg11[%swap3A_238, %swap3A_239, %swap3A_240] {strides = array<i32>} : memref<2x128x80xf32, #tpu.memory_space<vmem>>, vector<1x1x16xf32>,
        %swap3A_242 = vector.shape_cast %swap3A_241 : vector<1x1x16xf32> to vector<16xf32>
        %swap3A_243 = vector.shape_cast %mul3A_236 : vector<16xf32> to vector<1x1x16xf32>
        tpu.vector_store %arg11[%swap3A_238, %swap3A_239, %swap3A_240], %swap3A_243 {strides = array<i32>} : memref<2x128x80xf32, #tpu.memory_space<vmem>>, vector<1x1x16xf32>,
        %get3A_244 = arith.constant 0 : i32
        %get3A_245 = arith.index_cast %get3A_244 : i32 to index
        %get3A_246 = arith.index_cast %scan3A_205 : i32 to index
        %get3A_247 = arith.constant 32 : index
        %get3A_248 = tpu.vector_load %arg11[%get3A_245, %get3A_246, %get3A_247] {strides = array<i32>} : memref<2x128x80xf32, #tpu.memory_space<vmem>>, vector<1x1x16xf32>,
        %get3A_249 = vector.shape_cast %get3A_248 : vector<1x1x16xf32> to vector<16xf32>
        %get3A_250 = arith.constant 0 : i32
        %get3A_251 = arith.index_cast %get3A_250 : i32 to index
        %get3A_252 = arith.index_cast %scan3A_205 : i32 to index
        %get3A_253 = arith.constant 32 : index
        %get3A_254 = tpu.vector_load %arg12[%get3A_251, %get3A_252, %get3A_253] {strides = array<i32>} : memref<2x128x80xf32, #tpu.memory_space<vmem>>, vector<1x1x16xf32>,
        %get3A_255 = vector.shape_cast %get3A_254 : vector<1x1x16xf32> to vector<16xf32>
        %mul3A_256 = arith.mulf %get3A_249, %get3A_255 : vector<16xf32>
        %swap3A_257 = arith.constant 0 : i32
        %swap3A_258 = arith.index_cast %swap3A_257 : i32 to index
        %swap3A_259 = arith.index_cast %scan3A_205 : i32 to index
        %swap3A_260 = arith.constant 32 : index
        %swap3A_261 = tpu.vector_load %arg11[%swap3A_258, %swap3A_259, %swap3A_260] {strides = array<i32>} : memref<2x128x80xf32, #tpu.memory_space<vmem>>, vector<1x1x16xf32>,
        %swap3A_262 = vector.shape_cast %swap3A_261 : vector<1x1x16xf32> to vector<16xf32>
        %swap3A_263 = vector.shape_cast %mul3A_256 : vector<16xf32> to vector<1x1x16xf32>
        tpu.vector_store %arg11[%swap3A_258, %swap3A_259, %swap3A_260], %swap3A_263 {strides = array<i32>} : memref<2x128x80xf32, #tpu.memory_space<vmem>>, vector<1x1x16xf32>,
        %get3A_264 = arith.constant 0 : i32
        %get3A_265 = arith.index_cast %get3A_264 : i32 to index
        %get3A_266 = arith.index_cast %scan3A_205 : i32 to index
        %get3A_267 = arith.constant 48 : index
        %get3A_268 = tpu.vector_load %arg11[%get3A_265, %get3A_266, %get3A_267] {strides = array<i32>} : memref<2x128x80xf32, #tpu.memory_space<vmem>>, vector<1x1x16xf32>,
        %get3A_269 = vector.shape_cast %get3A_268 : vector<1x1x16xf32> to vector<16xf32>
        %get3A_270 = arith.constant 0 : i32
        %get3A_271 = arith.index_cast %get3A_270 : i32 to index
        %get3A_272 = arith.index_cast %scan3A_205 : i32 to index
        %get3A_273 = arith.constant 48 : index
        %get3A_274 = tpu.vector_load %arg12[%get3A_271, %get3A_272, %get3A_273] {strides = array<i32>} : memref<2x128x80xf32, #tpu.memory_space<vmem>>, vector<1x1x16xf32>,
        %get3A_275 = vector.shape_cast %get3A_274 : vector<1x1x16xf32> to vector<16xf32>
        %mul3A_276 = arith.mulf %get3A_269, %get3A_275 : vector<16xf32>
        %swap3A_277 = arith.constant 0 : i32
        %swap3A_278 = arith.index_cast %swap3A_277 : i32 to index
        %swap3A_279 = arith.index_cast %scan3A_205 : i32 to index
        %swap3A_280 = arith.constant 48 : index
        %swap3A_281 = tpu.vector_load %arg11[%swap3A_278, %swap3A_279, %swap3A_280] {strides = array<i32>} : memref<2x128x80xf32, #tpu.memory_space<vmem>>, vector<1x1x16xf32>,
        %swap3A_282 = vector.shape_cast %swap3A_281 : vector<1x1x16xf32> to vector<16xf32>
        %swap3A_283 = vector.shape_cast %mul3A_276 : vector<16xf32> to vector<1x1x16xf32>
        tpu.vector_store %arg11[%swap3A_278, %swap3A_279, %swap3A_280], %swap3A_283 {strides = array<i32>} : memref<2x128x80xf32, #tpu.memory_space<vmem>>, vector<1x1x16xf32>,
        %get3A_284 = arith.constant 0 : i32
        %get3A_285 = arith.index_cast %get3A_284 : i32 to index
        %get3A_286 = arith.index_cast %scan3A_205 : i32 to index
        %get3A_287 = arith.constant 64 : index
        %get3A_288 = tpu.vector_load %arg11[%get3A_285, %get3A_286, %get3A_287] {strides = array<i32>} : memref<2x128x80xf32, #tpu.memory_space<vmem>>, vector<1x1x16xf32>,
        %get3A_289 = vector.shape_cast %get3A_288 : vector<1x1x16xf32> to vector<16xf32>
        %get3A_290 = arith.constant 0 : i32
        %get3A_291 = arith.index_cast %get3A_290 : i32 to index
        %get3A_292 = arith.index_cast %scan3A_205 : i32 to index
        %get3A_293 = arith.constant 64 : index
        %get3A_294 = tpu.vector_load %arg12[%get3A_291, %get3A_292, %get3A_293] {strides = array<i32>} : memref<2x128x80xf32, #tpu.memory_space<vmem>>, vector<1x1x16xf32>,
        %get3A_295 = vector.shape_cast %get3A_294 : vector<1x1x16xf32> to vector<16xf32>
        %mul3A_296 = arith.mulf %get3A_289, %get3A_295 : vector<16xf32>
        %swap3A_297 = arith.constant 0 : i32
        %swap3A_298 = arith.index_cast %swap3A_297 : i32 to index
        %swap3A_299 = arith.index_cast %scan3A_205 : i32 to index
        %swap3A_300 = arith.constant 64 : index
        %swap3A_301 = tpu.vector_load %arg11[%swap3A_298, %swap3A_299, %swap3A_300] {strides = array<i32>} : memref<2x128x80xf32, #tpu.memory_space<vmem>>, vector<1x1x16xf32>,
        %swap3A_302 = vector.shape_cast %swap3A_301 : vector<1x1x16xf32> to vector<16xf32>
        %swap3A_303 = vector.shape_cast %mul3A_296 : vector<16xf32> to vector<1x1x16xf32>
        tpu.vector_store %arg11[%swap3A_298, %swap3A_299, %swap3A_300], %swap3A_303 {strides = array<i32>} : memref<2x128x80xf32, #tpu.memory_space<vmem>>, vector<1x1x16xf32>,
      }
      %scan3A_146 = arith.constant 128 : i32
      %run_scoped3A_147 = arith.constant 0 : i32
      "tpu.region"() ({
        %run_scoped3A_205 = tpu.sem_alloc : memref<!tpu.dma_semaphore, #tpu.memory_space<semaphore_mem>>
        %dma_start3A_206 = arith.constant 0 : i32
        %dma_start3A_207 = arith.constant 0 : i32
        %dma_start3A_208 = tpu.memref_slice %arg11[%run_scoped3A_147, %dma_start3A_206, %dma_start3A_207] : memref<2x128x80xf32, #tpu.memory_space<vmem>> -> memref<1x128x80xf32, #tpu.memory_space<vmem>>
        %dma_start3A_209 = tpu.memref_squeeze %dma_start3A_208 : memref<1x128x80xf32, #tpu.memory_space<vmem>> -> memref<128x80xf32, #tpu.memory_space<vmem>>
        %dma_start3A_210 = arith.constant 0 : i32
        %dma_start3A_211 = arith.constant 0 : i32
        %dma_start3A_212 = tpu.memref_slice %arg19[%dma_start3A_210, %dma_start3A_211] : memref<10240x80xf32, #tpu.memory_space<vmem_shared>> -> memref<10240x80xf32, #tpu.memory_space<vmem_shared>>
        tpu.enqueue_indirect_dma source(%dma_start3A_209 : memref<128x80xf32, #tpu.memory_space<vmem>>) target(%dma_start3A_212 : memref<10240x80xf32, #tpu.memory_space<vmem_shared>>) offsets(%arg9 : memref<128xi32, #tpu.memory_space<vmem>>) semaphore(%run_scoped3A_205 : memref<!tpu.dma_semaphore, #tpu.memory_space<semaphore_mem>>) {add = true}
        %dma_wait3A_213 = arith.constant 0 : i32
        %dma_wait3A_214 = arith.constant 0 : i32
        %dma_wait3A_215 = tpu.memref_slice %arg11[%run_scoped3A_147, %dma_wait3A_213, %dma_wait3A_214] : memref<2x128x80xf32, #tpu.memory_space<vmem>> -> memref<1x128x80xf32, #tpu.memory_space<vmem>>
        %dma_wait3A_216 = tpu.memref_squeeze %dma_wait3A_215 : memref<1x128x80xf32, #tpu.memory_space<vmem>> -> memref<128x80xf32, #tpu.memory_space<vmem>>
        %dma_wait3A_217 = arith.constant 0 : i32
        %dma_wait3A_218 = arith.constant 0 : i32
        %dma_wait3A_219 = tpu.memref_slice %arg19[%dma_wait3A_217, %dma_wait3A_218] : memref<10240x80xf32, #tpu.memory_space<vmem_shared>> -> memref<10240x80xf32, #tpu.memory_space<vmem_shared>>
        tpu.wait_indirect_dma semaphore(%run_scoped3A_205 : memref<!tpu.dma_semaphore, #tpu.memory_space<semaphore_mem>>) src(%dma_wait3A_216 : memref<128x80xf32, #tpu.memory_space<vmem>>) dst(%dma_wait3A_219 : memref<10240x80xf32, #tpu.memory_space<vmem_shared>>)
        tpu.yield
      }) : () -> ()
      %add3A_148 = arith.constant 2 : i32
      %add3A_149 = arith.addi %add3A_112, %add3A_148 : i32
      %lt3A_150 = arith.constant 160 : i32
      %lt3A_151 = arith.cmpi slt, %add3A_149, %lt3A_150 : i32
      %convert_element_type3A_152 = arith.extui %lt3A_151 : i1 to i32
      %cond3A_153 = arith.constant 0 : i32
      %cond3A_154 = arith.cmpi ne, %convert_element_type3A_152, %cond3A_153 : i32
      scf.if %cond3A_154 {
        %add3A_205 = arith.constant 2 : i32
        %add3A_206 = arith.addi %add3A_112, %add3A_205 : i32
        %dma_start3A_207 = arith.constant 0 : i32
        %dma_start3A_208 = tpu.memref_slice %arg2[%add3A_3, %arg1, %add3A_206, %dma_start3A_207] : memref<2x16x160x128xi32, #tpu.memory_space<hbm>> -> memref<1x1x1x128xi32, #tpu.memory_space<hbm>>
        %dma_start3A_209 = tpu.memref_squeeze %dma_start3A_208 : memref<1x1x1x128xi32, #tpu.memory_space<hbm>> -> memref<128xi32, #tpu.memory_space<hbm>>
        %dma_start3A_210 = arith.constant 0 : i32
        %dma_start3A_211 = tpu.memref_slice %arg2[%add3A_3, %arg1, %add3A_206, %dma_start3A_210] : memref<2x16x160x128xi32, #tpu.memory_space<hbm>> -> memref<1x1x1x128xi32, #tpu.memory_space<hbm>>
        %dma_start3A_212 = tpu.memref_squeeze %dma_start3A_211 : memref<1x1x1x128xi32, #tpu.memory_space<hbm>> -> memref<128xi32, #tpu.memory_space<hbm>>
        tpu.enqueue_dma source(%dma_start3A_212 : memref<128xi32, #tpu.memory_space<hbm>>) target(%arg7 : memref<128xi32, #tpu.memory_space<vmem>>) target_semaphore(%arg17 : memref<!tpu.dma_semaphore, #tpu.memory_space<semaphore_mem>>)
        %dma_start3A_213 = arith.constant 0 : i32
        %dma_start3A_214 = tpu.memref_slice %arg3[%arg1, %add3A_206, %dma_start3A_213] : memref<16x160x128xi32, #tpu.memory_space<hbm>> -> memref<1x1x128xi32, #tpu.memory_space<hbm>>
        %dma_start3A_215 = tpu.memref_squeeze %dma_start3A_214 : memref<1x1x128xi32, #tpu.memory_space<hbm>> -> memref<128xi32, #tpu.memory_space<hbm>>
        %dma_start3A_216 = arith.constant 0 : i32
        %dma_start3A_217 = tpu.memref_slice %arg3[%arg1, %add3A_206, %dma_start3A_216] : memref<16x160x128xi32, #tpu.memory_space<hbm>> -> memref<1x1x128xi32, #tpu.memory_space<hbm>>
        %dma_start3A_218 = tpu.memref_squeeze %dma_start3A_217 : memref<1x1x128xi32, #tpu.memory_space<hbm>> -> memref<128xi32, #tpu.memory_space<hbm>>
        tpu.enqueue_dma source(%dma_start3A_218 : memref<128xi32, #tpu.memory_space<hbm>>) target(%arg9 : memref<128xi32, #tpu.memory_space<vmem>>) target_semaphore(%arg17 : memref<!tpu.dma_semaphore, #tpu.memory_space<semaphore_mem>>)
      } else {
      }
      %mul3A_155 = arith.constant 2 : i32
      %mul3A_156 = arith.muli %mul3A_155, %scan3A_108 : i32
      %add3A_157 = arith.constant 1 : i32
      %add3A_158 = arith.addi %mul3A_156, %add3A_157 : i32
      %add3A_159 = arith.constant 1 : i32
      %add3A_160 = arith.addi %add3A_158, %add3A_159 : i32
      %lt3A_161 = arith.constant 160 : i32
      %lt3A_162 = arith.cmpi slt, %add3A_160, %lt3A_161 : i32
      %convert_element_type3A_163 = arith.extui %lt3A_162 : i1 to i32
      %cond3A_164 = arith.constant 0 : i32
      %cond3A_165 = arith.cmpi ne, %convert_element_type3A_163, %cond3A_164 : i32
      scf.if %cond3A_165 {
        %dma_wait3A_205 = arith.constant 0 : i32
        %dma_wait3A_206 = arith.constant 0 : i32
        %dma_wait3A_207 = tpu.memref_slice %arg2[%add3A_3, %arg1, %dma_wait3A_205, %dma_wait3A_206] : memref<2x16x160x128xi32, #tpu.memory_space<hbm>> -> memref<1x1x1x128xi32, #tpu.memory_space<hbm>>
        %dma_wait3A_208 = tpu.memref_squeeze %dma_wait3A_207 : memref<1x1x1x128xi32, #tpu.memory_space<hbm>> -> memref<128xi32, #tpu.memory_space<hbm>>
        %dma_wait3A_209 = arith.constant 0 : i32
        %dma_wait3A_210 = tpu.memref_slice %arg2[%add3A_3, %arg1, %dma_wait3A_205, %dma_wait3A_209] : memref<2x16x160x128xi32, #tpu.memory_space<hbm>> -> memref<1x1x1x128xi32, #tpu.memory_space<hbm>>
        %dma_wait3A_211 = tpu.memref_squeeze %dma_wait3A_210 : memref<1x1x1x128xi32, #tpu.memory_space<hbm>> -> memref<128xi32, #tpu.memory_space<hbm>>
        tpu.wait_dma2 semaphore(%arg17 : memref<!tpu.dma_semaphore, #tpu.memory_space<semaphore_mem>>) src(%dma_wait3A_211 : memref<128xi32, #tpu.memory_space<hbm>>) dst(%arg7 : memref<128xi32, #tpu.memory_space<vmem>>)
        %dma_wait3A_212 = arith.constant 0 : i32
        %dma_wait3A_213 = arith.constant 0 : i32
        %dma_wait3A_214 = tpu.memref_slice %arg3[%arg1, %dma_wait3A_212, %dma_wait3A_213] : memref<16x160x128xi32, #tpu.memory_space<hbm>> -> memref<1x1x128xi32, #tpu.memory_space<hbm>>
        %dma_wait3A_215 = tpu.memref_squeeze %dma_wait3A_214 : memref<1x1x128xi32, #tpu.memory_space<hbm>> -> memref<128xi32, #tpu.memory_space<hbm>>
        %dma_wait3A_216 = arith.constant 0 : i32
        %dma_wait3A_217 = tpu.memref_slice %arg3[%arg1, %dma_wait3A_212, %dma_wait3A_216] : memref<16x160x128xi32, #tpu.memory_space<hbm>> -> memref<1x1x128xi32, #tpu.memory_space<hbm>>
        %dma_wait3A_218 = tpu.memref_squeeze %dma_wait3A_217 : memref<1x1x128xi32, #tpu.memory_space<hbm>> -> memref<128xi32, #tpu.memory_space<hbm>>
        tpu.wait_dma2 semaphore(%arg17 : memref<!tpu.dma_semaphore, #tpu.memory_space<semaphore_mem>>) src(%dma_wait3A_218 : memref<128xi32, #tpu.memory_space<hbm>>) dst(%arg9 : memref<128xi32, #tpu.memory_space<vmem>>)
        %add3A_219 = arith.constant 1 : i32
        %add3A_220 = arith.addi %add3A_158, %add3A_219 : i32
        %dma_start3A_221 = arith.constant 0 : i32
        %dma_start3A_222 = arith.constant 0 : i32
        %dma_start3A_223 = arith.constant 0 : i32
        %dma_start3A_224 = tpu.memref_slice %arg11[%dma_start3A_221, %dma_start3A_222, %dma_start3A_223] : memref<2x128x80xf32, #tpu.memory_space<vmem>> -> memref<1x128x80xf32, #tpu.memory_space<vmem>>
        %dma_start3A_225 = tpu.memref_squeeze %dma_start3A_224 : memref<1x128x80xf32, #tpu.memory_space<vmem>> -> memref<128x80xf32, #tpu.memory_space<vmem>>
        %dma_start3A_226 = arith.constant 0 : i32
        %dma_start3A_227 = arith.constant 0 : i32
        %dma_start3A_228 = tpu.memref_slice %arg4[%dma_start3A_226, %dma_start3A_227] : memref<20000x80xf32, #tpu.memory_space<hbm>> -> memref<20000x80xf32, #tpu.memory_space<hbm>>
        tpu.enqueue_indirect_dma source(%dma_start3A_228 : memref<20000x80xf32, #tpu.memory_space<hbm>>) target(%dma_start3A_225 : memref<128x80xf32, #tpu.memory_space<vmem>>) offsets(%arg7 : memref<128xi32, #tpu.memory_space<vmem>>) semaphore(%arg13 : memref<!tpu.dma_semaphore, #tpu.memory_space<semaphore_mem>>)
        %mul3A_229 = arith.constant 128 : i32
        %mul3A_230 = arith.muli %add3A_220, %mul3A_229 : i32
        %add3A_231 = arith.addi %mul3A_0, %mul3A_230 : i32
        %dma_start3A_232 = arith.constant 0 : i32
        %dma_start3A_233 = arith.constant 0 : i32
        %dma_start3A_234 = arith.constant 0 : i32
        %dma_start3A_235 = tpu.memref_slice %arg12[%dma_start3A_232, %dma_start3A_233, %dma_start3A_234] : memref<2x128x80xf32, #tpu.memory_space<vmem>> -> memref<1x128x80xf32, #tpu.memory_space<vmem>>
        %dma_start3A_236 = tpu.memref_squeeze %dma_start3A_235 : memref<1x128x80xf32, #tpu.memory_space<vmem>> -> memref<128x80xf32, #tpu.memory_space<vmem>>
        %dma_start3A_237 = arith.constant 0 : i32
        %dma_start3A_238 = tpu.memref_slice %arg5[%add3A_3, %add3A_231, %dma_start3A_237] : memref<2x327680x80xf32, #tpu.memory_space<hbm>> -> memref<1x128x80xf32, #tpu.memory_space<hbm>>
        %dma_start3A_239 = tpu.memref_squeeze %dma_start3A_238 : memref<1x128x80xf32, #tpu.memory_space<hbm>> -> memref<128x80xf32, #tpu.memory_space<hbm>>
        %dma_start3A_240 = arith.constant 0 : i32
        %dma_start3A_241 = arith.constant 0 : i32
        %dma_start3A_242 = tpu.memref_slice %arg12[%dma_start3A_232, %dma_start3A_240, %dma_start3A_241] : memref<2x128x80xf32, #tpu.memory_space<vmem>> -> memref<1x128x80xf32, #tpu.memory_space<vmem>>
        %dma_start3A_243 = tpu.memref_squeeze %dma_start3A_242 : memref<1x128x80xf32, #tpu.memory_space<vmem>> -> memref<128x80xf32, #tpu.memory_space<vmem>>
        %dma_start3A_244 = arith.constant 0 : i32
        %dma_start3A_245 = tpu.memref_slice %arg5[%add3A_3, %add3A_231, %dma_start3A_244] : memref<2x327680x80xf32, #tpu.memory_space<hbm>> -> memref<1x128x80xf32, #tpu.memory_space<hbm>>
        %dma_start3A_246 = tpu.memref_squeeze %dma_start3A_245 : memref<1x128x80xf32, #tpu.memory_space<hbm>> -> memref<128x80xf32, #tpu.memory_space<hbm>>
        tpu.enqueue_dma source(%dma_start3A_246 : memref<128x80xf32, #tpu.memory_space<hbm>>) target(%dma_start3A_243 : memref<128x80xf32, #tpu.memory_space<vmem>>) target_semaphore(%arg15 : memref<!tpu.dma_semaphore, #tpu.memory_space<semaphore_mem>>)
      } else {
      }
      %dma_wait3A_166 = arith.constant 1 : i32
      %dma_wait3A_167 = arith.constant 0 : i32
      %dma_wait3A_168 = arith.constant 0 : i32
      %dma_wait3A_169 = tpu.memref_slice %arg11[%dma_wait3A_166, %dma_wait3A_167, %dma_wait3A_168] : memref<2x128x80xf32, #tpu.memory_space<vmem>> -> memref<1x128x80xf32, #tpu.memory_space<vmem>>
      %dma_wait3A_170 = tpu.memref_squeeze %dma_wait3A_169 : memref<1x128x80xf32, #tpu.memory_space<vmem>> -> memref<128x80xf32, #tpu.memory_space<vmem>>
      %dma_wait3A_171 = arith.constant 0 : i32
      %dma_wait3A_172 = arith.constant 0 : i32
      %dma_wait3A_173 = tpu.memref_slice %arg4[%dma_wait3A_171, %dma_wait3A_172] : memref<20000x80xf32, #tpu.memory_space<hbm>> -> memref<20000x80xf32, #tpu.memory_space<hbm>>
      tpu.wait_indirect_dma semaphore(%arg14 : memref<!tpu.dma_semaphore, #tpu.memory_space<semaphore_mem>>) src(%dma_wait3A_173 : memref<20000x80xf32, #tpu.memory_space<hbm>>) dst(%dma_wait3A_170 : memref<128x80xf32, #tpu.memory_space<vmem>>)
      %dma_wait3A_174 = arith.constant 0 : i32
      %dma_wait3A_175 = arith.constant 1 : i32
      %dma_wait3A_176 = arith.constant 0 : i32
      %dma_wait3A_177 = arith.constant 0 : i32
      %dma_wait3A_178 = tpu.memref_slice %arg12[%dma_wait3A_175, %dma_wait3A_176, %dma_wait3A_177] : memref<2x128x80xf32, #tpu.memory_space<vmem>> -> memref<1x128x80xf32, #tpu.memory_space<vmem>>
      %dma_wait3A_179 = tpu.memref_squeeze %dma_wait3A_178 : memref<1x128x80xf32, #tpu.memory_space<vmem>> -> memref<128x80xf32, #tpu.memory_space<vmem>>
      %dma_wait3A_180 = arith.constant 0 : i32
      %dma_wait3A_181 = arith.constant 0 : i32
      %dma_wait3A_182 = tpu.memref_slice %arg5[%dma_wait3A_174, %dma_wait3A_180, %dma_wait3A_181] : memref<2x327680x80xf32, #tpu.memory_space<hbm>> -> memref<1x128x80xf32, #tpu.memory_space<hbm>>
      %dma_wait3A_183 = tpu.memref_squeeze %dma_wait3A_182 : memref<1x128x80xf32, #tpu.memory_space<hbm>> -> memref<128x80xf32, #tpu.memory_space<hbm>>
      %dma_wait3A_184 = arith.constant 0 : i32
      %dma_wait3A_185 = arith.constant 0 : i32
      %dma_wait3A_186 = tpu.memref_slice %arg12[%dma_wait3A_175, %dma_wait3A_184, %dma_wait3A_185] : memref<2x128x80xf32, #tpu.memory_space<vmem>> -> memref<1x128x80xf32, #tpu.memory_space<vmem>>
      %dma_wait3A_187 = tpu.memref_squeeze %dma_wait3A_186 : memref<1x128x80xf32, #tpu.memory_space<vmem>> -> memref<128x80xf32, #tpu.memory_space<vmem>>
      %dma_wait3A_188 = arith.constant 0 : i32
      %dma_wait3A_189 = arith.constant 0 : i32
      %dma_wait3A_190 = tpu.memref_slice %arg5[%dma_wait3A_174, %dma_wait3A_188, %dma_wait3A_189] : memref<2x327680x80xf32, #tpu.memory_space<hbm>> -> memref<1x128x80xf32, #tpu.memory_space<hbm>>
      %dma_wait3A_191 = tpu.memref_squeeze %dma_wait3A_190 : memref<1x128x80xf32, #tpu.memory_space<hbm>> -> memref<128x80xf32, #tpu.memory_space<hbm>>
      tpu.wait_dma2 semaphore(%arg16 : memref<!tpu.dma_semaphore, #tpu.memory_space<semaphore_mem>>) src(%dma_wait3A_191 : memref<128x80xf32, #tpu.memory_space<hbm>>) dst(%dma_wait3A_187 : memref<128x80xf32, #tpu.memory_space<vmem>>)
      %scan3A_192 = arith.constant 0 : i32
      %scan3A_193 = arith.constant 128 : i32
      %scan3A_194 = arith.addi %scan3A_192, %scan3A_193 : i32
      %scan3A_195 = arith.constant 1 : i32
      scf.for %scan3A_205 = %scan3A_192 to %scan3A_194 step %scan3A_195  : i32 {
        %get3A = arith.constant 1 : i32
        %get3A_206 = arith.index_cast %get3A : i32 to index
        %get3A_207 = arith.index_cast %scan3A_205 : i32 to index
        %get3A_208 = arith.constant 0 : index
        %get3A_209 = tpu.vector_load %arg11[%get3A_206, %get3A_207, %get3A_208] {strides = array<i32>} : memref<2x128x80xf32, #tpu.memory_space<vmem>>, vector<1x1x16xf32>,
        %get3A_210 = vector.shape_cast %get3A_209 : vector<1x1x16xf32> to vector<16xf32>
        %get3A_211 = arith.constant 1 : i32
        %get3A_212 = arith.index_cast %get3A_211 : i32 to index
        %get3A_213 = arith.index_cast %scan3A_205 : i32 to index
        %get3A_214 = arith.constant 0 : index
        %get3A_215 = tpu.vector_load %arg12[%get3A_212, %get3A_213, %get3A_214] {strides = array<i32>} : memref<2x128x80xf32, #tpu.memory_space<vmem>>, vector<1x1x16xf32>,
        %get3A_216 = vector.shape_cast %get3A_215 : vector<1x1x16xf32> to vector<16xf32>
        %mul3A_217 = arith.mulf %get3A_210, %get3A_216 : vector<16xf32>
        %swap3A = arith.constant 1 : i32
        %swap3A_218 = arith.index_cast %swap3A : i32 to index
        %swap3A_219 = arith.index_cast %scan3A_205 : i32 to index
        %swap3A_220 = arith.constant 0 : index
        %swap3A_221 = tpu.vector_load %arg11[%swap3A_218, %swap3A_219, %swap3A_220] {strides = array<i32>} : memref<2x128x80xf32, #tpu.memory_space<vmem>>, vector<1x1x16xf32>,
        %swap3A_222 = vector.shape_cast %swap3A_221 : vector<1x1x16xf32> to vector<16xf32>
        %swap3A_223 = vector.shape_cast %mul3A_217 : vector<16xf32> to vector<1x1x16xf32>
        tpu.vector_store %arg11[%swap3A_218, %swap3A_219, %swap3A_220], %swap3A_223 {strides = array<i32>} : memref<2x128x80xf32, #tpu.memory_space<vmem>>, vector<1x1x16xf32>,
        %get3A_224 = arith.constant 1 : i32
        %get3A_225 = arith.index_cast %get3A_224 : i32 to index
        %get3A_226 = arith.index_cast %scan3A_205 : i32 to index
        %get3A_227 = arith.constant 16 : index
        %get3A_228 = tpu.vector_load %arg11[%get3A_225, %get3A_226, %get3A_227] {strides = array<i32>} : memref<2x128x80xf32, #tpu.memory_space<vmem>>, vector<1x1x16xf32>,
        %get3A_229 = vector.shape_cast %get3A_228 : vector<1x1x16xf32> to vector<16xf32>
        %get3A_230 = arith.constant 1 : i32
        %get3A_231 = arith.index_cast %get3A_230 : i32 to index
        %get3A_232 = arith.index_cast %scan3A_205 : i32 to index
        %get3A_233 = arith.constant 16 : index
        %get3A_234 = tpu.vector_load %arg12[%get3A_231, %get3A_232, %get3A_233] {strides = array<i32>} : memref<2x128x80xf32, #tpu.memory_space<vmem>>, vector<1x1x16xf32>,
        %get3A_235 = vector.shape_cast %get3A_234 : vector<1x1x16xf32> to vector<16xf32>
        %mul3A_236 = arith.mulf %get3A_229, %get3A_235 : vector<16xf32>
        %swap3A_237 = arith.constant 1 : i32
        %swap3A_238 = arith.index_cast %swap3A_237 : i32 to index
        %swap3A_239 = arith.index_cast %scan3A_205 : i32 to index
        %swap3A_240 = arith.constant 16 : index
        %swap3A_241 = tpu.vector_load %arg11[%swap3A_238, %swap3A_239, %swap3A_240] {strides = array<i32>} : memref<2x128x80xf32, #tpu.memory_space<vmem>>, vector<1x1x16xf32>,
        %swap3A_242 = vector.shape_cast %swap3A_241 : vector<1x1x16xf32> to vector<16xf32>
        %swap3A_243 = vector.shape_cast %mul3A_236 : vector<16xf32> to vector<1x1x16xf32>
        tpu.vector_store %arg11[%swap3A_238, %swap3A_239, %swap3A_240], %swap3A_243 {strides = array<i32>} : memref<2x128x80xf32, #tpu.memory_space<vmem>>, vector<1x1x16xf32>,
        %get3A_244 = arith.constant 1 : i32
        %get3A_245 = arith.index_cast %get3A_244 : i32 to index
        %get3A_246 = arith.index_cast %scan3A_205 : i32 to index
        %get3A_247 = arith.constant 32 : index
        %get3A_248 = tpu.vector_load %arg11[%get3A_245, %get3A_246, %get3A_247] {strides = array<i32>} : memref<2x128x80xf32, #tpu.memory_space<vmem>>, vector<1x1x16xf32>,
        %get3A_249 = vector.shape_cast %get3A_248 : vector<1x1x16xf32> to vector<16xf32>
        %get3A_250 = arith.constant 1 : i32
        %get3A_251 = arith.index_cast %get3A_250 : i32 to index
        %get3A_252 = arith.index_cast %scan3A_205 : i32 to index
        %get3A_253 = arith.constant 32 : index
        %get3A_254 = tpu.vector_load %arg12[%get3A_251, %get3A_252, %get3A_253] {strides = array<i32>} : memref<2x128x80xf32, #tpu.memory_space<vmem>>, vector<1x1x16xf32>,
        %get3A_255 = vector.shape_cast %get3A_254 : vector<1x1x16xf32> to vector<16xf32>
        %mul3A_256 = arith.mulf %get3A_249, %get3A_255 : vector<16xf32>
        %swap3A_257 = arith.constant 1 : i32
        %swap3A_258 = arith.index_cast %swap3A_257 : i32 to index
        %swap3A_259 = arith.index_cast %scan3A_205 : i32 to index
        %swap3A_260 = arith.constant 32 : index
        %swap3A_261 = tpu.vector_load %arg11[%swap3A_258, %swap3A_259, %swap3A_260] {strides = array<i32>} : memref<2x128x80xf32, #tpu.memory_space<vmem>>, vector<1x1x16xf32>,
        %swap3A_262 = vector.shape_cast %swap3A_261 : vector<1x1x16xf32> to vector<16xf32>
        %swap3A_263 = vector.shape_cast %mul3A_256 : vector<16xf32> to vector<1x1x16xf32>
        tpu.vector_store %arg11[%swap3A_258, %swap3A_259, %swap3A_260], %swap3A_263 {strides = array<i32>} : memref<2x128x80xf32, #tpu.memory_space<vmem>>, vector<1x1x16xf32>,
        %get3A_264 = arith.constant 1 : i32
        %get3A_265 = arith.index_cast %get3A_264 : i32 to index
        %get3A_266 = arith.index_cast %scan3A_205 : i32 to index
        %get3A_267 = arith.constant 48 : index
        %get3A_268 = tpu.vector_load %arg11[%get3A_265, %get3A_266, %get3A_267] {strides = array<i32>} : memref<2x128x80xf32, #tpu.memory_space<vmem>>, vector<1x1x16xf32>,
        %get3A_269 = vector.shape_cast %get3A_268 : vector<1x1x16xf32> to vector<16xf32>
        %get3A_270 = arith.constant 1 : i32
        %get3A_271 = arith.index_cast %get3A_270 : i32 to index
        %get3A_272 = arith.index_cast %scan3A_205 : i32 to index
        %get3A_273 = arith.constant 48 : index
        %get3A_274 = tpu.vector_load %arg12[%get3A_271, %get3A_272, %get3A_273] {strides = array<i32>} : memref<2x128x80xf32, #tpu.memory_space<vmem>>, vector<1x1x16xf32>,
        %get3A_275 = vector.shape_cast %get3A_274 : vector<1x1x16xf32> to vector<16xf32>
        %mul3A_276 = arith.mulf %get3A_269, %get3A_275 : vector<16xf32>
        %swap3A_277 = arith.constant 1 : i32
        %swap3A_278 = arith.index_cast %swap3A_277 : i32 to index
        %swap3A_279 = arith.index_cast %scan3A_205 : i32 to index
        %swap3A_280 = arith.constant 48 : index
        %swap3A_281 = tpu.vector_load %arg11[%swap3A_278, %swap3A_279, %swap3A_280] {strides = array<i32>} : memref<2x128x80xf32, #tpu.memory_space<vmem>>, vector<1x1x16xf32>,
        %swap3A_282 = vector.shape_cast %swap3A_281 : vector<1x1x16xf32> to vector<16xf32>
        %swap3A_283 = vector.shape_cast %mul3A_276 : vector<16xf32> to vector<1x1x16xf32>
        tpu.vector_store %arg11[%swap3A_278, %swap3A_279, %swap3A_280], %swap3A_283 {strides = array<i32>} : memref<2x128x80xf32, #tpu.memory_space<vmem>>, vector<1x1x16xf32>,
        %get3A_284 = arith.constant 1 : i32
        %get3A_285 = arith.index_cast %get3A_284 : i32 to index
        %get3A_286 = arith.index_cast %scan3A_205 : i32 to index
        %get3A_287 = arith.constant 64 : index
        %get3A_288 = tpu.vector_load %arg11[%get3A_285, %get3A_286, %get3A_287] {strides = array<i32>} : memref<2x128x80xf32, #tpu.memory_space<vmem>>, vector<1x1x16xf32>,
        %get3A_289 = vector.shape_cast %get3A_288 : vector<1x1x16xf32> to vector<16xf32>
        %get3A_290 = arith.constant 1 : i32
        %get3A_291 = arith.index_cast %get3A_290 : i32 to index
        %get3A_292 = arith.index_cast %scan3A_205 : i32 to index
        %get3A_293 = arith.constant 64 : index
        %get3A_294 = tpu.vector_load %arg12[%get3A_291, %get3A_292, %get3A_293] {strides = array<i32>} : memref<2x128x80xf32, #tpu.memory_space<vmem>>, vector<1x1x16xf32>,
        %get3A_295 = vector.shape_cast %get3A_294 : vector<1x1x16xf32> to vector<16xf32>
        %mul3A_296 = arith.mulf %get3A_289, %get3A_295 : vector<16xf32>
        %swap3A_297 = arith.constant 1 : i32
        %swap3A_298 = arith.index_cast %swap3A_297 : i32 to index
        %swap3A_299 = arith.index_cast %scan3A_205 : i32 to index
        %swap3A_300 = arith.constant 64 : index
        %swap3A_301 = tpu.vector_load %arg11[%swap3A_298, %swap3A_299, %swap3A_300] {strides = array<i32>} : memref<2x128x80xf32, #tpu.memory_space<vmem>>, vector<1x1x16xf32>,
        %swap3A_302 = vector.shape_cast %swap3A_301 : vector<1x1x16xf32> to vector<16xf32>
        %swap3A_303 = vector.shape_cast %mul3A_296 : vector<16xf32> to vector<1x1x16xf32>
        tpu.vector_store %arg11[%swap3A_298, %swap3A_299, %swap3A_300], %swap3A_303 {strides = array<i32>} : memref<2x128x80xf32, #tpu.memory_space<vmem>>, vector<1x1x16xf32>,
      }
      %scan3A_196 = arith.constant 128 : i32
      %run_scoped3A_197 = arith.constant 1 : i32
      "tpu.region"() ({
        %run_scoped3A_205 = tpu.sem_alloc : memref<!tpu.dma_semaphore, #tpu.memory_space<semaphore_mem>>
        %dma_start3A_206 = arith.constant 0 : i32
        %dma_start3A_207 = arith.constant 0 : i32
        %dma_start3A_208 = tpu.memref_slice %arg11[%run_scoped3A_197, %dma_start3A_206, %dma_start3A_207] : memref<2x128x80xf32, #tpu.memory_space<vmem>> -> memref<1x128x80xf32, #tpu.memory_space<vmem>>
        %dma_start3A_209 = tpu.memref_squeeze %dma_start3A_208 : memref<1x128x80xf32, #tpu.memory_space<vmem>> -> memref<128x80xf32, #tpu.memory_space<vmem>>
        %dma_start3A_210 = arith.constant 0 : i32
        %dma_start3A_211 = arith.constant 0 : i32
        %dma_start3A_212 = tpu.memref_slice %arg19[%dma_start3A_210, %dma_start3A_211] : memref<10240x80xf32, #tpu.memory_space<vmem_shared>> -> memref<10240x80xf32, #tpu.memory_space<vmem_shared>>
        tpu.enqueue_indirect_dma source(%dma_start3A_209 : memref<128x80xf32, #tpu.memory_space<vmem>>) target(%dma_start3A_212 : memref<10240x80xf32, #tpu.memory_space<vmem_shared>>) offsets(%arg10 : memref<128xi32, #tpu.memory_space<vmem>>) semaphore(%run_scoped3A_205 : memref<!tpu.dma_semaphore, #tpu.memory_space<semaphore_mem>>) {add = true}
        %dma_wait3A_213 = arith.constant 0 : i32
        %dma_wait3A_214 = arith.constant 0 : i32
        %dma_wait3A_215 = tpu.memref_slice %arg11[%run_scoped3A_197, %dma_wait3A_213, %dma_wait3A_214] : memref<2x128x80xf32, #tpu.memory_space<vmem>> -> memref<1x128x80xf32, #tpu.memory_space<vmem>>
        %dma_wait3A_216 = tpu.memref_squeeze %dma_wait3A_215 : memref<1x128x80xf32, #tpu.memory_space<vmem>> -> memref<128x80xf32, #tpu.memory_space<vmem>>
        %dma_wait3A_217 = arith.constant 0 : i32
        %dma_wait3A_218 = arith.constant 0 : i32
        %dma_wait3A_219 = tpu.memref_slice %arg19[%dma_wait3A_217, %dma_wait3A_218] : memref<10240x80xf32, #tpu.memory_space<vmem_shared>> -> memref<10240x80xf32, #tpu.memory_space<vmem_shared>>
        tpu.wait_indirect_dma semaphore(%run_scoped3A_205 : memref<!tpu.dma_semaphore, #tpu.memory_space<semaphore_mem>>) src(%dma_wait3A_216 : memref<128x80xf32, #tpu.memory_space<vmem>>) dst(%dma_wait3A_219 : memref<10240x80xf32, #tpu.memory_space<vmem_shared>>)
        tpu.yield
      }) : () -> ()
      %add3A_198 = arith.constant 2 : i32
      %add3A_199 = arith.addi %add3A_158, %add3A_198 : i32
      %lt3A_200 = arith.constant 160 : i32
      %lt3A_201 = arith.cmpi slt, %add3A_199, %lt3A_200 : i32
      %convert_element_type3A_202 = arith.extui %lt3A_201 : i1 to i32
      %cond3A_203 = arith.constant 0 : i32
      %cond3A_204 = arith.cmpi ne, %convert_element_type3A_202, %cond3A_203 : i32
      scf.if %cond3A_204 {
        %add3A_205 = arith.constant 2 : i32
        %add3A_206 = arith.addi %add3A_158, %add3A_205 : i32
        %dma_start3A_207 = arith.constant 0 : i32
        %dma_start3A_208 = tpu.memref_slice %arg2[%add3A_3, %arg1, %add3A_206, %dma_start3A_207] : memref<2x16x160x128xi32, #tpu.memory_space<hbm>> -> memref<1x1x1x128xi32, #tpu.memory_space<hbm>>
        %dma_start3A_209 = tpu.memref_squeeze %dma_start3A_208 : memref<1x1x1x128xi32, #tpu.memory_space<hbm>> -> memref<128xi32, #tpu.memory_space<hbm>>
        %dma_start3A_210 = arith.constant 0 : i32
        %dma_start3A_211 = tpu.memref_slice %arg2[%add3A_3, %arg1, %add3A_206, %dma_start3A_210] : memref<2x16x160x128xi32, #tpu.memory_space<hbm>> -> memref<1x1x1x128xi32, #tpu.memory_space<hbm>>
        %dma_start3A_212 = tpu.memref_squeeze %dma_start3A_211 : memref<1x1x1x128xi32, #tpu.memory_space<hbm>> -> memref<128xi32, #tpu.memory_space<hbm>>
        tpu.enqueue_dma source(%dma_start3A_212 : memref<128xi32, #tpu.memory_space<hbm>>) target(%arg8 : memref<128xi32, #tpu.memory_space<vmem>>) target_semaphore(%arg18 : memref<!tpu.dma_semaphore, #tpu.memory_space<semaphore_mem>>)
        %dma_start3A_213 = arith.constant 0 : i32
        %dma_start3A_214 = tpu.memref_slice %arg3[%arg1, %add3A_206, %dma_start3A_213] : memref<16x160x128xi32, #tpu.memory_space<hbm>> -> memref<1x1x128xi32, #tpu.memory_space<hbm>>
        %dma_start3A_215 = tpu.memref_squeeze %dma_start3A_214 : memref<1x1x128xi32, #tpu.memory_space<hbm>> -> memref<128xi32, #tpu.memory_space<hbm>>
        %dma_start3A_216 = arith.constant 0 : i32
        %dma_start3A_217 = tpu.memref_slice %arg3[%arg1, %add3A_206, %dma_start3A_216] : memref<16x160x128xi32, #tpu.memory_space<hbm>> -> memref<1x1x128xi32, #tpu.memory_space<hbm>>
        %dma_start3A_218 = tpu.memref_squeeze %dma_start3A_217 : memref<1x1x128xi32, #tpu.memory_space<hbm>> -> memref<128xi32, #tpu.memory_space<hbm>>
        tpu.enqueue_dma source(%dma_start3A_218 : memref<128xi32, #tpu.memory_space<hbm>>) target(%arg10 : memref<128xi32, #tpu.memory_space<vmem>>) target_semaphore(%arg18 : memref<!tpu.dma_semaphore, #tpu.memory_space<semaphore_mem>>)
      } else {
      }
    }
    %scan3A_76 = arith.constant 80 : i32
    %barrier3A_77 = arith.constant 0 : index
    tpu.barrier barrier_id(%barrier3A_77)
    %mul3A_78 = arith.constant 640 : i32
    %mul3A_79 = arith.muli %arg1, %mul3A_78 : i32
    %add3A_80 = arith.constant 0 : i32
    %add3A_81 = arith.addi %mul3A_79, %add3A_80 : i32
    %run_scoped3A_82 = arith.constant 0 : i32
    "tpu.region"() ({
      %run_scoped3A_108 = tpu.sem_alloc : memref<!tpu.dma_semaphore, #tpu.memory_space<semaphore_mem>>
      %dma_start3A_109 = arith.constant 0 : i32
      %dma_start3A_110 = arith.constant 0 : i32
      %dma_start3A_111 = tpu.memref_slice %arg11[%run_scoped3A_82, %dma_start3A_109, %dma_start3A_110] : memref<2x128x80xf32, #tpu.memory_space<vmem>> -> memref<1x128x80xf32, #tpu.memory_space<vmem>>
      %dma_start3A_112 = tpu.memref_squeeze %dma_start3A_111 : memref<1x128x80xf32, #tpu.memory_space<vmem>> -> memref<128x80xf32, #tpu.memory_space<vmem>>
      %dma_start3A_113 = arith.constant 0 : i32
      %dma_start3A_114 = tpu.memref_slice %arg19[%add3A_81, %dma_start3A_113] : memref<10240x80xf32, #tpu.memory_space<vmem_shared>> -> memref<128x80xf32, #tpu.memory_space<vmem_shared>>
      %dma_start3A_115 = arith.constant 0 : i32
      %dma_start3A_116 = arith.constant 0 : i32
      %dma_start3A_117 = tpu.memref_slice %arg11[%run_scoped3A_82, %dma_start3A_115, %dma_start3A_116] : memref<2x128x80xf32, #tpu.memory_space<vmem>> -> memref<1x128x80xf32, #tpu.memory_space<vmem>>
      %dma_start3A_118 = tpu.memref_squeeze %dma_start3A_117 : memref<1x128x80xf32, #tpu.memory_space<vmem>> -> memref<128x80xf32, #tpu.memory_space<vmem>>
      %dma_start3A_119 = arith.constant 0 : i32
      %dma_start3A_120 = tpu.memref_slice %arg19[%add3A_81, %dma_start3A_119] : memref<10240x80xf32, #tpu.memory_space<vmem_shared>> -> memref<128x80xf32, #tpu.memory_space<vmem_shared>>
      tpu.enqueue_dma source(%dma_start3A_120 : memref<128x80xf32, #tpu.memory_space<vmem_shared>>) target(%dma_start3A_118 : memref<128x80xf32, #tpu.memory_space<vmem>>) target_semaphore(%run_scoped3A_108 : memref<!tpu.dma_semaphore, #tpu.memory_space<semaphore_mem>>)
      %dma_wait3A = arith.constant 0 : i32
      %dma_wait3A_121 = arith.constant 0 : i32
      %dma_wait3A_122 = tpu.memref_slice %arg11[%run_scoped3A_82, %dma_wait3A, %dma_wait3A_121] : memref<2x128x80xf32, #tpu.memory_space<vmem>> -> memref<1x128x80xf32, #tpu.memory_space<vmem>>
      %dma_wait3A_123 = tpu.memref_squeeze %dma_wait3A_122 : memref<1x128x80xf32, #tpu.memory_space<vmem>> -> memref<128x80xf32, #tpu.memory_space<vmem>>
      %dma_wait3A_124 = arith.constant 0 : i32
      %dma_wait3A_125 = tpu.memref_slice %arg19[%add3A_81, %dma_wait3A_124] : memref<10240x80xf32, #tpu.memory_space<vmem_shared>> -> memref<128x80xf32, #tpu.memory_space<vmem_shared>>
      %dma_wait3A_126 = arith.constant 0 : i32
      %dma_wait3A_127 = arith.constant 0 : i32
      %dma_wait3A_128 = tpu.memref_slice %arg11[%run_scoped3A_82, %dma_wait3A_126, %dma_wait3A_127] : memref<2x128x80xf32, #tpu.memory_space<vmem>> -> memref<1x128x80xf32, #tpu.memory_space<vmem>>
      %dma_wait3A_129 = tpu.memref_squeeze %dma_wait3A_128 : memref<1x128x80xf32, #tpu.memory_space<vmem>> -> memref<128x80xf32, #tpu.memory_space<vmem>>
      %dma_wait3A_130 = arith.constant 0 : i32
      %dma_wait3A_131 = tpu.memref_slice %arg19[%add3A_81, %dma_wait3A_130] : memref<10240x80xf32, #tpu.memory_space<vmem_shared>> -> memref<128x80xf32, #tpu.memory_space<vmem_shared>>
      tpu.wait_dma2 semaphore(%run_scoped3A_108 : memref<!tpu.dma_semaphore, #tpu.memory_space<semaphore_mem>>) src(%dma_wait3A_131 : memref<128x80xf32, #tpu.memory_space<vmem_shared>>) dst(%dma_wait3A_129 : memref<128x80xf32, #tpu.memory_space<vmem>>)
      tpu.yield
    }) : () -> ()
    %run_scoped3A_83 = arith.constant 0 : i32
    "tpu.region"() ({
      %run_scoped3A_108 = tpu.sem_alloc : memref<!tpu.dma_semaphore, #tpu.memory_space<semaphore_mem>>
      %dma_start3A_109 = arith.constant 0 : i32
      %dma_start3A_110 = arith.constant 0 : i32
      %dma_start3A_111 = tpu.memref_slice %arg11[%run_scoped3A_83, %dma_start3A_109, %dma_start3A_110] : memref<2x128x80xf32, #tpu.memory_space<vmem>> -> memref<1x128x80xf32, #tpu.memory_space<vmem>>
      %dma_start3A_112 = tpu.memref_squeeze %dma_start3A_111 : memref<1x128x80xf32, #tpu.memory_space<vmem>> -> memref<128x80xf32, #tpu.memory_space<vmem>>
      %dma_start3A_113 = arith.constant 0 : i32
      %dma_start3A_114 = tpu.memref_slice %arg6[%add3A_3, %add3A_81, %dma_start3A_113] : memref<2x10240x80xf32, #tpu.memory_space<hbm>> -> memref<1x128x80xf32, #tpu.memory_space<hbm>>
      %dma_start3A_115 = tpu.memref_squeeze %dma_start3A_114 : memref<1x128x80xf32, #tpu.memory_space<hbm>> -> memref<128x80xf32, #tpu.memory_space<hbm>>
      %dma_start3A_116 = arith.constant 0 : i32
      %dma_start3A_117 = tpu.memref_slice %arg6[%add3A_3, %add3A_81, %dma_start3A_116] : memref<2x10240x80xf32, #tpu.memory_space<hbm>> -> memref<1x128x80xf32, #tpu.memory_space<hbm>>
      %dma_start3A_118 = tpu.memref_squeeze %dma_start3A_117 : memref<1x128x80xf32, #tpu.memory_space<hbm>> -> memref<128x80xf32, #tpu.memory_space<hbm>>
      %dma_start3A_119 = arith.constant 0 : i32
      %dma_start3A_120 = arith.constant 0 : i32
      %dma_start3A_121 = tpu.memref_slice %arg11[%run_scoped3A_83, %dma_start3A_119, %dma_start3A_120] : memref<2x128x80xf32, #tpu.memory_space<vmem>> -> memref<1x128x80xf32, #tpu.memory_space<vmem>>
      %dma_start3A_122 = tpu.memref_squeeze %dma_start3A_121 : memref<1x128x80xf32, #tpu.memory_space<vmem>> -> memref<128x80xf32, #tpu.memory_space<vmem>>
      tpu.enqueue_dma source(%dma_start3A_122 : memref<128x80xf32, #tpu.memory_space<vmem>>) target(%dma_start3A_118 : memref<128x80xf32, #tpu.memory_space<hbm>>) target_semaphore(%run_scoped3A_108 : memref<!tpu.dma_semaphore, #tpu.memory_space<semaphore_mem>>)
      %dma_wait3A = arith.constant 0 : i32
      %dma_wait3A_123 = arith.constant 0 : i32
      %dma_wait3A_124 = tpu.memref_slice %arg11[%run_scoped3A_83, %dma_wait3A, %dma_wait3A_123] : memref<2x128x80xf32, #tpu.memory_space<vmem>> -> memref<1x128x80xf32, #tpu.memory_space<vmem>>
      %dma_wait3A_125 = tpu.memref_squeeze %dma_wait3A_124 : memref<1x128x80xf32, #tpu.memory_space<vmem>> -> memref<128x80xf32, #tpu.memory_space<vmem>>
      %dma_wait3A_126 = arith.constant 0 : i32
      %dma_wait3A_127 = tpu.memref_slice %arg6[%add3A_3, %add3A_81, %dma_wait3A_126] : memref<2x10240x80xf32, #tpu.memory_space<hbm>> -> memref<1x128x80xf32, #tpu.memory_space<hbm>>
      %dma_wait3A_128 = tpu.memref_squeeze %dma_wait3A_127 : memref<1x128x80xf32, #tpu.memory_space<hbm>> -> memref<128x80xf32, #tpu.memory_space<hbm>>
      %dma_wait3A_129 = arith.constant 0 : i32
      %dma_wait3A_130 = tpu.memref_slice %arg6[%add3A_3, %add3A_81, %dma_wait3A_129] : memref<2x10240x80xf32, #tpu.memory_space<hbm>> -> memref<1x128x80xf32, #tpu.memory_space<hbm>>
      %dma_wait3A_131 = tpu.memref_squeeze %dma_wait3A_130 : memref<1x128x80xf32, #tpu.memory_space<hbm>> -> memref<128x80xf32, #tpu.memory_space<hbm>>
      %dma_wait3A_132 = arith.constant 0 : i32
      %dma_wait3A_133 = arith.constant 0 : i32
      %dma_wait3A_134 = tpu.memref_slice %arg11[%run_scoped3A_83, %dma_wait3A_132, %dma_wait3A_133] : memref<2x128x80xf32, #tpu.memory_space<vmem>> -> memref<1x128x80xf32, #tpu.memory_space<vmem>>
      %dma_wait3A_135 = tpu.memref_squeeze %dma_wait3A_134 : memref<1x128x80xf32, #tpu.memory_space<vmem>> -> memref<128x80xf32, #tpu.memory_space<vmem>>
      tpu.wait_dma2 semaphore(%run_scoped3A_108 : memref<!tpu.dma_semaphore, #tpu.memory_space<semaphore_mem>>) src(%dma_wait3A_135 : memref<128x80xf32, #tpu.memory_space<vmem>>) dst(%dma_wait3A_131 : memref<128x80xf32, #tpu.memory_space<hbm>>)
      tpu.yield
    }) : () -> ()
    %mul3A_84 = arith.constant 640 : i32
    %mul3A_85 = arith.muli %arg1, %mul3A_84 : i32
    %add3A_86 = arith.constant 128 : i32
    %add3A_87 = arith.addi %mul3A_85, %add3A_86 : i32
    %run_scoped3A_88 = arith.constant 0 : i32
    "tpu.region"() ({
      %run_scoped3A_108 = tpu.sem_alloc : memref<!tpu.dma_semaphore, #tpu.memory_space<semaphore_mem>>
      %dma_start3A_109 = arith.constant 0 : i32
      %dma_start3A_110 = arith.constant 0 : i32
      %dma_start3A_111 = tpu.memref_slice %arg11[%run_scoped3A_88, %dma_start3A_109, %dma_start3A_110] : memref<2x128x80xf32, #tpu.memory_space<vmem>> -> memref<1x128x80xf32, #tpu.memory_space<vmem>>
      %dma_start3A_112 = tpu.memref_squeeze %dma_start3A_111 : memref<1x128x80xf32, #tpu.memory_space<vmem>> -> memref<128x80xf32, #tpu.memory_space<vmem>>
      %dma_start3A_113 = arith.constant 0 : i32
      %dma_start3A_114 = tpu.memref_slice %arg19[%add3A_87, %dma_start3A_113] : memref<10240x80xf32, #tpu.memory_space<vmem_shared>> -> memref<128x80xf32, #tpu.memory_space<vmem_shared>>
      %dma_start3A_115 = arith.constant 0 : i32
      %dma_start3A_116 = arith.constant 0 : i32
      %dma_start3A_117 = tpu.memref_slice %arg11[%run_scoped3A_88, %dma_start3A_115, %dma_start3A_116] : memref<2x128x80xf32, #tpu.memory_space<vmem>> -> memref<1x128x80xf32, #tpu.memory_space<vmem>>
      %dma_start3A_118 = tpu.memref_squeeze %dma_start3A_117 : memref<1x128x80xf32, #tpu.memory_space<vmem>> -> memref<128x80xf32, #tpu.memory_space<vmem>>
      %dma_start3A_119 = arith.constant 0 : i32
      %dma_start3A_120 = tpu.memref_slice %arg19[%add3A_87, %dma_start3A_119] : memref<10240x80xf32, #tpu.memory_space<vmem_shared>> -> memref<128x80xf32, #tpu.memory_space<vmem_shared>>
      tpu.enqueue_dma source(%dma_start3A_120 : memref<128x80xf32, #tpu.memory_space<vmem_shared>>) target(%dma_start3A_118 : memref<128x80xf32, #tpu.memory_space<vmem>>) target_semaphore(%run_scoped3A_108 : memref<!tpu.dma_semaphore, #tpu.memory_space<semaphore_mem>>)
      %dma_wait3A = arith.constant 0 : i32
      %dma_wait3A_121 = arith.constant 0 : i32
      %dma_wait3A_122 = tpu.memref_slice %arg11[%run_scoped3A_88, %dma_wait3A, %dma_wait3A_121] : memref<2x128x80xf32, #tpu.memory_space<vmem>> -> memref<1x128x80xf32, #tpu.memory_space<vmem>>
      %dma_wait3A_123 = tpu.memref_squeeze %dma_wait3A_122 : memref<1x128x80xf32, #tpu.memory_space<vmem>> -> memref<128x80xf32, #tpu.memory_space<vmem>>
      %dma_wait3A_124 = arith.constant 0 : i32
      %dma_wait3A_125 = tpu.memref_slice %arg19[%add3A_87, %dma_wait3A_124] : memref<10240x80xf32, #tpu.memory_space<vmem_shared>> -> memref<128x80xf32, #tpu.memory_space<vmem_shared>>
      %dma_wait3A_126 = arith.constant 0 : i32
      %dma_wait3A_127 = arith.constant 0 : i32
      %dma_wait3A_128 = tpu.memref_slice %arg11[%run_scoped3A_88, %dma_wait3A_126, %dma_wait3A_127] : memref<2x128x80xf32, #tpu.memory_space<vmem>> -> memref<1x128x80xf32, #tpu.memory_space<vmem>>
      %dma_wait3A_129 = tpu.memref_squeeze %dma_wait3A_128 : memref<1x128x80xf32, #tpu.memory_space<vmem>> -> memref<128x80xf32, #tpu.memory_space<vmem>>
      %dma_wait3A_130 = arith.constant 0 : i32
      %dma_wait3A_131 = tpu.memref_slice %arg19[%add3A_87, %dma_wait3A_130] : memref<10240x80xf32, #tpu.memory_space<vmem_shared>> -> memref<128x80xf32, #tpu.memory_space<vmem_shared>>
      tpu.wait_dma2 semaphore(%run_scoped3A_108 : memref<!tpu.dma_semaphore, #tpu.memory_space<semaphore_mem>>) src(%dma_wait3A_131 : memref<128x80xf32, #tpu.memory_space<vmem_shared>>) dst(%dma_wait3A_129 : memref<128x80xf32, #tpu.memory_space<vmem>>)
      tpu.yield
    }) : () -> ()
    %run_scoped3A_89 = arith.constant 0 : i32
    "tpu.region"() ({
      %run_scoped3A_108 = tpu.sem_alloc : memref<!tpu.dma_semaphore, #tpu.memory_space<semaphore_mem>>
      %dma_start3A_109 = arith.constant 0 : i32
      %dma_start3A_110 = arith.constant 0 : i32
      %dma_start3A_111 = tpu.memref_slice %arg11[%run_scoped3A_89, %dma_start3A_109, %dma_start3A_110] : memref<2x128x80xf32, #tpu.memory_space<vmem>> -> memref<1x128x80xf32, #tpu.memory_space<vmem>>
      %dma_start3A_112 = tpu.memref_squeeze %dma_start3A_111 : memref<1x128x80xf32, #tpu.memory_space<vmem>> -> memref<128x80xf32, #tpu.memory_space<vmem>>
      %dma_start3A_113 = arith.constant 0 : i32
      %dma_start3A_114 = tpu.memref_slice %arg6[%add3A_3, %add3A_87, %dma_start3A_113] : memref<2x10240x80xf32, #tpu.memory_space<hbm>> -> memref<1x128x80xf32, #tpu.memory_space<hbm>>
      %dma_start3A_115 = tpu.memref_squeeze %dma_start3A_114 : memref<1x128x80xf32, #tpu.memory_space<hbm>> -> memref<128x80xf32, #tpu.memory_space<hbm>>
      %dma_start3A_116 = arith.constant 0 : i32
      %dma_start3A_117 = tpu.memref_slice %arg6[%add3A_3, %add3A_87, %dma_start3A_116] : memref<2x10240x80xf32, #tpu.memory_space<hbm>> -> memref<1x128x80xf32, #tpu.memory_space<hbm>>
      %dma_start3A_118 = tpu.memref_squeeze %dma_start3A_117 : memref<1x128x80xf32, #tpu.memory_space<hbm>> -> memref<128x80xf32, #tpu.memory_space<hbm>>
      %dma_start3A_119 = arith.constant 0 : i32
      %dma_start3A_120 = arith.constant 0 : i32
      %dma_start3A_121 = tpu.memref_slice %arg11[%run_scoped3A_89, %dma_start3A_119, %dma_start3A_120] : memref<2x128x80xf32, #tpu.memory_space<vmem>> -> memref<1x128x80xf32, #tpu.memory_space<vmem>>
      %dma_start3A_122 = tpu.memref_squeeze %dma_start3A_121 : memref<1x128x80xf32, #tpu.memory_space<vmem>> -> memref<128x80xf32, #tpu.memory_space<vmem>>
      tpu.enqueue_dma source(%dma_start3A_122 : memref<128x80xf32, #tpu.memory_space<vmem>>) target(%dma_start3A_118 : memref<128x80xf32, #tpu.memory_space<hbm>>) target_semaphore(%run_scoped3A_108 : memref<!tpu.dma_semaphore, #tpu.memory_space<semaphore_mem>>)
      %dma_wait3A = arith.constant 0 : i32
      %dma_wait3A_123 = arith.constant 0 : i32
      %dma_wait3A_124 = tpu.memref_slice %arg11[%run_scoped3A_89, %dma_wait3A, %dma_wait3A_123] : memref<2x128x80xf32, #tpu.memory_space<vmem>> -> memref<1x128x80xf32, #tpu.memory_space<vmem>>
      %dma_wait3A_125 = tpu.memref_squeeze %dma_wait3A_124 : memref<1x128x80xf32, #tpu.memory_space<vmem>> -> memref<128x80xf32, #tpu.memory_space<vmem>>
      %dma_wait3A_126 = arith.constant 0 : i32
      %dma_wait3A_127 = tpu.memref_slice %arg6[%add3A_3, %add3A_87, %dma_wait3A_126] : memref<2x10240x80xf32, #tpu.memory_space<hbm>> -> memref<1x128x80xf32, #tpu.memory_space<hbm>>
      %dma_wait3A_128 = tpu.memref_squeeze %dma_wait3A_127 : memref<1x128x80xf32, #tpu.memory_space<hbm>> -> memref<128x80xf32, #tpu.memory_space<hbm>>
      %dma_wait3A_129 = arith.constant 0 : i32
      %dma_wait3A_130 = tpu.memref_slice %arg6[%add3A_3, %add3A_87, %dma_wait3A_129] : memref<2x10240x80xf32, #tpu.memory_space<hbm>> -> memref<1x128x80xf32, #tpu.memory_space<hbm>>
      %dma_wait3A_131 = tpu.memref_squeeze %dma_wait3A_130 : memref<1x128x80xf32, #tpu.memory_space<hbm>> -> memref<128x80xf32, #tpu.memory_space<hbm>>
      %dma_wait3A_132 = arith.constant 0 : i32
      %dma_wait3A_133 = arith.constant 0 : i32
      %dma_wait3A_134 = tpu.memref_slice %arg11[%run_scoped3A_89, %dma_wait3A_132, %dma_wait3A_133] : memref<2x128x80xf32, #tpu.memory_space<vmem>> -> memref<1x128x80xf32, #tpu.memory_space<vmem>>
      %dma_wait3A_135 = tpu.memref_squeeze %dma_wait3A_134 : memref<1x128x80xf32, #tpu.memory_space<vmem>> -> memref<128x80xf32, #tpu.memory_space<vmem>>
      tpu.wait_dma2 semaphore(%run_scoped3A_108 : memref<!tpu.dma_semaphore, #tpu.memory_space<semaphore_mem>>) src(%dma_wait3A_135 : memref<128x80xf32, #tpu.memory_space<vmem>>) dst(%dma_wait3A_131 : memref<128x80xf32, #tpu.memory_space<hbm>>)
      tpu.yield
    }) : () -> ()
    %mul3A_90 = arith.constant 640 : i32
    %mul3A_91 = arith.muli %arg1, %mul3A_90 : i32
    %add3A_92 = arith.constant 256 : i32
    %add3A_93 = arith.addi %mul3A_91, %add3A_92 : i32
    %run_scoped3A_94 = arith.constant 0 : i32
    "tpu.region"() ({
      %run_scoped3A_108 = tpu.sem_alloc : memref<!tpu.dma_semaphore, #tpu.memory_space<semaphore_mem>>
      %dma_start3A_109 = arith.constant 0 : i32
      %dma_start3A_110 = arith.constant 0 : i32
      %dma_start3A_111 = tpu.memref_slice %arg11[%run_scoped3A_94, %dma_start3A_109, %dma_start3A_110] : memref<2x128x80xf32, #tpu.memory_space<vmem>> -> memref<1x128x80xf32, #tpu.memory_space<vmem>>
      %dma_start3A_112 = tpu.memref_squeeze %dma_start3A_111 : memref<1x128x80xf32, #tpu.memory_space<vmem>> -> memref<128x80xf32, #tpu.memory_space<vmem>>
      %dma_start3A_113 = arith.constant 0 : i32
      %dma_start3A_114 = tpu.memref_slice %arg19[%add3A_93, %dma_start3A_113] : memref<10240x80xf32, #tpu.memory_space<vmem_shared>> -> memref<128x80xf32, #tpu.memory_space<vmem_shared>>
      %dma_start3A_115 = arith.constant 0 : i32
      %dma_start3A_116 = arith.constant 0 : i32
      %dma_start3A_117 = tpu.memref_slice %arg11[%run_scoped3A_94, %dma_start3A_115, %dma_start3A_116] : memref<2x128x80xf32, #tpu.memory_space<vmem>> -> memref<1x128x80xf32, #tpu.memory_space<vmem>>
      %dma_start3A_118 = tpu.memref_squeeze %dma_start3A_117 : memref<1x128x80xf32, #tpu.memory_space<vmem>> -> memref<128x80xf32, #tpu.memory_space<vmem>>
      %dma_start3A_119 = arith.constant 0 : i32
      %dma_start3A_120 = tpu.memref_slice %arg19[%add3A_93, %dma_start3A_119] : memref<10240x80xf32, #tpu.memory_space<vmem_shared>> -> memref<128x80xf32, #tpu.memory_space<vmem_shared>>
      tpu.enqueue_dma source(%dma_start3A_120 : memref<128x80xf32, #tpu.memory_space<vmem_shared>>) target(%dma_start3A_118 : memref<128x80xf32, #tpu.memory_space<vmem>>) target_semaphore(%run_scoped3A_108 : memref<!tpu.dma_semaphore, #tpu.memory_space<semaphore_mem>>)
      %dma_wait3A = arith.constant 0 : i32
      %dma_wait3A_121 = arith.constant 0 : i32
      %dma_wait3A_122 = tpu.memref_slice %arg11[%run_scoped3A_94, %dma_wait3A, %dma_wait3A_121] : memref<2x128x80xf32, #tpu.memory_space<vmem>> -> memref<1x128x80xf32, #tpu.memory_space<vmem>>
      %dma_wait3A_123 = tpu.memref_squeeze %dma_wait3A_122 : memref<1x128x80xf32, #tpu.memory_space<vmem>> -> memref<128x80xf32, #tpu.memory_space<vmem>>
      %dma_wait3A_124 = arith.constant 0 : i32
      %dma_wait3A_125 = tpu.memref_slice %arg19[%add3A_93, %dma_wait3A_124] : memref<10240x80xf32, #tpu.memory_space<vmem_shared>> -> memref<128x80xf32, #tpu.memory_space<vmem_shared>>
      %dma_wait3A_126 = arith.constant 0 : i32
      %dma_wait3A_127 = arith.constant 0 : i32
      %dma_wait3A_128 = tpu.memref_slice %arg11[%run_scoped3A_94, %dma_wait3A_126, %dma_wait3A_127] : memref<2x128x80xf32, #tpu.memory_space<vmem>> -> memref<1x128x80xf32, #tpu.memory_space<vmem>>
      %dma_wait3A_129 = tpu.memref_squeeze %dma_wait3A_128 : memref<1x128x80xf32, #tpu.memory_space<vmem>> -> memref<128x80xf32, #tpu.memory_space<vmem>>
      %dma_wait3A_130 = arith.constant 0 : i32
      %dma_wait3A_131 = tpu.memref_slice %arg19[%add3A_93, %dma_wait3A_130] : memref<10240x80xf32, #tpu.memory_space<vmem_shared>> -> memref<128x80xf32, #tpu.memory_space<vmem_shared>>
      tpu.wait_dma2 semaphore(%run_scoped3A_108 : memref<!tpu.dma_semaphore, #tpu.memory_space<semaphore_mem>>) src(%dma_wait3A_131 : memref<128x80xf32, #tpu.memory_space<vmem_shared>>) dst(%dma_wait3A_129 : memref<128x80xf32, #tpu.memory_space<vmem>>)
      tpu.yield
    }) : () -> ()
    %run_scoped3A_95 = arith.constant 0 : i32
    "tpu.region"() ({
      %run_scoped3A_108 = tpu.sem_alloc : memref<!tpu.dma_semaphore, #tpu.memory_space<semaphore_mem>>
      %dma_start3A_109 = arith.constant 0 : i32
      %dma_start3A_110 = arith.constant 0 : i32
      %dma_start3A_111 = tpu.memref_slice %arg11[%run_scoped3A_95, %dma_start3A_109, %dma_start3A_110] : memref<2x128x80xf32, #tpu.memory_space<vmem>> -> memref<1x128x80xf32, #tpu.memory_space<vmem>>
      %dma_start3A_112 = tpu.memref_squeeze %dma_start3A_111 : memref<1x128x80xf32, #tpu.memory_space<vmem>> -> memref<128x80xf32, #tpu.memory_space<vmem>>
      %dma_start3A_113 = arith.constant 0 : i32
      %dma_start3A_114 = tpu.memref_slice %arg6[%add3A_3, %add3A_93, %dma_start3A_113] : memref<2x10240x80xf32, #tpu.memory_space<hbm>> -> memref<1x128x80xf32, #tpu.memory_space<hbm>>
      %dma_start3A_115 = tpu.memref_squeeze %dma_start3A_114 : memref<1x128x80xf32, #tpu.memory_space<hbm>> -> memref<128x80xf32, #tpu.memory_space<hbm>>
      %dma_start3A_116 = arith.constant 0 : i32
      %dma_start3A_117 = tpu.memref_slice %arg6[%add3A_3, %add3A_93, %dma_start3A_116] : memref<2x10240x80xf32, #tpu.memory_space<hbm>> -> memref<1x128x80xf32, #tpu.memory_space<hbm>>
      %dma_start3A_118 = tpu.memref_squeeze %dma_start3A_117 : memref<1x128x80xf32, #tpu.memory_space<hbm>> -> memref<128x80xf32, #tpu.memory_space<hbm>>
      %dma_start3A_119 = arith.constant 0 : i32
      %dma_start3A_120 = arith.constant 0 : i32
      %dma_start3A_121 = tpu.memref_slice %arg11[%run_scoped3A_95, %dma_start3A_119, %dma_start3A_120] : memref<2x128x80xf32, #tpu.memory_space<vmem>> -> memref<1x128x80xf32, #tpu.memory_space<vmem>>
      %dma_start3A_122 = tpu.memref_squeeze %dma_start3A_121 : memref<1x128x80xf32, #tpu.memory_space<vmem>> -> memref<128x80xf32, #tpu.memory_space<vmem>>
      tpu.enqueue_dma source(%dma_start3A_122 : memref<128x80xf32, #tpu.memory_space<vmem>>) target(%dma_start3A_118 : memref<128x80xf32, #tpu.memory_space<hbm>>) target_semaphore(%run_scoped3A_108 : memref<!tpu.dma_semaphore, #tpu.memory_space<semaphore_mem>>)
      %dma_wait3A = arith.constant 0 : i32
      %dma_wait3A_123 = arith.constant 0 : i32
      %dma_wait3A_124 = tpu.memref_slice %arg11[%run_scoped3A_95, %dma_wait3A, %dma_wait3A_123] : memref<2x128x80xf32, #tpu.memory_space<vmem>> -> memref<1x128x80xf32, #tpu.memory_space<vmem>>
      %dma_wait3A_125 = tpu.memref_squeeze %dma_wait3A_124 : memref<1x128x80xf32, #tpu.memory_space<vmem>> -> memref<128x80xf32, #tpu.memory_space<vmem>>
      %dma_wait3A_126 = arith.constant 0 : i32
      %dma_wait3A_127 = tpu.memref_slice %arg6[%add3A_3, %add3A_93, %dma_wait3A_126] : memref<2x10240x80xf32, #tpu.memory_space<hbm>> -> memref<1x128x80xf32, #tpu.memory_space<hbm>>
      %dma_wait3A_128 = tpu.memref_squeeze %dma_wait3A_127 : memref<1x128x80xf32, #tpu.memory_space<hbm>> -> memref<128x80xf32, #tpu.memory_space<hbm>>
      %dma_wait3A_129 = arith.constant 0 : i32
      %dma_wait3A_130 = tpu.memref_slice %arg6[%add3A_3, %add3A_93, %dma_wait3A_129] : memref<2x10240x80xf32, #tpu.memory_space<hbm>> -> memref<1x128x80xf32, #tpu.memory_space<hbm>>
      %dma_wait3A_131 = tpu.memref_squeeze %dma_wait3A_130 : memref<1x128x80xf32, #tpu.memory_space<hbm>> -> memref<128x80xf32, #tpu.memory_space<hbm>>
      %dma_wait3A_132 = arith.constant 0 : i32
      %dma_wait3A_133 = arith.constant 0 : i32
      %dma_wait3A_134 = tpu.memref_slice %arg11[%run_scoped3A_95, %dma_wait3A_132, %dma_wait3A_133] : memref<2x128x80xf32, #tpu.memory_space<vmem>> -> memref<1x128x80xf32, #tpu.memory_space<vmem>>
      %dma_wait3A_135 = tpu.memref_squeeze %dma_wait3A_134 : memref<1x128x80xf32, #tpu.memory_space<vmem>> -> memref<128x80xf32, #tpu.memory_space<vmem>>
      tpu.wait_dma2 semaphore(%run_scoped3A_108 : memref<!tpu.dma_semaphore, #tpu.memory_space<semaphore_mem>>) src(%dma_wait3A_135 : memref<128x80xf32, #tpu.memory_space<vmem>>) dst(%dma_wait3A_131 : memref<128x80xf32, #tpu.memory_space<hbm>>)
      tpu.yield
    }) : () -> ()
    %mul3A_96 = arith.constant 640 : i32
    %mul3A_97 = arith.muli %arg1, %mul3A_96 : i32
    %add3A_98 = arith.constant 384 : i32
    %add3A_99 = arith.addi %mul3A_97, %add3A_98 : i32
    %run_scoped3A_100 = arith.constant 0 : i32
    "tpu.region"() ({
      %run_scoped3A_108 = tpu.sem_alloc : memref<!tpu.dma_semaphore, #tpu.memory_space<semaphore_mem>>
      %dma_start3A_109 = arith.constant 0 : i32
      %dma_start3A_110 = arith.constant 0 : i32
      %dma_start3A_111 = tpu.memref_slice %arg11[%run_scoped3A_100, %dma_start3A_109, %dma_start3A_110] : memref<2x128x80xf32, #tpu.memory_space<vmem>> -> memref<1x128x80xf32, #tpu.memory_space<vmem>>
      %dma_start3A_112 = tpu.memref_squeeze %dma_start3A_111 : memref<1x128x80xf32, #tpu.memory_space<vmem>> -> memref<128x80xf32, #tpu.memory_space<vmem>>
      %dma_start3A_113 = arith.constant 0 : i32
      %dma_start3A_114 = tpu.memref_slice %arg19[%add3A_99, %dma_start3A_113] : memref<10240x80xf32, #tpu.memory_space<vmem_shared>> -> memref<128x80xf32, #tpu.memory_space<vmem_shared>>
      %dma_start3A_115 = arith.constant 0 : i32
      %dma_start3A_116 = arith.constant 0 : i32
      %dma_start3A_117 = tpu.memref_slice %arg11[%run_scoped3A_100, %dma_start3A_115, %dma_start3A_116] : memref<2x128x80xf32, #tpu.memory_space<vmem>> -> memref<1x128x80xf32, #tpu.memory_space<vmem>>
      %dma_start3A_118 = tpu.memref_squeeze %dma_start3A_117 : memref<1x128x80xf32, #tpu.memory_space<vmem>> -> memref<128x80xf32, #tpu.memory_space<vmem>>
      %dma_start3A_119 = arith.constant 0 : i32
      %dma_start3A_120 = tpu.memref_slice %arg19[%add3A_99, %dma_start3A_119] : memref<10240x80xf32, #tpu.memory_space<vmem_shared>> -> memref<128x80xf32, #tpu.memory_space<vmem_shared>>
      tpu.enqueue_dma source(%dma_start3A_120 : memref<128x80xf32, #tpu.memory_space<vmem_shared>>) target(%dma_start3A_118 : memref<128x80xf32, #tpu.memory_space<vmem>>) target_semaphore(%run_scoped3A_108 : memref<!tpu.dma_semaphore, #tpu.memory_space<semaphore_mem>>)
      %dma_wait3A = arith.constant 0 : i32
      %dma_wait3A_121 = arith.constant 0 : i32
      %dma_wait3A_122 = tpu.memref_slice %arg11[%run_scoped3A_100, %dma_wait3A, %dma_wait3A_121] : memref<2x128x80xf32, #tpu.memory_space<vmem>> -> memref<1x128x80xf32, #tpu.memory_space<vmem>>
      %dma_wait3A_123 = tpu.memref_squeeze %dma_wait3A_122 : memref<1x128x80xf32, #tpu.memory_space<vmem>> -> memref<128x80xf32, #tpu.memory_space<vmem>>
      %dma_wait3A_124 = arith.constant 0 : i32
      %dma_wait3A_125 = tpu.memref_slice %arg19[%add3A_99, %dma_wait3A_124] : memref<10240x80xf32, #tpu.memory_space<vmem_shared>> -> memref<128x80xf32, #tpu.memory_space<vmem_shared>>
      %dma_wait3A_126 = arith.constant 0 : i32
      %dma_wait3A_127 = arith.constant 0 : i32
      %dma_wait3A_128 = tpu.memref_slice %arg11[%run_scoped3A_100, %dma_wait3A_126, %dma_wait3A_127] : memref<2x128x80xf32, #tpu.memory_space<vmem>> -> memref<1x128x80xf32, #tpu.memory_space<vmem>>
      %dma_wait3A_129 = tpu.memref_squeeze %dma_wait3A_128 : memref<1x128x80xf32, #tpu.memory_space<vmem>> -> memref<128x80xf32, #tpu.memory_space<vmem>>
      %dma_wait3A_130 = arith.constant 0 : i32
      %dma_wait3A_131 = tpu.memref_slice %arg19[%add3A_99, %dma_wait3A_130] : memref<10240x80xf32, #tpu.memory_space<vmem_shared>> -> memref<128x80xf32, #tpu.memory_space<vmem_shared>>
      tpu.wait_dma2 semaphore(%run_scoped3A_108 : memref<!tpu.dma_semaphore, #tpu.memory_space<semaphore_mem>>) src(%dma_wait3A_131 : memref<128x80xf32, #tpu.memory_space<vmem_shared>>) dst(%dma_wait3A_129 : memref<128x80xf32, #tpu.memory_space<vmem>>)
      tpu.yield
    }) : () -> ()
    %run_scoped3A_101 = arith.constant 0 : i32
    "tpu.region"() ({
      %run_scoped3A_108 = tpu.sem_alloc : memref<!tpu.dma_semaphore, #tpu.memory_space<semaphore_mem>>
      %dma_start3A_109 = arith.constant 0 : i32
      %dma_start3A_110 = arith.constant 0 : i32
      %dma_start3A_111 = tpu.memref_slice %arg11[%run_scoped3A_101, %dma_start3A_109, %dma_start3A_110] : memref<2x128x80xf32, #tpu.memory_space<vmem>> -> memref<1x128x80xf32, #tpu.memory_space<vmem>>
      %dma_start3A_112 = tpu.memref_squeeze %dma_start3A_111 : memref<1x128x80xf32, #tpu.memory_space<vmem>> -> memref<128x80xf32, #tpu.memory_space<vmem>>
      %dma_start3A_113 = arith.constant 0 : i32
      %dma_start3A_114 = tpu.memref_slice %arg6[%add3A_3, %add3A_99, %dma_start3A_113] : memref<2x10240x80xf32, #tpu.memory_space<hbm>> -> memref<1x128x80xf32, #tpu.memory_space<hbm>>
      %dma_start3A_115 = tpu.memref_squeeze %dma_start3A_114 : memref<1x128x80xf32, #tpu.memory_space<hbm>> -> memref<128x80xf32, #tpu.memory_space<hbm>>
      %dma_start3A_116 = arith.constant 0 : i32
      %dma_start3A_117 = tpu.memref_slice %arg6[%add3A_3, %add3A_99, %dma_start3A_116] : memref<2x10240x80xf32, #tpu.memory_space<hbm>> -> memref<1x128x80xf32, #tpu.memory_space<hbm>>
      %dma_start3A_118 = tpu.memref_squeeze %dma_start3A_117 : memref<1x128x80xf32, #tpu.memory_space<hbm>> -> memref<128x80xf32, #tpu.memory_space<hbm>>
      %dma_start3A_119 = arith.constant 0 : i32
      %dma_start3A_120 = arith.constant 0 : i32
      %dma_start3A_121 = tpu.memref_slice %arg11[%run_scoped3A_101, %dma_start3A_119, %dma_start3A_120] : memref<2x128x80xf32, #tpu.memory_space<vmem>> -> memref<1x128x80xf32, #tpu.memory_space<vmem>>
      %dma_start3A_122 = tpu.memref_squeeze %dma_start3A_121 : memref<1x128x80xf32, #tpu.memory_space<vmem>> -> memref<128x80xf32, #tpu.memory_space<vmem>>
      tpu.enqueue_dma source(%dma_start3A_122 : memref<128x80xf32, #tpu.memory_space<vmem>>) target(%dma_start3A_118 : memref<128x80xf32, #tpu.memory_space<hbm>>) target_semaphore(%run_scoped3A_108 : memref<!tpu.dma_semaphore, #tpu.memory_space<semaphore_mem>>)
      %dma_wait3A = arith.constant 0 : i32
      %dma_wait3A_123 = arith.constant 0 : i32
      %dma_wait3A_124 = tpu.memref_slice %arg11[%run_scoped3A_101, %dma_wait3A, %dma_wait3A_123] : memref<2x128x80xf32, #tpu.memory_space<vmem>> -> memref<1x128x80xf32, #tpu.memory_space<vmem>>
      %dma_wait3A_125 = tpu.memref_squeeze %dma_wait3A_124 : memref<1x128x80xf32, #tpu.memory_space<vmem>> -> memref<128x80xf32, #tpu.memory_space<vmem>>
      %dma_wait3A_126 = arith.constant 0 : i32
      %dma_wait3A_127 = tpu.memref_slice %arg6[%add3A_3, %add3A_99, %dma_wait3A_126] : memref<2x10240x80xf32, #tpu.memory_space<hbm>> -> memref<1x128x80xf32, #tpu.memory_space<hbm>>
      %dma_wait3A_128 = tpu.memref_squeeze %dma_wait3A_127 : memref<1x128x80xf32, #tpu.memory_space<hbm>> -> memref<128x80xf32, #tpu.memory_space<hbm>>
      %dma_wait3A_129 = arith.constant 0 : i32
      %dma_wait3A_130 = tpu.memref_slice %arg6[%add3A_3, %add3A_99, %dma_wait3A_129] : memref<2x10240x80xf32, #tpu.memory_space<hbm>> -> memref<1x128x80xf32, #tpu.memory_space<hbm>>
      %dma_wait3A_131 = tpu.memref_squeeze %dma_wait3A_130 : memref<1x128x80xf32, #tpu.memory_space<hbm>> -> memref<128x80xf32, #tpu.memory_space<hbm>>
      %dma_wait3A_132 = arith.constant 0 : i32
      %dma_wait3A_133 = arith.constant 0 : i32
      %dma_wait3A_134 = tpu.memref_slice %arg11[%run_scoped3A_101, %dma_wait3A_132, %dma_wait3A_133] : memref<2x128x80xf32, #tpu.memory_space<vmem>> -> memref<1x128x80xf32, #tpu.memory_space<vmem>>
      %dma_wait3A_135 = tpu.memref_squeeze %dma_wait3A_134 : memref<1x128x80xf32, #tpu.memory_space<vmem>> -> memref<128x80xf32, #tpu.memory_space<vmem>>
      tpu.wait_dma2 semaphore(%run_scoped3A_108 : memref<!tpu.dma_semaphore, #tpu.memory_space<semaphore_mem>>) src(%dma_wait3A_135 : memref<128x80xf32, #tpu.memory_space<vmem>>) dst(%dma_wait3A_131 : memref<128x80xf32, #tpu.memory_space<hbm>>)
      tpu.yield
    }) : () -> ()
    %mul3A_102 = arith.constant 640 : i32
    %mul3A_103 = arith.muli %arg1, %mul3A_102 : i32
    %add3A_104 = arith.constant 512 : i32
    %add3A_105 = arith.addi %mul3A_103, %add3A_104 : i32
    %run_scoped3A_106 = arith.constant 0 : i32
    "tpu.region"() ({
      %run_scoped3A_108 = tpu.sem_alloc : memref<!tpu.dma_semaphore, #tpu.memory_space<semaphore_mem>>
      %dma_start3A_109 = arith.constant 0 : i32
      %dma_start3A_110 = arith.constant 0 : i32
      %dma_start3A_111 = tpu.memref_slice %arg11[%run_scoped3A_106, %dma_start3A_109, %dma_start3A_110] : memref<2x128x80xf32, #tpu.memory_space<vmem>> -> memref<1x128x80xf32, #tpu.memory_space<vmem>>
      %dma_start3A_112 = tpu.memref_squeeze %dma_start3A_111 : memref<1x128x80xf32, #tpu.memory_space<vmem>> -> memref<128x80xf32, #tpu.memory_space<vmem>>
      %dma_start3A_113 = arith.constant 0 : i32
      %dma_start3A_114 = tpu.memref_slice %arg19[%add3A_105, %dma_start3A_113] : memref<10240x80xf32, #tpu.memory_space<vmem_shared>> -> memref<128x80xf32, #tpu.memory_space<vmem_shared>>
      %dma_start3A_115 = arith.constant 0 : i32
      %dma_start3A_116 = arith.constant 0 : i32
      %dma_start3A_117 = tpu.memref_slice %arg11[%run_scoped3A_106, %dma_start3A_115, %dma_start3A_116] : memref<2x128x80xf32, #tpu.memory_space<vmem>> -> memref<1x128x80xf32, #tpu.memory_space<vmem>>
      %dma_start3A_118 = tpu.memref_squeeze %dma_start3A_117 : memref<1x128x80xf32, #tpu.memory_space<vmem>> -> memref<128x80xf32, #tpu.memory_space<vmem>>
      %dma_start3A_119 = arith.constant 0 : i32
      %dma_start3A_120 = tpu.memref_slice %arg19[%add3A_105, %dma_start3A_119] : memref<10240x80xf32, #tpu.memory_space<vmem_shared>> -> memref<128x80xf32, #tpu.memory_space<vmem_shared>>
      tpu.enqueue_dma source(%dma_start3A_120 : memref<128x80xf32, #tpu.memory_space<vmem_shared>>) target(%dma_start3A_118 : memref<128x80xf32, #tpu.memory_space<vmem>>) target_semaphore(%run_scoped3A_108 : memref<!tpu.dma_semaphore, #tpu.memory_space<semaphore_mem>>)
      %dma_wait3A = arith.constant 0 : i32
      %dma_wait3A_121 = arith.constant 0 : i32
      %dma_wait3A_122 = tpu.memref_slice %arg11[%run_scoped3A_106, %dma_wait3A, %dma_wait3A_121] : memref<2x128x80xf32, #tpu.memory_space<vmem>> -> memref<1x128x80xf32, #tpu.memory_space<vmem>>
      %dma_wait3A_123 = tpu.memref_squeeze %dma_wait3A_122 : memref<1x128x80xf32, #tpu.memory_space<vmem>> -> memref<128x80xf32, #tpu.memory_space<vmem>>
      %dma_wait3A_124 = arith.constant 0 : i32
      %dma_wait3A_125 = tpu.memref_slice %arg19[%add3A_105, %dma_wait3A_124] : memref<10240x80xf32, #tpu.memory_space<vmem_shared>> -> memref<128x80xf32, #tpu.memory_space<vmem_shared>>
      %dma_wait3A_126 = arith.constant 0 : i32
      %dma_wait3A_127 = arith.constant 0 : i32
      %dma_wait3A_128 = tpu.memref_slice %arg11[%run_scoped3A_106, %dma_wait3A_126, %dma_wait3A_127] : memref<2x128x80xf32, #tpu.memory_space<vmem>> -> memref<1x128x80xf32, #tpu.memory_space<vmem>>
      %dma_wait3A_129 = tpu.memref_squeeze %dma_wait3A_128 : memref<1x128x80xf32, #tpu.memory_space<vmem>> -> memref<128x80xf32, #tpu.memory_space<vmem>>
      %dma_wait3A_130 = arith.constant 0 : i32
      %dma_wait3A_131 = tpu.memref_slice %arg19[%add3A_105, %dma_wait3A_130] : memref<10240x80xf32, #tpu.memory_space<vmem_shared>> -> memref<128x80xf32, #tpu.memory_space<vmem_shared>>
      tpu.wait_dma2 semaphore(%run_scoped3A_108 : memref<!tpu.dma_semaphore, #tpu.memory_space<semaphore_mem>>) src(%dma_wait3A_131 : memref<128x80xf32, #tpu.memory_space<vmem_shared>>) dst(%dma_wait3A_129 : memref<128x80xf32, #tpu.memory_space<vmem>>)
      tpu.yield
    }) : () -> ()
    %run_scoped3A_107 = arith.constant 0 : i32
    "tpu.region"() ({
      %run_scoped3A_108 = tpu.sem_alloc : memref<!tpu.dma_semaphore, #tpu.memory_space<semaphore_mem>>
      %dma_start3A_109 = arith.constant 0 : i32
      %dma_start3A_110 = arith.constant 0 : i32
      %dma_start3A_111 = tpu.memref_slice %arg11[%run_scoped3A_107, %dma_start3A_109, %dma_start3A_110] : memref<2x128x80xf32, #tpu.memory_space<vmem>> -> memref<1x128x80xf32, #tpu.memory_space<vmem>>
      %dma_start3A_112 = tpu.memref_squeeze %dma_start3A_111 : memref<1x128x80xf32, #tpu.memory_space<vmem>> -> memref<128x80xf32, #tpu.memory_space<vmem>>
      %dma_start3A_113 = arith.constant 0 : i32
      %dma_start3A_114 = tpu.memref_slice %arg6[%add3A_3, %add3A_105, %dma_start3A_113] : memref<2x10240x80xf32, #tpu.memory_space<hbm>> -> memref<1x128x80xf32, #tpu.memory_space<hbm>>
      %dma_start3A_115 = tpu.memref_squeeze %dma_start3A_114 : memref<1x128x80xf32, #tpu.memory_space<hbm>> -> memref<128x80xf32, #tpu.memory_space<hbm>>
      %dma_start3A_116 = arith.constant 0 : i32
      %dma_start3A_117 = tpu.memref_slice %arg6[%add3A_3, %add3A_105, %dma_start3A_116] : memref<2x10240x80xf32, #tpu.memory_space<hbm>> -> memref<1x128x80xf32, #tpu.memory_space<hbm>>
      %dma_start3A_118 = tpu.memref_squeeze %dma_start3A_117 : memref<1x128x80xf32, #tpu.memory_space<hbm>> -> memref<128x80xf32, #tpu.memory_space<hbm>>
      %dma_start3A_119 = arith.constant 0 : i32
      %dma_start3A_120 = arith.constant 0 : i32
      %dma_start3A_121 = tpu.memref_slice %arg11[%run_scoped3A_107, %dma_start3A_119, %dma_start3A_120] : memref<2x128x80xf32, #tpu.memory_space<vmem>> -> memref<1x128x80xf32, #tpu.memory_space<vmem>>
      %dma_start3A_122 = tpu.memref_squeeze %dma_start3A_121 : memref<1x128x80xf32, #tpu.memory_space<vmem>> -> memref<128x80xf32, #tpu.memory_space<vmem>>
      tpu.enqueue_dma source(%dma_start3A_122 : memref<128x80xf32, #tpu.memory_space<vmem>>) target(%dma_start3A_118 : memref<128x80xf32, #tpu.memory_space<hbm>>) target_semaphore(%run_scoped3A_108 : memref<!tpu.dma_semaphore, #tpu.memory_space<semaphore_mem>>)
      %dma_wait3A = arith.constant 0 : i32
      %dma_wait3A_123 = arith.constant 0 : i32
      %dma_wait3A_124 = tpu.memref_slice %arg11[%run_scoped3A_107, %dma_wait3A, %dma_wait3A_123] : memref<2x128x80xf32, #tpu.memory_space<vmem>> -> memref<1x128x80xf32, #tpu.memory_space<vmem>>
      %dma_wait3A_125 = tpu.memref_squeeze %dma_wait3A_124 : memref<1x128x80xf32, #tpu.memory_space<vmem>> -> memref<128x80xf32, #tpu.memory_space<vmem>>
      %dma_wait3A_126 = arith.constant 0 : i32
      %dma_wait3A_127 = tpu.memref_slice %arg6[%add3A_3, %add3A_105, %dma_wait3A_126] : memref<2x10240x80xf32, #tpu.memory_space<hbm>> -> memref<1x128x80xf32, #tpu.memory_space<hbm>>
      %dma_wait3A_128 = tpu.memref_squeeze %dma_wait3A_127 : memref<1x128x80xf32, #tpu.memory_space<hbm>> -> memref<128x80xf32, #tpu.memory_space<hbm>>
      %dma_wait3A_129 = arith.constant 0 : i32
      %dma_wait3A_130 = tpu.memref_slice %arg6[%add3A_3, %add3A_105, %dma_wait3A_129] : memref<2x10240x80xf32, #tpu.memory_space<hbm>> -> memref<1x128x80xf32, #tpu.memory_space<hbm>>
      %dma_wait3A_131 = tpu.memref_squeeze %dma_wait3A_130 : memref<1x128x80xf32, #tpu.memory_space<hbm>> -> memref<128x80xf32, #tpu.memory_space<hbm>>
      %dma_wait3A_132 = arith.constant 0 : i32
      %dma_wait3A_133 = arith.constant 0 : i32
      %dma_wait3A_134 = tpu.memref_slice %arg11[%run_scoped3A_107, %dma_wait3A_132, %dma_wait3A_133] : memref<2x128x80xf32, #tpu.memory_space<vmem>> -> memref<1x128x80xf32, #tpu.memory_space<vmem>>
      %dma_wait3A_135 = tpu.memref_squeeze %dma_wait3A_134 : memref<1x128x80xf32, #tpu.memory_space<vmem>> -> memref<128x80xf32, #tpu.memory_space<vmem>>
      tpu.wait_dma2 semaphore(%run_scoped3A_108 : memref<!tpu.dma_semaphore, #tpu.memory_space<semaphore_mem>>) src(%dma_wait3A_135 : memref<128x80xf32, #tpu.memory_space<vmem>>) dst(%dma_wait3A_131 : memref<128x80xf32, #tpu.memory_space<hbm>>)
      tpu.yield
    }) : () -> ()
    return
  }
}

#map = affine_map<(d0, d1) -> (0, 0, 0, 0)>
#map1 = affine_map<(d0, d1) -> (0, 0, 0)>
#map2 = affine_map<(d0, d1) -> (0, 0)>
module attributes {stable_mosaic.version = 14 : i64} {
  func.func @msg(%arg0: i32, %arg1: i32, %arg2: memref<4x16x160x128xi32, #tpu.memory_space<hbm>>, %arg3: memref<16x160x128xi32, #tpu.memory_space<hbm>>, %arg4: memref<40000x80xf32, #tpu.memory_space<hbm>>, %arg5: memref<4x327680x80xf32, #tpu.memory_space<hbm>>, %arg6: memref<4x10240x80xf32, #tpu.memory_space<hbm>>, %arg7: memref<128xi32, #tpu.memory_space<vmem>>, %arg8: memref<128xi32, #tpu.memory_space<vmem>>, %arg9: memref<128xi32, #tpu.memory_space<vmem>>, %arg10: memref<128xi32, #tpu.memory_space<vmem>>, %arg11: memref<2x128x80xf32, #tpu.memory_space<vmem>>, %arg12: memref<2x128x80xf32, #tpu.memory_space<vmem>>, %arg13: memref<!tpu.dma_semaphore, #tpu.memory_space<semaphore_mem>>, %arg14: memref<!tpu.dma_semaphore, #tpu.memory_space<semaphore_mem>>, %arg15: memref<!tpu.dma_semaphore, #tpu.memory_space<semaphore_mem>>, %arg16: memref<!tpu.dma_semaphore, #tpu.memory_space<semaphore_mem>>, %arg17: memref<!tpu.dma_semaphore, #tpu.memory_space<semaphore_mem>>, %arg18: memref<!tpu.dma_semaphore, #tpu.memory_space<semaphore_mem>>, %arg19: memref<10240x80xf32, #tpu.memory_space<vmem_shared>>) attributes {dimension_semantics = [#tpu.dimension_semantics<core_parallel>, #tpu.dimension_semantics<subcore_parallel>], iteration_bounds = array<i64: 2, 16>, scalar_prefetch = 0 : i64, scratch_operands = 13 : i64, tpu.core_type = #tpu.core_type<sc_vector_subcore>, window_params = [{transform_indices = #map}, {transform_indices = #map1}, {transform_indices = #map2}, {transform_indices = #map1}, {transform_indices = #map1}]} {
    %mul3A = arith.constant 20480 : i32
    %mul3A_0 = arith.muli %arg1, %mul3A : i32
    %mul3A_1 = arith.constant 2 : i32
    %mul3A_2 = arith.muli %arg0, %mul3A_1 : i32
    %add3A = arith.constant 0 : i32
    %add3A_3 = arith.addi %mul3A_2, %add3A : i32
    %scan3A = arith.constant 0 : i32
    %scan3A_4 = arith.constant 128 : i32
    %scan3A_5 = arith.addi %scan3A, %scan3A_4 : i32
    %scan3A_6 = arith.constant 1 : i32
    scf.for %scan3A_220 = %scan3A to %scan3A_5 step %scan3A_6  : i32 {
      %broadcast_in_dim3A = arith.constant 0.000000e+00 : f32
      %broadcast_in_dim3A_221 = vector.broadcast %broadcast_in_dim3A : f32 to vector<16xf32>
      %swap3A = arith.constant 0 : i32
      %swap3A_222 = arith.index_cast %swap3A : i32 to index
      %swap3A_223 = arith.index_cast %scan3A_220 : i32 to index
      %swap3A_224 = arith.constant 0 : index
      %swap3A_225 = tpu.vector_load %arg11[%swap3A_222, %swap3A_223, %swap3A_224] {strides = array<i32>} : memref<2x128x80xf32, #tpu.memory_space<vmem>>, vector<1x1x16xf32>,
      %swap3A_226 = vector.shape_cast %swap3A_225 : vector<1x1x16xf32> to vector<16xf32>
      %swap3A_227 = vector.shape_cast %broadcast_in_dim3A_221 : vector<16xf32> to vector<1x1x16xf32>
      tpu.vector_store %arg11[%swap3A_222, %swap3A_223, %swap3A_224], %swap3A_227 {strides = array<i32>} : memref<2x128x80xf32, #tpu.memory_space<vmem>>, vector<1x1x16xf32>,
      %broadcast_in_dim3A_228 = arith.constant 0.000000e+00 : f32
      %broadcast_in_dim3A_229 = vector.broadcast %broadcast_in_dim3A_228 : f32 to vector<16xf32>
      %swap3A_230 = arith.constant 0 : i32
      %swap3A_231 = arith.index_cast %swap3A_230 : i32 to index
      %swap3A_232 = arith.index_cast %scan3A_220 : i32 to index
      %swap3A_233 = arith.constant 16 : index
      %swap3A_234 = tpu.vector_load %arg11[%swap3A_231, %swap3A_232, %swap3A_233] {strides = array<i32>} : memref<2x128x80xf32, #tpu.memory_space<vmem>>, vector<1x1x16xf32>,
      %swap3A_235 = vector.shape_cast %swap3A_234 : vector<1x1x16xf32> to vector<16xf32>
      %swap3A_236 = vector.shape_cast %broadcast_in_dim3A_229 : vector<16xf32> to vector<1x1x16xf32>
      tpu.vector_store %arg11[%swap3A_231, %swap3A_232, %swap3A_233], %swap3A_236 {strides = array<i32>} : memref<2x128x80xf32, #tpu.memory_space<vmem>>, vector<1x1x16xf32>,
      %broadcast_in_dim3A_237 = arith.constant 0.000000e+00 : f32
      %broadcast_in_dim3A_238 = vector.broadcast %broadcast_in_dim3A_237 : f32 to vector<16xf32>
      %swap3A_239 = arith.constant 0 : i32
      %swap3A_240 = arith.index_cast %swap3A_239 : i32 to index
      %swap3A_241 = arith.index_cast %scan3A_220 : i32 to index
      %swap3A_242 = arith.constant 32 : index
      %swap3A_243 = tpu.vector_load %arg11[%swap3A_240, %swap3A_241, %swap3A_242] {strides = array<i32>} : memref<2x128x80xf32, #tpu.memory_space<vmem>>, vector<1x1x16xf32>,
      %swap3A_244 = vector.shape_cast %swap3A_243 : vector<1x1x16xf32> to vector<16xf32>
      %swap3A_245 = vector.shape_cast %broadcast_in_dim3A_238 : vector<16xf32> to vector<1x1x16xf32>
      tpu.vector_store %arg11[%swap3A_240, %swap3A_241, %swap3A_242], %swap3A_245 {strides = array<i32>} : memref<2x128x80xf32, #tpu.memory_space<vmem>>, vector<1x1x16xf32>,
      %broadcast_in_dim3A_246 = arith.constant 0.000000e+00 : f32
      %broadcast_in_dim3A_247 = vector.broadcast %broadcast_in_dim3A_246 : f32 to vector<16xf32>
      %swap3A_248 = arith.constant 0 : i32
      %swap3A_249 = arith.index_cast %swap3A_248 : i32 to index
      %swap3A_250 = arith.index_cast %scan3A_220 : i32 to index
      %swap3A_251 = arith.constant 48 : index
      %swap3A_252 = tpu.vector_load %arg11[%swap3A_249, %swap3A_250, %swap3A_251] {strides = array<i32>} : memref<2x128x80xf32, #tpu.memory_space<vmem>>, vector<1x1x16xf32>,
      %swap3A_253 = vector.shape_cast %swap3A_252 : vector<1x1x16xf32> to vector<16xf32>
      %swap3A_254 = vector.shape_cast %broadcast_in_dim3A_247 : vector<16xf32> to vector<1x1x16xf32>
      tpu.vector_store %arg11[%swap3A_249, %swap3A_250, %swap3A_251], %swap3A_254 {strides = array<i32>} : memref<2x128x80xf32, #tpu.memory_space<vmem>>, vector<1x1x16xf32>,
      %broadcast_in_dim3A_255 = arith.constant 0.000000e+00 : f32
      %broadcast_in_dim3A_256 = vector.broadcast %broadcast_in_dim3A_255 : f32 to vector<16xf32>
      %swap3A_257 = arith.constant 0 : i32
      %swap3A_258 = arith.index_cast %swap3A_257 : i32 to index
      %swap3A_259 = arith.index_cast %scan3A_220 : i32 to index
      %swap3A_260 = arith.constant 64 : index
      %swap3A_261 = tpu.vector_load %arg11[%swap3A_258, %swap3A_259, %swap3A_260] {strides = array<i32>} : memref<2x128x80xf32, #tpu.memory_space<vmem>>, vector<1x1x16xf32>,
      %swap3A_262 = vector.shape_cast %swap3A_261 : vector<1x1x16xf32> to vector<16xf32>
      %swap3A_263 = vector.shape_cast %broadcast_in_dim3A_256 : vector<16xf32> to vector<1x1x16xf32>
      tpu.vector_store %arg11[%swap3A_258, %swap3A_259, %swap3A_260], %swap3A_263 {strides = array<i32>} : memref<2x128x80xf32, #tpu.memory_space<vmem>>, vector<1x1x16xf32>,
    }
    %scan3A_7 = arith.constant 128 : i32
    %mul3A_8 = arith.constant 640 : i32
    %mul3A_9 = arith.muli %arg1, %mul3A_8 : i32
    %add3A_10 = arith.constant 0 : i32
    %add3A_11 = arith.addi %mul3A_9, %add3A_10 : i32
    %run_scoped3A = arith.constant 0 : i32
    "tpu.region"() ({
      %run_scoped3A_220 = tpu.sem_alloc : memref<!tpu.dma_semaphore, #tpu.memory_space<semaphore_mem>>
      %dma_start3A_221 = arith.constant 0 : i32
      %dma_start3A_222 = arith.constant 0 : i32
      %dma_start3A_223 = tpu.memref_slice %arg11[%run_scoped3A, %dma_start3A_221, %dma_start3A_222] : memref<2x128x80xf32, #tpu.memory_space<vmem>> -> memref<1x128x80xf32, #tpu.memory_space<vmem>>
      %dma_start3A_224 = tpu.memref_squeeze %dma_start3A_223 : memref<1x128x80xf32, #tpu.memory_space<vmem>> -> memref<128x80xf32, #tpu.memory_space<vmem>>
      %dma_start3A_225 = arith.constant 0 : i32
      %dma_start3A_226 = tpu.memref_slice %arg19[%add3A_11, %dma_start3A_225] : memref<10240x80xf32, #tpu.memory_space<vmem_shared>> -> memref<128x80xf32, #tpu.memory_space<vmem_shared>>
      %dma_start3A_227 = arith.constant 0 : i32
      %dma_start3A_228 = tpu.memref_slice %arg19[%add3A_11, %dma_start3A_227] : memref<10240x80xf32, #tpu.memory_space<vmem_shared>> -> memref<128x80xf32, #tpu.memory_space<vmem_shared>>
      %dma_start3A_229 = arith.constant 0 : i32
      %dma_start3A_230 = arith.constant 0 : i32
      %dma_start3A_231 = tpu.memref_slice %arg11[%run_scoped3A, %dma_start3A_229, %dma_start3A_230] : memref<2x128x80xf32, #tpu.memory_space<vmem>> -> memref<1x128x80xf32, #tpu.memory_space<vmem>>
      %dma_start3A_232 = tpu.memref_squeeze %dma_start3A_231 : memref<1x128x80xf32, #tpu.memory_space<vmem>> -> memref<128x80xf32, #tpu.memory_space<vmem>>
      tpu.enqueue_dma source(%dma_start3A_232 : memref<128x80xf32, #tpu.memory_space<vmem>>) target(%dma_start3A_228 : memref<128x80xf32, #tpu.memory_space<vmem_shared>>) target_semaphore(%run_scoped3A_220 : memref<!tpu.dma_semaphore, #tpu.memory_space<semaphore_mem>>)
      %dma_wait3A = arith.constant 0 : i32
      %dma_wait3A_233 = arith.constant 0 : i32
      %dma_wait3A_234 = tpu.memref_slice %arg11[%run_scoped3A, %dma_wait3A, %dma_wait3A_233] : memref<2x128x80xf32, #tpu.memory_space<vmem>> -> memref<1x128x80xf32, #tpu.memory_space<vmem>>
      %dma_wait3A_235 = tpu.memref_squeeze %dma_wait3A_234 : memref<1x128x80xf32, #tpu.memory_space<vmem>> -> memref<128x80xf32, #tpu.memory_space<vmem>>
      %dma_wait3A_236 = arith.constant 0 : i32
      %dma_wait3A_237 = tpu.memref_slice %arg19[%add3A_11, %dma_wait3A_236] : memref<10240x80xf32, #tpu.memory_space<vmem_shared>> -> memref<128x80xf32, #tpu.memory_space<vmem_shared>>
      %dma_wait3A_238 = arith.constant 0 : i32
      %dma_wait3A_239 = tpu.memref_slice %arg19[%add3A_11, %dma_wait3A_238] : memref<10240x80xf32, #tpu.memory_space<vmem_shared>> -> memref<128x80xf32, #tpu.memory_space<vmem_shared>>
      %dma_wait3A_240 = arith.constant 0 : i32
      %dma_wait3A_241 = arith.constant 0 : i32
      %dma_wait3A_242 = tpu.memref_slice %arg11[%run_scoped3A, %dma_wait3A_240, %dma_wait3A_241] : memref<2x128x80xf32, #tpu.memory_space<vmem>> -> memref<1x128x80xf32, #tpu.memory_space<vmem>>
      %dma_wait3A_243 = tpu.memref_squeeze %dma_wait3A_242 : memref<1x128x80xf32, #tpu.memory_space<vmem>> -> memref<128x80xf32, #tpu.memory_space<vmem>>
      tpu.wait_dma2 semaphore(%run_scoped3A_220 : memref<!tpu.dma_semaphore, #tpu.memory_space<semaphore_mem>>) src(%dma_wait3A_243 : memref<128x80xf32, #tpu.memory_space<vmem>>) dst(%dma_wait3A_239 : memref<128x80xf32, #tpu.memory_space<vmem_shared>>)
      tpu.yield
    }) : () -> ()
    %mul3A_12 = arith.constant 640 : i32
    %mul3A_13 = arith.muli %arg1, %mul3A_12 : i32
    %add3A_14 = arith.constant 128 : i32
    %add3A_15 = arith.addi %mul3A_13, %add3A_14 : i32
    %run_scoped3A_16 = arith.constant 0 : i32
    "tpu.region"() ({
      %run_scoped3A_220 = tpu.sem_alloc : memref<!tpu.dma_semaphore, #tpu.memory_space<semaphore_mem>>
      %dma_start3A_221 = arith.constant 0 : i32
      %dma_start3A_222 = arith.constant 0 : i32
      %dma_start3A_223 = tpu.memref_slice %arg11[%run_scoped3A_16, %dma_start3A_221, %dma_start3A_222] : memref<2x128x80xf32, #tpu.memory_space<vmem>> -> memref<1x128x80xf32, #tpu.memory_space<vmem>>
      %dma_start3A_224 = tpu.memref_squeeze %dma_start3A_223 : memref<1x128x80xf32, #tpu.memory_space<vmem>> -> memref<128x80xf32, #tpu.memory_space<vmem>>
      %dma_start3A_225 = arith.constant 0 : i32
      %dma_start3A_226 = tpu.memref_slice %arg19[%add3A_15, %dma_start3A_225] : memref<10240x80xf32, #tpu.memory_space<vmem_shared>> -> memref<128x80xf32, #tpu.memory_space<vmem_shared>>
      %dma_start3A_227 = arith.constant 0 : i32
      %dma_start3A_228 = tpu.memref_slice %arg19[%add3A_15, %dma_start3A_227] : memref<10240x80xf32, #tpu.memory_space<vmem_shared>> -> memref<128x80xf32, #tpu.memory_space<vmem_shared>>
      %dma_start3A_229 = arith.constant 0 : i32
      %dma_start3A_230 = arith.constant 0 : i32
      %dma_start3A_231 = tpu.memref_slice %arg11[%run_scoped3A_16, %dma_start3A_229, %dma_start3A_230] : memref<2x128x80xf32, #tpu.memory_space<vmem>> -> memref<1x128x80xf32, #tpu.memory_space<vmem>>
      %dma_start3A_232 = tpu.memref_squeeze %dma_start3A_231 : memref<1x128x80xf32, #tpu.memory_space<vmem>> -> memref<128x80xf32, #tpu.memory_space<vmem>>
      tpu.enqueue_dma source(%dma_start3A_232 : memref<128x80xf32, #tpu.memory_space<vmem>>) target(%dma_start3A_228 : memref<128x80xf32, #tpu.memory_space<vmem_shared>>) target_semaphore(%run_scoped3A_220 : memref<!tpu.dma_semaphore, #tpu.memory_space<semaphore_mem>>)
      %dma_wait3A = arith.constant 0 : i32
      %dma_wait3A_233 = arith.constant 0 : i32
      %dma_wait3A_234 = tpu.memref_slice %arg11[%run_scoped3A_16, %dma_wait3A, %dma_wait3A_233] : memref<2x128x80xf32, #tpu.memory_space<vmem>> -> memref<1x128x80xf32, #tpu.memory_space<vmem>>
      %dma_wait3A_235 = tpu.memref_squeeze %dma_wait3A_234 : memref<1x128x80xf32, #tpu.memory_space<vmem>> -> memref<128x80xf32, #tpu.memory_space<vmem>>
      %dma_wait3A_236 = arith.constant 0 : i32
      %dma_wait3A_237 = tpu.memref_slice %arg19[%add3A_15, %dma_wait3A_236] : memref<10240x80xf32, #tpu.memory_space<vmem_shared>> -> memref<128x80xf32, #tpu.memory_space<vmem_shared>>
      %dma_wait3A_238 = arith.constant 0 : i32
      %dma_wait3A_239 = tpu.memref_slice %arg19[%add3A_15, %dma_wait3A_238] : memref<10240x80xf32, #tpu.memory_space<vmem_shared>> -> memref<128x80xf32, #tpu.memory_space<vmem_shared>>
      %dma_wait3A_240 = arith.constant 0 : i32
      %dma_wait3A_241 = arith.constant 0 : i32
      %dma_wait3A_242 = tpu.memref_slice %arg11[%run_scoped3A_16, %dma_wait3A_240, %dma_wait3A_241] : memref<2x128x80xf32, #tpu.memory_space<vmem>> -> memref<1x128x80xf32, #tpu.memory_space<vmem>>
      %dma_wait3A_243 = tpu.memref_squeeze %dma_wait3A_242 : memref<1x128x80xf32, #tpu.memory_space<vmem>> -> memref<128x80xf32, #tpu.memory_space<vmem>>
      tpu.wait_dma2 semaphore(%run_scoped3A_220 : memref<!tpu.dma_semaphore, #tpu.memory_space<semaphore_mem>>) src(%dma_wait3A_243 : memref<128x80xf32, #tpu.memory_space<vmem>>) dst(%dma_wait3A_239 : memref<128x80xf32, #tpu.memory_space<vmem_shared>>)
      tpu.yield
    }) : () -> ()
    %mul3A_17 = arith.constant 640 : i32
    %mul3A_18 = arith.muli %arg1, %mul3A_17 : i32
    %add3A_19 = arith.constant 256 : i32
    %add3A_20 = arith.addi %mul3A_18, %add3A_19 : i32
    %run_scoped3A_21 = arith.constant 0 : i32
    "tpu.region"() ({
      %run_scoped3A_220 = tpu.sem_alloc : memref<!tpu.dma_semaphore, #tpu.memory_space<semaphore_mem>>
      %dma_start3A_221 = arith.constant 0 : i32
      %dma_start3A_222 = arith.constant 0 : i32
      %dma_start3A_223 = tpu.memref_slice %arg11[%run_scoped3A_21, %dma_start3A_221, %dma_start3A_222] : memref<2x128x80xf32, #tpu.memory_space<vmem>> -> memref<1x128x80xf32, #tpu.memory_space<vmem>>
      %dma_start3A_224 = tpu.memref_squeeze %dma_start3A_223 : memref<1x128x80xf32, #tpu.memory_space<vmem>> -> memref<128x80xf32, #tpu.memory_space<vmem>>
      %dma_start3A_225 = arith.constant 0 : i32
      %dma_start3A_226 = tpu.memref_slice %arg19[%add3A_20, %dma_start3A_225] : memref<10240x80xf32, #tpu.memory_space<vmem_shared>> -> memref<128x80xf32, #tpu.memory_space<vmem_shared>>
      %dma_start3A_227 = arith.constant 0 : i32
      %dma_start3A_228 = tpu.memref_slice %arg19[%add3A_20, %dma_start3A_227] : memref<10240x80xf32, #tpu.memory_space<vmem_shared>> -> memref<128x80xf32, #tpu.memory_space<vmem_shared>>
      %dma_start3A_229 = arith.constant 0 : i32
      %dma_start3A_230 = arith.constant 0 : i32
      %dma_start3A_231 = tpu.memref_slice %arg11[%run_scoped3A_21, %dma_start3A_229, %dma_start3A_230] : memref<2x128x80xf32, #tpu.memory_space<vmem>> -> memref<1x128x80xf32, #tpu.memory_space<vmem>>
      %dma_start3A_232 = tpu.memref_squeeze %dma_start3A_231 : memref<1x128x80xf32, #tpu.memory_space<vmem>> -> memref<128x80xf32, #tpu.memory_space<vmem>>
      tpu.enqueue_dma source(%dma_start3A_232 : memref<128x80xf32, #tpu.memory_space<vmem>>) target(%dma_start3A_228 : memref<128x80xf32, #tpu.memory_space<vmem_shared>>) target_semaphore(%run_scoped3A_220 : memref<!tpu.dma_semaphore, #tpu.memory_space<semaphore_mem>>)
      %dma_wait3A = arith.constant 0 : i32
      %dma_wait3A_233 = arith.constant 0 : i32
      %dma_wait3A_234 = tpu.memref_slice %arg11[%run_scoped3A_21, %dma_wait3A, %dma_wait3A_233] : memref<2x128x80xf32, #tpu.memory_space<vmem>> -> memref<1x128x80xf32, #tpu.memory_space<vmem>>
      %dma_wait3A_235 = tpu.memref_squeeze %dma_wait3A_234 : memref<1x128x80xf32, #tpu.memory_space<vmem>> -> memref<128x80xf32, #tpu.memory_space<vmem>>
      %dma_wait3A_236 = arith.constant 0 : i32
      %dma_wait3A_237 = tpu.memref_slice %arg19[%add3A_20, %dma_wait3A_236] : memref<10240x80xf32, #tpu.memory_space<vmem_shared>> -> memref<128x80xf32, #tpu.memory_space<vmem_shared>>
      %dma_wait3A_238 = arith.constant 0 : i32
      %dma_wait3A_239 = tpu.memref_slice %arg19[%add3A_20, %dma_wait3A_238] : memref<10240x80xf32, #tpu.memory_space<vmem_shared>> -> memref<128x80xf32, #tpu.memory_space<vmem_shared>>
      %dma_wait3A_240 = arith.constant 0 : i32
      %dma_wait3A_241 = arith.constant 0 : i32
      %dma_wait3A_242 = tpu.memref_slice %arg11[%run_scoped3A_21, %dma_wait3A_240, %dma_wait3A_241] : memref<2x128x80xf32, #tpu.memory_space<vmem>> -> memref<1x128x80xf32, #tpu.memory_space<vmem>>
      %dma_wait3A_243 = tpu.memref_squeeze %dma_wait3A_242 : memref<1x128x80xf32, #tpu.memory_space<vmem>> -> memref<128x80xf32, #tpu.memory_space<vmem>>
      tpu.wait_dma2 semaphore(%run_scoped3A_220 : memref<!tpu.dma_semaphore, #tpu.memory_space<semaphore_mem>>) src(%dma_wait3A_243 : memref<128x80xf32, #tpu.memory_space<vmem>>) dst(%dma_wait3A_239 : memref<128x80xf32, #tpu.memory_space<vmem_shared>>)
      tpu.yield
    }) : () -> ()
    %mul3A_22 = arith.constant 640 : i32
    %mul3A_23 = arith.muli %arg1, %mul3A_22 : i32
    %add3A_24 = arith.constant 384 : i32
    %add3A_25 = arith.addi %mul3A_23, %add3A_24 : i32
    %run_scoped3A_26 = arith.constant 0 : i32
    "tpu.region"() ({
      %run_scoped3A_220 = tpu.sem_alloc : memref<!tpu.dma_semaphore, #tpu.memory_space<semaphore_mem>>
      %dma_start3A_221 = arith.constant 0 : i32
      %dma_start3A_222 = arith.constant 0 : i32
      %dma_start3A_223 = tpu.memref_slice %arg11[%run_scoped3A_26, %dma_start3A_221, %dma_start3A_222] : memref<2x128x80xf32, #tpu.memory_space<vmem>> -> memref<1x128x80xf32, #tpu.memory_space<vmem>>
      %dma_start3A_224 = tpu.memref_squeeze %dma_start3A_223 : memref<1x128x80xf32, #tpu.memory_space<vmem>> -> memref<128x80xf32, #tpu.memory_space<vmem>>
      %dma_start3A_225 = arith.constant 0 : i32
      %dma_start3A_226 = tpu.memref_slice %arg19[%add3A_25, %dma_start3A_225] : memref<10240x80xf32, #tpu.memory_space<vmem_shared>> -> memref<128x80xf32, #tpu.memory_space<vmem_shared>>
      %dma_start3A_227 = arith.constant 0 : i32
      %dma_start3A_228 = tpu.memref_slice %arg19[%add3A_25, %dma_start3A_227] : memref<10240x80xf32, #tpu.memory_space<vmem_shared>> -> memref<128x80xf32, #tpu.memory_space<vmem_shared>>
      %dma_start3A_229 = arith.constant 0 : i32
      %dma_start3A_230 = arith.constant 0 : i32
      %dma_start3A_231 = tpu.memref_slice %arg11[%run_scoped3A_26, %dma_start3A_229, %dma_start3A_230] : memref<2x128x80xf32, #tpu.memory_space<vmem>> -> memref<1x128x80xf32, #tpu.memory_space<vmem>>
      %dma_start3A_232 = tpu.memref_squeeze %dma_start3A_231 : memref<1x128x80xf32, #tpu.memory_space<vmem>> -> memref<128x80xf32, #tpu.memory_space<vmem>>
      tpu.enqueue_dma source(%dma_start3A_232 : memref<128x80xf32, #tpu.memory_space<vmem>>) target(%dma_start3A_228 : memref<128x80xf32, #tpu.memory_space<vmem_shared>>) target_semaphore(%run_scoped3A_220 : memref<!tpu.dma_semaphore, #tpu.memory_space<semaphore_mem>>)
      %dma_wait3A = arith.constant 0 : i32
      %dma_wait3A_233 = arith.constant 0 : i32
      %dma_wait3A_234 = tpu.memref_slice %arg11[%run_scoped3A_26, %dma_wait3A, %dma_wait3A_233] : memref<2x128x80xf32, #tpu.memory_space<vmem>> -> memref<1x128x80xf32, #tpu.memory_space<vmem>>
      %dma_wait3A_235 = tpu.memref_squeeze %dma_wait3A_234 : memref<1x128x80xf32, #tpu.memory_space<vmem>> -> memref<128x80xf32, #tpu.memory_space<vmem>>
      %dma_wait3A_236 = arith.constant 0 : i32
      %dma_wait3A_237 = tpu.memref_slice %arg19[%add3A_25, %dma_wait3A_236] : memref<10240x80xf32, #tpu.memory_space<vmem_shared>> -> memref<128x80xf32, #tpu.memory_space<vmem_shared>>
      %dma_wait3A_238 = arith.constant 0 : i32
      %dma_wait3A_239 = tpu.memref_slice %arg19[%add3A_25, %dma_wait3A_238] : memref<10240x80xf32, #tpu.memory_space<vmem_shared>> -> memref<128x80xf32, #tpu.memory_space<vmem_shared>>
      %dma_wait3A_240 = arith.constant 0 : i32
      %dma_wait3A_241 = arith.constant 0 : i32
      %dma_wait3A_242 = tpu.memref_slice %arg11[%run_scoped3A_26, %dma_wait3A_240, %dma_wait3A_241] : memref<2x128x80xf32, #tpu.memory_space<vmem>> -> memref<1x128x80xf32, #tpu.memory_space<vmem>>
      %dma_wait3A_243 = tpu.memref_squeeze %dma_wait3A_242 : memref<1x128x80xf32, #tpu.memory_space<vmem>> -> memref<128x80xf32, #tpu.memory_space<vmem>>
      tpu.wait_dma2 semaphore(%run_scoped3A_220 : memref<!tpu.dma_semaphore, #tpu.memory_space<semaphore_mem>>) src(%dma_wait3A_243 : memref<128x80xf32, #tpu.memory_space<vmem>>) dst(%dma_wait3A_239 : memref<128x80xf32, #tpu.memory_space<vmem_shared>>)
      tpu.yield
    }) : () -> ()
    %mul3A_27 = arith.constant 640 : i32
    %mul3A_28 = arith.muli %arg1, %mul3A_27 : i32
    %add3A_29 = arith.constant 512 : i32
    %add3A_30 = arith.addi %mul3A_28, %add3A_29 : i32
    %run_scoped3A_31 = arith.constant 0 : i32
    "tpu.region"() ({
      %run_scoped3A_220 = tpu.sem_alloc : memref<!tpu.dma_semaphore, #tpu.memory_space<semaphore_mem>>
      %dma_start3A_221 = arith.constant 0 : i32
      %dma_start3A_222 = arith.constant 0 : i32
      %dma_start3A_223 = tpu.memref_slice %arg11[%run_scoped3A_31, %dma_start3A_221, %dma_start3A_222] : memref<2x128x80xf32, #tpu.memory_space<vmem>> -> memref<1x128x80xf32, #tpu.memory_space<vmem>>
      %dma_start3A_224 = tpu.memref_squeeze %dma_start3A_223 : memref<1x128x80xf32, #tpu.memory_space<vmem>> -> memref<128x80xf32, #tpu.memory_space<vmem>>
      %dma_start3A_225 = arith.constant 0 : i32
      %dma_start3A_226 = tpu.memref_slice %arg19[%add3A_30, %dma_start3A_225] : memref<10240x80xf32, #tpu.memory_space<vmem_shared>> -> memref<128x80xf32, #tpu.memory_space<vmem_shared>>
      %dma_start3A_227 = arith.constant 0 : i32
      %dma_start3A_228 = tpu.memref_slice %arg19[%add3A_30, %dma_start3A_227] : memref<10240x80xf32, #tpu.memory_space<vmem_shared>> -> memref<128x80xf32, #tpu.memory_space<vmem_shared>>
      %dma_start3A_229 = arith.constant 0 : i32
      %dma_start3A_230 = arith.constant 0 : i32
      %dma_start3A_231 = tpu.memref_slice %arg11[%run_scoped3A_31, %dma_start3A_229, %dma_start3A_230] : memref<2x128x80xf32, #tpu.memory_space<vmem>> -> memref<1x128x80xf32, #tpu.memory_space<vmem>>
      %dma_start3A_232 = tpu.memref_squeeze %dma_start3A_231 : memref<1x128x80xf32, #tpu.memory_space<vmem>> -> memref<128x80xf32, #tpu.memory_space<vmem>>
      tpu.enqueue_dma source(%dma_start3A_232 : memref<128x80xf32, #tpu.memory_space<vmem>>) target(%dma_start3A_228 : memref<128x80xf32, #tpu.memory_space<vmem_shared>>) target_semaphore(%run_scoped3A_220 : memref<!tpu.dma_semaphore, #tpu.memory_space<semaphore_mem>>)
      %dma_wait3A = arith.constant 0 : i32
      %dma_wait3A_233 = arith.constant 0 : i32
      %dma_wait3A_234 = tpu.memref_slice %arg11[%run_scoped3A_31, %dma_wait3A, %dma_wait3A_233] : memref<2x128x80xf32, #tpu.memory_space<vmem>> -> memref<1x128x80xf32, #tpu.memory_space<vmem>>
      %dma_wait3A_235 = tpu.memref_squeeze %dma_wait3A_234 : memref<1x128x80xf32, #tpu.memory_space<vmem>> -> memref<128x80xf32, #tpu.memory_space<vmem>>
      %dma_wait3A_236 = arith.constant 0 : i32
      %dma_wait3A_237 = tpu.memref_slice %arg19[%add3A_30, %dma_wait3A_236] : memref<10240x80xf32, #tpu.memory_space<vmem_shared>> -> memref<128x80xf32, #tpu.memory_space<vmem_shared>>
      %dma_wait3A_238 = arith.constant 0 : i32
      %dma_wait3A_239 = tpu.memref_slice %arg19[%add3A_30, %dma_wait3A_238] : memref<10240x80xf32, #tpu.memory_space<vmem_shared>> -> memref<128x80xf32, #tpu.memory_space<vmem_shared>>
      %dma_wait3A_240 = arith.constant 0 : i32
      %dma_wait3A_241 = arith.constant 0 : i32
      %dma_wait3A_242 = tpu.memref_slice %arg11[%run_scoped3A_31, %dma_wait3A_240, %dma_wait3A_241] : memref<2x128x80xf32, #tpu.memory_space<vmem>> -> memref<1x128x80xf32, #tpu.memory_space<vmem>>
      %dma_wait3A_243 = tpu.memref_squeeze %dma_wait3A_242 : memref<1x128x80xf32, #tpu.memory_space<vmem>> -> memref<128x80xf32, #tpu.memory_space<vmem>>
      tpu.wait_dma2 semaphore(%run_scoped3A_220 : memref<!tpu.dma_semaphore, #tpu.memory_space<semaphore_mem>>) src(%dma_wait3A_243 : memref<128x80xf32, #tpu.memory_space<vmem>>) dst(%dma_wait3A_239 : memref<128x80xf32, #tpu.memory_space<vmem_shared>>)
      tpu.yield
    }) : () -> ()
    %barrier3A = arith.constant 0 : index
    tpu.barrier barrier_id(%barrier3A)
    %run_scoped3A_32 = arith.constant 0 : i32
    "tpu.region"() ({
      %run_scoped3A_220 = tpu.sem_alloc : memref<!tpu.dma_semaphore, #tpu.memory_space<semaphore_mem>>
      %dma_start3A_221 = arith.constant 0 : i32
      %dma_start3A_222 = tpu.memref_slice %arg2[%add3A_3, %arg1, %run_scoped3A_32, %dma_start3A_221] : memref<4x16x160x128xi32, #tpu.memory_space<hbm>> -> memref<1x1x1x128xi32, #tpu.memory_space<hbm>>
      %dma_start3A_223 = tpu.memref_squeeze %dma_start3A_222 : memref<1x1x1x128xi32, #tpu.memory_space<hbm>> -> memref<128xi32, #tpu.memory_space<hbm>>
      %dma_start3A_224 = arith.constant 0 : i32
      %dma_start3A_225 = tpu.memref_slice %arg2[%add3A_3, %arg1, %run_scoped3A_32, %dma_start3A_224] : memref<4x16x160x128xi32, #tpu.memory_space<hbm>> -> memref<1x1x1x128xi32, #tpu.memory_space<hbm>>
      %dma_start3A_226 = tpu.memref_squeeze %dma_start3A_225 : memref<1x1x1x128xi32, #tpu.memory_space<hbm>> -> memref<128xi32, #tpu.memory_space<hbm>>
      tpu.enqueue_dma source(%dma_start3A_226 : memref<128xi32, #tpu.memory_space<hbm>>) target(%arg7 : memref<128xi32, #tpu.memory_space<vmem>>) target_semaphore(%run_scoped3A_220 : memref<!tpu.dma_semaphore, #tpu.memory_space<semaphore_mem>>)
      %dma_wait3A = arith.constant 0 : i32
      %dma_wait3A_227 = tpu.memref_slice %arg2[%add3A_3, %arg1, %run_scoped3A_32, %dma_wait3A] : memref<4x16x160x128xi32, #tpu.memory_space<hbm>> -> memref<1x1x1x128xi32, #tpu.memory_space<hbm>>
      %dma_wait3A_228 = tpu.memref_squeeze %dma_wait3A_227 : memref<1x1x1x128xi32, #tpu.memory_space<hbm>> -> memref<128xi32, #tpu.memory_space<hbm>>
      %dma_wait3A_229 = arith.constant 0 : i32
      %dma_wait3A_230 = tpu.memref_slice %arg2[%add3A_3, %arg1, %run_scoped3A_32, %dma_wait3A_229] : memref<4x16x160x128xi32, #tpu.memory_space<hbm>> -> memref<1x1x1x128xi32, #tpu.memory_space<hbm>>
      %dma_wait3A_231 = tpu.memref_squeeze %dma_wait3A_230 : memref<1x1x1x128xi32, #tpu.memory_space<hbm>> -> memref<128xi32, #tpu.memory_space<hbm>>
      tpu.wait_dma2 semaphore(%run_scoped3A_220 : memref<!tpu.dma_semaphore, #tpu.memory_space<semaphore_mem>>) src(%dma_wait3A_231 : memref<128xi32, #tpu.memory_space<hbm>>) dst(%arg7 : memref<128xi32, #tpu.memory_space<vmem>>)
      tpu.yield
    }) : () -> ()
    %run_scoped3A_33 = arith.constant 0 : i32
    "tpu.region"() ({
      %run_scoped3A_220 = tpu.sem_alloc : memref<!tpu.dma_semaphore, #tpu.memory_space<semaphore_mem>>
      %dma_start3A_221 = arith.constant 0 : i32
      %dma_start3A_222 = tpu.memref_slice %arg3[%arg1, %run_scoped3A_33, %dma_start3A_221] : memref<16x160x128xi32, #tpu.memory_space<hbm>> -> memref<1x1x128xi32, #tpu.memory_space<hbm>>
      %dma_start3A_223 = tpu.memref_squeeze %dma_start3A_222 : memref<1x1x128xi32, #tpu.memory_space<hbm>> -> memref<128xi32, #tpu.memory_space<hbm>>
      %dma_start3A_224 = arith.constant 0 : i32
      %dma_start3A_225 = tpu.memref_slice %arg3[%arg1, %run_scoped3A_33, %dma_start3A_224] : memref<16x160x128xi32, #tpu.memory_space<hbm>> -> memref<1x1x128xi32, #tpu.memory_space<hbm>>
      %dma_start3A_226 = tpu.memref_squeeze %dma_start3A_225 : memref<1x1x128xi32, #tpu.memory_space<hbm>> -> memref<128xi32, #tpu.memory_space<hbm>>
      tpu.enqueue_dma source(%dma_start3A_226 : memref<128xi32, #tpu.memory_space<hbm>>) target(%arg9 : memref<128xi32, #tpu.memory_space<vmem>>) target_semaphore(%run_scoped3A_220 : memref<!tpu.dma_semaphore, #tpu.memory_space<semaphore_mem>>)
      %dma_wait3A = arith.constant 0 : i32
      %dma_wait3A_227 = tpu.memref_slice %arg3[%arg1, %run_scoped3A_33, %dma_wait3A] : memref<16x160x128xi32, #tpu.memory_space<hbm>> -> memref<1x1x128xi32, #tpu.memory_space<hbm>>
      %dma_wait3A_228 = tpu.memref_squeeze %dma_wait3A_227 : memref<1x1x128xi32, #tpu.memory_space<hbm>> -> memref<128xi32, #tpu.memory_space<hbm>>
      %dma_wait3A_229 = arith.constant 0 : i32
      %dma_wait3A_230 = tpu.memref_slice %arg3[%arg1, %run_scoped3A_33, %dma_wait3A_229] : memref<16x160x128xi32, #tpu.memory_space<hbm>> -> memref<1x1x128xi32, #tpu.memory_space<hbm>>
      %dma_wait3A_231 = tpu.memref_squeeze %dma_wait3A_230 : memref<1x1x128xi32, #tpu.memory_space<hbm>> -> memref<128xi32, #tpu.memory_space<hbm>>
      tpu.wait_dma2 semaphore(%run_scoped3A_220 : memref<!tpu.dma_semaphore, #tpu.memory_space<semaphore_mem>>) src(%dma_wait3A_231 : memref<128xi32, #tpu.memory_space<hbm>>) dst(%arg9 : memref<128xi32, #tpu.memory_space<vmem>>)
      tpu.yield
    }) : () -> ()
    %dma_start3A = arith.constant 0 : i32
    %dma_start3A_34 = arith.constant 0 : i32
    %dma_start3A_35 = arith.constant 0 : i32
    %dma_start3A_36 = tpu.memref_slice %arg11[%dma_start3A, %dma_start3A_34, %dma_start3A_35] : memref<2x128x80xf32, #tpu.memory_space<vmem>> -> memref<1x128x80xf32, #tpu.memory_space<vmem>>
    %dma_start3A_37 = tpu.memref_squeeze %dma_start3A_36 : memref<1x128x80xf32, #tpu.memory_space<vmem>> -> memref<128x80xf32, #tpu.memory_space<vmem>>
    %dma_start3A_38 = arith.constant 0 : i32
    %dma_start3A_39 = arith.constant 0 : i32
    %dma_start3A_40 = tpu.memref_slice %arg4[%dma_start3A_38, %dma_start3A_39] : memref<40000x80xf32, #tpu.memory_space<hbm>> -> memref<40000x80xf32, #tpu.memory_space<hbm>>
    tpu.enqueue_indirect_dma source(%dma_start3A_40 : memref<40000x80xf32, #tpu.memory_space<hbm>>) target(%dma_start3A_37 : memref<128x80xf32, #tpu.memory_space<vmem>>) offsets(%arg7 : memref<128xi32, #tpu.memory_space<vmem>>) semaphore(%arg13 : memref<!tpu.dma_semaphore, #tpu.memory_space<semaphore_mem>>)
    %add3A_41 = arith.constant 0 : i32
    %add3A_42 = arith.addi %mul3A_0, %add3A_41 : i32
    %dma_start3A_43 = arith.constant 0 : i32
    %dma_start3A_44 = arith.constant 0 : i32
    %dma_start3A_45 = arith.constant 0 : i32
    %dma_start3A_46 = tpu.memref_slice %arg12[%dma_start3A_43, %dma_start3A_44, %dma_start3A_45] : memref<2x128x80xf32, #tpu.memory_space<vmem>> -> memref<1x128x80xf32, #tpu.memory_space<vmem>>
    %dma_start3A_47 = tpu.memref_squeeze %dma_start3A_46 : memref<1x128x80xf32, #tpu.memory_space<vmem>> -> memref<128x80xf32, #tpu.memory_space<vmem>>
    %dma_start3A_48 = arith.constant 0 : i32
    %dma_start3A_49 = tpu.memref_slice %arg5[%add3A_3, %add3A_42, %dma_start3A_48] : memref<4x327680x80xf32, #tpu.memory_space<hbm>> -> memref<1x128x80xf32, #tpu.memory_space<hbm>>
    %dma_start3A_50 = tpu.memref_squeeze %dma_start3A_49 : memref<1x128x80xf32, #tpu.memory_space<hbm>> -> memref<128x80xf32, #tpu.memory_space<hbm>>
    %dma_start3A_51 = arith.constant 0 : i32
    %dma_start3A_52 = arith.constant 0 : i32
    %dma_start3A_53 = tpu.memref_slice %arg12[%dma_start3A_43, %dma_start3A_51, %dma_start3A_52] : memref<2x128x80xf32, #tpu.memory_space<vmem>> -> memref<1x128x80xf32, #tpu.memory_space<vmem>>
    %dma_start3A_54 = tpu.memref_squeeze %dma_start3A_53 : memref<1x128x80xf32, #tpu.memory_space<vmem>> -> memref<128x80xf32, #tpu.memory_space<vmem>>
    %dma_start3A_55 = arith.constant 0 : i32
    %dma_start3A_56 = tpu.memref_slice %arg5[%add3A_3, %add3A_42, %dma_start3A_55] : memref<4x327680x80xf32, #tpu.memory_space<hbm>> -> memref<1x128x80xf32, #tpu.memory_space<hbm>>
    %dma_start3A_57 = tpu.memref_squeeze %dma_start3A_56 : memref<1x128x80xf32, #tpu.memory_space<hbm>> -> memref<128x80xf32, #tpu.memory_space<hbm>>
    tpu.enqueue_dma source(%dma_start3A_57 : memref<128x80xf32, #tpu.memory_space<hbm>>) target(%dma_start3A_54 : memref<128x80xf32, #tpu.memory_space<vmem>>) target_semaphore(%arg15 : memref<!tpu.dma_semaphore, #tpu.memory_space<semaphore_mem>>)
    %dma_start3A_58 = arith.constant 1 : i32
    %dma_start3A_59 = arith.constant 0 : i32
    %dma_start3A_60 = tpu.memref_slice %arg2[%add3A_3, %arg1, %dma_start3A_58, %dma_start3A_59] : memref<4x16x160x128xi32, #tpu.memory_space<hbm>> -> memref<1x1x1x128xi32, #tpu.memory_space<hbm>>
    %dma_start3A_61 = tpu.memref_squeeze %dma_start3A_60 : memref<1x1x1x128xi32, #tpu.memory_space<hbm>> -> memref<128xi32, #tpu.memory_space<hbm>>
    %dma_start3A_62 = arith.constant 0 : i32
    %dma_start3A_63 = tpu.memref_slice %arg2[%add3A_3, %arg1, %dma_start3A_58, %dma_start3A_62] : memref<4x16x160x128xi32, #tpu.memory_space<hbm>> -> memref<1x1x1x128xi32, #tpu.memory_space<hbm>>
    %dma_start3A_64 = tpu.memref_squeeze %dma_start3A_63 : memref<1x1x1x128xi32, #tpu.memory_space<hbm>> -> memref<128xi32, #tpu.memory_space<hbm>>
    tpu.enqueue_dma source(%dma_start3A_64 : memref<128xi32, #tpu.memory_space<hbm>>) target(%arg8 : memref<128xi32, #tpu.memory_space<vmem>>) target_semaphore(%arg18 : memref<!tpu.dma_semaphore, #tpu.memory_space<semaphore_mem>>)
    %dma_start3A_65 = arith.constant 1 : i32
    %dma_start3A_66 = arith.constant 0 : i32
    %dma_start3A_67 = tpu.memref_slice %arg3[%arg1, %dma_start3A_65, %dma_start3A_66] : memref<16x160x128xi32, #tpu.memory_space<hbm>> -> memref<1x1x128xi32, #tpu.memory_space<hbm>>
    %dma_start3A_68 = tpu.memref_squeeze %dma_start3A_67 : memref<1x1x128xi32, #tpu.memory_space<hbm>> -> memref<128xi32, #tpu.memory_space<hbm>>
    %dma_start3A_69 = arith.constant 0 : i32
    %dma_start3A_70 = tpu.memref_slice %arg3[%arg1, %dma_start3A_65, %dma_start3A_69] : memref<16x160x128xi32, #tpu.memory_space<hbm>> -> memref<1x1x128xi32, #tpu.memory_space<hbm>>
    %dma_start3A_71 = tpu.memref_squeeze %dma_start3A_70 : memref<1x1x128xi32, #tpu.memory_space<hbm>> -> memref<128xi32, #tpu.memory_space<hbm>>
    tpu.enqueue_dma source(%dma_start3A_71 : memref<128xi32, #tpu.memory_space<hbm>>) target(%arg10 : memref<128xi32, #tpu.memory_space<vmem>>) target_semaphore(%arg18 : memref<!tpu.dma_semaphore, #tpu.memory_space<semaphore_mem>>)
    %scan3A_72 = arith.constant 0 : i32
    %scan3A_73 = arith.constant 80 : i32
    %scan3A_74 = arith.addi %scan3A_72, %scan3A_73 : i32
    %scan3A_75 = arith.constant 1 : i32
    scf.for %scan3A_220 = %scan3A_72 to %scan3A_74 step %scan3A_75  : i32 {
      %mul3A_221 = arith.constant 2 : i32
      %mul3A_222 = arith.muli %mul3A_221, %scan3A_220 : i32
      %add3A_223 = arith.constant 0 : i32
      %add3A_224 = arith.addi %mul3A_222, %add3A_223 : i32
      %add3A_225 = arith.constant 1 : i32
      %add3A_226 = arith.addi %add3A_224, %add3A_225 : i32
      %lt3A = arith.constant 160 : i32
      %lt3A_227 = arith.cmpi slt, %add3A_226, %lt3A : i32
      %convert_element_type3A = arith.extui %lt3A_227 : i1 to i32
      %cond3A = arith.constant 0 : i32
      %cond3A_228 = arith.cmpi ne, %convert_element_type3A, %cond3A : i32
      scf.if %cond3A_228 {
        %dma_wait3A_317 = arith.constant 0 : i32
        %dma_wait3A_318 = arith.constant 0 : i32
        %dma_wait3A_319 = tpu.memref_slice %arg2[%add3A_3, %arg1, %dma_wait3A_317, %dma_wait3A_318] : memref<4x16x160x128xi32, #tpu.memory_space<hbm>> -> memref<1x1x1x128xi32, #tpu.memory_space<hbm>>
        %dma_wait3A_320 = tpu.memref_squeeze %dma_wait3A_319 : memref<1x1x1x128xi32, #tpu.memory_space<hbm>> -> memref<128xi32, #tpu.memory_space<hbm>>
        %dma_wait3A_321 = arith.constant 0 : i32
        %dma_wait3A_322 = tpu.memref_slice %arg2[%add3A_3, %arg1, %dma_wait3A_317, %dma_wait3A_321] : memref<4x16x160x128xi32, #tpu.memory_space<hbm>> -> memref<1x1x1x128xi32, #tpu.memory_space<hbm>>
        %dma_wait3A_323 = tpu.memref_squeeze %dma_wait3A_322 : memref<1x1x1x128xi32, #tpu.memory_space<hbm>> -> memref<128xi32, #tpu.memory_space<hbm>>
        tpu.wait_dma2 semaphore(%arg18 : memref<!tpu.dma_semaphore, #tpu.memory_space<semaphore_mem>>) src(%dma_wait3A_323 : memref<128xi32, #tpu.memory_space<hbm>>) dst(%arg8 : memref<128xi32, #tpu.memory_space<vmem>>)
        %dma_wait3A_324 = arith.constant 0 : i32
        %dma_wait3A_325 = arith.constant 0 : i32
        %dma_wait3A_326 = tpu.memref_slice %arg3[%arg1, %dma_wait3A_324, %dma_wait3A_325] : memref<16x160x128xi32, #tpu.memory_space<hbm>> -> memref<1x1x128xi32, #tpu.memory_space<hbm>>
        %dma_wait3A_327 = tpu.memref_squeeze %dma_wait3A_326 : memref<1x1x128xi32, #tpu.memory_space<hbm>> -> memref<128xi32, #tpu.memory_space<hbm>>
        %dma_wait3A_328 = arith.constant 0 : i32
        %dma_wait3A_329 = tpu.memref_slice %arg3[%arg1, %dma_wait3A_324, %dma_wait3A_328] : memref<16x160x128xi32, #tpu.memory_space<hbm>> -> memref<1x1x128xi32, #tpu.memory_space<hbm>>
        %dma_wait3A_330 = tpu.memref_squeeze %dma_wait3A_329 : memref<1x1x128xi32, #tpu.memory_space<hbm>> -> memref<128xi32, #tpu.memory_space<hbm>>
        tpu.wait_dma2 semaphore(%arg18 : memref<!tpu.dma_semaphore, #tpu.memory_space<semaphore_mem>>) src(%dma_wait3A_330 : memref<128xi32, #tpu.memory_space<hbm>>) dst(%arg10 : memref<128xi32, #tpu.memory_space<vmem>>)
        %add3A_331 = arith.constant 1 : i32
        %add3A_332 = arith.addi %add3A_224, %add3A_331 : i32
        %dma_start3A_333 = arith.constant 1 : i32
        %dma_start3A_334 = arith.constant 0 : i32
        %dma_start3A_335 = arith.constant 0 : i32
        %dma_start3A_336 = tpu.memref_slice %arg11[%dma_start3A_333, %dma_start3A_334, %dma_start3A_335] : memref<2x128x80xf32, #tpu.memory_space<vmem>> -> memref<1x128x80xf32, #tpu.memory_space<vmem>>
        %dma_start3A_337 = tpu.memref_squeeze %dma_start3A_336 : memref<1x128x80xf32, #tpu.memory_space<vmem>> -> memref<128x80xf32, #tpu.memory_space<vmem>>
        %dma_start3A_338 = arith.constant 0 : i32
        %dma_start3A_339 = arith.constant 0 : i32
        %dma_start3A_340 = tpu.memref_slice %arg4[%dma_start3A_338, %dma_start3A_339] : memref<40000x80xf32, #tpu.memory_space<hbm>> -> memref<40000x80xf32, #tpu.memory_space<hbm>>
        tpu.enqueue_indirect_dma source(%dma_start3A_340 : memref<40000x80xf32, #tpu.memory_space<hbm>>) target(%dma_start3A_337 : memref<128x80xf32, #tpu.memory_space<vmem>>) offsets(%arg8 : memref<128xi32, #tpu.memory_space<vmem>>) semaphore(%arg14 : memref<!tpu.dma_semaphore, #tpu.memory_space<semaphore_mem>>)
        %mul3A_341 = arith.constant 128 : i32
        %mul3A_342 = arith.muli %add3A_332, %mul3A_341 : i32
        %add3A_343 = arith.addi %mul3A_0, %mul3A_342 : i32
        %dma_start3A_344 = arith.constant 1 : i32
        %dma_start3A_345 = arith.constant 0 : i32
        %dma_start3A_346 = arith.constant 0 : i32
        %dma_start3A_347 = tpu.memref_slice %arg12[%dma_start3A_344, %dma_start3A_345, %dma_start3A_346] : memref<2x128x80xf32, #tpu.memory_space<vmem>> -> memref<1x128x80xf32, #tpu.memory_space<vmem>>
        %dma_start3A_348 = tpu.memref_squeeze %dma_start3A_347 : memref<1x128x80xf32, #tpu.memory_space<vmem>> -> memref<128x80xf32, #tpu.memory_space<vmem>>
        %dma_start3A_349 = arith.constant 0 : i32
        %dma_start3A_350 = tpu.memref_slice %arg5[%add3A_3, %add3A_343, %dma_start3A_349] : memref<4x327680x80xf32, #tpu.memory_space<hbm>> -> memref<1x128x80xf32, #tpu.memory_space<hbm>>
        %dma_start3A_351 = tpu.memref_squeeze %dma_start3A_350 : memref<1x128x80xf32, #tpu.memory_space<hbm>> -> memref<128x80xf32, #tpu.memory_space<hbm>>
        %dma_start3A_352 = arith.constant 0 : i32
        %dma_start3A_353 = arith.constant 0 : i32
        %dma_start3A_354 = tpu.memref_slice %arg12[%dma_start3A_344, %dma_start3A_352, %dma_start3A_353] : memref<2x128x80xf32, #tpu.memory_space<vmem>> -> memref<1x128x80xf32, #tpu.memory_space<vmem>>
        %dma_start3A_355 = tpu.memref_squeeze %dma_start3A_354 : memref<1x128x80xf32, #tpu.memory_space<vmem>> -> memref<128x80xf32, #tpu.memory_space<vmem>>
        %dma_start3A_356 = arith.constant 0 : i32
        %dma_start3A_357 = tpu.memref_slice %arg5[%add3A_3, %add3A_343, %dma_start3A_356] : memref<4x327680x80xf32, #tpu.memory_space<hbm>> -> memref<1x128x80xf32, #tpu.memory_space<hbm>>
        %dma_start3A_358 = tpu.memref_squeeze %dma_start3A_357 : memref<1x128x80xf32, #tpu.memory_space<hbm>> -> memref<128x80xf32, #tpu.memory_space<hbm>>
        tpu.enqueue_dma source(%dma_start3A_358 : memref<128x80xf32, #tpu.memory_space<hbm>>) target(%dma_start3A_355 : memref<128x80xf32, #tpu.memory_space<vmem>>) target_semaphore(%arg16 : memref<!tpu.dma_semaphore, #tpu.memory_space<semaphore_mem>>)
      } else {
      }
      %dma_wait3A = arith.constant 0 : i32
      %dma_wait3A_229 = arith.constant 0 : i32
      %dma_wait3A_230 = arith.constant 0 : i32
      %dma_wait3A_231 = tpu.memref_slice %arg11[%dma_wait3A, %dma_wait3A_229, %dma_wait3A_230] : memref<2x128x80xf32, #tpu.memory_space<vmem>> -> memref<1x128x80xf32, #tpu.memory_space<vmem>>
      %dma_wait3A_232 = tpu.memref_squeeze %dma_wait3A_231 : memref<1x128x80xf32, #tpu.memory_space<vmem>> -> memref<128x80xf32, #tpu.memory_space<vmem>>
      %dma_wait3A_233 = arith.constant 0 : i32
      %dma_wait3A_234 = arith.constant 0 : i32
      %dma_wait3A_235 = tpu.memref_slice %arg4[%dma_wait3A_233, %dma_wait3A_234] : memref<40000x80xf32, #tpu.memory_space<hbm>> -> memref<40000x80xf32, #tpu.memory_space<hbm>>
      tpu.wait_indirect_dma semaphore(%arg13 : memref<!tpu.dma_semaphore, #tpu.memory_space<semaphore_mem>>) src(%dma_wait3A_235 : memref<40000x80xf32, #tpu.memory_space<hbm>>) dst(%dma_wait3A_232 : memref<128x80xf32, #tpu.memory_space<vmem>>)
      %dma_wait3A_236 = arith.constant 0 : i32
      %dma_wait3A_237 = arith.constant 0 : i32
      %dma_wait3A_238 = arith.constant 0 : i32
      %dma_wait3A_239 = arith.constant 0 : i32
      %dma_wait3A_240 = tpu.memref_slice %arg12[%dma_wait3A_237, %dma_wait3A_238, %dma_wait3A_239] : memref<2x128x80xf32, #tpu.memory_space<vmem>> -> memref<1x128x80xf32, #tpu.memory_space<vmem>>
      %dma_wait3A_241 = tpu.memref_squeeze %dma_wait3A_240 : memref<1x128x80xf32, #tpu.memory_space<vmem>> -> memref<128x80xf32, #tpu.memory_space<vmem>>
      %dma_wait3A_242 = arith.constant 0 : i32
      %dma_wait3A_243 = arith.constant 0 : i32
      %dma_wait3A_244 = tpu.memref_slice %arg5[%dma_wait3A_236, %dma_wait3A_242, %dma_wait3A_243] : memref<4x327680x80xf32, #tpu.memory_space<hbm>> -> memref<1x128x80xf32, #tpu.memory_space<hbm>>
      %dma_wait3A_245 = tpu.memref_squeeze %dma_wait3A_244 : memref<1x128x80xf32, #tpu.memory_space<hbm>> -> memref<128x80xf32, #tpu.memory_space<hbm>>
      %dma_wait3A_246 = arith.constant 0 : i32
      %dma_wait3A_247 = arith.constant 0 : i32
      %dma_wait3A_248 = tpu.memref_slice %arg12[%dma_wait3A_237, %dma_wait3A_246, %dma_wait3A_247] : memref<2x128x80xf32, #tpu.memory_space<vmem>> -> memref<1x128x80xf32, #tpu.memory_space<vmem>>
      %dma_wait3A_249 = tpu.memref_squeeze %dma_wait3A_248 : memref<1x128x80xf32, #tpu.memory_space<vmem>> -> memref<128x80xf32, #tpu.memory_space<vmem>>
      %dma_wait3A_250 = arith.constant 0 : i32
      %dma_wait3A_251 = arith.constant 0 : i32
      %dma_wait3A_252 = tpu.memref_slice %arg5[%dma_wait3A_236, %dma_wait3A_250, %dma_wait3A_251] : memref<4x327680x80xf32, #tpu.memory_space<hbm>> -> memref<1x128x80xf32, #tpu.memory_space<hbm>>
      %dma_wait3A_253 = tpu.memref_squeeze %dma_wait3A_252 : memref<1x128x80xf32, #tpu.memory_space<hbm>> -> memref<128x80xf32, #tpu.memory_space<hbm>>
      tpu.wait_dma2 semaphore(%arg15 : memref<!tpu.dma_semaphore, #tpu.memory_space<semaphore_mem>>) src(%dma_wait3A_253 : memref<128x80xf32, #tpu.memory_space<hbm>>) dst(%dma_wait3A_249 : memref<128x80xf32, #tpu.memory_space<vmem>>)
      %scan3A_254 = arith.constant 0 : i32
      %scan3A_255 = arith.constant 128 : i32
      %scan3A_256 = arith.addi %scan3A_254, %scan3A_255 : i32
      %scan3A_257 = arith.constant 1 : i32
      scf.for %scan3A_317 = %scan3A_254 to %scan3A_256 step %scan3A_257  : i32 {
        %get3A = arith.constant 0 : i32
        %get3A_318 = arith.index_cast %get3A : i32 to index
        %get3A_319 = arith.index_cast %scan3A_317 : i32 to index
        %get3A_320 = arith.constant 0 : index
        %get3A_321 = tpu.vector_load %arg11[%get3A_318, %get3A_319, %get3A_320] {strides = array<i32>} : memref<2x128x80xf32, #tpu.memory_space<vmem>>, vector<1x1x16xf32>,
        %get3A_322 = vector.shape_cast %get3A_321 : vector<1x1x16xf32> to vector<16xf32>
        %get3A_323 = arith.constant 0 : i32
        %get3A_324 = arith.index_cast %get3A_323 : i32 to index
        %get3A_325 = arith.index_cast %scan3A_317 : i32 to index
        %get3A_326 = arith.constant 0 : index
        %get3A_327 = tpu.vector_load %arg12[%get3A_324, %get3A_325, %get3A_326] {strides = array<i32>} : memref<2x128x80xf32, #tpu.memory_space<vmem>>, vector<1x1x16xf32>,
        %get3A_328 = vector.shape_cast %get3A_327 : vector<1x1x16xf32> to vector<16xf32>
        %mul3A_329 = arith.mulf %get3A_322, %get3A_328 : vector<16xf32>
        %swap3A = arith.constant 0 : i32
        %swap3A_330 = arith.index_cast %swap3A : i32 to index
        %swap3A_331 = arith.index_cast %scan3A_317 : i32 to index
        %swap3A_332 = arith.constant 0 : index
        %swap3A_333 = tpu.vector_load %arg11[%swap3A_330, %swap3A_331, %swap3A_332] {strides = array<i32>} : memref<2x128x80xf32, #tpu.memory_space<vmem>>, vector<1x1x16xf32>,
        %swap3A_334 = vector.shape_cast %swap3A_333 : vector<1x1x16xf32> to vector<16xf32>
        %swap3A_335 = vector.shape_cast %mul3A_329 : vector<16xf32> to vector<1x1x16xf32>
        tpu.vector_store %arg11[%swap3A_330, %swap3A_331, %swap3A_332], %swap3A_335 {strides = array<i32>} : memref<2x128x80xf32, #tpu.memory_space<vmem>>, vector<1x1x16xf32>,
        %get3A_336 = arith.constant 0 : i32
        %get3A_337 = arith.index_cast %get3A_336 : i32 to index
        %get3A_338 = arith.index_cast %scan3A_317 : i32 to index
        %get3A_339 = arith.constant 16 : index
        %get3A_340 = tpu.vector_load %arg11[%get3A_337, %get3A_338, %get3A_339] {strides = array<i32>} : memref<2x128x80xf32, #tpu.memory_space<vmem>>, vector<1x1x16xf32>,
        %get3A_341 = vector.shape_cast %get3A_340 : vector<1x1x16xf32> to vector<16xf32>
        %get3A_342 = arith.constant 0 : i32
        %get3A_343 = arith.index_cast %get3A_342 : i32 to index
        %get3A_344 = arith.index_cast %scan3A_317 : i32 to index
        %get3A_345 = arith.constant 16 : index
        %get3A_346 = tpu.vector_load %arg12[%get3A_343, %get3A_344, %get3A_345] {strides = array<i32>} : memref<2x128x80xf32, #tpu.memory_space<vmem>>, vector<1x1x16xf32>,
        %get3A_347 = vector.shape_cast %get3A_346 : vector<1x1x16xf32> to vector<16xf32>
        %mul3A_348 = arith.mulf %get3A_341, %get3A_347 : vector<16xf32>
        %swap3A_349 = arith.constant 0 : i32
        %swap3A_350 = arith.index_cast %swap3A_349 : i32 to index
        %swap3A_351 = arith.index_cast %scan3A_317 : i32 to index
        %swap3A_352 = arith.constant 16 : index
        %swap3A_353 = tpu.vector_load %arg11[%swap3A_350, %swap3A_351, %swap3A_352] {strides = array<i32>} : memref<2x128x80xf32, #tpu.memory_space<vmem>>, vector<1x1x16xf32>,
        %swap3A_354 = vector.shape_cast %swap3A_353 : vector<1x1x16xf32> to vector<16xf32>
        %swap3A_355 = vector.shape_cast %mul3A_348 : vector<16xf32> to vector<1x1x16xf32>
        tpu.vector_store %arg11[%swap3A_350, %swap3A_351, %swap3A_352], %swap3A_355 {strides = array<i32>} : memref<2x128x80xf32, #tpu.memory_space<vmem>>, vector<1x1x16xf32>,
        %get3A_356 = arith.constant 0 : i32
        %get3A_357 = arith.index_cast %get3A_356 : i32 to index
        %get3A_358 = arith.index_cast %scan3A_317 : i32 to index
        %get3A_359 = arith.constant 32 : index
        %get3A_360 = tpu.vector_load %arg11[%get3A_357, %get3A_358, %get3A_359] {strides = array<i32>} : memref<2x128x80xf32, #tpu.memory_space<vmem>>, vector<1x1x16xf32>,
        %get3A_361 = vector.shape_cast %get3A_360 : vector<1x1x16xf32> to vector<16xf32>
        %get3A_362 = arith.constant 0 : i32
        %get3A_363 = arith.index_cast %get3A_362 : i32 to index
        %get3A_364 = arith.index_cast %scan3A_317 : i32 to index
        %get3A_365 = arith.constant 32 : index
        %get3A_366 = tpu.vector_load %arg12[%get3A_363, %get3A_364, %get3A_365] {strides = array<i32>} : memref<2x128x80xf32, #tpu.memory_space<vmem>>, vector<1x1x16xf32>,
        %get3A_367 = vector.shape_cast %get3A_366 : vector<1x1x16xf32> to vector<16xf32>
        %mul3A_368 = arith.mulf %get3A_361, %get3A_367 : vector<16xf32>
        %swap3A_369 = arith.constant 0 : i32
        %swap3A_370 = arith.index_cast %swap3A_369 : i32 to index
        %swap3A_371 = arith.index_cast %scan3A_317 : i32 to index
        %swap3A_372 = arith.constant 32 : index
        %swap3A_373 = tpu.vector_load %arg11[%swap3A_370, %swap3A_371, %swap3A_372] {strides = array<i32>} : memref<2x128x80xf32, #tpu.memory_space<vmem>>, vector<1x1x16xf32>,
        %swap3A_374 = vector.shape_cast %swap3A_373 : vector<1x1x16xf32> to vector<16xf32>
        %swap3A_375 = vector.shape_cast %mul3A_368 : vector<16xf32> to vector<1x1x16xf32>
        tpu.vector_store %arg11[%swap3A_370, %swap3A_371, %swap3A_372], %swap3A_375 {strides = array<i32>} : memref<2x128x80xf32, #tpu.memory_space<vmem>>, vector<1x1x16xf32>,
        %get3A_376 = arith.constant 0 : i32
        %get3A_377 = arith.index_cast %get3A_376 : i32 to index
        %get3A_378 = arith.index_cast %scan3A_317 : i32 to index
        %get3A_379 = arith.constant 48 : index
        %get3A_380 = tpu.vector_load %arg11[%get3A_377, %get3A_378, %get3A_379] {strides = array<i32>} : memref<2x128x80xf32, #tpu.memory_space<vmem>>, vector<1x1x16xf32>,
        %get3A_381 = vector.shape_cast %get3A_380 : vector<1x1x16xf32> to vector<16xf32>
        %get3A_382 = arith.constant 0 : i32
        %get3A_383 = arith.index_cast %get3A_382 : i32 to index
        %get3A_384 = arith.index_cast %scan3A_317 : i32 to index
        %get3A_385 = arith.constant 48 : index
        %get3A_386 = tpu.vector_load %arg12[%get3A_383, %get3A_384, %get3A_385] {strides = array<i32>} : memref<2x128x80xf32, #tpu.memory_space<vmem>>, vector<1x1x16xf32>,
        %get3A_387 = vector.shape_cast %get3A_386 : vector<1x1x16xf32> to vector<16xf32>
        %mul3A_388 = arith.mulf %get3A_381, %get3A_387 : vector<16xf32>
        %swap3A_389 = arith.constant 0 : i32
        %swap3A_390 = arith.index_cast %swap3A_389 : i32 to index
        %swap3A_391 = arith.index_cast %scan3A_317 : i32 to index
        %swap3A_392 = arith.constant 48 : index
        %swap3A_393 = tpu.vector_load %arg11[%swap3A_390, %swap3A_391, %swap3A_392] {strides = array<i32>} : memref<2x128x80xf32, #tpu.memory_space<vmem>>, vector<1x1x16xf32>,
        %swap3A_394 = vector.shape_cast %swap3A_393 : vector<1x1x16xf32> to vector<16xf32>
        %swap3A_395 = vector.shape_cast %mul3A_388 : vector<16xf32> to vector<1x1x16xf32>
        tpu.vector_store %arg11[%swap3A_390, %swap3A_391, %swap3A_392], %swap3A_395 {strides = array<i32>} : memref<2x128x80xf32, #tpu.memory_space<vmem>>, vector<1x1x16xf32>,
        %get3A_396 = arith.constant 0 : i32
        %get3A_397 = arith.index_cast %get3A_396 : i32 to index
        %get3A_398 = arith.index_cast %scan3A_317 : i32 to index
        %get3A_399 = arith.constant 64 : index
        %get3A_400 = tpu.vector_load %arg11[%get3A_397, %get3A_398, %get3A_399] {strides = array<i32>} : memref<2x128x80xf32, #tpu.memory_space<vmem>>, vector<1x1x16xf32>,
        %get3A_401 = vector.shape_cast %get3A_400 : vector<1x1x16xf32> to vector<16xf32>
        %get3A_402 = arith.constant 0 : i32
        %get3A_403 = arith.index_cast %get3A_402 : i32 to index
        %get3A_404 = arith.index_cast %scan3A_317 : i32 to index
        %get3A_405 = arith.constant 64 : index
        %get3A_406 = tpu.vector_load %arg12[%get3A_403, %get3A_404, %get3A_405] {strides = array<i32>} : memref<2x128x80xf32, #tpu.memory_space<vmem>>, vector<1x1x16xf32>,
        %get3A_407 = vector.shape_cast %get3A_406 : vector<1x1x16xf32> to vector<16xf32>
        %mul3A_408 = arith.mulf %get3A_401, %get3A_407 : vector<16xf32>
        %swap3A_409 = arith.constant 0 : i32
        %swap3A_410 = arith.index_cast %swap3A_409 : i32 to index
        %swap3A_411 = arith.index_cast %scan3A_317 : i32 to index
        %swap3A_412 = arith.constant 64 : index
        %swap3A_413 = tpu.vector_load %arg11[%swap3A_410, %swap3A_411, %swap3A_412] {strides = array<i32>} : memref<2x128x80xf32, #tpu.memory_space<vmem>>, vector<1x1x16xf32>,
        %swap3A_414 = vector.shape_cast %swap3A_413 : vector<1x1x16xf32> to vector<16xf32>
        %swap3A_415 = vector.shape_cast %mul3A_408 : vector<16xf32> to vector<1x1x16xf32>
        tpu.vector_store %arg11[%swap3A_410, %swap3A_411, %swap3A_412], %swap3A_415 {strides = array<i32>} : memref<2x128x80xf32, #tpu.memory_space<vmem>>, vector<1x1x16xf32>,
      }
      %scan3A_258 = arith.constant 128 : i32
      %run_scoped3A_259 = arith.constant 0 : i32
      "tpu.region"() ({
        %run_scoped3A_317 = tpu.sem_alloc : memref<!tpu.dma_semaphore, #tpu.memory_space<semaphore_mem>>
        %dma_start3A_318 = arith.constant 0 : i32
        %dma_start3A_319 = arith.constant 0 : i32
        %dma_start3A_320 = tpu.memref_slice %arg11[%run_scoped3A_259, %dma_start3A_318, %dma_start3A_319] : memref<2x128x80xf32, #tpu.memory_space<vmem>> -> memref<1x128x80xf32, #tpu.memory_space<vmem>>
        %dma_start3A_321 = tpu.memref_squeeze %dma_start3A_320 : memref<1x128x80xf32, #tpu.memory_space<vmem>> -> memref<128x80xf32, #tpu.memory_space<vmem>>
        %dma_start3A_322 = arith.constant 0 : i32
        %dma_start3A_323 = arith.constant 0 : i32
        %dma_start3A_324 = tpu.memref_slice %arg19[%dma_start3A_322, %dma_start3A_323] : memref<10240x80xf32, #tpu.memory_space<vmem_shared>> -> memref<10240x80xf32, #tpu.memory_space<vmem_shared>>
        tpu.enqueue_indirect_dma source(%dma_start3A_321 : memref<128x80xf32, #tpu.memory_space<vmem>>) target(%dma_start3A_324 : memref<10240x80xf32, #tpu.memory_space<vmem_shared>>) offsets(%arg9 : memref<128xi32, #tpu.memory_space<vmem>>) semaphore(%run_scoped3A_317 : memref<!tpu.dma_semaphore, #tpu.memory_space<semaphore_mem>>) {add = true}
        %dma_wait3A_325 = arith.constant 0 : i32
        %dma_wait3A_326 = arith.constant 0 : i32
        %dma_wait3A_327 = tpu.memref_slice %arg11[%run_scoped3A_259, %dma_wait3A_325, %dma_wait3A_326] : memref<2x128x80xf32, #tpu.memory_space<vmem>> -> memref<1x128x80xf32, #tpu.memory_space<vmem>>
        %dma_wait3A_328 = tpu.memref_squeeze %dma_wait3A_327 : memref<1x128x80xf32, #tpu.memory_space<vmem>> -> memref<128x80xf32, #tpu.memory_space<vmem>>
        %dma_wait3A_329 = arith.constant 0 : i32
        %dma_wait3A_330 = arith.constant 0 : i32
        %dma_wait3A_331 = tpu.memref_slice %arg19[%dma_wait3A_329, %dma_wait3A_330] : memref<10240x80xf32, #tpu.memory_space<vmem_shared>> -> memref<10240x80xf32, #tpu.memory_space<vmem_shared>>
        tpu.wait_indirect_dma semaphore(%run_scoped3A_317 : memref<!tpu.dma_semaphore, #tpu.memory_space<semaphore_mem>>) src(%dma_wait3A_328 : memref<128x80xf32, #tpu.memory_space<vmem>>) dst(%dma_wait3A_331 : memref<10240x80xf32, #tpu.memory_space<vmem_shared>>)
        tpu.yield
      }) : () -> ()
      %add3A_260 = arith.constant 2 : i32
      %add3A_261 = arith.addi %add3A_224, %add3A_260 : i32
      %lt3A_262 = arith.constant 160 : i32
      %lt3A_263 = arith.cmpi slt, %add3A_261, %lt3A_262 : i32
      %convert_element_type3A_264 = arith.extui %lt3A_263 : i1 to i32
      %cond3A_265 = arith.constant 0 : i32
      %cond3A_266 = arith.cmpi ne, %convert_element_type3A_264, %cond3A_265 : i32
      scf.if %cond3A_266 {
        %add3A_317 = arith.constant 2 : i32
        %add3A_318 = arith.addi %add3A_224, %add3A_317 : i32
        %dma_start3A_319 = arith.constant 0 : i32
        %dma_start3A_320 = tpu.memref_slice %arg2[%add3A_3, %arg1, %add3A_318, %dma_start3A_319] : memref<4x16x160x128xi32, #tpu.memory_space<hbm>> -> memref<1x1x1x128xi32, #tpu.memory_space<hbm>>
        %dma_start3A_321 = tpu.memref_squeeze %dma_start3A_320 : memref<1x1x1x128xi32, #tpu.memory_space<hbm>> -> memref<128xi32, #tpu.memory_space<hbm>>
        %dma_start3A_322 = arith.constant 0 : i32
        %dma_start3A_323 = tpu.memref_slice %arg2[%add3A_3, %arg1, %add3A_318, %dma_start3A_322] : memref<4x16x160x128xi32, #tpu.memory_space<hbm>> -> memref<1x1x1x128xi32, #tpu.memory_space<hbm>>
        %dma_start3A_324 = tpu.memref_squeeze %dma_start3A_323 : memref<1x1x1x128xi32, #tpu.memory_space<hbm>> -> memref<128xi32, #tpu.memory_space<hbm>>
        tpu.enqueue_dma source(%dma_start3A_324 : memref<128xi32, #tpu.memory_space<hbm>>) target(%arg7 : memref<128xi32, #tpu.memory_space<vmem>>) target_semaphore(%arg17 : memref<!tpu.dma_semaphore, #tpu.memory_space<semaphore_mem>>)
        %dma_start3A_325 = arith.constant 0 : i32
        %dma_start3A_326 = tpu.memref_slice %arg3[%arg1, %add3A_318, %dma_start3A_325] : memref<16x160x128xi32, #tpu.memory_space<hbm>> -> memref<1x1x128xi32, #tpu.memory_space<hbm>>
        %dma_start3A_327 = tpu.memref_squeeze %dma_start3A_326 : memref<1x1x128xi32, #tpu.memory_space<hbm>> -> memref<128xi32, #tpu.memory_space<hbm>>
        %dma_start3A_328 = arith.constant 0 : i32
        %dma_start3A_329 = tpu.memref_slice %arg3[%arg1, %add3A_318, %dma_start3A_328] : memref<16x160x128xi32, #tpu.memory_space<hbm>> -> memref<1x1x128xi32, #tpu.memory_space<hbm>>
        %dma_start3A_330 = tpu.memref_squeeze %dma_start3A_329 : memref<1x1x128xi32, #tpu.memory_space<hbm>> -> memref<128xi32, #tpu.memory_space<hbm>>
        tpu.enqueue_dma source(%dma_start3A_330 : memref<128xi32, #tpu.memory_space<hbm>>) target(%arg9 : memref<128xi32, #tpu.memory_space<vmem>>) target_semaphore(%arg17 : memref<!tpu.dma_semaphore, #tpu.memory_space<semaphore_mem>>)
      } else {
      }
      %mul3A_267 = arith.constant 2 : i32
      %mul3A_268 = arith.muli %mul3A_267, %scan3A_220 : i32
      %add3A_269 = arith.constant 1 : i32
      %add3A_270 = arith.addi %mul3A_268, %add3A_269 : i32
      %add3A_271 = arith.constant 1 : i32
      %add3A_272 = arith.addi %add3A_270, %add3A_271 : i32
      %lt3A_273 = arith.constant 160 : i32
      %lt3A_274 = arith.cmpi slt, %add3A_272, %lt3A_273 : i32
      %convert_element_type3A_275 = arith.extui %lt3A_274 : i1 to i32
      %cond3A_276 = arith.constant 0 : i32
      %cond3A_277 = arith.cmpi ne, %convert_element_type3A_275, %cond3A_276 : i32
      scf.if %cond3A_277 {
        %dma_wait3A_317 = arith.constant 0 : i32
        %dma_wait3A_318 = arith.constant 0 : i32
        %dma_wait3A_319 = tpu.memref_slice %arg2[%add3A_3, %arg1, %dma_wait3A_317, %dma_wait3A_318] : memref<4x16x160x128xi32, #tpu.memory_space<hbm>> -> memref<1x1x1x128xi32, #tpu.memory_space<hbm>>
        %dma_wait3A_320 = tpu.memref_squeeze %dma_wait3A_319 : memref<1x1x1x128xi32, #tpu.memory_space<hbm>> -> memref<128xi32, #tpu.memory_space<hbm>>
        %dma_wait3A_321 = arith.constant 0 : i32
        %dma_wait3A_322 = tpu.memref_slice %arg2[%add3A_3, %arg1, %dma_wait3A_317, %dma_wait3A_321] : memref<4x16x160x128xi32, #tpu.memory_space<hbm>> -> memref<1x1x1x128xi32, #tpu.memory_space<hbm>>
        %dma_wait3A_323 = tpu.memref_squeeze %dma_wait3A_322 : memref<1x1x1x128xi32, #tpu.memory_space<hbm>> -> memref<128xi32, #tpu.memory_space<hbm>>
        tpu.wait_dma2 semaphore(%arg17 : memref<!tpu.dma_semaphore, #tpu.memory_space<semaphore_mem>>) src(%dma_wait3A_323 : memref<128xi32, #tpu.memory_space<hbm>>) dst(%arg7 : memref<128xi32, #tpu.memory_space<vmem>>)
        %dma_wait3A_324 = arith.constant 0 : i32
        %dma_wait3A_325 = arith.constant 0 : i32
        %dma_wait3A_326 = tpu.memref_slice %arg3[%arg1, %dma_wait3A_324, %dma_wait3A_325] : memref<16x160x128xi32, #tpu.memory_space<hbm>> -> memref<1x1x128xi32, #tpu.memory_space<hbm>>
        %dma_wait3A_327 = tpu.memref_squeeze %dma_wait3A_326 : memref<1x1x128xi32, #tpu.memory_space<hbm>> -> memref<128xi32, #tpu.memory_space<hbm>>
        %dma_wait3A_328 = arith.constant 0 : i32
        %dma_wait3A_329 = tpu.memref_slice %arg3[%arg1, %dma_wait3A_324, %dma_wait3A_328] : memref<16x160x128xi32, #tpu.memory_space<hbm>> -> memref<1x1x128xi32, #tpu.memory_space<hbm>>
        %dma_wait3A_330 = tpu.memref_squeeze %dma_wait3A_329 : memref<1x1x128xi32, #tpu.memory_space<hbm>> -> memref<128xi32, #tpu.memory_space<hbm>>
        tpu.wait_dma2 semaphore(%arg17 : memref<!tpu.dma_semaphore, #tpu.memory_space<semaphore_mem>>) src(%dma_wait3A_330 : memref<128xi32, #tpu.memory_space<hbm>>) dst(%arg9 : memref<128xi32, #tpu.memory_space<vmem>>)
        %add3A_331 = arith.constant 1 : i32
        %add3A_332 = arith.addi %add3A_270, %add3A_331 : i32
        %dma_start3A_333 = arith.constant 0 : i32
        %dma_start3A_334 = arith.constant 0 : i32
        %dma_start3A_335 = arith.constant 0 : i32
        %dma_start3A_336 = tpu.memref_slice %arg11[%dma_start3A_333, %dma_start3A_334, %dma_start3A_335] : memref<2x128x80xf32, #tpu.memory_space<vmem>> -> memref<1x128x80xf32, #tpu.memory_space<vmem>>
        %dma_start3A_337 = tpu.memref_squeeze %dma_start3A_336 : memref<1x128x80xf32, #tpu.memory_space<vmem>> -> memref<128x80xf32, #tpu.memory_space<vmem>>
        %dma_start3A_338 = arith.constant 0 : i32
        %dma_start3A_339 = arith.constant 0 : i32
        %dma_start3A_340 = tpu.memref_slice %arg4[%dma_start3A_338, %dma_start3A_339] : memref<40000x80xf32, #tpu.memory_space<hbm>> -> memref<40000x80xf32, #tpu.memory_space<hbm>>
        tpu.enqueue_indirect_dma source(%dma_start3A_340 : memref<40000x80xf32, #tpu.memory_space<hbm>>) target(%dma_start3A_337 : memref<128x80xf32, #tpu.memory_space<vmem>>) offsets(%arg7 : memref<128xi32, #tpu.memory_space<vmem>>) semaphore(%arg13 : memref<!tpu.dma_semaphore, #tpu.memory_space<semaphore_mem>>)
        %mul3A_341 = arith.constant 128 : i32
        %mul3A_342 = arith.muli %add3A_332, %mul3A_341 : i32
        %add3A_343 = arith.addi %mul3A_0, %mul3A_342 : i32
        %dma_start3A_344 = arith.constant 0 : i32
        %dma_start3A_345 = arith.constant 0 : i32
        %dma_start3A_346 = arith.constant 0 : i32
        %dma_start3A_347 = tpu.memref_slice %arg12[%dma_start3A_344, %dma_start3A_345, %dma_start3A_346] : memref<2x128x80xf32, #tpu.memory_space<vmem>> -> memref<1x128x80xf32, #tpu.memory_space<vmem>>
        %dma_start3A_348 = tpu.memref_squeeze %dma_start3A_347 : memref<1x128x80xf32, #tpu.memory_space<vmem>> -> memref<128x80xf32, #tpu.memory_space<vmem>>
        %dma_start3A_349 = arith.constant 0 : i32
        %dma_start3A_350 = tpu.memref_slice %arg5[%add3A_3, %add3A_343, %dma_start3A_349] : memref<4x327680x80xf32, #tpu.memory_space<hbm>> -> memref<1x128x80xf32, #tpu.memory_space<hbm>>
        %dma_start3A_351 = tpu.memref_squeeze %dma_start3A_350 : memref<1x128x80xf32, #tpu.memory_space<hbm>> -> memref<128x80xf32, #tpu.memory_space<hbm>>
        %dma_start3A_352 = arith.constant 0 : i32
        %dma_start3A_353 = arith.constant 0 : i32
        %dma_start3A_354 = tpu.memref_slice %arg12[%dma_start3A_344, %dma_start3A_352, %dma_start3A_353] : memref<2x128x80xf32, #tpu.memory_space<vmem>> -> memref<1x128x80xf32, #tpu.memory_space<vmem>>
        %dma_start3A_355 = tpu.memref_squeeze %dma_start3A_354 : memref<1x128x80xf32, #tpu.memory_space<vmem>> -> memref<128x80xf32, #tpu.memory_space<vmem>>
        %dma_start3A_356 = arith.constant 0 : i32
        %dma_start3A_357 = tpu.memref_slice %arg5[%add3A_3, %add3A_343, %dma_start3A_356] : memref<4x327680x80xf32, #tpu.memory_space<hbm>> -> memref<1x128x80xf32, #tpu.memory_space<hbm>>
        %dma_start3A_358 = tpu.memref_squeeze %dma_start3A_357 : memref<1x128x80xf32, #tpu.memory_space<hbm>> -> memref<128x80xf32, #tpu.memory_space<hbm>>
        tpu.enqueue_dma source(%dma_start3A_358 : memref<128x80xf32, #tpu.memory_space<hbm>>) target(%dma_start3A_355 : memref<128x80xf32, #tpu.memory_space<vmem>>) target_semaphore(%arg15 : memref<!tpu.dma_semaphore, #tpu.memory_space<semaphore_mem>>)
      } else {
      }
      %dma_wait3A_278 = arith.constant 1 : i32
      %dma_wait3A_279 = arith.constant 0 : i32
      %dma_wait3A_280 = arith.constant 0 : i32
      %dma_wait3A_281 = tpu.memref_slice %arg11[%dma_wait3A_278, %dma_wait3A_279, %dma_wait3A_280] : memref<2x128x80xf32, #tpu.memory_space<vmem>> -> memref<1x128x80xf32, #tpu.memory_space<vmem>>
      %dma_wait3A_282 = tpu.memref_squeeze %dma_wait3A_281 : memref<1x128x80xf32, #tpu.memory_space<vmem>> -> memref<128x80xf32, #tpu.memory_space<vmem>>
      %dma_wait3A_283 = arith.constant 0 : i32
      %dma_wait3A_284 = arith.constant 0 : i32
      %dma_wait3A_285 = tpu.memref_slice %arg4[%dma_wait3A_283, %dma_wait3A_284] : memref<40000x80xf32, #tpu.memory_space<hbm>> -> memref<40000x80xf32, #tpu.memory_space<hbm>>
      tpu.wait_indirect_dma semaphore(%arg14 : memref<!tpu.dma_semaphore, #tpu.memory_space<semaphore_mem>>) src(%dma_wait3A_285 : memref<40000x80xf32, #tpu.memory_space<hbm>>) dst(%dma_wait3A_282 : memref<128x80xf32, #tpu.memory_space<vmem>>)
      %dma_wait3A_286 = arith.constant 0 : i32
      %dma_wait3A_287 = arith.constant 1 : i32
      %dma_wait3A_288 = arith.constant 0 : i32
      %dma_wait3A_289 = arith.constant 0 : i32
      %dma_wait3A_290 = tpu.memref_slice %arg12[%dma_wait3A_287, %dma_wait3A_288, %dma_wait3A_289] : memref<2x128x80xf32, #tpu.memory_space<vmem>> -> memref<1x128x80xf32, #tpu.memory_space<vmem>>
      %dma_wait3A_291 = tpu.memref_squeeze %dma_wait3A_290 : memref<1x128x80xf32, #tpu.memory_space<vmem>> -> memref<128x80xf32, #tpu.memory_space<vmem>>
      %dma_wait3A_292 = arith.constant 0 : i32
      %dma_wait3A_293 = arith.constant 0 : i32
      %dma_wait3A_294 = tpu.memref_slice %arg5[%dma_wait3A_286, %dma_wait3A_292, %dma_wait3A_293] : memref<4x327680x80xf32, #tpu.memory_space<hbm>> -> memref<1x128x80xf32, #tpu.memory_space<hbm>>
      %dma_wait3A_295 = tpu.memref_squeeze %dma_wait3A_294 : memref<1x128x80xf32, #tpu.memory_space<hbm>> -> memref<128x80xf32, #tpu.memory_space<hbm>>
      %dma_wait3A_296 = arith.constant 0 : i32
      %dma_wait3A_297 = arith.constant 0 : i32
      %dma_wait3A_298 = tpu.memref_slice %arg12[%dma_wait3A_287, %dma_wait3A_296, %dma_wait3A_297] : memref<2x128x80xf32, #tpu.memory_space<vmem>> -> memref<1x128x80xf32, #tpu.memory_space<vmem>>
      %dma_wait3A_299 = tpu.memref_squeeze %dma_wait3A_298 : memref<1x128x80xf32, #tpu.memory_space<vmem>> -> memref<128x80xf32, #tpu.memory_space<vmem>>
      %dma_wait3A_300 = arith.constant 0 : i32
      %dma_wait3A_301 = arith.constant 0 : i32
      %dma_wait3A_302 = tpu.memref_slice %arg5[%dma_wait3A_286, %dma_wait3A_300, %dma_wait3A_301] : memref<4x327680x80xf32, #tpu.memory_space<hbm>> -> memref<1x128x80xf32, #tpu.memory_space<hbm>>
      %dma_wait3A_303 = tpu.memref_squeeze %dma_wait3A_302 : memref<1x128x80xf32, #tpu.memory_space<hbm>> -> memref<128x80xf32, #tpu.memory_space<hbm>>
      tpu.wait_dma2 semaphore(%arg16 : memref<!tpu.dma_semaphore, #tpu.memory_space<semaphore_mem>>) src(%dma_wait3A_303 : memref<128x80xf32, #tpu.memory_space<hbm>>) dst(%dma_wait3A_299 : memref<128x80xf32, #tpu.memory_space<vmem>>)
      %scan3A_304 = arith.constant 0 : i32
      %scan3A_305 = arith.constant 128 : i32
      %scan3A_306 = arith.addi %scan3A_304, %scan3A_305 : i32
      %scan3A_307 = arith.constant 1 : i32
      scf.for %scan3A_317 = %scan3A_304 to %scan3A_306 step %scan3A_307  : i32 {
        %get3A = arith.constant 1 : i32
        %get3A_318 = arith.index_cast %get3A : i32 to index
        %get3A_319 = arith.index_cast %scan3A_317 : i32 to index
        %get3A_320 = arith.constant 0 : index
        %get3A_321 = tpu.vector_load %arg11[%get3A_318, %get3A_319, %get3A_320] {strides = array<i32>} : memref<2x128x80xf32, #tpu.memory_space<vmem>>, vector<1x1x16xf32>,
        %get3A_322 = vector.shape_cast %get3A_321 : vector<1x1x16xf32> to vector<16xf32>
        %get3A_323 = arith.constant 1 : i32
        %get3A_324 = arith.index_cast %get3A_323 : i32 to index
        %get3A_325 = arith.index_cast %scan3A_317 : i32 to index
        %get3A_326 = arith.constant 0 : index
        %get3A_327 = tpu.vector_load %arg12[%get3A_324, %get3A_325, %get3A_326] {strides = array<i32>} : memref<2x128x80xf32, #tpu.memory_space<vmem>>, vector<1x1x16xf32>,
        %get3A_328 = vector.shape_cast %get3A_327 : vector<1x1x16xf32> to vector<16xf32>
        %mul3A_329 = arith.mulf %get3A_322, %get3A_328 : vector<16xf32>
        %swap3A = arith.constant 1 : i32
        %swap3A_330 = arith.index_cast %swap3A : i32 to index
        %swap3A_331 = arith.index_cast %scan3A_317 : i32 to index
        %swap3A_332 = arith.constant 0 : index
        %swap3A_333 = tpu.vector_load %arg11[%swap3A_330, %swap3A_331, %swap3A_332] {strides = array<i32>} : memref<2x128x80xf32, #tpu.memory_space<vmem>>, vector<1x1x16xf32>,
        %swap3A_334 = vector.shape_cast %swap3A_333 : vector<1x1x16xf32> to vector<16xf32>
        %swap3A_335 = vector.shape_cast %mul3A_329 : vector<16xf32> to vector<1x1x16xf32>
        tpu.vector_store %arg11[%swap3A_330, %swap3A_331, %swap3A_332], %swap3A_335 {strides = array<i32>} : memref<2x128x80xf32, #tpu.memory_space<vmem>>, vector<1x1x16xf32>,
        %get3A_336 = arith.constant 1 : i32
        %get3A_337 = arith.index_cast %get3A_336 : i32 to index
        %get3A_338 = arith.index_cast %scan3A_317 : i32 to index
        %get3A_339 = arith.constant 16 : index
        %get3A_340 = tpu.vector_load %arg11[%get3A_337, %get3A_338, %get3A_339] {strides = array<i32>} : memref<2x128x80xf32, #tpu.memory_space<vmem>>, vector<1x1x16xf32>,
        %get3A_341 = vector.shape_cast %get3A_340 : vector<1x1x16xf32> to vector<16xf32>
        %get3A_342 = arith.constant 1 : i32
        %get3A_343 = arith.index_cast %get3A_342 : i32 to index
        %get3A_344 = arith.index_cast %scan3A_317 : i32 to index
        %get3A_345 = arith.constant 16 : index
        %get3A_346 = tpu.vector_load %arg12[%get3A_343, %get3A_344, %get3A_345] {strides = array<i32>} : memref<2x128x80xf32, #tpu.memory_space<vmem>>, vector<1x1x16xf32>,
        %get3A_347 = vector.shape_cast %get3A_346 : vector<1x1x16xf32> to vector<16xf32>
        %mul3A_348 = arith.mulf %get3A_341, %get3A_347 : vector<16xf32>
        %swap3A_349 = arith.constant 1 : i32
        %swap3A_350 = arith.index_cast %swap3A_349 : i32 to index
        %swap3A_351 = arith.index_cast %scan3A_317 : i32 to index
        %swap3A_352 = arith.constant 16 : index
        %swap3A_353 = tpu.vector_load %arg11[%swap3A_350, %swap3A_351, %swap3A_352] {strides = array<i32>} : memref<2x128x80xf32, #tpu.memory_space<vmem>>, vector<1x1x16xf32>,
        %swap3A_354 = vector.shape_cast %swap3A_353 : vector<1x1x16xf32> to vector<16xf32>
        %swap3A_355 = vector.shape_cast %mul3A_348 : vector<16xf32> to vector<1x1x16xf32>
        tpu.vector_store %arg11[%swap3A_350, %swap3A_351, %swap3A_352], %swap3A_355 {strides = array<i32>} : memref<2x128x80xf32, #tpu.memory_space<vmem>>, vector<1x1x16xf32>,
        %get3A_356 = arith.constant 1 : i32
        %get3A_357 = arith.index_cast %get3A_356 : i32 to index
        %get3A_358 = arith.index_cast %scan3A_317 : i32 to index
        %get3A_359 = arith.constant 32 : index
        %get3A_360 = tpu.vector_load %arg11[%get3A_357, %get3A_358, %get3A_359] {strides = array<i32>} : memref<2x128x80xf32, #tpu.memory_space<vmem>>, vector<1x1x16xf32>,
        %get3A_361 = vector.shape_cast %get3A_360 : vector<1x1x16xf32> to vector<16xf32>
        %get3A_362 = arith.constant 1 : i32
        %get3A_363 = arith.index_cast %get3A_362 : i32 to index
        %get3A_364 = arith.index_cast %scan3A_317 : i32 to index
        %get3A_365 = arith.constant 32 : index
        %get3A_366 = tpu.vector_load %arg12[%get3A_363, %get3A_364, %get3A_365] {strides = array<i32>} : memref<2x128x80xf32, #tpu.memory_space<vmem>>, vector<1x1x16xf32>,
        %get3A_367 = vector.shape_cast %get3A_366 : vector<1x1x16xf32> to vector<16xf32>
        %mul3A_368 = arith.mulf %get3A_361, %get3A_367 : vector<16xf32>
        %swap3A_369 = arith.constant 1 : i32
        %swap3A_370 = arith.index_cast %swap3A_369 : i32 to index
        %swap3A_371 = arith.index_cast %scan3A_317 : i32 to index
        %swap3A_372 = arith.constant 32 : index
        %swap3A_373 = tpu.vector_load %arg11[%swap3A_370, %swap3A_371, %swap3A_372] {strides = array<i32>} : memref<2x128x80xf32, #tpu.memory_space<vmem>>, vector<1x1x16xf32>,
        %swap3A_374 = vector.shape_cast %swap3A_373 : vector<1x1x16xf32> to vector<16xf32>
        %swap3A_375 = vector.shape_cast %mul3A_368 : vector<16xf32> to vector<1x1x16xf32>
        tpu.vector_store %arg11[%swap3A_370, %swap3A_371, %swap3A_372], %swap3A_375 {strides = array<i32>} : memref<2x128x80xf32, #tpu.memory_space<vmem>>, vector<1x1x16xf32>,
        %get3A_376 = arith.constant 1 : i32
        %get3A_377 = arith.index_cast %get3A_376 : i32 to index
        %get3A_378 = arith.index_cast %scan3A_317 : i32 to index
        %get3A_379 = arith.constant 48 : index
        %get3A_380 = tpu.vector_load %arg11[%get3A_377, %get3A_378, %get3A_379] {strides = array<i32>} : memref<2x128x80xf32, #tpu.memory_space<vmem>>, vector<1x1x16xf32>,
        %get3A_381 = vector.shape_cast %get3A_380 : vector<1x1x16xf32> to vector<16xf32>
        %get3A_382 = arith.constant 1 : i32
        %get3A_383 = arith.index_cast %get3A_382 : i32 to index
        %get3A_384 = arith.index_cast %scan3A_317 : i32 to index
        %get3A_385 = arith.constant 48 : index
        %get3A_386 = tpu.vector_load %arg12[%get3A_383, %get3A_384, %get3A_385] {strides = array<i32>} : memref<2x128x80xf32, #tpu.memory_space<vmem>>, vector<1x1x16xf32>,
        %get3A_387 = vector.shape_cast %get3A_386 : vector<1x1x16xf32> to vector<16xf32>
        %mul3A_388 = arith.mulf %get3A_381, %get3A_387 : vector<16xf32>
        %swap3A_389 = arith.constant 1 : i32
        %swap3A_390 = arith.index_cast %swap3A_389 : i32 to index
        %swap3A_391 = arith.index_cast %scan3A_317 : i32 to index
        %swap3A_392 = arith.constant 48 : index
        %swap3A_393 = tpu.vector_load %arg11[%swap3A_390, %swap3A_391, %swap3A_392] {strides = array<i32>} : memref<2x128x80xf32, #tpu.memory_space<vmem>>, vector<1x1x16xf32>,
        %swap3A_394 = vector.shape_cast %swap3A_393 : vector<1x1x16xf32> to vector<16xf32>
        %swap3A_395 = vector.shape_cast %mul3A_388 : vector<16xf32> to vector<1x1x16xf32>
        tpu.vector_store %arg11[%swap3A_390, %swap3A_391, %swap3A_392], %swap3A_395 {strides = array<i32>} : memref<2x128x80xf32, #tpu.memory_space<vmem>>, vector<1x1x16xf32>,
        %get3A_396 = arith.constant 1 : i32
        %get3A_397 = arith.index_cast %get3A_396 : i32 to index
        %get3A_398 = arith.index_cast %scan3A_317 : i32 to index
        %get3A_399 = arith.constant 64 : index
        %get3A_400 = tpu.vector_load %arg11[%get3A_397, %get3A_398, %get3A_399] {strides = array<i32>} : memref<2x128x80xf32, #tpu.memory_space<vmem>>, vector<1x1x16xf32>,
        %get3A_401 = vector.shape_cast %get3A_400 : vector<1x1x16xf32> to vector<16xf32>
        %get3A_402 = arith.constant 1 : i32
        %get3A_403 = arith.index_cast %get3A_402 : i32 to index
        %get3A_404 = arith.index_cast %scan3A_317 : i32 to index
        %get3A_405 = arith.constant 64 : index
        %get3A_406 = tpu.vector_load %arg12[%get3A_403, %get3A_404, %get3A_405] {strides = array<i32>} : memref<2x128x80xf32, #tpu.memory_space<vmem>>, vector<1x1x16xf32>,
        %get3A_407 = vector.shape_cast %get3A_406 : vector<1x1x16xf32> to vector<16xf32>
        %mul3A_408 = arith.mulf %get3A_401, %get3A_407 : vector<16xf32>
        %swap3A_409 = arith.constant 1 : i32
        %swap3A_410 = arith.index_cast %swap3A_409 : i32 to index
        %swap3A_411 = arith.index_cast %scan3A_317 : i32 to index
        %swap3A_412 = arith.constant 64 : index
        %swap3A_413 = tpu.vector_load %arg11[%swap3A_410, %swap3A_411, %swap3A_412] {strides = array<i32>} : memref<2x128x80xf32, #tpu.memory_space<vmem>>, vector<1x1x16xf32>,
        %swap3A_414 = vector.shape_cast %swap3A_413 : vector<1x1x16xf32> to vector<16xf32>
        %swap3A_415 = vector.shape_cast %mul3A_408 : vector<16xf32> to vector<1x1x16xf32>
        tpu.vector_store %arg11[%swap3A_410, %swap3A_411, %swap3A_412], %swap3A_415 {strides = array<i32>} : memref<2x128x80xf32, #tpu.memory_space<vmem>>, vector<1x1x16xf32>,
      }
      %scan3A_308 = arith.constant 128 : i32
      %run_scoped3A_309 = arith.constant 1 : i32
      "tpu.region"() ({
        %run_scoped3A_317 = tpu.sem_alloc : memref<!tpu.dma_semaphore, #tpu.memory_space<semaphore_mem>>
        %dma_start3A_318 = arith.constant 0 : i32
        %dma_start3A_319 = arith.constant 0 : i32
        %dma_start3A_320 = tpu.memref_slice %arg11[%run_scoped3A_309, %dma_start3A_318, %dma_start3A_319] : memref<2x128x80xf32, #tpu.memory_space<vmem>> -> memref<1x128x80xf32, #tpu.memory_space<vmem>>
        %dma_start3A_321 = tpu.memref_squeeze %dma_start3A_320 : memref<1x128x80xf32, #tpu.memory_space<vmem>> -> memref<128x80xf32, #tpu.memory_space<vmem>>
        %dma_start3A_322 = arith.constant 0 : i32
        %dma_start3A_323 = arith.constant 0 : i32
        %dma_start3A_324 = tpu.memref_slice %arg19[%dma_start3A_322, %dma_start3A_323] : memref<10240x80xf32, #tpu.memory_space<vmem_shared>> -> memref<10240x80xf32, #tpu.memory_space<vmem_shared>>
        tpu.enqueue_indirect_dma source(%dma_start3A_321 : memref<128x80xf32, #tpu.memory_space<vmem>>) target(%dma_start3A_324 : memref<10240x80xf32, #tpu.memory_space<vmem_shared>>) offsets(%arg10 : memref<128xi32, #tpu.memory_space<vmem>>) semaphore(%run_scoped3A_317 : memref<!tpu.dma_semaphore, #tpu.memory_space<semaphore_mem>>) {add = true}
        %dma_wait3A_325 = arith.constant 0 : i32
        %dma_wait3A_326 = arith.constant 0 : i32
        %dma_wait3A_327 = tpu.memref_slice %arg11[%run_scoped3A_309, %dma_wait3A_325, %dma_wait3A_326] : memref<2x128x80xf32, #tpu.memory_space<vmem>> -> memref<1x128x80xf32, #tpu.memory_space<vmem>>
        %dma_wait3A_328 = tpu.memref_squeeze %dma_wait3A_327 : memref<1x128x80xf32, #tpu.memory_space<vmem>> -> memref<128x80xf32, #tpu.memory_space<vmem>>
        %dma_wait3A_329 = arith.constant 0 : i32
        %dma_wait3A_330 = arith.constant 0 : i32
        %dma_wait3A_331 = tpu.memref_slice %arg19[%dma_wait3A_329, %dma_wait3A_330] : memref<10240x80xf32, #tpu.memory_space<vmem_shared>> -> memref<10240x80xf32, #tpu.memory_space<vmem_shared>>
        tpu.wait_indirect_dma semaphore(%run_scoped3A_317 : memref<!tpu.dma_semaphore, #tpu.memory_space<semaphore_mem>>) src(%dma_wait3A_328 : memref<128x80xf32, #tpu.memory_space<vmem>>) dst(%dma_wait3A_331 : memref<10240x80xf32, #tpu.memory_space<vmem_shared>>)
        tpu.yield
      }) : () -> ()
      %add3A_310 = arith.constant 2 : i32
      %add3A_311 = arith.addi %add3A_270, %add3A_310 : i32
      %lt3A_312 = arith.constant 160 : i32
      %lt3A_313 = arith.cmpi slt, %add3A_311, %lt3A_312 : i32
      %convert_element_type3A_314 = arith.extui %lt3A_313 : i1 to i32
      %cond3A_315 = arith.constant 0 : i32
      %cond3A_316 = arith.cmpi ne, %convert_element_type3A_314, %cond3A_315 : i32
      scf.if %cond3A_316 {
        %add3A_317 = arith.constant 2 : i32
        %add3A_318 = arith.addi %add3A_270, %add3A_317 : i32
        %dma_start3A_319 = arith.constant 0 : i32
        %dma_start3A_320 = tpu.memref_slice %arg2[%add3A_3, %arg1, %add3A_318, %dma_start3A_319] : memref<4x16x160x128xi32, #tpu.memory_space<hbm>> -> memref<1x1x1x128xi32, #tpu.memory_space<hbm>>
        %dma_start3A_321 = tpu.memref_squeeze %dma_start3A_320 : memref<1x1x1x128xi32, #tpu.memory_space<hbm>> -> memref<128xi32, #tpu.memory_space<hbm>>
        %dma_start3A_322 = arith.constant 0 : i32
        %dma_start3A_323 = tpu.memref_slice %arg2[%add3A_3, %arg1, %add3A_318, %dma_start3A_322] : memref<4x16x160x128xi32, #tpu.memory_space<hbm>> -> memref<1x1x1x128xi32, #tpu.memory_space<hbm>>
        %dma_start3A_324 = tpu.memref_squeeze %dma_start3A_323 : memref<1x1x1x128xi32, #tpu.memory_space<hbm>> -> memref<128xi32, #tpu.memory_space<hbm>>
        tpu.enqueue_dma source(%dma_start3A_324 : memref<128xi32, #tpu.memory_space<hbm>>) target(%arg8 : memref<128xi32, #tpu.memory_space<vmem>>) target_semaphore(%arg18 : memref<!tpu.dma_semaphore, #tpu.memory_space<semaphore_mem>>)
        %dma_start3A_325 = arith.constant 0 : i32
        %dma_start3A_326 = tpu.memref_slice %arg3[%arg1, %add3A_318, %dma_start3A_325] : memref<16x160x128xi32, #tpu.memory_space<hbm>> -> memref<1x1x128xi32, #tpu.memory_space<hbm>>
        %dma_start3A_327 = tpu.memref_squeeze %dma_start3A_326 : memref<1x1x128xi32, #tpu.memory_space<hbm>> -> memref<128xi32, #tpu.memory_space<hbm>>
        %dma_start3A_328 = arith.constant 0 : i32
        %dma_start3A_329 = tpu.memref_slice %arg3[%arg1, %add3A_318, %dma_start3A_328] : memref<16x160x128xi32, #tpu.memory_space<hbm>> -> memref<1x1x128xi32, #tpu.memory_space<hbm>>
        %dma_start3A_330 = tpu.memref_squeeze %dma_start3A_329 : memref<1x1x128xi32, #tpu.memory_space<hbm>> -> memref<128xi32, #tpu.memory_space<hbm>>
        tpu.enqueue_dma source(%dma_start3A_330 : memref<128xi32, #tpu.memory_space<hbm>>) target(%arg10 : memref<128xi32, #tpu.memory_space<vmem>>) target_semaphore(%arg18 : memref<!tpu.dma_semaphore, #tpu.memory_space<semaphore_mem>>)
      } else {
      }
    }
    %scan3A_76 = arith.constant 80 : i32
    %barrier3A_77 = arith.constant 0 : index
    tpu.barrier barrier_id(%barrier3A_77)
    %mul3A_78 = arith.constant 640 : i32
    %mul3A_79 = arith.muli %arg1, %mul3A_78 : i32
    %add3A_80 = arith.constant 0 : i32
    %add3A_81 = arith.addi %mul3A_79, %add3A_80 : i32
    %run_scoped3A_82 = arith.constant 0 : i32
    "tpu.region"() ({
      %run_scoped3A_220 = tpu.sem_alloc : memref<!tpu.dma_semaphore, #tpu.memory_space<semaphore_mem>>
      %dma_start3A_221 = arith.constant 0 : i32
      %dma_start3A_222 = arith.constant 0 : i32
      %dma_start3A_223 = tpu.memref_slice %arg11[%run_scoped3A_82, %dma_start3A_221, %dma_start3A_222] : memref<2x128x80xf32, #tpu.memory_space<vmem>> -> memref<1x128x80xf32, #tpu.memory_space<vmem>>
      %dma_start3A_224 = tpu.memref_squeeze %dma_start3A_223 : memref<1x128x80xf32, #tpu.memory_space<vmem>> -> memref<128x80xf32, #tpu.memory_space<vmem>>
      %dma_start3A_225 = arith.constant 0 : i32
      %dma_start3A_226 = tpu.memref_slice %arg19[%add3A_81, %dma_start3A_225] : memref<10240x80xf32, #tpu.memory_space<vmem_shared>> -> memref<128x80xf32, #tpu.memory_space<vmem_shared>>
      %dma_start3A_227 = arith.constant 0 : i32
      %dma_start3A_228 = arith.constant 0 : i32
      %dma_start3A_229 = tpu.memref_slice %arg11[%run_scoped3A_82, %dma_start3A_227, %dma_start3A_228] : memref<2x128x80xf32, #tpu.memory_space<vmem>> -> memref<1x128x80xf32, #tpu.memory_space<vmem>>
      %dma_start3A_230 = tpu.memref_squeeze %dma_start3A_229 : memref<1x128x80xf32, #tpu.memory_space<vmem>> -> memref<128x80xf32, #tpu.memory_space<vmem>>
      %dma_start3A_231 = arith.constant 0 : i32
      %dma_start3A_232 = tpu.memref_slice %arg19[%add3A_81, %dma_start3A_231] : memref<10240x80xf32, #tpu.memory_space<vmem_shared>> -> memref<128x80xf32, #tpu.memory_space<vmem_shared>>
      tpu.enqueue_dma source(%dma_start3A_232 : memref<128x80xf32, #tpu.memory_space<vmem_shared>>) target(%dma_start3A_230 : memref<128x80xf32, #tpu.memory_space<vmem>>) target_semaphore(%run_scoped3A_220 : memref<!tpu.dma_semaphore, #tpu.memory_space<semaphore_mem>>)
      %dma_wait3A = arith.constant 0 : i32
      %dma_wait3A_233 = arith.constant 0 : i32
      %dma_wait3A_234 = tpu.memref_slice %arg11[%run_scoped3A_82, %dma_wait3A, %dma_wait3A_233] : memref<2x128x80xf32, #tpu.memory_space<vmem>> -> memref<1x128x80xf32, #tpu.memory_space<vmem>>
      %dma_wait3A_235 = tpu.memref_squeeze %dma_wait3A_234 : memref<1x128x80xf32, #tpu.memory_space<vmem>> -> memref<128x80xf32, #tpu.memory_space<vmem>>
      %dma_wait3A_236 = arith.constant 0 : i32
      %dma_wait3A_237 = tpu.memref_slice %arg19[%add3A_81, %dma_wait3A_236] : memref<10240x80xf32, #tpu.memory_space<vmem_shared>> -> memref<128x80xf32, #tpu.memory_space<vmem_shared>>
      %dma_wait3A_238 = arith.constant 0 : i32
      %dma_wait3A_239 = arith.constant 0 : i32
      %dma_wait3A_240 = tpu.memref_slice %arg11[%run_scoped3A_82, %dma_wait3A_238, %dma_wait3A_239] : memref<2x128x80xf32, #tpu.memory_space<vmem>> -> memref<1x128x80xf32, #tpu.memory_space<vmem>>
      %dma_wait3A_241 = tpu.memref_squeeze %dma_wait3A_240 : memref<1x128x80xf32, #tpu.memory_space<vmem>> -> memref<128x80xf32, #tpu.memory_space<vmem>>
      %dma_wait3A_242 = arith.constant 0 : i32
      %dma_wait3A_243 = tpu.memref_slice %arg19[%add3A_81, %dma_wait3A_242] : memref<10240x80xf32, #tpu.memory_space<vmem_shared>> -> memref<128x80xf32, #tpu.memory_space<vmem_shared>>
      tpu.wait_dma2 semaphore(%run_scoped3A_220 : memref<!tpu.dma_semaphore, #tpu.memory_space<semaphore_mem>>) src(%dma_wait3A_243 : memref<128x80xf32, #tpu.memory_space<vmem_shared>>) dst(%dma_wait3A_241 : memref<128x80xf32, #tpu.memory_space<vmem>>)
      tpu.yield
    }) : () -> ()
    %run_scoped3A_83 = arith.constant 0 : i32
    "tpu.region"() ({
      %run_scoped3A_220 = tpu.sem_alloc : memref<!tpu.dma_semaphore, #tpu.memory_space<semaphore_mem>>
      %dma_start3A_221 = arith.constant 0 : i32
      %dma_start3A_222 = arith.constant 0 : i32
      %dma_start3A_223 = tpu.memref_slice %arg11[%run_scoped3A_83, %dma_start3A_221, %dma_start3A_222] : memref<2x128x80xf32, #tpu.memory_space<vmem>> -> memref<1x128x80xf32, #tpu.memory_space<vmem>>
      %dma_start3A_224 = tpu.memref_squeeze %dma_start3A_223 : memref<1x128x80xf32, #tpu.memory_space<vmem>> -> memref<128x80xf32, #tpu.memory_space<vmem>>
      %dma_start3A_225 = arith.constant 0 : i32
      %dma_start3A_226 = tpu.memref_slice %arg6[%add3A_3, %add3A_81, %dma_start3A_225] : memref<4x10240x80xf32, #tpu.memory_space<hbm>> -> memref<1x128x80xf32, #tpu.memory_space<hbm>>
      %dma_start3A_227 = tpu.memref_squeeze %dma_start3A_226 : memref<1x128x80xf32, #tpu.memory_space<hbm>> -> memref<128x80xf32, #tpu.memory_space<hbm>>
      %dma_start3A_228 = arith.constant 0 : i32
      %dma_start3A_229 = tpu.memref_slice %arg6[%add3A_3, %add3A_81, %dma_start3A_228] : memref<4x10240x80xf32, #tpu.memory_space<hbm>> -> memref<1x128x80xf32, #tpu.memory_space<hbm>>
      %dma_start3A_230 = tpu.memref_squeeze %dma_start3A_229 : memref<1x128x80xf32, #tpu.memory_space<hbm>> -> memref<128x80xf32, #tpu.memory_space<hbm>>
      %dma_start3A_231 = arith.constant 0 : i32
      %dma_start3A_232 = arith.constant 0 : i32
      %dma_start3A_233 = tpu.memref_slice %arg11[%run_scoped3A_83, %dma_start3A_231, %dma_start3A_232] : memref<2x128x80xf32, #tpu.memory_space<vmem>> -> memref<1x128x80xf32, #tpu.memory_space<vmem>>
      %dma_start3A_234 = tpu.memref_squeeze %dma_start3A_233 : memref<1x128x80xf32, #tpu.memory_space<vmem>> -> memref<128x80xf32, #tpu.memory_space<vmem>>
      tpu.enqueue_dma source(%dma_start3A_234 : memref<128x80xf32, #tpu.memory_space<vmem>>) target(%dma_start3A_230 : memref<128x80xf32, #tpu.memory_space<hbm>>) target_semaphore(%run_scoped3A_220 : memref<!tpu.dma_semaphore, #tpu.memory_space<semaphore_mem>>)
      %dma_wait3A = arith.constant 0 : i32
      %dma_wait3A_235 = arith.constant 0 : i32
      %dma_wait3A_236 = tpu.memref_slice %arg11[%run_scoped3A_83, %dma_wait3A, %dma_wait3A_235] : memref<2x128x80xf32, #tpu.memory_space<vmem>> -> memref<1x128x80xf32, #tpu.memory_space<vmem>>
      %dma_wait3A_237 = tpu.memref_squeeze %dma_wait3A_236 : memref<1x128x80xf32, #tpu.memory_space<vmem>> -> memref<128x80xf32, #tpu.memory_space<vmem>>
      %dma_wait3A_238 = arith.constant 0 : i32
      %dma_wait3A_239 = tpu.memref_slice %arg6[%add3A_3, %add3A_81, %dma_wait3A_238] : memref<4x10240x80xf32, #tpu.memory_space<hbm>> -> memref<1x128x80xf32, #tpu.memory_space<hbm>>
      %dma_wait3A_240 = tpu.memref_squeeze %dma_wait3A_239 : memref<1x128x80xf32, #tpu.memory_space<hbm>> -> memref<128x80xf32, #tpu.memory_space<hbm>>
      %dma_wait3A_241 = arith.constant 0 : i32
      %dma_wait3A_242 = tpu.memref_slice %arg6[%add3A_3, %add3A_81, %dma_wait3A_241] : memref<4x10240x80xf32, #tpu.memory_space<hbm>> -> memref<1x128x80xf32, #tpu.memory_space<hbm>>
      %dma_wait3A_243 = tpu.memref_squeeze %dma_wait3A_242 : memref<1x128x80xf32, #tpu.memory_space<hbm>> -> memref<128x80xf32, #tpu.memory_space<hbm>>
      %dma_wait3A_244 = arith.constant 0 : i32
      %dma_wait3A_245 = arith.constant 0 : i32
      %dma_wait3A_246 = tpu.memref_slice %arg11[%run_scoped3A_83, %dma_wait3A_244, %dma_wait3A_245] : memref<2x128x80xf32, #tpu.memory_space<vmem>> -> memref<1x128x80xf32, #tpu.memory_space<vmem>>
      %dma_wait3A_247 = tpu.memref_squeeze %dma_wait3A_246 : memref<1x128x80xf32, #tpu.memory_space<vmem>> -> memref<128x80xf32, #tpu.memory_space<vmem>>
      tpu.wait_dma2 semaphore(%run_scoped3A_220 : memref<!tpu.dma_semaphore, #tpu.memory_space<semaphore_mem>>) src(%dma_wait3A_247 : memref<128x80xf32, #tpu.memory_space<vmem>>) dst(%dma_wait3A_243 : memref<128x80xf32, #tpu.memory_space<hbm>>)
      tpu.yield
    }) : () -> ()
    %mul3A_84 = arith.constant 640 : i32
    %mul3A_85 = arith.muli %arg1, %mul3A_84 : i32
    %add3A_86 = arith.constant 128 : i32
    %add3A_87 = arith.addi %mul3A_85, %add3A_86 : i32
    %run_scoped3A_88 = arith.constant 0 : i32
    "tpu.region"() ({
      %run_scoped3A_220 = tpu.sem_alloc : memref<!tpu.dma_semaphore, #tpu.memory_space<semaphore_mem>>
      %dma_start3A_221 = arith.constant 0 : i32
      %dma_start3A_222 = arith.constant 0 : i32
      %dma_start3A_223 = tpu.memref_slice %arg11[%run_scoped3A_88, %dma_start3A_221, %dma_start3A_222] : memref<2x128x80xf32, #tpu.memory_space<vmem>> -> memref<1x128x80xf32, #tpu.memory_space<vmem>>
      %dma_start3A_224 = tpu.memref_squeeze %dma_start3A_223 : memref<1x128x80xf32, #tpu.memory_space<vmem>> -> memref<128x80xf32, #tpu.memory_space<vmem>>
      %dma_start3A_225 = arith.constant 0 : i32
      %dma_start3A_226 = tpu.memref_slice %arg19[%add3A_87, %dma_start3A_225] : memref<10240x80xf32, #tpu.memory_space<vmem_shared>> -> memref<128x80xf32, #tpu.memory_space<vmem_shared>>
      %dma_start3A_227 = arith.constant 0 : i32
      %dma_start3A_228 = arith.constant 0 : i32
      %dma_start3A_229 = tpu.memref_slice %arg11[%run_scoped3A_88, %dma_start3A_227, %dma_start3A_228] : memref<2x128x80xf32, #tpu.memory_space<vmem>> -> memref<1x128x80xf32, #tpu.memory_space<vmem>>
      %dma_start3A_230 = tpu.memref_squeeze %dma_start3A_229 : memref<1x128x80xf32, #tpu.memory_space<vmem>> -> memref<128x80xf32, #tpu.memory_space<vmem>>
      %dma_start3A_231 = arith.constant 0 : i32
      %dma_start3A_232 = tpu.memref_slice %arg19[%add3A_87, %dma_start3A_231] : memref<10240x80xf32, #tpu.memory_space<vmem_shared>> -> memref<128x80xf32, #tpu.memory_space<vmem_shared>>
      tpu.enqueue_dma source(%dma_start3A_232 : memref<128x80xf32, #tpu.memory_space<vmem_shared>>) target(%dma_start3A_230 : memref<128x80xf32, #tpu.memory_space<vmem>>) target_semaphore(%run_scoped3A_220 : memref<!tpu.dma_semaphore, #tpu.memory_space<semaphore_mem>>)
      %dma_wait3A = arith.constant 0 : i32
      %dma_wait3A_233 = arith.constant 0 : i32
      %dma_wait3A_234 = tpu.memref_slice %arg11[%run_scoped3A_88, %dma_wait3A, %dma_wait3A_233] : memref<2x128x80xf32, #tpu.memory_space<vmem>> -> memref<1x128x80xf32, #tpu.memory_space<vmem>>
      %dma_wait3A_235 = tpu.memref_squeeze %dma_wait3A_234 : memref<1x128x80xf32, #tpu.memory_space<vmem>> -> memref<128x80xf32, #tpu.memory_space<vmem>>
      %dma_wait3A_236 = arith.constant 0 : i32
      %dma_wait3A_237 = tpu.memref_slice %arg19[%add3A_87, %dma_wait3A_236] : memref<10240x80xf32, #tpu.memory_space<vmem_shared>> -> memref<128x80xf32, #tpu.memory_space<vmem_shared>>
      %dma_wait3A_238 = arith.constant 0 : i32
      %dma_wait3A_239 = arith.constant 0 : i32
      %dma_wait3A_240 = tpu.memref_slice %arg11[%run_scoped3A_88, %dma_wait3A_238, %dma_wait3A_239] : memref<2x128x80xf32, #tpu.memory_space<vmem>> -> memref<1x128x80xf32, #tpu.memory_space<vmem>>
      %dma_wait3A_241 = tpu.memref_squeeze %dma_wait3A_240 : memref<1x128x80xf32, #tpu.memory_space<vmem>> -> memref<128x80xf32, #tpu.memory_space<vmem>>
      %dma_wait3A_242 = arith.constant 0 : i32
      %dma_wait3A_243 = tpu.memref_slice %arg19[%add3A_87, %dma_wait3A_242] : memref<10240x80xf32, #tpu.memory_space<vmem_shared>> -> memref<128x80xf32, #tpu.memory_space<vmem_shared>>
      tpu.wait_dma2 semaphore(%run_scoped3A_220 : memref<!tpu.dma_semaphore, #tpu.memory_space<semaphore_mem>>) src(%dma_wait3A_243 : memref<128x80xf32, #tpu.memory_space<vmem_shared>>) dst(%dma_wait3A_241 : memref<128x80xf32, #tpu.memory_space<vmem>>)
      tpu.yield
    }) : () -> ()
    %run_scoped3A_89 = arith.constant 0 : i32
    "tpu.region"() ({
      %run_scoped3A_220 = tpu.sem_alloc : memref<!tpu.dma_semaphore, #tpu.memory_space<semaphore_mem>>
      %dma_start3A_221 = arith.constant 0 : i32
      %dma_start3A_222 = arith.constant 0 : i32
      %dma_start3A_223 = tpu.memref_slice %arg11[%run_scoped3A_89, %dma_start3A_221, %dma_start3A_222] : memref<2x128x80xf32, #tpu.memory_space<vmem>> -> memref<1x128x80xf32, #tpu.memory_space<vmem>>
      %dma_start3A_224 = tpu.memref_squeeze %dma_start3A_223 : memref<1x128x80xf32, #tpu.memory_space<vmem>> -> memref<128x80xf32, #tpu.memory_space<vmem>>
      %dma_start3A_225 = arith.constant 0 : i32
      %dma_start3A_226 = tpu.memref_slice %arg6[%add3A_3, %add3A_87, %dma_start3A_225] : memref<4x10240x80xf32, #tpu.memory_space<hbm>> -> memref<1x128x80xf32, #tpu.memory_space<hbm>>
      %dma_start3A_227 = tpu.memref_squeeze %dma_start3A_226 : memref<1x128x80xf32, #tpu.memory_space<hbm>> -> memref<128x80xf32, #tpu.memory_space<hbm>>
      %dma_start3A_228 = arith.constant 0 : i32
      %dma_start3A_229 = tpu.memref_slice %arg6[%add3A_3, %add3A_87, %dma_start3A_228] : memref<4x10240x80xf32, #tpu.memory_space<hbm>> -> memref<1x128x80xf32, #tpu.memory_space<hbm>>
      %dma_start3A_230 = tpu.memref_squeeze %dma_start3A_229 : memref<1x128x80xf32, #tpu.memory_space<hbm>> -> memref<128x80xf32, #tpu.memory_space<hbm>>
      %dma_start3A_231 = arith.constant 0 : i32
      %dma_start3A_232 = arith.constant 0 : i32
      %dma_start3A_233 = tpu.memref_slice %arg11[%run_scoped3A_89, %dma_start3A_231, %dma_start3A_232] : memref<2x128x80xf32, #tpu.memory_space<vmem>> -> memref<1x128x80xf32, #tpu.memory_space<vmem>>
      %dma_start3A_234 = tpu.memref_squeeze %dma_start3A_233 : memref<1x128x80xf32, #tpu.memory_space<vmem>> -> memref<128x80xf32, #tpu.memory_space<vmem>>
      tpu.enqueue_dma source(%dma_start3A_234 : memref<128x80xf32, #tpu.memory_space<vmem>>) target(%dma_start3A_230 : memref<128x80xf32, #tpu.memory_space<hbm>>) target_semaphore(%run_scoped3A_220 : memref<!tpu.dma_semaphore, #tpu.memory_space<semaphore_mem>>)
      %dma_wait3A = arith.constant 0 : i32
      %dma_wait3A_235 = arith.constant 0 : i32
      %dma_wait3A_236 = tpu.memref_slice %arg11[%run_scoped3A_89, %dma_wait3A, %dma_wait3A_235] : memref<2x128x80xf32, #tpu.memory_space<vmem>> -> memref<1x128x80xf32, #tpu.memory_space<vmem>>
      %dma_wait3A_237 = tpu.memref_squeeze %dma_wait3A_236 : memref<1x128x80xf32, #tpu.memory_space<vmem>> -> memref<128x80xf32, #tpu.memory_space<vmem>>
      %dma_wait3A_238 = arith.constant 0 : i32
      %dma_wait3A_239 = tpu.memref_slice %arg6[%add3A_3, %add3A_87, %dma_wait3A_238] : memref<4x10240x80xf32, #tpu.memory_space<hbm>> -> memref<1x128x80xf32, #tpu.memory_space<hbm>>
      %dma_wait3A_240 = tpu.memref_squeeze %dma_wait3A_239 : memref<1x128x80xf32, #tpu.memory_space<hbm>> -> memref<128x80xf32, #tpu.memory_space<hbm>>
      %dma_wait3A_241 = arith.constant 0 : i32
      %dma_wait3A_242 = tpu.memref_slice %arg6[%add3A_3, %add3A_87, %dma_wait3A_241] : memref<4x10240x80xf32, #tpu.memory_space<hbm>> -> memref<1x128x80xf32, #tpu.memory_space<hbm>>
      %dma_wait3A_243 = tpu.memref_squeeze %dma_wait3A_242 : memref<1x128x80xf32, #tpu.memory_space<hbm>> -> memref<128x80xf32, #tpu.memory_space<hbm>>
      %dma_wait3A_244 = arith.constant 0 : i32
      %dma_wait3A_245 = arith.constant 0 : i32
      %dma_wait3A_246 = tpu.memref_slice %arg11[%run_scoped3A_89, %dma_wait3A_244, %dma_wait3A_245] : memref<2x128x80xf32, #tpu.memory_space<vmem>> -> memref<1x128x80xf32, #tpu.memory_space<vmem>>
      %dma_wait3A_247 = tpu.memref_squeeze %dma_wait3A_246 : memref<1x128x80xf32, #tpu.memory_space<vmem>> -> memref<128x80xf32, #tpu.memory_space<vmem>>
      tpu.wait_dma2 semaphore(%run_scoped3A_220 : memref<!tpu.dma_semaphore, #tpu.memory_space<semaphore_mem>>) src(%dma_wait3A_247 : memref<128x80xf32, #tpu.memory_space<vmem>>) dst(%dma_wait3A_243 : memref<128x80xf32, #tpu.memory_space<hbm>>)
      tpu.yield
    }) : () -> ()
    %mul3A_90 = arith.constant 640 : i32
    %mul3A_91 = arith.muli %arg1, %mul3A_90 : i32
    %add3A_92 = arith.constant 256 : i32
    %add3A_93 = arith.addi %mul3A_91, %add3A_92 : i32
    %run_scoped3A_94 = arith.constant 0 : i32
    "tpu.region"() ({
      %run_scoped3A_220 = tpu.sem_alloc : memref<!tpu.dma_semaphore, #tpu.memory_space<semaphore_mem>>
      %dma_start3A_221 = arith.constant 0 : i32
      %dma_start3A_222 = arith.constant 0 : i32
      %dma_start3A_223 = tpu.memref_slice %arg11[%run_scoped3A_94, %dma_start3A_221, %dma_start3A_222] : memref<2x128x80xf32, #tpu.memory_space<vmem>> -> memref<1x128x80xf32, #tpu.memory_space<vmem>>
      %dma_start3A_224 = tpu.memref_squeeze %dma_start3A_223 : memref<1x128x80xf32, #tpu.memory_space<vmem>> -> memref<128x80xf32, #tpu.memory_space<vmem>>
      %dma_start3A_225 = arith.constant 0 : i32
      %dma_start3A_226 = tpu.memref_slice %arg19[%add3A_93, %dma_start3A_225] : memref<10240x80xf32, #tpu.memory_space<vmem_shared>> -> memref<128x80xf32, #tpu.memory_space<vmem_shared>>
      %dma_start3A_227 = arith.constant 0 : i32
      %dma_start3A_228 = arith.constant 0 : i32
      %dma_start3A_229 = tpu.memref_slice %arg11[%run_scoped3A_94, %dma_start3A_227, %dma_start3A_228] : memref<2x128x80xf32, #tpu.memory_space<vmem>> -> memref<1x128x80xf32, #tpu.memory_space<vmem>>
      %dma_start3A_230 = tpu.memref_squeeze %dma_start3A_229 : memref<1x128x80xf32, #tpu.memory_space<vmem>> -> memref<128x80xf32, #tpu.memory_space<vmem>>
      %dma_start3A_231 = arith.constant 0 : i32
      %dma_start3A_232 = tpu.memref_slice %arg19[%add3A_93, %dma_start3A_231] : memref<10240x80xf32, #tpu.memory_space<vmem_shared>> -> memref<128x80xf32, #tpu.memory_space<vmem_shared>>
      tpu.enqueue_dma source(%dma_start3A_232 : memref<128x80xf32, #tpu.memory_space<vmem_shared>>) target(%dma_start3A_230 : memref<128x80xf32, #tpu.memory_space<vmem>>) target_semaphore(%run_scoped3A_220 : memref<!tpu.dma_semaphore, #tpu.memory_space<semaphore_mem>>)
      %dma_wait3A = arith.constant 0 : i32
      %dma_wait3A_233 = arith.constant 0 : i32
      %dma_wait3A_234 = tpu.memref_slice %arg11[%run_scoped3A_94, %dma_wait3A, %dma_wait3A_233] : memref<2x128x80xf32, #tpu.memory_space<vmem>> -> memref<1x128x80xf32, #tpu.memory_space<vmem>>
      %dma_wait3A_235 = tpu.memref_squeeze %dma_wait3A_234 : memref<1x128x80xf32, #tpu.memory_space<vmem>> -> memref<128x80xf32, #tpu.memory_space<vmem>>
      %dma_wait3A_236 = arith.constant 0 : i32
      %dma_wait3A_237 = tpu.memref_slice %arg19[%add3A_93, %dma_wait3A_236] : memref<10240x80xf32, #tpu.memory_space<vmem_shared>> -> memref<128x80xf32, #tpu.memory_space<vmem_shared>>
      %dma_wait3A_238 = arith.constant 0 : i32
      %dma_wait3A_239 = arith.constant 0 : i32
      %dma_wait3A_240 = tpu.memref_slice %arg11[%run_scoped3A_94, %dma_wait3A_238, %dma_wait3A_239] : memref<2x128x80xf32, #tpu.memory_space<vmem>> -> memref<1x128x80xf32, #tpu.memory_space<vmem>>
      %dma_wait3A_241 = tpu.memref_squeeze %dma_wait3A_240 : memref<1x128x80xf32, #tpu.memory_space<vmem>> -> memref<128x80xf32, #tpu.memory_space<vmem>>
      %dma_wait3A_242 = arith.constant 0 : i32
      %dma_wait3A_243 = tpu.memref_slice %arg19[%add3A_93, %dma_wait3A_242] : memref<10240x80xf32, #tpu.memory_space<vmem_shared>> -> memref<128x80xf32, #tpu.memory_space<vmem_shared>>
      tpu.wait_dma2 semaphore(%run_scoped3A_220 : memref<!tpu.dma_semaphore, #tpu.memory_space<semaphore_mem>>) src(%dma_wait3A_243 : memref<128x80xf32, #tpu.memory_space<vmem_shared>>) dst(%dma_wait3A_241 : memref<128x80xf32, #tpu.memory_space<vmem>>)
      tpu.yield
    }) : () -> ()
    %run_scoped3A_95 = arith.constant 0 : i32
    "tpu.region"() ({
      %run_scoped3A_220 = tpu.sem_alloc : memref<!tpu.dma_semaphore, #tpu.memory_space<semaphore_mem>>
      %dma_start3A_221 = arith.constant 0 : i32
      %dma_start3A_222 = arith.constant 0 : i32
      %dma_start3A_223 = tpu.memref_slice %arg11[%run_scoped3A_95, %dma_start3A_221, %dma_start3A_222] : memref<2x128x80xf32, #tpu.memory_space<vmem>> -> memref<1x128x80xf32, #tpu.memory_space<vmem>>
      %dma_start3A_224 = tpu.memref_squeeze %dma_start3A_223 : memref<1x128x80xf32, #tpu.memory_space<vmem>> -> memref<128x80xf32, #tpu.memory_space<vmem>>
      %dma_start3A_225 = arith.constant 0 : i32
      %dma_start3A_226 = tpu.memref_slice %arg6[%add3A_3, %add3A_93, %dma_start3A_225] : memref<4x10240x80xf32, #tpu.memory_space<hbm>> -> memref<1x128x80xf32, #tpu.memory_space<hbm>>
      %dma_start3A_227 = tpu.memref_squeeze %dma_start3A_226 : memref<1x128x80xf32, #tpu.memory_space<hbm>> -> memref<128x80xf32, #tpu.memory_space<hbm>>
      %dma_start3A_228 = arith.constant 0 : i32
      %dma_start3A_229 = tpu.memref_slice %arg6[%add3A_3, %add3A_93, %dma_start3A_228] : memref<4x10240x80xf32, #tpu.memory_space<hbm>> -> memref<1x128x80xf32, #tpu.memory_space<hbm>>
      %dma_start3A_230 = tpu.memref_squeeze %dma_start3A_229 : memref<1x128x80xf32, #tpu.memory_space<hbm>> -> memref<128x80xf32, #tpu.memory_space<hbm>>
      %dma_start3A_231 = arith.constant 0 : i32
      %dma_start3A_232 = arith.constant 0 : i32
      %dma_start3A_233 = tpu.memref_slice %arg11[%run_scoped3A_95, %dma_start3A_231, %dma_start3A_232] : memref<2x128x80xf32, #tpu.memory_space<vmem>> -> memref<1x128x80xf32, #tpu.memory_space<vmem>>
      %dma_start3A_234 = tpu.memref_squeeze %dma_start3A_233 : memref<1x128x80xf32, #tpu.memory_space<vmem>> -> memref<128x80xf32, #tpu.memory_space<vmem>>
      tpu.enqueue_dma source(%dma_start3A_234 : memref<128x80xf32, #tpu.memory_space<vmem>>) target(%dma_start3A_230 : memref<128x80xf32, #tpu.memory_space<hbm>>) target_semaphore(%run_scoped3A_220 : memref<!tpu.dma_semaphore, #tpu.memory_space<semaphore_mem>>)
      %dma_wait3A = arith.constant 0 : i32
      %dma_wait3A_235 = arith.constant 0 : i32
      %dma_wait3A_236 = tpu.memref_slice %arg11[%run_scoped3A_95, %dma_wait3A, %dma_wait3A_235] : memref<2x128x80xf32, #tpu.memory_space<vmem>> -> memref<1x128x80xf32, #tpu.memory_space<vmem>>
      %dma_wait3A_237 = tpu.memref_squeeze %dma_wait3A_236 : memref<1x128x80xf32, #tpu.memory_space<vmem>> -> memref<128x80xf32, #tpu.memory_space<vmem>>
      %dma_wait3A_238 = arith.constant 0 : i32
      %dma_wait3A_239 = tpu.memref_slice %arg6[%add3A_3, %add3A_93, %dma_wait3A_238] : memref<4x10240x80xf32, #tpu.memory_space<hbm>> -> memref<1x128x80xf32, #tpu.memory_space<hbm>>
      %dma_wait3A_240 = tpu.memref_squeeze %dma_wait3A_239 : memref<1x128x80xf32, #tpu.memory_space<hbm>> -> memref<128x80xf32, #tpu.memory_space<hbm>>
      %dma_wait3A_241 = arith.constant 0 : i32
      %dma_wait3A_242 = tpu.memref_slice %arg6[%add3A_3, %add3A_93, %dma_wait3A_241] : memref<4x10240x80xf32, #tpu.memory_space<hbm>> -> memref<1x128x80xf32, #tpu.memory_space<hbm>>
      %dma_wait3A_243 = tpu.memref_squeeze %dma_wait3A_242 : memref<1x128x80xf32, #tpu.memory_space<hbm>> -> memref<128x80xf32, #tpu.memory_space<hbm>>
      %dma_wait3A_244 = arith.constant 0 : i32
      %dma_wait3A_245 = arith.constant 0 : i32
      %dma_wait3A_246 = tpu.memref_slice %arg11[%run_scoped3A_95, %dma_wait3A_244, %dma_wait3A_245] : memref<2x128x80xf32, #tpu.memory_space<vmem>> -> memref<1x128x80xf32, #tpu.memory_space<vmem>>
      %dma_wait3A_247 = tpu.memref_squeeze %dma_wait3A_246 : memref<1x128x80xf32, #tpu.memory_space<vmem>> -> memref<128x80xf32, #tpu.memory_space<vmem>>
      tpu.wait_dma2 semaphore(%run_scoped3A_220 : memref<!tpu.dma_semaphore, #tpu.memory_space<semaphore_mem>>) src(%dma_wait3A_247 : memref<128x80xf32, #tpu.memory_space<vmem>>) dst(%dma_wait3A_243 : memref<128x80xf32, #tpu.memory_space<hbm>>)
      tpu.yield
    }) : () -> ()
    %mul3A_96 = arith.constant 640 : i32
    %mul3A_97 = arith.muli %arg1, %mul3A_96 : i32
    %add3A_98 = arith.constant 384 : i32
    %add3A_99 = arith.addi %mul3A_97, %add3A_98 : i32
    %run_scoped3A_100 = arith.constant 0 : i32
    "tpu.region"() ({
      %run_scoped3A_220 = tpu.sem_alloc : memref<!tpu.dma_semaphore, #tpu.memory_space<semaphore_mem>>
      %dma_start3A_221 = arith.constant 0 : i32
      %dma_start3A_222 = arith.constant 0 : i32
      %dma_start3A_223 = tpu.memref_slice %arg11[%run_scoped3A_100, %dma_start3A_221, %dma_start3A_222] : memref<2x128x80xf32, #tpu.memory_space<vmem>> -> memref<1x128x80xf32, #tpu.memory_space<vmem>>
      %dma_start3A_224 = tpu.memref_squeeze %dma_start3A_223 : memref<1x128x80xf32, #tpu.memory_space<vmem>> -> memref<128x80xf32, #tpu.memory_space<vmem>>
      %dma_start3A_225 = arith.constant 0 : i32
      %dma_start3A_226 = tpu.memref_slice %arg19[%add3A_99, %dma_start3A_225] : memref<10240x80xf32, #tpu.memory_space<vmem_shared>> -> memref<128x80xf32, #tpu.memory_space<vmem_shared>>
      %dma_start3A_227 = arith.constant 0 : i32
      %dma_start3A_228 = arith.constant 0 : i32
      %dma_start3A_229 = tpu.memref_slice %arg11[%run_scoped3A_100, %dma_start3A_227, %dma_start3A_228] : memref<2x128x80xf32, #tpu.memory_space<vmem>> -> memref<1x128x80xf32, #tpu.memory_space<vmem>>
      %dma_start3A_230 = tpu.memref_squeeze %dma_start3A_229 : memref<1x128x80xf32, #tpu.memory_space<vmem>> -> memref<128x80xf32, #tpu.memory_space<vmem>>
      %dma_start3A_231 = arith.constant 0 : i32
      %dma_start3A_232 = tpu.memref_slice %arg19[%add3A_99, %dma_start3A_231] : memref<10240x80xf32, #tpu.memory_space<vmem_shared>> -> memref<128x80xf32, #tpu.memory_space<vmem_shared>>
      tpu.enqueue_dma source(%dma_start3A_232 : memref<128x80xf32, #tpu.memory_space<vmem_shared>>) target(%dma_start3A_230 : memref<128x80xf32, #tpu.memory_space<vmem>>) target_semaphore(%run_scoped3A_220 : memref<!tpu.dma_semaphore, #tpu.memory_space<semaphore_mem>>)
      %dma_wait3A = arith.constant 0 : i32
      %dma_wait3A_233 = arith.constant 0 : i32
      %dma_wait3A_234 = tpu.memref_slice %arg11[%run_scoped3A_100, %dma_wait3A, %dma_wait3A_233] : memref<2x128x80xf32, #tpu.memory_space<vmem>> -> memref<1x128x80xf32, #tpu.memory_space<vmem>>
      %dma_wait3A_235 = tpu.memref_squeeze %dma_wait3A_234 : memref<1x128x80xf32, #tpu.memory_space<vmem>> -> memref<128x80xf32, #tpu.memory_space<vmem>>
      %dma_wait3A_236 = arith.constant 0 : i32
      %dma_wait3A_237 = tpu.memref_slice %arg19[%add3A_99, %dma_wait3A_236] : memref<10240x80xf32, #tpu.memory_space<vmem_shared>> -> memref<128x80xf32, #tpu.memory_space<vmem_shared>>
      %dma_wait3A_238 = arith.constant 0 : i32
      %dma_wait3A_239 = arith.constant 0 : i32
      %dma_wait3A_240 = tpu.memref_slice %arg11[%run_scoped3A_100, %dma_wait3A_238, %dma_wait3A_239] : memref<2x128x80xf32, #tpu.memory_space<vmem>> -> memref<1x128x80xf32, #tpu.memory_space<vmem>>
      %dma_wait3A_241 = tpu.memref_squeeze %dma_wait3A_240 : memref<1x128x80xf32, #tpu.memory_space<vmem>> -> memref<128x80xf32, #tpu.memory_space<vmem>>
      %dma_wait3A_242 = arith.constant 0 : i32
      %dma_wait3A_243 = tpu.memref_slice %arg19[%add3A_99, %dma_wait3A_242] : memref<10240x80xf32, #tpu.memory_space<vmem_shared>> -> memref<128x80xf32, #tpu.memory_space<vmem_shared>>
      tpu.wait_dma2 semaphore(%run_scoped3A_220 : memref<!tpu.dma_semaphore, #tpu.memory_space<semaphore_mem>>) src(%dma_wait3A_243 : memref<128x80xf32, #tpu.memory_space<vmem_shared>>) dst(%dma_wait3A_241 : memref<128x80xf32, #tpu.memory_space<vmem>>)
      tpu.yield
    }) : () -> ()
    %run_scoped3A_101 = arith.constant 0 : i32
    "tpu.region"() ({
      %run_scoped3A_220 = tpu.sem_alloc : memref<!tpu.dma_semaphore, #tpu.memory_space<semaphore_mem>>
      %dma_start3A_221 = arith.constant 0 : i32
      %dma_start3A_222 = arith.constant 0 : i32
      %dma_start3A_223 = tpu.memref_slice %arg11[%run_scoped3A_101, %dma_start3A_221, %dma_start3A_222] : memref<2x128x80xf32, #tpu.memory_space<vmem>> -> memref<1x128x80xf32, #tpu.memory_space<vmem>>
      %dma_start3A_224 = tpu.memref_squeeze %dma_start3A_223 : memref<1x128x80xf32, #tpu.memory_space<vmem>> -> memref<128x80xf32, #tpu.memory_space<vmem>>
      %dma_start3A_225 = arith.constant 0 : i32
      %dma_start3A_226 = tpu.memref_slice %arg6[%add3A_3, %add3A_99, %dma_start3A_225] : memref<4x10240x80xf32, #tpu.memory_space<hbm>> -> memref<1x128x80xf32, #tpu.memory_space<hbm>>
      %dma_start3A_227 = tpu.memref_squeeze %dma_start3A_226 : memref<1x128x80xf32, #tpu.memory_space<hbm>> -> memref<128x80xf32, #tpu.memory_space<hbm>>
      %dma_start3A_228 = arith.constant 0 : i32
      %dma_start3A_229 = tpu.memref_slice %arg6[%add3A_3, %add3A_99, %dma_start3A_228] : memref<4x10240x80xf32, #tpu.memory_space<hbm>> -> memref<1x128x80xf32, #tpu.memory_space<hbm>>
      %dma_start3A_230 = tpu.memref_squeeze %dma_start3A_229 : memref<1x128x80xf32, #tpu.memory_space<hbm>> -> memref<128x80xf32, #tpu.memory_space<hbm>>
      %dma_start3A_231 = arith.constant 0 : i32
      %dma_start3A_232 = arith.constant 0 : i32
      %dma_start3A_233 = tpu.memref_slice %arg11[%run_scoped3A_101, %dma_start3A_231, %dma_start3A_232] : memref<2x128x80xf32, #tpu.memory_space<vmem>> -> memref<1x128x80xf32, #tpu.memory_space<vmem>>
      %dma_start3A_234 = tpu.memref_squeeze %dma_start3A_233 : memref<1x128x80xf32, #tpu.memory_space<vmem>> -> memref<128x80xf32, #tpu.memory_space<vmem>>
      tpu.enqueue_dma source(%dma_start3A_234 : memref<128x80xf32, #tpu.memory_space<vmem>>) target(%dma_start3A_230 : memref<128x80xf32, #tpu.memory_space<hbm>>) target_semaphore(%run_scoped3A_220 : memref<!tpu.dma_semaphore, #tpu.memory_space<semaphore_mem>>)
      %dma_wait3A = arith.constant 0 : i32
      %dma_wait3A_235 = arith.constant 0 : i32
      %dma_wait3A_236 = tpu.memref_slice %arg11[%run_scoped3A_101, %dma_wait3A, %dma_wait3A_235] : memref<2x128x80xf32, #tpu.memory_space<vmem>> -> memref<1x128x80xf32, #tpu.memory_space<vmem>>
      %dma_wait3A_237 = tpu.memref_squeeze %dma_wait3A_236 : memref<1x128x80xf32, #tpu.memory_space<vmem>> -> memref<128x80xf32, #tpu.memory_space<vmem>>
      %dma_wait3A_238 = arith.constant 0 : i32
      %dma_wait3A_239 = tpu.memref_slice %arg6[%add3A_3, %add3A_99, %dma_wait3A_238] : memref<4x10240x80xf32, #tpu.memory_space<hbm>> -> memref<1x128x80xf32, #tpu.memory_space<hbm>>
      %dma_wait3A_240 = tpu.memref_squeeze %dma_wait3A_239 : memref<1x128x80xf32, #tpu.memory_space<hbm>> -> memref<128x80xf32, #tpu.memory_space<hbm>>
      %dma_wait3A_241 = arith.constant 0 : i32
      %dma_wait3A_242 = tpu.memref_slice %arg6[%add3A_3, %add3A_99, %dma_wait3A_241] : memref<4x10240x80xf32, #tpu.memory_space<hbm>> -> memref<1x128x80xf32, #tpu.memory_space<hbm>>
      %dma_wait3A_243 = tpu.memref_squeeze %dma_wait3A_242 : memref<1x128x80xf32, #tpu.memory_space<hbm>> -> memref<128x80xf32, #tpu.memory_space<hbm>>
      %dma_wait3A_244 = arith.constant 0 : i32
      %dma_wait3A_245 = arith.constant 0 : i32
      %dma_wait3A_246 = tpu.memref_slice %arg11[%run_scoped3A_101, %dma_wait3A_244, %dma_wait3A_245] : memref<2x128x80xf32, #tpu.memory_space<vmem>> -> memref<1x128x80xf32, #tpu.memory_space<vmem>>
      %dma_wait3A_247 = tpu.memref_squeeze %dma_wait3A_246 : memref<1x128x80xf32, #tpu.memory_space<vmem>> -> memref<128x80xf32, #tpu.memory_space<vmem>>
      tpu.wait_dma2 semaphore(%run_scoped3A_220 : memref<!tpu.dma_semaphore, #tpu.memory_space<semaphore_mem>>) src(%dma_wait3A_247 : memref<128x80xf32, #tpu.memory_space<vmem>>) dst(%dma_wait3A_243 : memref<128x80xf32, #tpu.memory_space<hbm>>)
      tpu.yield
    }) : () -> ()
    %mul3A_102 = arith.constant 640 : i32
    %mul3A_103 = arith.muli %arg1, %mul3A_102 : i32
    %add3A_104 = arith.constant 512 : i32
    %add3A_105 = arith.addi %mul3A_103, %add3A_104 : i32
    %run_scoped3A_106 = arith.constant 0 : i32
    "tpu.region"() ({
      %run_scoped3A_220 = tpu.sem_alloc : memref<!tpu.dma_semaphore, #tpu.memory_space<semaphore_mem>>
      %dma_start3A_221 = arith.constant 0 : i32
      %dma_start3A_222 = arith.constant 0 : i32
      %dma_start3A_223 = tpu.memref_slice %arg11[%run_scoped3A_106, %dma_start3A_221, %dma_start3A_222] : memref<2x128x80xf32, #tpu.memory_space<vmem>> -> memref<1x128x80xf32, #tpu.memory_space<vmem>>
      %dma_start3A_224 = tpu.memref_squeeze %dma_start3A_223 : memref<1x128x80xf32, #tpu.memory_space<vmem>> -> memref<128x80xf32, #tpu.memory_space<vmem>>
      %dma_start3A_225 = arith.constant 0 : i32
      %dma_start3A_226 = tpu.memref_slice %arg19[%add3A_105, %dma_start3A_225] : memref<10240x80xf32, #tpu.memory_space<vmem_shared>> -> memref<128x80xf32, #tpu.memory_space<vmem_shared>>
      %dma_start3A_227 = arith.constant 0 : i32
      %dma_start3A_228 = arith.constant 0 : i32
      %dma_start3A_229 = tpu.memref_slice %arg11[%run_scoped3A_106, %dma_start3A_227, %dma_start3A_228] : memref<2x128x80xf32, #tpu.memory_space<vmem>> -> memref<1x128x80xf32, #tpu.memory_space<vmem>>
      %dma_start3A_230 = tpu.memref_squeeze %dma_start3A_229 : memref<1x128x80xf32, #tpu.memory_space<vmem>> -> memref<128x80xf32, #tpu.memory_space<vmem>>
      %dma_start3A_231 = arith.constant 0 : i32
      %dma_start3A_232 = tpu.memref_slice %arg19[%add3A_105, %dma_start3A_231] : memref<10240x80xf32, #tpu.memory_space<vmem_shared>> -> memref<128x80xf32, #tpu.memory_space<vmem_shared>>
      tpu.enqueue_dma source(%dma_start3A_232 : memref<128x80xf32, #tpu.memory_space<vmem_shared>>) target(%dma_start3A_230 : memref<128x80xf32, #tpu.memory_space<vmem>>) target_semaphore(%run_scoped3A_220 : memref<!tpu.dma_semaphore, #tpu.memory_space<semaphore_mem>>)
      %dma_wait3A = arith.constant 0 : i32
      %dma_wait3A_233 = arith.constant 0 : i32
      %dma_wait3A_234 = tpu.memref_slice %arg11[%run_scoped3A_106, %dma_wait3A, %dma_wait3A_233] : memref<2x128x80xf32, #tpu.memory_space<vmem>> -> memref<1x128x80xf32, #tpu.memory_space<vmem>>
      %dma_wait3A_235 = tpu.memref_squeeze %dma_wait3A_234 : memref<1x128x80xf32, #tpu.memory_space<vmem>> -> memref<128x80xf32, #tpu.memory_space<vmem>>
      %dma_wait3A_236 = arith.constant 0 : i32
      %dma_wait3A_237 = tpu.memref_slice %arg19[%add3A_105, %dma_wait3A_236] : memref<10240x80xf32, #tpu.memory_space<vmem_shared>> -> memref<128x80xf32, #tpu.memory_space<vmem_shared>>
      %dma_wait3A_238 = arith.constant 0 : i32
      %dma_wait3A_239 = arith.constant 0 : i32
      %dma_wait3A_240 = tpu.memref_slice %arg11[%run_scoped3A_106, %dma_wait3A_238, %dma_wait3A_239] : memref<2x128x80xf32, #tpu.memory_space<vmem>> -> memref<1x128x80xf32, #tpu.memory_space<vmem>>
      %dma_wait3A_241 = tpu.memref_squeeze %dma_wait3A_240 : memref<1x128x80xf32, #tpu.memory_space<vmem>> -> memref<128x80xf32, #tpu.memory_space<vmem>>
      %dma_wait3A_242 = arith.constant 0 : i32
      %dma_wait3A_243 = tpu.memref_slice %arg19[%add3A_105, %dma_wait3A_242] : memref<10240x80xf32, #tpu.memory_space<vmem_shared>> -> memref<128x80xf32, #tpu.memory_space<vmem_shared>>
      tpu.wait_dma2 semaphore(%run_scoped3A_220 : memref<!tpu.dma_semaphore, #tpu.memory_space<semaphore_mem>>) src(%dma_wait3A_243 : memref<128x80xf32, #tpu.memory_space<vmem_shared>>) dst(%dma_wait3A_241 : memref<128x80xf32, #tpu.memory_space<vmem>>)
      tpu.yield
    }) : () -> ()
    %run_scoped3A_107 = arith.constant 0 : i32
    "tpu.region"() ({
      %run_scoped3A_220 = tpu.sem_alloc : memref<!tpu.dma_semaphore, #tpu.memory_space<semaphore_mem>>
      %dma_start3A_221 = arith.constant 0 : i32
      %dma_start3A_222 = arith.constant 0 : i32
      %dma_start3A_223 = tpu.memref_slice %arg11[%run_scoped3A_107, %dma_start3A_221, %dma_start3A_222] : memref<2x128x80xf32, #tpu.memory_space<vmem>> -> memref<1x128x80xf32, #tpu.memory_space<vmem>>
      %dma_start3A_224 = tpu.memref_squeeze %dma_start3A_223 : memref<1x128x80xf32, #tpu.memory_space<vmem>> -> memref<128x80xf32, #tpu.memory_space<vmem>>
      %dma_start3A_225 = arith.constant 0 : i32
      %dma_start3A_226 = tpu.memref_slice %arg6[%add3A_3, %add3A_105, %dma_start3A_225] : memref<4x10240x80xf32, #tpu.memory_space<hbm>> -> memref<1x128x80xf32, #tpu.memory_space<hbm>>
      %dma_start3A_227 = tpu.memref_squeeze %dma_start3A_226 : memref<1x128x80xf32, #tpu.memory_space<hbm>> -> memref<128x80xf32, #tpu.memory_space<hbm>>
      %dma_start3A_228 = arith.constant 0 : i32
      %dma_start3A_229 = tpu.memref_slice %arg6[%add3A_3, %add3A_105, %dma_start3A_228] : memref<4x10240x80xf32, #tpu.memory_space<hbm>> -> memref<1x128x80xf32, #tpu.memory_space<hbm>>
      %dma_start3A_230 = tpu.memref_squeeze %dma_start3A_229 : memref<1x128x80xf32, #tpu.memory_space<hbm>> -> memref<128x80xf32, #tpu.memory_space<hbm>>
      %dma_start3A_231 = arith.constant 0 : i32
      %dma_start3A_232 = arith.constant 0 : i32
      %dma_start3A_233 = tpu.memref_slice %arg11[%run_scoped3A_107, %dma_start3A_231, %dma_start3A_232] : memref<2x128x80xf32, #tpu.memory_space<vmem>> -> memref<1x128x80xf32, #tpu.memory_space<vmem>>
      %dma_start3A_234 = tpu.memref_squeeze %dma_start3A_233 : memref<1x128x80xf32, #tpu.memory_space<vmem>> -> memref<128x80xf32, #tpu.memory_space<vmem>>
      tpu.enqueue_dma source(%dma_start3A_234 : memref<128x80xf32, #tpu.memory_space<vmem>>) target(%dma_start3A_230 : memref<128x80xf32, #tpu.memory_space<hbm>>) target_semaphore(%run_scoped3A_220 : memref<!tpu.dma_semaphore, #tpu.memory_space<semaphore_mem>>)
      %dma_wait3A = arith.constant 0 : i32
      %dma_wait3A_235 = arith.constant 0 : i32
      %dma_wait3A_236 = tpu.memref_slice %arg11[%run_scoped3A_107, %dma_wait3A, %dma_wait3A_235] : memref<2x128x80xf32, #tpu.memory_space<vmem>> -> memref<1x128x80xf32, #tpu.memory_space<vmem>>
      %dma_wait3A_237 = tpu.memref_squeeze %dma_wait3A_236 : memref<1x128x80xf32, #tpu.memory_space<vmem>> -> memref<128x80xf32, #tpu.memory_space<vmem>>
      %dma_wait3A_238 = arith.constant 0 : i32
      %dma_wait3A_239 = tpu.memref_slice %arg6[%add3A_3, %add3A_105, %dma_wait3A_238] : memref<4x10240x80xf32, #tpu.memory_space<hbm>> -> memref<1x128x80xf32, #tpu.memory_space<hbm>>
      %dma_wait3A_240 = tpu.memref_squeeze %dma_wait3A_239 : memref<1x128x80xf32, #tpu.memory_space<hbm>> -> memref<128x80xf32, #tpu.memory_space<hbm>>
      %dma_wait3A_241 = arith.constant 0 : i32
      %dma_wait3A_242 = tpu.memref_slice %arg6[%add3A_3, %add3A_105, %dma_wait3A_241] : memref<4x10240x80xf32, #tpu.memory_space<hbm>> -> memref<1x128x80xf32, #tpu.memory_space<hbm>>
      %dma_wait3A_243 = tpu.memref_squeeze %dma_wait3A_242 : memref<1x128x80xf32, #tpu.memory_space<hbm>> -> memref<128x80xf32, #tpu.memory_space<hbm>>
      %dma_wait3A_244 = arith.constant 0 : i32
      %dma_wait3A_245 = arith.constant 0 : i32
      %dma_wait3A_246 = tpu.memref_slice %arg11[%run_scoped3A_107, %dma_wait3A_244, %dma_wait3A_245] : memref<2x128x80xf32, #tpu.memory_space<vmem>> -> memref<1x128x80xf32, #tpu.memory_space<vmem>>
      %dma_wait3A_247 = tpu.memref_squeeze %dma_wait3A_246 : memref<1x128x80xf32, #tpu.memory_space<vmem>> -> memref<128x80xf32, #tpu.memory_space<vmem>>
      tpu.wait_dma2 semaphore(%run_scoped3A_220 : memref<!tpu.dma_semaphore, #tpu.memory_space<semaphore_mem>>) src(%dma_wait3A_247 : memref<128x80xf32, #tpu.memory_space<vmem>>) dst(%dma_wait3A_243 : memref<128x80xf32, #tpu.memory_space<hbm>>)
      tpu.yield
    }) : () -> ()
    %mul3A_108 = arith.constant 2 : i32
    %mul3A_109 = arith.muli %arg0, %mul3A_108 : i32
    %add3A_110 = arith.constant 1 : i32
    %add3A_111 = arith.addi %mul3A_109, %add3A_110 : i32
    %scan3A_112 = arith.constant 0 : i32
    %scan3A_113 = arith.constant 128 : i32
    %scan3A_114 = arith.addi %scan3A_112, %scan3A_113 : i32
    %scan3A_115 = arith.constant 1 : i32
    scf.for %scan3A_220 = %scan3A_112 to %scan3A_114 step %scan3A_115  : i32 {
      %broadcast_in_dim3A = arith.constant 0.000000e+00 : f32
      %broadcast_in_dim3A_221 = vector.broadcast %broadcast_in_dim3A : f32 to vector<16xf32>
      %swap3A = arith.constant 0 : i32
      %swap3A_222 = arith.index_cast %swap3A : i32 to index
      %swap3A_223 = arith.index_cast %scan3A_220 : i32 to index
      %swap3A_224 = arith.constant 0 : index
      %swap3A_225 = tpu.vector_load %arg11[%swap3A_222, %swap3A_223, %swap3A_224] {strides = array<i32>} : memref<2x128x80xf32, #tpu.memory_space<vmem>>, vector<1x1x16xf32>,
      %swap3A_226 = vector.shape_cast %swap3A_225 : vector<1x1x16xf32> to vector<16xf32>
      %swap3A_227 = vector.shape_cast %broadcast_in_dim3A_221 : vector<16xf32> to vector<1x1x16xf32>
      tpu.vector_store %arg11[%swap3A_222, %swap3A_223, %swap3A_224], %swap3A_227 {strides = array<i32>} : memref<2x128x80xf32, #tpu.memory_space<vmem>>, vector<1x1x16xf32>,
      %broadcast_in_dim3A_228 = arith.constant 0.000000e+00 : f32
      %broadcast_in_dim3A_229 = vector.broadcast %broadcast_in_dim3A_228 : f32 to vector<16xf32>
      %swap3A_230 = arith.constant 0 : i32
      %swap3A_231 = arith.index_cast %swap3A_230 : i32 to index
      %swap3A_232 = arith.index_cast %scan3A_220 : i32 to index
      %swap3A_233 = arith.constant 16 : index
      %swap3A_234 = tpu.vector_load %arg11[%swap3A_231, %swap3A_232, %swap3A_233] {strides = array<i32>} : memref<2x128x80xf32, #tpu.memory_space<vmem>>, vector<1x1x16xf32>,
      %swap3A_235 = vector.shape_cast %swap3A_234 : vector<1x1x16xf32> to vector<16xf32>
      %swap3A_236 = vector.shape_cast %broadcast_in_dim3A_229 : vector<16xf32> to vector<1x1x16xf32>
      tpu.vector_store %arg11[%swap3A_231, %swap3A_232, %swap3A_233], %swap3A_236 {strides = array<i32>} : memref<2x128x80xf32, #tpu.memory_space<vmem>>, vector<1x1x16xf32>,
      %broadcast_in_dim3A_237 = arith.constant 0.000000e+00 : f32
      %broadcast_in_dim3A_238 = vector.broadcast %broadcast_in_dim3A_237 : f32 to vector<16xf32>
      %swap3A_239 = arith.constant 0 : i32
      %swap3A_240 = arith.index_cast %swap3A_239 : i32 to index
      %swap3A_241 = arith.index_cast %scan3A_220 : i32 to index
      %swap3A_242 = arith.constant 32 : index
      %swap3A_243 = tpu.vector_load %arg11[%swap3A_240, %swap3A_241, %swap3A_242] {strides = array<i32>} : memref<2x128x80xf32, #tpu.memory_space<vmem>>, vector<1x1x16xf32>,
      %swap3A_244 = vector.shape_cast %swap3A_243 : vector<1x1x16xf32> to vector<16xf32>
      %swap3A_245 = vector.shape_cast %broadcast_in_dim3A_238 : vector<16xf32> to vector<1x1x16xf32>
      tpu.vector_store %arg11[%swap3A_240, %swap3A_241, %swap3A_242], %swap3A_245 {strides = array<i32>} : memref<2x128x80xf32, #tpu.memory_space<vmem>>, vector<1x1x16xf32>,
      %broadcast_in_dim3A_246 = arith.constant 0.000000e+00 : f32
      %broadcast_in_dim3A_247 = vector.broadcast %broadcast_in_dim3A_246 : f32 to vector<16xf32>
      %swap3A_248 = arith.constant 0 : i32
      %swap3A_249 = arith.index_cast %swap3A_248 : i32 to index
      %swap3A_250 = arith.index_cast %scan3A_220 : i32 to index
      %swap3A_251 = arith.constant 48 : index
      %swap3A_252 = tpu.vector_load %arg11[%swap3A_249, %swap3A_250, %swap3A_251] {strides = array<i32>} : memref<2x128x80xf32, #tpu.memory_space<vmem>>, vector<1x1x16xf32>,
      %swap3A_253 = vector.shape_cast %swap3A_252 : vector<1x1x16xf32> to vector<16xf32>
      %swap3A_254 = vector.shape_cast %broadcast_in_dim3A_247 : vector<16xf32> to vector<1x1x16xf32>
      tpu.vector_store %arg11[%swap3A_249, %swap3A_250, %swap3A_251], %swap3A_254 {strides = array<i32>} : memref<2x128x80xf32, #tpu.memory_space<vmem>>, vector<1x1x16xf32>,
      %broadcast_in_dim3A_255 = arith.constant 0.000000e+00 : f32
      %broadcast_in_dim3A_256 = vector.broadcast %broadcast_in_dim3A_255 : f32 to vector<16xf32>
      %swap3A_257 = arith.constant 0 : i32
      %swap3A_258 = arith.index_cast %swap3A_257 : i32 to index
      %swap3A_259 = arith.index_cast %scan3A_220 : i32 to index
      %swap3A_260 = arith.constant 64 : index
      %swap3A_261 = tpu.vector_load %arg11[%swap3A_258, %swap3A_259, %swap3A_260] {strides = array<i32>} : memref<2x128x80xf32, #tpu.memory_space<vmem>>, vector<1x1x16xf32>,
      %swap3A_262 = vector.shape_cast %swap3A_261 : vector<1x1x16xf32> to vector<16xf32>
      %swap3A_263 = vector.shape_cast %broadcast_in_dim3A_256 : vector<16xf32> to vector<1x1x16xf32>
      tpu.vector_store %arg11[%swap3A_258, %swap3A_259, %swap3A_260], %swap3A_263 {strides = array<i32>} : memref<2x128x80xf32, #tpu.memory_space<vmem>>, vector<1x1x16xf32>,
    }
    %scan3A_116 = arith.constant 128 : i32
    %mul3A_117 = arith.constant 640 : i32
    %mul3A_118 = arith.muli %arg1, %mul3A_117 : i32
    %add3A_119 = arith.constant 0 : i32
    %add3A_120 = arith.addi %mul3A_118, %add3A_119 : i32
    %run_scoped3A_121 = arith.constant 0 : i32
    "tpu.region"() ({
      %run_scoped3A_220 = tpu.sem_alloc : memref<!tpu.dma_semaphore, #tpu.memory_space<semaphore_mem>>
      %dma_start3A_221 = arith.constant 0 : i32
      %dma_start3A_222 = arith.constant 0 : i32
      %dma_start3A_223 = tpu.memref_slice %arg11[%run_scoped3A_121, %dma_start3A_221, %dma_start3A_222] : memref<2x128x80xf32, #tpu.memory_space<vmem>> -> memref<1x128x80xf32, #tpu.memory_space<vmem>>
      %dma_start3A_224 = tpu.memref_squeeze %dma_start3A_223 : memref<1x128x80xf32, #tpu.memory_space<vmem>> -> memref<128x80xf32, #tpu.memory_space<vmem>>
      %dma_start3A_225 = arith.constant 0 : i32
      %dma_start3A_226 = tpu.memref_slice %arg19[%add3A_120, %dma_start3A_225] : memref<10240x80xf32, #tpu.memory_space<vmem_shared>> -> memref<128x80xf32, #tpu.memory_space<vmem_shared>>
      %dma_start3A_227 = arith.constant 0 : i32
      %dma_start3A_228 = tpu.memref_slice %arg19[%add3A_120, %dma_start3A_227] : memref<10240x80xf32, #tpu.memory_space<vmem_shared>> -> memref<128x80xf32, #tpu.memory_space<vmem_shared>>
      %dma_start3A_229 = arith.constant 0 : i32
      %dma_start3A_230 = arith.constant 0 : i32
      %dma_start3A_231 = tpu.memref_slice %arg11[%run_scoped3A_121, %dma_start3A_229, %dma_start3A_230] : memref<2x128x80xf32, #tpu.memory_space<vmem>> -> memref<1x128x80xf32, #tpu.memory_space<vmem>>
      %dma_start3A_232 = tpu.memref_squeeze %dma_start3A_231 : memref<1x128x80xf32, #tpu.memory_space<vmem>> -> memref<128x80xf32, #tpu.memory_space<vmem>>
      tpu.enqueue_dma source(%dma_start3A_232 : memref<128x80xf32, #tpu.memory_space<vmem>>) target(%dma_start3A_228 : memref<128x80xf32, #tpu.memory_space<vmem_shared>>) target_semaphore(%run_scoped3A_220 : memref<!tpu.dma_semaphore, #tpu.memory_space<semaphore_mem>>)
      %dma_wait3A = arith.constant 0 : i32
      %dma_wait3A_233 = arith.constant 0 : i32
      %dma_wait3A_234 = tpu.memref_slice %arg11[%run_scoped3A_121, %dma_wait3A, %dma_wait3A_233] : memref<2x128x80xf32, #tpu.memory_space<vmem>> -> memref<1x128x80xf32, #tpu.memory_space<vmem>>
      %dma_wait3A_235 = tpu.memref_squeeze %dma_wait3A_234 : memref<1x128x80xf32, #tpu.memory_space<vmem>> -> memref<128x80xf32, #tpu.memory_space<vmem>>
      %dma_wait3A_236 = arith.constant 0 : i32
      %dma_wait3A_237 = tpu.memref_slice %arg19[%add3A_120, %dma_wait3A_236] : memref<10240x80xf32, #tpu.memory_space<vmem_shared>> -> memref<128x80xf32, #tpu.memory_space<vmem_shared>>
      %dma_wait3A_238 = arith.constant 0 : i32
      %dma_wait3A_239 = tpu.memref_slice %arg19[%add3A_120, %dma_wait3A_238] : memref<10240x80xf32, #tpu.memory_space<vmem_shared>> -> memref<128x80xf32, #tpu.memory_space<vmem_shared>>
      %dma_wait3A_240 = arith.constant 0 : i32
      %dma_wait3A_241 = arith.constant 0 : i32
      %dma_wait3A_242 = tpu.memref_slice %arg11[%run_scoped3A_121, %dma_wait3A_240, %dma_wait3A_241] : memref<2x128x80xf32, #tpu.memory_space<vmem>> -> memref<1x128x80xf32, #tpu.memory_space<vmem>>
      %dma_wait3A_243 = tpu.memref_squeeze %dma_wait3A_242 : memref<1x128x80xf32, #tpu.memory_space<vmem>> -> memref<128x80xf32, #tpu.memory_space<vmem>>
      tpu.wait_dma2 semaphore(%run_scoped3A_220 : memref<!tpu.dma_semaphore, #tpu.memory_space<semaphore_mem>>) src(%dma_wait3A_243 : memref<128x80xf32, #tpu.memory_space<vmem>>) dst(%dma_wait3A_239 : memref<128x80xf32, #tpu.memory_space<vmem_shared>>)
      tpu.yield
    }) : () -> ()
    %mul3A_122 = arith.constant 640 : i32
    %mul3A_123 = arith.muli %arg1, %mul3A_122 : i32
    %add3A_124 = arith.constant 128 : i32
    %add3A_125 = arith.addi %mul3A_123, %add3A_124 : i32
    %run_scoped3A_126 = arith.constant 0 : i32
    "tpu.region"() ({
      %run_scoped3A_220 = tpu.sem_alloc : memref<!tpu.dma_semaphore, #tpu.memory_space<semaphore_mem>>
      %dma_start3A_221 = arith.constant 0 : i32
      %dma_start3A_222 = arith.constant 0 : i32
      %dma_start3A_223 = tpu.memref_slice %arg11[%run_scoped3A_126, %dma_start3A_221, %dma_start3A_222] : memref<2x128x80xf32, #tpu.memory_space<vmem>> -> memref<1x128x80xf32, #tpu.memory_space<vmem>>
      %dma_start3A_224 = tpu.memref_squeeze %dma_start3A_223 : memref<1x128x80xf32, #tpu.memory_space<vmem>> -> memref<128x80xf32, #tpu.memory_space<vmem>>
      %dma_start3A_225 = arith.constant 0 : i32
      %dma_start3A_226 = tpu.memref_slice %arg19[%add3A_125, %dma_start3A_225] : memref<10240x80xf32, #tpu.memory_space<vmem_shared>> -> memref<128x80xf32, #tpu.memory_space<vmem_shared>>
      %dma_start3A_227 = arith.constant 0 : i32
      %dma_start3A_228 = tpu.memref_slice %arg19[%add3A_125, %dma_start3A_227] : memref<10240x80xf32, #tpu.memory_space<vmem_shared>> -> memref<128x80xf32, #tpu.memory_space<vmem_shared>>
      %dma_start3A_229 = arith.constant 0 : i32
      %dma_start3A_230 = arith.constant 0 : i32
      %dma_start3A_231 = tpu.memref_slice %arg11[%run_scoped3A_126, %dma_start3A_229, %dma_start3A_230] : memref<2x128x80xf32, #tpu.memory_space<vmem>> -> memref<1x128x80xf32, #tpu.memory_space<vmem>>
      %dma_start3A_232 = tpu.memref_squeeze %dma_start3A_231 : memref<1x128x80xf32, #tpu.memory_space<vmem>> -> memref<128x80xf32, #tpu.memory_space<vmem>>
      tpu.enqueue_dma source(%dma_start3A_232 : memref<128x80xf32, #tpu.memory_space<vmem>>) target(%dma_start3A_228 : memref<128x80xf32, #tpu.memory_space<vmem_shared>>) target_semaphore(%run_scoped3A_220 : memref<!tpu.dma_semaphore, #tpu.memory_space<semaphore_mem>>)
      %dma_wait3A = arith.constant 0 : i32
      %dma_wait3A_233 = arith.constant 0 : i32
      %dma_wait3A_234 = tpu.memref_slice %arg11[%run_scoped3A_126, %dma_wait3A, %dma_wait3A_233] : memref<2x128x80xf32, #tpu.memory_space<vmem>> -> memref<1x128x80xf32, #tpu.memory_space<vmem>>
      %dma_wait3A_235 = tpu.memref_squeeze %dma_wait3A_234 : memref<1x128x80xf32, #tpu.memory_space<vmem>> -> memref<128x80xf32, #tpu.memory_space<vmem>>
      %dma_wait3A_236 = arith.constant 0 : i32
      %dma_wait3A_237 = tpu.memref_slice %arg19[%add3A_125, %dma_wait3A_236] : memref<10240x80xf32, #tpu.memory_space<vmem_shared>> -> memref<128x80xf32, #tpu.memory_space<vmem_shared>>
      %dma_wait3A_238 = arith.constant 0 : i32
      %dma_wait3A_239 = tpu.memref_slice %arg19[%add3A_125, %dma_wait3A_238] : memref<10240x80xf32, #tpu.memory_space<vmem_shared>> -> memref<128x80xf32, #tpu.memory_space<vmem_shared>>
      %dma_wait3A_240 = arith.constant 0 : i32
      %dma_wait3A_241 = arith.constant 0 : i32
      %dma_wait3A_242 = tpu.memref_slice %arg11[%run_scoped3A_126, %dma_wait3A_240, %dma_wait3A_241] : memref<2x128x80xf32, #tpu.memory_space<vmem>> -> memref<1x128x80xf32, #tpu.memory_space<vmem>>
      %dma_wait3A_243 = tpu.memref_squeeze %dma_wait3A_242 : memref<1x128x80xf32, #tpu.memory_space<vmem>> -> memref<128x80xf32, #tpu.memory_space<vmem>>
      tpu.wait_dma2 semaphore(%run_scoped3A_220 : memref<!tpu.dma_semaphore, #tpu.memory_space<semaphore_mem>>) src(%dma_wait3A_243 : memref<128x80xf32, #tpu.memory_space<vmem>>) dst(%dma_wait3A_239 : memref<128x80xf32, #tpu.memory_space<vmem_shared>>)
      tpu.yield
    }) : () -> ()
    %mul3A_127 = arith.constant 640 : i32
    %mul3A_128 = arith.muli %arg1, %mul3A_127 : i32
    %add3A_129 = arith.constant 256 : i32
    %add3A_130 = arith.addi %mul3A_128, %add3A_129 : i32
    %run_scoped3A_131 = arith.constant 0 : i32
    "tpu.region"() ({
      %run_scoped3A_220 = tpu.sem_alloc : memref<!tpu.dma_semaphore, #tpu.memory_space<semaphore_mem>>
      %dma_start3A_221 = arith.constant 0 : i32
      %dma_start3A_222 = arith.constant 0 : i32
      %dma_start3A_223 = tpu.memref_slice %arg11[%run_scoped3A_131, %dma_start3A_221, %dma_start3A_222] : memref<2x128x80xf32, #tpu.memory_space<vmem>> -> memref<1x128x80xf32, #tpu.memory_space<vmem>>
      %dma_start3A_224 = tpu.memref_squeeze %dma_start3A_223 : memref<1x128x80xf32, #tpu.memory_space<vmem>> -> memref<128x80xf32, #tpu.memory_space<vmem>>
      %dma_start3A_225 = arith.constant 0 : i32
      %dma_start3A_226 = tpu.memref_slice %arg19[%add3A_130, %dma_start3A_225] : memref<10240x80xf32, #tpu.memory_space<vmem_shared>> -> memref<128x80xf32, #tpu.memory_space<vmem_shared>>
      %dma_start3A_227 = arith.constant 0 : i32
      %dma_start3A_228 = tpu.memref_slice %arg19[%add3A_130, %dma_start3A_227] : memref<10240x80xf32, #tpu.memory_space<vmem_shared>> -> memref<128x80xf32, #tpu.memory_space<vmem_shared>>
      %dma_start3A_229 = arith.constant 0 : i32
      %dma_start3A_230 = arith.constant 0 : i32
      %dma_start3A_231 = tpu.memref_slice %arg11[%run_scoped3A_131, %dma_start3A_229, %dma_start3A_230] : memref<2x128x80xf32, #tpu.memory_space<vmem>> -> memref<1x128x80xf32, #tpu.memory_space<vmem>>
      %dma_start3A_232 = tpu.memref_squeeze %dma_start3A_231 : memref<1x128x80xf32, #tpu.memory_space<vmem>> -> memref<128x80xf32, #tpu.memory_space<vmem>>
      tpu.enqueue_dma source(%dma_start3A_232 : memref<128x80xf32, #tpu.memory_space<vmem>>) target(%dma_start3A_228 : memref<128x80xf32, #tpu.memory_space<vmem_shared>>) target_semaphore(%run_scoped3A_220 : memref<!tpu.dma_semaphore, #tpu.memory_space<semaphore_mem>>)
      %dma_wait3A = arith.constant 0 : i32
      %dma_wait3A_233 = arith.constant 0 : i32
      %dma_wait3A_234 = tpu.memref_slice %arg11[%run_scoped3A_131, %dma_wait3A, %dma_wait3A_233] : memref<2x128x80xf32, #tpu.memory_space<vmem>> -> memref<1x128x80xf32, #tpu.memory_space<vmem>>
      %dma_wait3A_235 = tpu.memref_squeeze %dma_wait3A_234 : memref<1x128x80xf32, #tpu.memory_space<vmem>> -> memref<128x80xf32, #tpu.memory_space<vmem>>
      %dma_wait3A_236 = arith.constant 0 : i32
      %dma_wait3A_237 = tpu.memref_slice %arg19[%add3A_130, %dma_wait3A_236] : memref<10240x80xf32, #tpu.memory_space<vmem_shared>> -> memref<128x80xf32, #tpu.memory_space<vmem_shared>>
      %dma_wait3A_238 = arith.constant 0 : i32
      %dma_wait3A_239 = tpu.memref_slice %arg19[%add3A_130, %dma_wait3A_238] : memref<10240x80xf32, #tpu.memory_space<vmem_shared>> -> memref<128x80xf32, #tpu.memory_space<vmem_shared>>
      %dma_wait3A_240 = arith.constant 0 : i32
      %dma_wait3A_241 = arith.constant 0 : i32
      %dma_wait3A_242 = tpu.memref_slice %arg11[%run_scoped3A_131, %dma_wait3A_240, %dma_wait3A_241] : memref<2x128x80xf32, #tpu.memory_space<vmem>> -> memref<1x128x80xf32, #tpu.memory_space<vmem>>
      %dma_wait3A_243 = tpu.memref_squeeze %dma_wait3A_242 : memref<1x128x80xf32, #tpu.memory_space<vmem>> -> memref<128x80xf32, #tpu.memory_space<vmem>>
      tpu.wait_dma2 semaphore(%run_scoped3A_220 : memref<!tpu.dma_semaphore, #tpu.memory_space<semaphore_mem>>) src(%dma_wait3A_243 : memref<128x80xf32, #tpu.memory_space<vmem>>) dst(%dma_wait3A_239 : memref<128x80xf32, #tpu.memory_space<vmem_shared>>)
      tpu.yield
    }) : () -> ()
    %mul3A_132 = arith.constant 640 : i32
    %mul3A_133 = arith.muli %arg1, %mul3A_132 : i32
    %add3A_134 = arith.constant 384 : i32
    %add3A_135 = arith.addi %mul3A_133, %add3A_134 : i32
    %run_scoped3A_136 = arith.constant 0 : i32
    "tpu.region"() ({
      %run_scoped3A_220 = tpu.sem_alloc : memref<!tpu.dma_semaphore, #tpu.memory_space<semaphore_mem>>
      %dma_start3A_221 = arith.constant 0 : i32
      %dma_start3A_222 = arith.constant 0 : i32
      %dma_start3A_223 = tpu.memref_slice %arg11[%run_scoped3A_136, %dma_start3A_221, %dma_start3A_222] : memref<2x128x80xf32, #tpu.memory_space<vmem>> -> memref<1x128x80xf32, #tpu.memory_space<vmem>>
      %dma_start3A_224 = tpu.memref_squeeze %dma_start3A_223 : memref<1x128x80xf32, #tpu.memory_space<vmem>> -> memref<128x80xf32, #tpu.memory_space<vmem>>
      %dma_start3A_225 = arith.constant 0 : i32
      %dma_start3A_226 = tpu.memref_slice %arg19[%add3A_135, %dma_start3A_225] : memref<10240x80xf32, #tpu.memory_space<vmem_shared>> -> memref<128x80xf32, #tpu.memory_space<vmem_shared>>
      %dma_start3A_227 = arith.constant 0 : i32
      %dma_start3A_228 = tpu.memref_slice %arg19[%add3A_135, %dma_start3A_227] : memref<10240x80xf32, #tpu.memory_space<vmem_shared>> -> memref<128x80xf32, #tpu.memory_space<vmem_shared>>
      %dma_start3A_229 = arith.constant 0 : i32
      %dma_start3A_230 = arith.constant 0 : i32
      %dma_start3A_231 = tpu.memref_slice %arg11[%run_scoped3A_136, %dma_start3A_229, %dma_start3A_230] : memref<2x128x80xf32, #tpu.memory_space<vmem>> -> memref<1x128x80xf32, #tpu.memory_space<vmem>>
      %dma_start3A_232 = tpu.memref_squeeze %dma_start3A_231 : memref<1x128x80xf32, #tpu.memory_space<vmem>> -> memref<128x80xf32, #tpu.memory_space<vmem>>
      tpu.enqueue_dma source(%dma_start3A_232 : memref<128x80xf32, #tpu.memory_space<vmem>>) target(%dma_start3A_228 : memref<128x80xf32, #tpu.memory_space<vmem_shared>>) target_semaphore(%run_scoped3A_220 : memref<!tpu.dma_semaphore, #tpu.memory_space<semaphore_mem>>)
      %dma_wait3A = arith.constant 0 : i32
      %dma_wait3A_233 = arith.constant 0 : i32
      %dma_wait3A_234 = tpu.memref_slice %arg11[%run_scoped3A_136, %dma_wait3A, %dma_wait3A_233] : memref<2x128x80xf32, #tpu.memory_space<vmem>> -> memref<1x128x80xf32, #tpu.memory_space<vmem>>
      %dma_wait3A_235 = tpu.memref_squeeze %dma_wait3A_234 : memref<1x128x80xf32, #tpu.memory_space<vmem>> -> memref<128x80xf32, #tpu.memory_space<vmem>>
      %dma_wait3A_236 = arith.constant 0 : i32
      %dma_wait3A_237 = tpu.memref_slice %arg19[%add3A_135, %dma_wait3A_236] : memref<10240x80xf32, #tpu.memory_space<vmem_shared>> -> memref<128x80xf32, #tpu.memory_space<vmem_shared>>
      %dma_wait3A_238 = arith.constant 0 : i32
      %dma_wait3A_239 = tpu.memref_slice %arg19[%add3A_135, %dma_wait3A_238] : memref<10240x80xf32, #tpu.memory_space<vmem_shared>> -> memref<128x80xf32, #tpu.memory_space<vmem_shared>>
      %dma_wait3A_240 = arith.constant 0 : i32
      %dma_wait3A_241 = arith.constant 0 : i32
      %dma_wait3A_242 = tpu.memref_slice %arg11[%run_scoped3A_136, %dma_wait3A_240, %dma_wait3A_241] : memref<2x128x80xf32, #tpu.memory_space<vmem>> -> memref<1x128x80xf32, #tpu.memory_space<vmem>>
      %dma_wait3A_243 = tpu.memref_squeeze %dma_wait3A_242 : memref<1x128x80xf32, #tpu.memory_space<vmem>> -> memref<128x80xf32, #tpu.memory_space<vmem>>
      tpu.wait_dma2 semaphore(%run_scoped3A_220 : memref<!tpu.dma_semaphore, #tpu.memory_space<semaphore_mem>>) src(%dma_wait3A_243 : memref<128x80xf32, #tpu.memory_space<vmem>>) dst(%dma_wait3A_239 : memref<128x80xf32, #tpu.memory_space<vmem_shared>>)
      tpu.yield
    }) : () -> ()
    %mul3A_137 = arith.constant 640 : i32
    %mul3A_138 = arith.muli %arg1, %mul3A_137 : i32
    %add3A_139 = arith.constant 512 : i32
    %add3A_140 = arith.addi %mul3A_138, %add3A_139 : i32
    %run_scoped3A_141 = arith.constant 0 : i32
    "tpu.region"() ({
      %run_scoped3A_220 = tpu.sem_alloc : memref<!tpu.dma_semaphore, #tpu.memory_space<semaphore_mem>>
      %dma_start3A_221 = arith.constant 0 : i32
      %dma_start3A_222 = arith.constant 0 : i32
      %dma_start3A_223 = tpu.memref_slice %arg11[%run_scoped3A_141, %dma_start3A_221, %dma_start3A_222] : memref<2x128x80xf32, #tpu.memory_space<vmem>> -> memref<1x128x80xf32, #tpu.memory_space<vmem>>
      %dma_start3A_224 = tpu.memref_squeeze %dma_start3A_223 : memref<1x128x80xf32, #tpu.memory_space<vmem>> -> memref<128x80xf32, #tpu.memory_space<vmem>>
      %dma_start3A_225 = arith.constant 0 : i32
      %dma_start3A_226 = tpu.memref_slice %arg19[%add3A_140, %dma_start3A_225] : memref<10240x80xf32, #tpu.memory_space<vmem_shared>> -> memref<128x80xf32, #tpu.memory_space<vmem_shared>>
      %dma_start3A_227 = arith.constant 0 : i32
      %dma_start3A_228 = tpu.memref_slice %arg19[%add3A_140, %dma_start3A_227] : memref<10240x80xf32, #tpu.memory_space<vmem_shared>> -> memref<128x80xf32, #tpu.memory_space<vmem_shared>>
      %dma_start3A_229 = arith.constant 0 : i32
      %dma_start3A_230 = arith.constant 0 : i32
      %dma_start3A_231 = tpu.memref_slice %arg11[%run_scoped3A_141, %dma_start3A_229, %dma_start3A_230] : memref<2x128x80xf32, #tpu.memory_space<vmem>> -> memref<1x128x80xf32, #tpu.memory_space<vmem>>
      %dma_start3A_232 = tpu.memref_squeeze %dma_start3A_231 : memref<1x128x80xf32, #tpu.memory_space<vmem>> -> memref<128x80xf32, #tpu.memory_space<vmem>>
      tpu.enqueue_dma source(%dma_start3A_232 : memref<128x80xf32, #tpu.memory_space<vmem>>) target(%dma_start3A_228 : memref<128x80xf32, #tpu.memory_space<vmem_shared>>) target_semaphore(%run_scoped3A_220 : memref<!tpu.dma_semaphore, #tpu.memory_space<semaphore_mem>>)
      %dma_wait3A = arith.constant 0 : i32
      %dma_wait3A_233 = arith.constant 0 : i32
      %dma_wait3A_234 = tpu.memref_slice %arg11[%run_scoped3A_141, %dma_wait3A, %dma_wait3A_233] : memref<2x128x80xf32, #tpu.memory_space<vmem>> -> memref<1x128x80xf32, #tpu.memory_space<vmem>>
      %dma_wait3A_235 = tpu.memref_squeeze %dma_wait3A_234 : memref<1x128x80xf32, #tpu.memory_space<vmem>> -> memref<128x80xf32, #tpu.memory_space<vmem>>
      %dma_wait3A_236 = arith.constant 0 : i32
      %dma_wait3A_237 = tpu.memref_slice %arg19[%add3A_140, %dma_wait3A_236] : memref<10240x80xf32, #tpu.memory_space<vmem_shared>> -> memref<128x80xf32, #tpu.memory_space<vmem_shared>>
      %dma_wait3A_238 = arith.constant 0 : i32
      %dma_wait3A_239 = tpu.memref_slice %arg19[%add3A_140, %dma_wait3A_238] : memref<10240x80xf32, #tpu.memory_space<vmem_shared>> -> memref<128x80xf32, #tpu.memory_space<vmem_shared>>
      %dma_wait3A_240 = arith.constant 0 : i32
      %dma_wait3A_241 = arith.constant 0 : i32
      %dma_wait3A_242 = tpu.memref_slice %arg11[%run_scoped3A_141, %dma_wait3A_240, %dma_wait3A_241] : memref<2x128x80xf32, #tpu.memory_space<vmem>> -> memref<1x128x80xf32, #tpu.memory_space<vmem>>
      %dma_wait3A_243 = tpu.memref_squeeze %dma_wait3A_242 : memref<1x128x80xf32, #tpu.memory_space<vmem>> -> memref<128x80xf32, #tpu.memory_space<vmem>>
      tpu.wait_dma2 semaphore(%run_scoped3A_220 : memref<!tpu.dma_semaphore, #tpu.memory_space<semaphore_mem>>) src(%dma_wait3A_243 : memref<128x80xf32, #tpu.memory_space<vmem>>) dst(%dma_wait3A_239 : memref<128x80xf32, #tpu.memory_space<vmem_shared>>)
      tpu.yield
    }) : () -> ()
    %barrier3A_142 = arith.constant 0 : index
    tpu.barrier barrier_id(%barrier3A_142)
    %run_scoped3A_143 = arith.constant 0 : i32
    "tpu.region"() ({
      %run_scoped3A_220 = tpu.sem_alloc : memref<!tpu.dma_semaphore, #tpu.memory_space<semaphore_mem>>
      %dma_start3A_221 = arith.constant 0 : i32
      %dma_start3A_222 = tpu.memref_slice %arg2[%add3A_111, %arg1, %run_scoped3A_143, %dma_start3A_221] : memref<4x16x160x128xi32, #tpu.memory_space<hbm>> -> memref<1x1x1x128xi32, #tpu.memory_space<hbm>>
      %dma_start3A_223 = tpu.memref_squeeze %dma_start3A_222 : memref<1x1x1x128xi32, #tpu.memory_space<hbm>> -> memref<128xi32, #tpu.memory_space<hbm>>
      %dma_start3A_224 = arith.constant 0 : i32
      %dma_start3A_225 = tpu.memref_slice %arg2[%add3A_111, %arg1, %run_scoped3A_143, %dma_start3A_224] : memref<4x16x160x128xi32, #tpu.memory_space<hbm>> -> memref<1x1x1x128xi32, #tpu.memory_space<hbm>>
      %dma_start3A_226 = tpu.memref_squeeze %dma_start3A_225 : memref<1x1x1x128xi32, #tpu.memory_space<hbm>> -> memref<128xi32, #tpu.memory_space<hbm>>
      tpu.enqueue_dma source(%dma_start3A_226 : memref<128xi32, #tpu.memory_space<hbm>>) target(%arg7 : memref<128xi32, #tpu.memory_space<vmem>>) target_semaphore(%run_scoped3A_220 : memref<!tpu.dma_semaphore, #tpu.memory_space<semaphore_mem>>)
      %dma_wait3A = arith.constant 0 : i32
      %dma_wait3A_227 = tpu.memref_slice %arg2[%add3A_111, %arg1, %run_scoped3A_143, %dma_wait3A] : memref<4x16x160x128xi32, #tpu.memory_space<hbm>> -> memref<1x1x1x128xi32, #tpu.memory_space<hbm>>
      %dma_wait3A_228 = tpu.memref_squeeze %dma_wait3A_227 : memref<1x1x1x128xi32, #tpu.memory_space<hbm>> -> memref<128xi32, #tpu.memory_space<hbm>>
      %dma_wait3A_229 = arith.constant 0 : i32
      %dma_wait3A_230 = tpu.memref_slice %arg2[%add3A_111, %arg1, %run_scoped3A_143, %dma_wait3A_229] : memref<4x16x160x128xi32, #tpu.memory_space<hbm>> -> memref<1x1x1x128xi32, #tpu.memory_space<hbm>>
      %dma_wait3A_231 = tpu.memref_squeeze %dma_wait3A_230 : memref<1x1x1x128xi32, #tpu.memory_space<hbm>> -> memref<128xi32, #tpu.memory_space<hbm>>
      tpu.wait_dma2 semaphore(%run_scoped3A_220 : memref<!tpu.dma_semaphore, #tpu.memory_space<semaphore_mem>>) src(%dma_wait3A_231 : memref<128xi32, #tpu.memory_space<hbm>>) dst(%arg7 : memref<128xi32, #tpu.memory_space<vmem>>)
      tpu.yield
    }) : () -> ()
    %run_scoped3A_144 = arith.constant 0 : i32
    "tpu.region"() ({
      %run_scoped3A_220 = tpu.sem_alloc : memref<!tpu.dma_semaphore, #tpu.memory_space<semaphore_mem>>
      %dma_start3A_221 = arith.constant 0 : i32
      %dma_start3A_222 = tpu.memref_slice %arg3[%arg1, %run_scoped3A_144, %dma_start3A_221] : memref<16x160x128xi32, #tpu.memory_space<hbm>> -> memref<1x1x128xi32, #tpu.memory_space<hbm>>
      %dma_start3A_223 = tpu.memref_squeeze %dma_start3A_222 : memref<1x1x128xi32, #tpu.memory_space<hbm>> -> memref<128xi32, #tpu.memory_space<hbm>>
      %dma_start3A_224 = arith.constant 0 : i32
      %dma_start3A_225 = tpu.memref_slice %arg3[%arg1, %run_scoped3A_144, %dma_start3A_224] : memref<16x160x128xi32, #tpu.memory_space<hbm>> -> memref<1x1x128xi32, #tpu.memory_space<hbm>>
      %dma_start3A_226 = tpu.memref_squeeze %dma_start3A_225 : memref<1x1x128xi32, #tpu.memory_space<hbm>> -> memref<128xi32, #tpu.memory_space<hbm>>
      tpu.enqueue_dma source(%dma_start3A_226 : memref<128xi32, #tpu.memory_space<hbm>>) target(%arg9 : memref<128xi32, #tpu.memory_space<vmem>>) target_semaphore(%run_scoped3A_220 : memref<!tpu.dma_semaphore, #tpu.memory_space<semaphore_mem>>)
      %dma_wait3A = arith.constant 0 : i32
      %dma_wait3A_227 = tpu.memref_slice %arg3[%arg1, %run_scoped3A_144, %dma_wait3A] : memref<16x160x128xi32, #tpu.memory_space<hbm>> -> memref<1x1x128xi32, #tpu.memory_space<hbm>>
      %dma_wait3A_228 = tpu.memref_squeeze %dma_wait3A_227 : memref<1x1x128xi32, #tpu.memory_space<hbm>> -> memref<128xi32, #tpu.memory_space<hbm>>
      %dma_wait3A_229 = arith.constant 0 : i32
      %dma_wait3A_230 = tpu.memref_slice %arg3[%arg1, %run_scoped3A_144, %dma_wait3A_229] : memref<16x160x128xi32, #tpu.memory_space<hbm>> -> memref<1x1x128xi32, #tpu.memory_space<hbm>>
      %dma_wait3A_231 = tpu.memref_squeeze %dma_wait3A_230 : memref<1x1x128xi32, #tpu.memory_space<hbm>> -> memref<128xi32, #tpu.memory_space<hbm>>
      tpu.wait_dma2 semaphore(%run_scoped3A_220 : memref<!tpu.dma_semaphore, #tpu.memory_space<semaphore_mem>>) src(%dma_wait3A_231 : memref<128xi32, #tpu.memory_space<hbm>>) dst(%arg9 : memref<128xi32, #tpu.memory_space<vmem>>)
      tpu.yield
    }) : () -> ()
    %dma_start3A_145 = arith.constant 0 : i32
    %dma_start3A_146 = arith.constant 0 : i32
    %dma_start3A_147 = arith.constant 0 : i32
    %dma_start3A_148 = tpu.memref_slice %arg11[%dma_start3A_145, %dma_start3A_146, %dma_start3A_147] : memref<2x128x80xf32, #tpu.memory_space<vmem>> -> memref<1x128x80xf32, #tpu.memory_space<vmem>>
    %dma_start3A_149 = tpu.memref_squeeze %dma_start3A_148 : memref<1x128x80xf32, #tpu.memory_space<vmem>> -> memref<128x80xf32, #tpu.memory_space<vmem>>
    %dma_start3A_150 = arith.constant 0 : i32
    %dma_start3A_151 = arith.constant 0 : i32
    %dma_start3A_152 = tpu.memref_slice %arg4[%dma_start3A_150, %dma_start3A_151] : memref<40000x80xf32, #tpu.memory_space<hbm>> -> memref<40000x80xf32, #tpu.memory_space<hbm>>
    tpu.enqueue_indirect_dma source(%dma_start3A_152 : memref<40000x80xf32, #tpu.memory_space<hbm>>) target(%dma_start3A_149 : memref<128x80xf32, #tpu.memory_space<vmem>>) offsets(%arg7 : memref<128xi32, #tpu.memory_space<vmem>>) semaphore(%arg13 : memref<!tpu.dma_semaphore, #tpu.memory_space<semaphore_mem>>)
    %add3A_153 = arith.constant 0 : i32
    %add3A_154 = arith.addi %mul3A_0, %add3A_153 : i32
    %dma_start3A_155 = arith.constant 0 : i32
    %dma_start3A_156 = arith.constant 0 : i32
    %dma_start3A_157 = arith.constant 0 : i32
    %dma_start3A_158 = tpu.memref_slice %arg12[%dma_start3A_155, %dma_start3A_156, %dma_start3A_157] : memref<2x128x80xf32, #tpu.memory_space<vmem>> -> memref<1x128x80xf32, #tpu.memory_space<vmem>>
    %dma_start3A_159 = tpu.memref_squeeze %dma_start3A_158 : memref<1x128x80xf32, #tpu.memory_space<vmem>> -> memref<128x80xf32, #tpu.memory_space<vmem>>
    %dma_start3A_160 = arith.constant 0 : i32
    %dma_start3A_161 = tpu.memref_slice %arg5[%add3A_111, %add3A_154, %dma_start3A_160] : memref<4x327680x80xf32, #tpu.memory_space<hbm>> -> memref<1x128x80xf32, #tpu.memory_space<hbm>>
    %dma_start3A_162 = tpu.memref_squeeze %dma_start3A_161 : memref<1x128x80xf32, #tpu.memory_space<hbm>> -> memref<128x80xf32, #tpu.memory_space<hbm>>
    %dma_start3A_163 = arith.constant 0 : i32
    %dma_start3A_164 = arith.constant 0 : i32
    %dma_start3A_165 = tpu.memref_slice %arg12[%dma_start3A_155, %dma_start3A_163, %dma_start3A_164] : memref<2x128x80xf32, #tpu.memory_space<vmem>> -> memref<1x128x80xf32, #tpu.memory_space<vmem>>
    %dma_start3A_166 = tpu.memref_squeeze %dma_start3A_165 : memref<1x128x80xf32, #tpu.memory_space<vmem>> -> memref<128x80xf32, #tpu.memory_space<vmem>>
    %dma_start3A_167 = arith.constant 0 : i32
    %dma_start3A_168 = tpu.memref_slice %arg5[%add3A_111, %add3A_154, %dma_start3A_167] : memref<4x327680x80xf32, #tpu.memory_space<hbm>> -> memref<1x128x80xf32, #tpu.memory_space<hbm>>
    %dma_start3A_169 = tpu.memref_squeeze %dma_start3A_168 : memref<1x128x80xf32, #tpu.memory_space<hbm>> -> memref<128x80xf32, #tpu.memory_space<hbm>>
    tpu.enqueue_dma source(%dma_start3A_169 : memref<128x80xf32, #tpu.memory_space<hbm>>) target(%dma_start3A_166 : memref<128x80xf32, #tpu.memory_space<vmem>>) target_semaphore(%arg15 : memref<!tpu.dma_semaphore, #tpu.memory_space<semaphore_mem>>)
    %dma_start3A_170 = arith.constant 1 : i32
    %dma_start3A_171 = arith.constant 0 : i32
    %dma_start3A_172 = tpu.memref_slice %arg2[%add3A_111, %arg1, %dma_start3A_170, %dma_start3A_171] : memref<4x16x160x128xi32, #tpu.memory_space<hbm>> -> memref<1x1x1x128xi32, #tpu.memory_space<hbm>>
    %dma_start3A_173 = tpu.memref_squeeze %dma_start3A_172 : memref<1x1x1x128xi32, #tpu.memory_space<hbm>> -> memref<128xi32, #tpu.memory_space<hbm>>
    %dma_start3A_174 = arith.constant 0 : i32
    %dma_start3A_175 = tpu.memref_slice %arg2[%add3A_111, %arg1, %dma_start3A_170, %dma_start3A_174] : memref<4x16x160x128xi32, #tpu.memory_space<hbm>> -> memref<1x1x1x128xi32, #tpu.memory_space<hbm>>
    %dma_start3A_176 = tpu.memref_squeeze %dma_start3A_175 : memref<1x1x1x128xi32, #tpu.memory_space<hbm>> -> memref<128xi32, #tpu.memory_space<hbm>>
    tpu.enqueue_dma source(%dma_start3A_176 : memref<128xi32, #tpu.memory_space<hbm>>) target(%arg8 : memref<128xi32, #tpu.memory_space<vmem>>) target_semaphore(%arg18 : memref<!tpu.dma_semaphore, #tpu.memory_space<semaphore_mem>>)
    %dma_start3A_177 = arith.constant 1 : i32
    %dma_start3A_178 = arith.constant 0 : i32
    %dma_start3A_179 = tpu.memref_slice %arg3[%arg1, %dma_start3A_177, %dma_start3A_178] : memref<16x160x128xi32, #tpu.memory_space<hbm>> -> memref<1x1x128xi32, #tpu.memory_space<hbm>>
    %dma_start3A_180 = tpu.memref_squeeze %dma_start3A_179 : memref<1x1x128xi32, #tpu.memory_space<hbm>> -> memref<128xi32, #tpu.memory_space<hbm>>
    %dma_start3A_181 = arith.constant 0 : i32
    %dma_start3A_182 = tpu.memref_slice %arg3[%arg1, %dma_start3A_177, %dma_start3A_181] : memref<16x160x128xi32, #tpu.memory_space<hbm>> -> memref<1x1x128xi32, #tpu.memory_space<hbm>>
    %dma_start3A_183 = tpu.memref_squeeze %dma_start3A_182 : memref<1x1x128xi32, #tpu.memory_space<hbm>> -> memref<128xi32, #tpu.memory_space<hbm>>
    tpu.enqueue_dma source(%dma_start3A_183 : memref<128xi32, #tpu.memory_space<hbm>>) target(%arg10 : memref<128xi32, #tpu.memory_space<vmem>>) target_semaphore(%arg18 : memref<!tpu.dma_semaphore, #tpu.memory_space<semaphore_mem>>)
    %scan3A_184 = arith.constant 0 : i32
    %scan3A_185 = arith.constant 80 : i32
    %scan3A_186 = arith.addi %scan3A_184, %scan3A_185 : i32
    %scan3A_187 = arith.constant 1 : i32
    scf.for %scan3A_220 = %scan3A_184 to %scan3A_186 step %scan3A_187  : i32 {
      %mul3A_221 = arith.constant 2 : i32
      %mul3A_222 = arith.muli %mul3A_221, %scan3A_220 : i32
      %add3A_223 = arith.constant 0 : i32
      %add3A_224 = arith.addi %mul3A_222, %add3A_223 : i32
      %add3A_225 = arith.constant 1 : i32
      %add3A_226 = arith.addi %add3A_224, %add3A_225 : i32
      %lt3A = arith.constant 160 : i32
      %lt3A_227 = arith.cmpi slt, %add3A_226, %lt3A : i32
      %convert_element_type3A = arith.extui %lt3A_227 : i1 to i32
      %cond3A = arith.constant 0 : i32
      %cond3A_228 = arith.cmpi ne, %convert_element_type3A, %cond3A : i32
      scf.if %cond3A_228 {
        %dma_wait3A_317 = arith.constant 0 : i32
        %dma_wait3A_318 = arith.constant 0 : i32
        %dma_wait3A_319 = tpu.memref_slice %arg2[%add3A_111, %arg1, %dma_wait3A_317, %dma_wait3A_318] : memref<4x16x160x128xi32, #tpu.memory_space<hbm>> -> memref<1x1x1x128xi32, #tpu.memory_space<hbm>>
        %dma_wait3A_320 = tpu.memref_squeeze %dma_wait3A_319 : memref<1x1x1x128xi32, #tpu.memory_space<hbm>> -> memref<128xi32, #tpu.memory_space<hbm>>
        %dma_wait3A_321 = arith.constant 0 : i32
        %dma_wait3A_322 = tpu.memref_slice %arg2[%add3A_111, %arg1, %dma_wait3A_317, %dma_wait3A_321] : memref<4x16x160x128xi32, #tpu.memory_space<hbm>> -> memref<1x1x1x128xi32, #tpu.memory_space<hbm>>
        %dma_wait3A_323 = tpu.memref_squeeze %dma_wait3A_322 : memref<1x1x1x128xi32, #tpu.memory_space<hbm>> -> memref<128xi32, #tpu.memory_space<hbm>>
        tpu.wait_dma2 semaphore(%arg18 : memref<!tpu.dma_semaphore, #tpu.memory_space<semaphore_mem>>) src(%dma_wait3A_323 : memref<128xi32, #tpu.memory_space<hbm>>) dst(%arg8 : memref<128xi32, #tpu.memory_space<vmem>>)
        %dma_wait3A_324 = arith.constant 0 : i32
        %dma_wait3A_325 = arith.constant 0 : i32
        %dma_wait3A_326 = tpu.memref_slice %arg3[%arg1, %dma_wait3A_324, %dma_wait3A_325] : memref<16x160x128xi32, #tpu.memory_space<hbm>> -> memref<1x1x128xi32, #tpu.memory_space<hbm>>
        %dma_wait3A_327 = tpu.memref_squeeze %dma_wait3A_326 : memref<1x1x128xi32, #tpu.memory_space<hbm>> -> memref<128xi32, #tpu.memory_space<hbm>>
        %dma_wait3A_328 = arith.constant 0 : i32
        %dma_wait3A_329 = tpu.memref_slice %arg3[%arg1, %dma_wait3A_324, %dma_wait3A_328] : memref<16x160x128xi32, #tpu.memory_space<hbm>> -> memref<1x1x128xi32, #tpu.memory_space<hbm>>
        %dma_wait3A_330 = tpu.memref_squeeze %dma_wait3A_329 : memref<1x1x128xi32, #tpu.memory_space<hbm>> -> memref<128xi32, #tpu.memory_space<hbm>>
        tpu.wait_dma2 semaphore(%arg18 : memref<!tpu.dma_semaphore, #tpu.memory_space<semaphore_mem>>) src(%dma_wait3A_330 : memref<128xi32, #tpu.memory_space<hbm>>) dst(%arg10 : memref<128xi32, #tpu.memory_space<vmem>>)
        %add3A_331 = arith.constant 1 : i32
        %add3A_332 = arith.addi %add3A_224, %add3A_331 : i32
        %dma_start3A_333 = arith.constant 1 : i32
        %dma_start3A_334 = arith.constant 0 : i32
        %dma_start3A_335 = arith.constant 0 : i32
        %dma_start3A_336 = tpu.memref_slice %arg11[%dma_start3A_333, %dma_start3A_334, %dma_start3A_335] : memref<2x128x80xf32, #tpu.memory_space<vmem>> -> memref<1x128x80xf32, #tpu.memory_space<vmem>>
        %dma_start3A_337 = tpu.memref_squeeze %dma_start3A_336 : memref<1x128x80xf32, #tpu.memory_space<vmem>> -> memref<128x80xf32, #tpu.memory_space<vmem>>
        %dma_start3A_338 = arith.constant 0 : i32
        %dma_start3A_339 = arith.constant 0 : i32
        %dma_start3A_340 = tpu.memref_slice %arg4[%dma_start3A_338, %dma_start3A_339] : memref<40000x80xf32, #tpu.memory_space<hbm>> -> memref<40000x80xf32, #tpu.memory_space<hbm>>
        tpu.enqueue_indirect_dma source(%dma_start3A_340 : memref<40000x80xf32, #tpu.memory_space<hbm>>) target(%dma_start3A_337 : memref<128x80xf32, #tpu.memory_space<vmem>>) offsets(%arg8 : memref<128xi32, #tpu.memory_space<vmem>>) semaphore(%arg14 : memref<!tpu.dma_semaphore, #tpu.memory_space<semaphore_mem>>)
        %mul3A_341 = arith.constant 128 : i32
        %mul3A_342 = arith.muli %add3A_332, %mul3A_341 : i32
        %add3A_343 = arith.addi %mul3A_0, %mul3A_342 : i32
        %dma_start3A_344 = arith.constant 1 : i32
        %dma_start3A_345 = arith.constant 0 : i32
        %dma_start3A_346 = arith.constant 0 : i32
        %dma_start3A_347 = tpu.memref_slice %arg12[%dma_start3A_344, %dma_start3A_345, %dma_start3A_346] : memref<2x128x80xf32, #tpu.memory_space<vmem>> -> memref<1x128x80xf32, #tpu.memory_space<vmem>>
        %dma_start3A_348 = tpu.memref_squeeze %dma_start3A_347 : memref<1x128x80xf32, #tpu.memory_space<vmem>> -> memref<128x80xf32, #tpu.memory_space<vmem>>
        %dma_start3A_349 = arith.constant 0 : i32
        %dma_start3A_350 = tpu.memref_slice %arg5[%add3A_111, %add3A_343, %dma_start3A_349] : memref<4x327680x80xf32, #tpu.memory_space<hbm>> -> memref<1x128x80xf32, #tpu.memory_space<hbm>>
        %dma_start3A_351 = tpu.memref_squeeze %dma_start3A_350 : memref<1x128x80xf32, #tpu.memory_space<hbm>> -> memref<128x80xf32, #tpu.memory_space<hbm>>
        %dma_start3A_352 = arith.constant 0 : i32
        %dma_start3A_353 = arith.constant 0 : i32
        %dma_start3A_354 = tpu.memref_slice %arg12[%dma_start3A_344, %dma_start3A_352, %dma_start3A_353] : memref<2x128x80xf32, #tpu.memory_space<vmem>> -> memref<1x128x80xf32, #tpu.memory_space<vmem>>
        %dma_start3A_355 = tpu.memref_squeeze %dma_start3A_354 : memref<1x128x80xf32, #tpu.memory_space<vmem>> -> memref<128x80xf32, #tpu.memory_space<vmem>>
        %dma_start3A_356 = arith.constant 0 : i32
        %dma_start3A_357 = tpu.memref_slice %arg5[%add3A_111, %add3A_343, %dma_start3A_356] : memref<4x327680x80xf32, #tpu.memory_space<hbm>> -> memref<1x128x80xf32, #tpu.memory_space<hbm>>
        %dma_start3A_358 = tpu.memref_squeeze %dma_start3A_357 : memref<1x128x80xf32, #tpu.memory_space<hbm>> -> memref<128x80xf32, #tpu.memory_space<hbm>>
        tpu.enqueue_dma source(%dma_start3A_358 : memref<128x80xf32, #tpu.memory_space<hbm>>) target(%dma_start3A_355 : memref<128x80xf32, #tpu.memory_space<vmem>>) target_semaphore(%arg16 : memref<!tpu.dma_semaphore, #tpu.memory_space<semaphore_mem>>)
      } else {
      }
      %dma_wait3A = arith.constant 0 : i32
      %dma_wait3A_229 = arith.constant 0 : i32
      %dma_wait3A_230 = arith.constant 0 : i32
      %dma_wait3A_231 = tpu.memref_slice %arg11[%dma_wait3A, %dma_wait3A_229, %dma_wait3A_230] : memref<2x128x80xf32, #tpu.memory_space<vmem>> -> memref<1x128x80xf32, #tpu.memory_space<vmem>>
      %dma_wait3A_232 = tpu.memref_squeeze %dma_wait3A_231 : memref<1x128x80xf32, #tpu.memory_space<vmem>> -> memref<128x80xf32, #tpu.memory_space<vmem>>
      %dma_wait3A_233 = arith.constant 0 : i32
      %dma_wait3A_234 = arith.constant 0 : i32
      %dma_wait3A_235 = tpu.memref_slice %arg4[%dma_wait3A_233, %dma_wait3A_234] : memref<40000x80xf32, #tpu.memory_space<hbm>> -> memref<40000x80xf32, #tpu.memory_space<hbm>>
      tpu.wait_indirect_dma semaphore(%arg13 : memref<!tpu.dma_semaphore, #tpu.memory_space<semaphore_mem>>) src(%dma_wait3A_235 : memref<40000x80xf32, #tpu.memory_space<hbm>>) dst(%dma_wait3A_232 : memref<128x80xf32, #tpu.memory_space<vmem>>)
      %dma_wait3A_236 = arith.constant 0 : i32
      %dma_wait3A_237 = arith.constant 0 : i32
      %dma_wait3A_238 = arith.constant 0 : i32
      %dma_wait3A_239 = arith.constant 0 : i32
      %dma_wait3A_240 = tpu.memref_slice %arg12[%dma_wait3A_237, %dma_wait3A_238, %dma_wait3A_239] : memref<2x128x80xf32, #tpu.memory_space<vmem>> -> memref<1x128x80xf32, #tpu.memory_space<vmem>>
      %dma_wait3A_241 = tpu.memref_squeeze %dma_wait3A_240 : memref<1x128x80xf32, #tpu.memory_space<vmem>> -> memref<128x80xf32, #tpu.memory_space<vmem>>
      %dma_wait3A_242 = arith.constant 0 : i32
      %dma_wait3A_243 = arith.constant 0 : i32
      %dma_wait3A_244 = tpu.memref_slice %arg5[%dma_wait3A_236, %dma_wait3A_242, %dma_wait3A_243] : memref<4x327680x80xf32, #tpu.memory_space<hbm>> -> memref<1x128x80xf32, #tpu.memory_space<hbm>>
      %dma_wait3A_245 = tpu.memref_squeeze %dma_wait3A_244 : memref<1x128x80xf32, #tpu.memory_space<hbm>> -> memref<128x80xf32, #tpu.memory_space<hbm>>
      %dma_wait3A_246 = arith.constant 0 : i32
      %dma_wait3A_247 = arith.constant 0 : i32
      %dma_wait3A_248 = tpu.memref_slice %arg12[%dma_wait3A_237, %dma_wait3A_246, %dma_wait3A_247] : memref<2x128x80xf32, #tpu.memory_space<vmem>> -> memref<1x128x80xf32, #tpu.memory_space<vmem>>
      %dma_wait3A_249 = tpu.memref_squeeze %dma_wait3A_248 : memref<1x128x80xf32, #tpu.memory_space<vmem>> -> memref<128x80xf32, #tpu.memory_space<vmem>>
      %dma_wait3A_250 = arith.constant 0 : i32
      %dma_wait3A_251 = arith.constant 0 : i32
      %dma_wait3A_252 = tpu.memref_slice %arg5[%dma_wait3A_236, %dma_wait3A_250, %dma_wait3A_251] : memref<4x327680x80xf32, #tpu.memory_space<hbm>> -> memref<1x128x80xf32, #tpu.memory_space<hbm>>
      %dma_wait3A_253 = tpu.memref_squeeze %dma_wait3A_252 : memref<1x128x80xf32, #tpu.memory_space<hbm>> -> memref<128x80xf32, #tpu.memory_space<hbm>>
      tpu.wait_dma2 semaphore(%arg15 : memref<!tpu.dma_semaphore, #tpu.memory_space<semaphore_mem>>) src(%dma_wait3A_253 : memref<128x80xf32, #tpu.memory_space<hbm>>) dst(%dma_wait3A_249 : memref<128x80xf32, #tpu.memory_space<vmem>>)
      %scan3A_254 = arith.constant 0 : i32
      %scan3A_255 = arith.constant 128 : i32
      %scan3A_256 = arith.addi %scan3A_254, %scan3A_255 : i32
      %scan3A_257 = arith.constant 1 : i32
      scf.for %scan3A_317 = %scan3A_254 to %scan3A_256 step %scan3A_257  : i32 {
        %get3A = arith.constant 0 : i32
        %get3A_318 = arith.index_cast %get3A : i32 to index
        %get3A_319 = arith.index_cast %scan3A_317 : i32 to index
        %get3A_320 = arith.constant 0 : index
        %get3A_321 = tpu.vector_load %arg11[%get3A_318, %get3A_319, %get3A_320] {strides = array<i32>} : memref<2x128x80xf32, #tpu.memory_space<vmem>>, vector<1x1x16xf32>,
        %get3A_322 = vector.shape_cast %get3A_321 : vector<1x1x16xf32> to vector<16xf32>
        %get3A_323 = arith.constant 0 : i32
        %get3A_324 = arith.index_cast %get3A_323 : i32 to index
        %get3A_325 = arith.index_cast %scan3A_317 : i32 to index
        %get3A_326 = arith.constant 0 : index
        %get3A_327 = tpu.vector_load %arg12[%get3A_324, %get3A_325, %get3A_326] {strides = array<i32>} : memref<2x128x80xf32, #tpu.memory_space<vmem>>, vector<1x1x16xf32>,
        %get3A_328 = vector.shape_cast %get3A_327 : vector<1x1x16xf32> to vector<16xf32>
        %mul3A_329 = arith.mulf %get3A_322, %get3A_328 : vector<16xf32>
        %swap3A = arith.constant 0 : i32
        %swap3A_330 = arith.index_cast %swap3A : i32 to index
        %swap3A_331 = arith.index_cast %scan3A_317 : i32 to index
        %swap3A_332 = arith.constant 0 : index
        %swap3A_333 = tpu.vector_load %arg11[%swap3A_330, %swap3A_331, %swap3A_332] {strides = array<i32>} : memref<2x128x80xf32, #tpu.memory_space<vmem>>, vector<1x1x16xf32>,
        %swap3A_334 = vector.shape_cast %swap3A_333 : vector<1x1x16xf32> to vector<16xf32>
        %swap3A_335 = vector.shape_cast %mul3A_329 : vector<16xf32> to vector<1x1x16xf32>
        tpu.vector_store %arg11[%swap3A_330, %swap3A_331, %swap3A_332], %swap3A_335 {strides = array<i32>} : memref<2x128x80xf32, #tpu.memory_space<vmem>>, vector<1x1x16xf32>,
        %get3A_336 = arith.constant 0 : i32
        %get3A_337 = arith.index_cast %get3A_336 : i32 to index
        %get3A_338 = arith.index_cast %scan3A_317 : i32 to index
        %get3A_339 = arith.constant 16 : index
        %get3A_340 = tpu.vector_load %arg11[%get3A_337, %get3A_338, %get3A_339] {strides = array<i32>} : memref<2x128x80xf32, #tpu.memory_space<vmem>>, vector<1x1x16xf32>,
        %get3A_341 = vector.shape_cast %get3A_340 : vector<1x1x16xf32> to vector<16xf32>
        %get3A_342 = arith.constant 0 : i32
        %get3A_343 = arith.index_cast %get3A_342 : i32 to index
        %get3A_344 = arith.index_cast %scan3A_317 : i32 to index
        %get3A_345 = arith.constant 16 : index
        %get3A_346 = tpu.vector_load %arg12[%get3A_343, %get3A_344, %get3A_345] {strides = array<i32>} : memref<2x128x80xf32, #tpu.memory_space<vmem>>, vector<1x1x16xf32>,
        %get3A_347 = vector.shape_cast %get3A_346 : vector<1x1x16xf32> to vector<16xf32>
        %mul3A_348 = arith.mulf %get3A_341, %get3A_347 : vector<16xf32>
        %swap3A_349 = arith.constant 0 : i32
        %swap3A_350 = arith.index_cast %swap3A_349 : i32 to index
        %swap3A_351 = arith.index_cast %scan3A_317 : i32 to index
        %swap3A_352 = arith.constant 16 : index
        %swap3A_353 = tpu.vector_load %arg11[%swap3A_350, %swap3A_351, %swap3A_352] {strides = array<i32>} : memref<2x128x80xf32, #tpu.memory_space<vmem>>, vector<1x1x16xf32>,
        %swap3A_354 = vector.shape_cast %swap3A_353 : vector<1x1x16xf32> to vector<16xf32>
        %swap3A_355 = vector.shape_cast %mul3A_348 : vector<16xf32> to vector<1x1x16xf32>
        tpu.vector_store %arg11[%swap3A_350, %swap3A_351, %swap3A_352], %swap3A_355 {strides = array<i32>} : memref<2x128x80xf32, #tpu.memory_space<vmem>>, vector<1x1x16xf32>,
        %get3A_356 = arith.constant 0 : i32
        %get3A_357 = arith.index_cast %get3A_356 : i32 to index
        %get3A_358 = arith.index_cast %scan3A_317 : i32 to index
        %get3A_359 = arith.constant 32 : index
        %get3A_360 = tpu.vector_load %arg11[%get3A_357, %get3A_358, %get3A_359] {strides = array<i32>} : memref<2x128x80xf32, #tpu.memory_space<vmem>>, vector<1x1x16xf32>,
        %get3A_361 = vector.shape_cast %get3A_360 : vector<1x1x16xf32> to vector<16xf32>
        %get3A_362 = arith.constant 0 : i32
        %get3A_363 = arith.index_cast %get3A_362 : i32 to index
        %get3A_364 = arith.index_cast %scan3A_317 : i32 to index
        %get3A_365 = arith.constant 32 : index
        %get3A_366 = tpu.vector_load %arg12[%get3A_363, %get3A_364, %get3A_365] {strides = array<i32>} : memref<2x128x80xf32, #tpu.memory_space<vmem>>, vector<1x1x16xf32>,
        %get3A_367 = vector.shape_cast %get3A_366 : vector<1x1x16xf32> to vector<16xf32>
        %mul3A_368 = arith.mulf %get3A_361, %get3A_367 : vector<16xf32>
        %swap3A_369 = arith.constant 0 : i32
        %swap3A_370 = arith.index_cast %swap3A_369 : i32 to index
        %swap3A_371 = arith.index_cast %scan3A_317 : i32 to index
        %swap3A_372 = arith.constant 32 : index
        %swap3A_373 = tpu.vector_load %arg11[%swap3A_370, %swap3A_371, %swap3A_372] {strides = array<i32>} : memref<2x128x80xf32, #tpu.memory_space<vmem>>, vector<1x1x16xf32>,
        %swap3A_374 = vector.shape_cast %swap3A_373 : vector<1x1x16xf32> to vector<16xf32>
        %swap3A_375 = vector.shape_cast %mul3A_368 : vector<16xf32> to vector<1x1x16xf32>
        tpu.vector_store %arg11[%swap3A_370, %swap3A_371, %swap3A_372], %swap3A_375 {strides = array<i32>} : memref<2x128x80xf32, #tpu.memory_space<vmem>>, vector<1x1x16xf32>,
        %get3A_376 = arith.constant 0 : i32
        %get3A_377 = arith.index_cast %get3A_376 : i32 to index
        %get3A_378 = arith.index_cast %scan3A_317 : i32 to index
        %get3A_379 = arith.constant 48 : index
        %get3A_380 = tpu.vector_load %arg11[%get3A_377, %get3A_378, %get3A_379] {strides = array<i32>} : memref<2x128x80xf32, #tpu.memory_space<vmem>>, vector<1x1x16xf32>,
        %get3A_381 = vector.shape_cast %get3A_380 : vector<1x1x16xf32> to vector<16xf32>
        %get3A_382 = arith.constant 0 : i32
        %get3A_383 = arith.index_cast %get3A_382 : i32 to index
        %get3A_384 = arith.index_cast %scan3A_317 : i32 to index
        %get3A_385 = arith.constant 48 : index
        %get3A_386 = tpu.vector_load %arg12[%get3A_383, %get3A_384, %get3A_385] {strides = array<i32>} : memref<2x128x80xf32, #tpu.memory_space<vmem>>, vector<1x1x16xf32>,
        %get3A_387 = vector.shape_cast %get3A_386 : vector<1x1x16xf32> to vector<16xf32>
        %mul3A_388 = arith.mulf %get3A_381, %get3A_387 : vector<16xf32>
        %swap3A_389 = arith.constant 0 : i32
        %swap3A_390 = arith.index_cast %swap3A_389 : i32 to index
        %swap3A_391 = arith.index_cast %scan3A_317 : i32 to index
        %swap3A_392 = arith.constant 48 : index
        %swap3A_393 = tpu.vector_load %arg11[%swap3A_390, %swap3A_391, %swap3A_392] {strides = array<i32>} : memref<2x128x80xf32, #tpu.memory_space<vmem>>, vector<1x1x16xf32>,
        %swap3A_394 = vector.shape_cast %swap3A_393 : vector<1x1x16xf32> to vector<16xf32>
        %swap3A_395 = vector.shape_cast %mul3A_388 : vector<16xf32> to vector<1x1x16xf32>
        tpu.vector_store %arg11[%swap3A_390, %swap3A_391, %swap3A_392], %swap3A_395 {strides = array<i32>} : memref<2x128x80xf32, #tpu.memory_space<vmem>>, vector<1x1x16xf32>,
        %get3A_396 = arith.constant 0 : i32
        %get3A_397 = arith.index_cast %get3A_396 : i32 to index
        %get3A_398 = arith.index_cast %scan3A_317 : i32 to index
        %get3A_399 = arith.constant 64 : index
        %get3A_400 = tpu.vector_load %arg11[%get3A_397, %get3A_398, %get3A_399] {strides = array<i32>} : memref<2x128x80xf32, #tpu.memory_space<vmem>>, vector<1x1x16xf32>,
        %get3A_401 = vector.shape_cast %get3A_400 : vector<1x1x16xf32> to vector<16xf32>
        %get3A_402 = arith.constant 0 : i32
        %get3A_403 = arith.index_cast %get3A_402 : i32 to index
        %get3A_404 = arith.index_cast %scan3A_317 : i32 to index
        %get3A_405 = arith.constant 64 : index
        %get3A_406 = tpu.vector_load %arg12[%get3A_403, %get3A_404, %get3A_405] {strides = array<i32>} : memref<2x128x80xf32, #tpu.memory_space<vmem>>, vector<1x1x16xf32>,
        %get3A_407 = vector.shape_cast %get3A_406 : vector<1x1x16xf32> to vector<16xf32>
        %mul3A_408 = arith.mulf %get3A_401, %get3A_407 : vector<16xf32>
        %swap3A_409 = arith.constant 0 : i32
        %swap3A_410 = arith.index_cast %swap3A_409 : i32 to index
        %swap3A_411 = arith.index_cast %scan3A_317 : i32 to index
        %swap3A_412 = arith.constant 64 : index
        %swap3A_413 = tpu.vector_load %arg11[%swap3A_410, %swap3A_411, %swap3A_412] {strides = array<i32>} : memref<2x128x80xf32, #tpu.memory_space<vmem>>, vector<1x1x16xf32>,
        %swap3A_414 = vector.shape_cast %swap3A_413 : vector<1x1x16xf32> to vector<16xf32>
        %swap3A_415 = vector.shape_cast %mul3A_408 : vector<16xf32> to vector<1x1x16xf32>
        tpu.vector_store %arg11[%swap3A_410, %swap3A_411, %swap3A_412], %swap3A_415 {strides = array<i32>} : memref<2x128x80xf32, #tpu.memory_space<vmem>>, vector<1x1x16xf32>,
      }
      %scan3A_258 = arith.constant 128 : i32
      %run_scoped3A_259 = arith.constant 0 : i32
      "tpu.region"() ({
        %run_scoped3A_317 = tpu.sem_alloc : memref<!tpu.dma_semaphore, #tpu.memory_space<semaphore_mem>>
        %dma_start3A_318 = arith.constant 0 : i32
        %dma_start3A_319 = arith.constant 0 : i32
        %dma_start3A_320 = tpu.memref_slice %arg11[%run_scoped3A_259, %dma_start3A_318, %dma_start3A_319] : memref<2x128x80xf32, #tpu.memory_space<vmem>> -> memref<1x128x80xf32, #tpu.memory_space<vmem>>
        %dma_start3A_321 = tpu.memref_squeeze %dma_start3A_320 : memref<1x128x80xf32, #tpu.memory_space<vmem>> -> memref<128x80xf32, #tpu.memory_space<vmem>>
        %dma_start3A_322 = arith.constant 0 : i32
        %dma_start3A_323 = arith.constant 0 : i32
        %dma_start3A_324 = tpu.memref_slice %arg19[%dma_start3A_322, %dma_start3A_323] : memref<10240x80xf32, #tpu.memory_space<vmem_shared>> -> memref<10240x80xf32, #tpu.memory_space<vmem_shared>>
        tpu.enqueue_indirect_dma source(%dma_start3A_321 : memref<128x80xf32, #tpu.memory_space<vmem>>) target(%dma_start3A_324 : memref<10240x80xf32, #tpu.memory_space<vmem_shared>>) offsets(%arg9 : memref<128xi32, #tpu.memory_space<vmem>>) semaphore(%run_scoped3A_317 : memref<!tpu.dma_semaphore, #tpu.memory_space<semaphore_mem>>) {add = true}
        %dma_wait3A_325 = arith.constant 0 : i32
        %dma_wait3A_326 = arith.constant 0 : i32
        %dma_wait3A_327 = tpu.memref_slice %arg11[%run_scoped3A_259, %dma_wait3A_325, %dma_wait3A_326] : memref<2x128x80xf32, #tpu.memory_space<vmem>> -> memref<1x128x80xf32, #tpu.memory_space<vmem>>
        %dma_wait3A_328 = tpu.memref_squeeze %dma_wait3A_327 : memref<1x128x80xf32, #tpu.memory_space<vmem>> -> memref<128x80xf32, #tpu.memory_space<vmem>>
        %dma_wait3A_329 = arith.constant 0 : i32
        %dma_wait3A_330 = arith.constant 0 : i32
        %dma_wait3A_331 = tpu.memref_slice %arg19[%dma_wait3A_329, %dma_wait3A_330] : memref<10240x80xf32, #tpu.memory_space<vmem_shared>> -> memref<10240x80xf32, #tpu.memory_space<vmem_shared>>
        tpu.wait_indirect_dma semaphore(%run_scoped3A_317 : memref<!tpu.dma_semaphore, #tpu.memory_space<semaphore_mem>>) src(%dma_wait3A_328 : memref<128x80xf32, #tpu.memory_space<vmem>>) dst(%dma_wait3A_331 : memref<10240x80xf32, #tpu.memory_space<vmem_shared>>)
        tpu.yield
      }) : () -> ()
      %add3A_260 = arith.constant 2 : i32
      %add3A_261 = arith.addi %add3A_224, %add3A_260 : i32
      %lt3A_262 = arith.constant 160 : i32
      %lt3A_263 = arith.cmpi slt, %add3A_261, %lt3A_262 : i32
      %convert_element_type3A_264 = arith.extui %lt3A_263 : i1 to i32
      %cond3A_265 = arith.constant 0 : i32
      %cond3A_266 = arith.cmpi ne, %convert_element_type3A_264, %cond3A_265 : i32
      scf.if %cond3A_266 {
        %add3A_317 = arith.constant 2 : i32
        %add3A_318 = arith.addi %add3A_224, %add3A_317 : i32
        %dma_start3A_319 = arith.constant 0 : i32
        %dma_start3A_320 = tpu.memref_slice %arg2[%add3A_111, %arg1, %add3A_318, %dma_start3A_319] : memref<4x16x160x128xi32, #tpu.memory_space<hbm>> -> memref<1x1x1x128xi32, #tpu.memory_space<hbm>>
        %dma_start3A_321 = tpu.memref_squeeze %dma_start3A_320 : memref<1x1x1x128xi32, #tpu.memory_space<hbm>> -> memref<128xi32, #tpu.memory_space<hbm>>
        %dma_start3A_322 = arith.constant 0 : i32
        %dma_start3A_323 = tpu.memref_slice %arg2[%add3A_111, %arg1, %add3A_318, %dma_start3A_322] : memref<4x16x160x128xi32, #tpu.memory_space<hbm>> -> memref<1x1x1x128xi32, #tpu.memory_space<hbm>>
        %dma_start3A_324 = tpu.memref_squeeze %dma_start3A_323 : memref<1x1x1x128xi32, #tpu.memory_space<hbm>> -> memref<128xi32, #tpu.memory_space<hbm>>
        tpu.enqueue_dma source(%dma_start3A_324 : memref<128xi32, #tpu.memory_space<hbm>>) target(%arg7 : memref<128xi32, #tpu.memory_space<vmem>>) target_semaphore(%arg17 : memref<!tpu.dma_semaphore, #tpu.memory_space<semaphore_mem>>)
        %dma_start3A_325 = arith.constant 0 : i32
        %dma_start3A_326 = tpu.memref_slice %arg3[%arg1, %add3A_318, %dma_start3A_325] : memref<16x160x128xi32, #tpu.memory_space<hbm>> -> memref<1x1x128xi32, #tpu.memory_space<hbm>>
        %dma_start3A_327 = tpu.memref_squeeze %dma_start3A_326 : memref<1x1x128xi32, #tpu.memory_space<hbm>> -> memref<128xi32, #tpu.memory_space<hbm>>
        %dma_start3A_328 = arith.constant 0 : i32
        %dma_start3A_329 = tpu.memref_slice %arg3[%arg1, %add3A_318, %dma_start3A_328] : memref<16x160x128xi32, #tpu.memory_space<hbm>> -> memref<1x1x128xi32, #tpu.memory_space<hbm>>
        %dma_start3A_330 = tpu.memref_squeeze %dma_start3A_329 : memref<1x1x128xi32, #tpu.memory_space<hbm>> -> memref<128xi32, #tpu.memory_space<hbm>>
        tpu.enqueue_dma source(%dma_start3A_330 : memref<128xi32, #tpu.memory_space<hbm>>) target(%arg9 : memref<128xi32, #tpu.memory_space<vmem>>) target_semaphore(%arg17 : memref<!tpu.dma_semaphore, #tpu.memory_space<semaphore_mem>>)
      } else {
      }
      %mul3A_267 = arith.constant 2 : i32
      %mul3A_268 = arith.muli %mul3A_267, %scan3A_220 : i32
      %add3A_269 = arith.constant 1 : i32
      %add3A_270 = arith.addi %mul3A_268, %add3A_269 : i32
      %add3A_271 = arith.constant 1 : i32
      %add3A_272 = arith.addi %add3A_270, %add3A_271 : i32
      %lt3A_273 = arith.constant 160 : i32
      %lt3A_274 = arith.cmpi slt, %add3A_272, %lt3A_273 : i32
      %convert_element_type3A_275 = arith.extui %lt3A_274 : i1 to i32
      %cond3A_276 = arith.constant 0 : i32
      %cond3A_277 = arith.cmpi ne, %convert_element_type3A_275, %cond3A_276 : i32
      scf.if %cond3A_277 {
        %dma_wait3A_317 = arith.constant 0 : i32
        %dma_wait3A_318 = arith.constant 0 : i32
        %dma_wait3A_319 = tpu.memref_slice %arg2[%add3A_111, %arg1, %dma_wait3A_317, %dma_wait3A_318] : memref<4x16x160x128xi32, #tpu.memory_space<hbm>> -> memref<1x1x1x128xi32, #tpu.memory_space<hbm>>
        %dma_wait3A_320 = tpu.memref_squeeze %dma_wait3A_319 : memref<1x1x1x128xi32, #tpu.memory_space<hbm>> -> memref<128xi32, #tpu.memory_space<hbm>>
        %dma_wait3A_321 = arith.constant 0 : i32
        %dma_wait3A_322 = tpu.memref_slice %arg2[%add3A_111, %arg1, %dma_wait3A_317, %dma_wait3A_321] : memref<4x16x160x128xi32, #tpu.memory_space<hbm>> -> memref<1x1x1x128xi32, #tpu.memory_space<hbm>>
        %dma_wait3A_323 = tpu.memref_squeeze %dma_wait3A_322 : memref<1x1x1x128xi32, #tpu.memory_space<hbm>> -> memref<128xi32, #tpu.memory_space<hbm>>
        tpu.wait_dma2 semaphore(%arg17 : memref<!tpu.dma_semaphore, #tpu.memory_space<semaphore_mem>>) src(%dma_wait3A_323 : memref<128xi32, #tpu.memory_space<hbm>>) dst(%arg7 : memref<128xi32, #tpu.memory_space<vmem>>)
        %dma_wait3A_324 = arith.constant 0 : i32
        %dma_wait3A_325 = arith.constant 0 : i32
        %dma_wait3A_326 = tpu.memref_slice %arg3[%arg1, %dma_wait3A_324, %dma_wait3A_325] : memref<16x160x128xi32, #tpu.memory_space<hbm>> -> memref<1x1x128xi32, #tpu.memory_space<hbm>>
        %dma_wait3A_327 = tpu.memref_squeeze %dma_wait3A_326 : memref<1x1x128xi32, #tpu.memory_space<hbm>> -> memref<128xi32, #tpu.memory_space<hbm>>
        %dma_wait3A_328 = arith.constant 0 : i32
        %dma_wait3A_329 = tpu.memref_slice %arg3[%arg1, %dma_wait3A_324, %dma_wait3A_328] : memref<16x160x128xi32, #tpu.memory_space<hbm>> -> memref<1x1x128xi32, #tpu.memory_space<hbm>>
        %dma_wait3A_330 = tpu.memref_squeeze %dma_wait3A_329 : memref<1x1x128xi32, #tpu.memory_space<hbm>> -> memref<128xi32, #tpu.memory_space<hbm>>
        tpu.wait_dma2 semaphore(%arg17 : memref<!tpu.dma_semaphore, #tpu.memory_space<semaphore_mem>>) src(%dma_wait3A_330 : memref<128xi32, #tpu.memory_space<hbm>>) dst(%arg9 : memref<128xi32, #tpu.memory_space<vmem>>)
        %add3A_331 = arith.constant 1 : i32
        %add3A_332 = arith.addi %add3A_270, %add3A_331 : i32
        %dma_start3A_333 = arith.constant 0 : i32
        %dma_start3A_334 = arith.constant 0 : i32
        %dma_start3A_335 = arith.constant 0 : i32
        %dma_start3A_336 = tpu.memref_slice %arg11[%dma_start3A_333, %dma_start3A_334, %dma_start3A_335] : memref<2x128x80xf32, #tpu.memory_space<vmem>> -> memref<1x128x80xf32, #tpu.memory_space<vmem>>
        %dma_start3A_337 = tpu.memref_squeeze %dma_start3A_336 : memref<1x128x80xf32, #tpu.memory_space<vmem>> -> memref<128x80xf32, #tpu.memory_space<vmem>>
        %dma_start3A_338 = arith.constant 0 : i32
        %dma_start3A_339 = arith.constant 0 : i32
        %dma_start3A_340 = tpu.memref_slice %arg4[%dma_start3A_338, %dma_start3A_339] : memref<40000x80xf32, #tpu.memory_space<hbm>> -> memref<40000x80xf32, #tpu.memory_space<hbm>>
        tpu.enqueue_indirect_dma source(%dma_start3A_340 : memref<40000x80xf32, #tpu.memory_space<hbm>>) target(%dma_start3A_337 : memref<128x80xf32, #tpu.memory_space<vmem>>) offsets(%arg7 : memref<128xi32, #tpu.memory_space<vmem>>) semaphore(%arg13 : memref<!tpu.dma_semaphore, #tpu.memory_space<semaphore_mem>>)
        %mul3A_341 = arith.constant 128 : i32
        %mul3A_342 = arith.muli %add3A_332, %mul3A_341 : i32
        %add3A_343 = arith.addi %mul3A_0, %mul3A_342 : i32
        %dma_start3A_344 = arith.constant 0 : i32
        %dma_start3A_345 = arith.constant 0 : i32
        %dma_start3A_346 = arith.constant 0 : i32
        %dma_start3A_347 = tpu.memref_slice %arg12[%dma_start3A_344, %dma_start3A_345, %dma_start3A_346] : memref<2x128x80xf32, #tpu.memory_space<vmem>> -> memref<1x128x80xf32, #tpu.memory_space<vmem>>
        %dma_start3A_348 = tpu.memref_squeeze %dma_start3A_347 : memref<1x128x80xf32, #tpu.memory_space<vmem>> -> memref<128x80xf32, #tpu.memory_space<vmem>>
        %dma_start3A_349 = arith.constant 0 : i32
        %dma_start3A_350 = tpu.memref_slice %arg5[%add3A_111, %add3A_343, %dma_start3A_349] : memref<4x327680x80xf32, #tpu.memory_space<hbm>> -> memref<1x128x80xf32, #tpu.memory_space<hbm>>
        %dma_start3A_351 = tpu.memref_squeeze %dma_start3A_350 : memref<1x128x80xf32, #tpu.memory_space<hbm>> -> memref<128x80xf32, #tpu.memory_space<hbm>>
        %dma_start3A_352 = arith.constant 0 : i32
        %dma_start3A_353 = arith.constant 0 : i32
        %dma_start3A_354 = tpu.memref_slice %arg12[%dma_start3A_344, %dma_start3A_352, %dma_start3A_353] : memref<2x128x80xf32, #tpu.memory_space<vmem>> -> memref<1x128x80xf32, #tpu.memory_space<vmem>>
        %dma_start3A_355 = tpu.memref_squeeze %dma_start3A_354 : memref<1x128x80xf32, #tpu.memory_space<vmem>> -> memref<128x80xf32, #tpu.memory_space<vmem>>
        %dma_start3A_356 = arith.constant 0 : i32
        %dma_start3A_357 = tpu.memref_slice %arg5[%add3A_111, %add3A_343, %dma_start3A_356] : memref<4x327680x80xf32, #tpu.memory_space<hbm>> -> memref<1x128x80xf32, #tpu.memory_space<hbm>>
        %dma_start3A_358 = tpu.memref_squeeze %dma_start3A_357 : memref<1x128x80xf32, #tpu.memory_space<hbm>> -> memref<128x80xf32, #tpu.memory_space<hbm>>
        tpu.enqueue_dma source(%dma_start3A_358 : memref<128x80xf32, #tpu.memory_space<hbm>>) target(%dma_start3A_355 : memref<128x80xf32, #tpu.memory_space<vmem>>) target_semaphore(%arg15 : memref<!tpu.dma_semaphore, #tpu.memory_space<semaphore_mem>>)
      } else {
      }
      %dma_wait3A_278 = arith.constant 1 : i32
      %dma_wait3A_279 = arith.constant 0 : i32
      %dma_wait3A_280 = arith.constant 0 : i32
      %dma_wait3A_281 = tpu.memref_slice %arg11[%dma_wait3A_278, %dma_wait3A_279, %dma_wait3A_280] : memref<2x128x80xf32, #tpu.memory_space<vmem>> -> memref<1x128x80xf32, #tpu.memory_space<vmem>>
      %dma_wait3A_282 = tpu.memref_squeeze %dma_wait3A_281 : memref<1x128x80xf32, #tpu.memory_space<vmem>> -> memref<128x80xf32, #tpu.memory_space<vmem>>
      %dma_wait3A_283 = arith.constant 0 : i32
      %dma_wait3A_284 = arith.constant 0 : i32
      %dma_wait3A_285 = tpu.memref_slice %arg4[%dma_wait3A_283, %dma_wait3A_284] : memref<40000x80xf32, #tpu.memory_space<hbm>> -> memref<40000x80xf32, #tpu.memory_space<hbm>>
      tpu.wait_indirect_dma semaphore(%arg14 : memref<!tpu.dma_semaphore, #tpu.memory_space<semaphore_mem>>) src(%dma_wait3A_285 : memref<40000x80xf32, #tpu.memory_space<hbm>>) dst(%dma_wait3A_282 : memref<128x80xf32, #tpu.memory_space<vmem>>)
      %dma_wait3A_286 = arith.constant 0 : i32
      %dma_wait3A_287 = arith.constant 1 : i32
      %dma_wait3A_288 = arith.constant 0 : i32
      %dma_wait3A_289 = arith.constant 0 : i32
      %dma_wait3A_290 = tpu.memref_slice %arg12[%dma_wait3A_287, %dma_wait3A_288, %dma_wait3A_289] : memref<2x128x80xf32, #tpu.memory_space<vmem>> -> memref<1x128x80xf32, #tpu.memory_space<vmem>>
      %dma_wait3A_291 = tpu.memref_squeeze %dma_wait3A_290 : memref<1x128x80xf32, #tpu.memory_space<vmem>> -> memref<128x80xf32, #tpu.memory_space<vmem>>
      %dma_wait3A_292 = arith.constant 0 : i32
      %dma_wait3A_293 = arith.constant 0 : i32
      %dma_wait3A_294 = tpu.memref_slice %arg5[%dma_wait3A_286, %dma_wait3A_292, %dma_wait3A_293] : memref<4x327680x80xf32, #tpu.memory_space<hbm>> -> memref<1x128x80xf32, #tpu.memory_space<hbm>>
      %dma_wait3A_295 = tpu.memref_squeeze %dma_wait3A_294 : memref<1x128x80xf32, #tpu.memory_space<hbm>> -> memref<128x80xf32, #tpu.memory_space<hbm>>
      %dma_wait3A_296 = arith.constant 0 : i32
      %dma_wait3A_297 = arith.constant 0 : i32
      %dma_wait3A_298 = tpu.memref_slice %arg12[%dma_wait3A_287, %dma_wait3A_296, %dma_wait3A_297] : memref<2x128x80xf32, #tpu.memory_space<vmem>> -> memref<1x128x80xf32, #tpu.memory_space<vmem>>
      %dma_wait3A_299 = tpu.memref_squeeze %dma_wait3A_298 : memref<1x128x80xf32, #tpu.memory_space<vmem>> -> memref<128x80xf32, #tpu.memory_space<vmem>>
      %dma_wait3A_300 = arith.constant 0 : i32
      %dma_wait3A_301 = arith.constant 0 : i32
      %dma_wait3A_302 = tpu.memref_slice %arg5[%dma_wait3A_286, %dma_wait3A_300, %dma_wait3A_301] : memref<4x327680x80xf32, #tpu.memory_space<hbm>> -> memref<1x128x80xf32, #tpu.memory_space<hbm>>
      %dma_wait3A_303 = tpu.memref_squeeze %dma_wait3A_302 : memref<1x128x80xf32, #tpu.memory_space<hbm>> -> memref<128x80xf32, #tpu.memory_space<hbm>>
      tpu.wait_dma2 semaphore(%arg16 : memref<!tpu.dma_semaphore, #tpu.memory_space<semaphore_mem>>) src(%dma_wait3A_303 : memref<128x80xf32, #tpu.memory_space<hbm>>) dst(%dma_wait3A_299 : memref<128x80xf32, #tpu.memory_space<vmem>>)
      %scan3A_304 = arith.constant 0 : i32
      %scan3A_305 = arith.constant 128 : i32
      %scan3A_306 = arith.addi %scan3A_304, %scan3A_305 : i32
      %scan3A_307 = arith.constant 1 : i32
      scf.for %scan3A_317 = %scan3A_304 to %scan3A_306 step %scan3A_307  : i32 {
        %get3A = arith.constant 1 : i32
        %get3A_318 = arith.index_cast %get3A : i32 to index
        %get3A_319 = arith.index_cast %scan3A_317 : i32 to index
        %get3A_320 = arith.constant 0 : index
        %get3A_321 = tpu.vector_load %arg11[%get3A_318, %get3A_319, %get3A_320] {strides = array<i32>} : memref<2x128x80xf32, #tpu.memory_space<vmem>>, vector<1x1x16xf32>,
        %get3A_322 = vector.shape_cast %get3A_321 : vector<1x1x16xf32> to vector<16xf32>
        %get3A_323 = arith.constant 1 : i32
        %get3A_324 = arith.index_cast %get3A_323 : i32 to index
        %get3A_325 = arith.index_cast %scan3A_317 : i32 to index
        %get3A_326 = arith.constant 0 : index
        %get3A_327 = tpu.vector_load %arg12[%get3A_324, %get3A_325, %get3A_326] {strides = array<i32>} : memref<2x128x80xf32, #tpu.memory_space<vmem>>, vector<1x1x16xf32>,
        %get3A_328 = vector.shape_cast %get3A_327 : vector<1x1x16xf32> to vector<16xf32>
        %mul3A_329 = arith.mulf %get3A_322, %get3A_328 : vector<16xf32>
        %swap3A = arith.constant 1 : i32
        %swap3A_330 = arith.index_cast %swap3A : i32 to index
        %swap3A_331 = arith.index_cast %scan3A_317 : i32 to index
        %swap3A_332 = arith.constant 0 : index
        %swap3A_333 = tpu.vector_load %arg11[%swap3A_330, %swap3A_331, %swap3A_332] {strides = array<i32>} : memref<2x128x80xf32, #tpu.memory_space<vmem>>, vector<1x1x16xf32>,
        %swap3A_334 = vector.shape_cast %swap3A_333 : vector<1x1x16xf32> to vector<16xf32>
        %swap3A_335 = vector.shape_cast %mul3A_329 : vector<16xf32> to vector<1x1x16xf32>
        tpu.vector_store %arg11[%swap3A_330, %swap3A_331, %swap3A_332], %swap3A_335 {strides = array<i32>} : memref<2x128x80xf32, #tpu.memory_space<vmem>>, vector<1x1x16xf32>,
        %get3A_336 = arith.constant 1 : i32
        %get3A_337 = arith.index_cast %get3A_336 : i32 to index
        %get3A_338 = arith.index_cast %scan3A_317 : i32 to index
        %get3A_339 = arith.constant 16 : index
        %get3A_340 = tpu.vector_load %arg11[%get3A_337, %get3A_338, %get3A_339] {strides = array<i32>} : memref<2x128x80xf32, #tpu.memory_space<vmem>>, vector<1x1x16xf32>,
        %get3A_341 = vector.shape_cast %get3A_340 : vector<1x1x16xf32> to vector<16xf32>
        %get3A_342 = arith.constant 1 : i32
        %get3A_343 = arith.index_cast %get3A_342 : i32 to index
        %get3A_344 = arith.index_cast %scan3A_317 : i32 to index
        %get3A_345 = arith.constant 16 : index
        %get3A_346 = tpu.vector_load %arg12[%get3A_343, %get3A_344, %get3A_345] {strides = array<i32>} : memref<2x128x80xf32, #tpu.memory_space<vmem>>, vector<1x1x16xf32>,
        %get3A_347 = vector.shape_cast %get3A_346 : vector<1x1x16xf32> to vector<16xf32>
        %mul3A_348 = arith.mulf %get3A_341, %get3A_347 : vector<16xf32>
        %swap3A_349 = arith.constant 1 : i32
        %swap3A_350 = arith.index_cast %swap3A_349 : i32 to index
        %swap3A_351 = arith.index_cast %scan3A_317 : i32 to index
        %swap3A_352 = arith.constant 16 : index
        %swap3A_353 = tpu.vector_load %arg11[%swap3A_350, %swap3A_351, %swap3A_352] {strides = array<i32>} : memref<2x128x80xf32, #tpu.memory_space<vmem>>, vector<1x1x16xf32>,
        %swap3A_354 = vector.shape_cast %swap3A_353 : vector<1x1x16xf32> to vector<16xf32>
        %swap3A_355 = vector.shape_cast %mul3A_348 : vector<16xf32> to vector<1x1x16xf32>
        tpu.vector_store %arg11[%swap3A_350, %swap3A_351, %swap3A_352], %swap3A_355 {strides = array<i32>} : memref<2x128x80xf32, #tpu.memory_space<vmem>>, vector<1x1x16xf32>,
        %get3A_356 = arith.constant 1 : i32
        %get3A_357 = arith.index_cast %get3A_356 : i32 to index
        %get3A_358 = arith.index_cast %scan3A_317 : i32 to index
        %get3A_359 = arith.constant 32 : index
        %get3A_360 = tpu.vector_load %arg11[%get3A_357, %get3A_358, %get3A_359] {strides = array<i32>} : memref<2x128x80xf32, #tpu.memory_space<vmem>>, vector<1x1x16xf32>,
        %get3A_361 = vector.shape_cast %get3A_360 : vector<1x1x16xf32> to vector<16xf32>
        %get3A_362 = arith.constant 1 : i32
        %get3A_363 = arith.index_cast %get3A_362 : i32 to index
        %get3A_364 = arith.index_cast %scan3A_317 : i32 to index
        %get3A_365 = arith.constant 32 : index
        %get3A_366 = tpu.vector_load %arg12[%get3A_363, %get3A_364, %get3A_365] {strides = array<i32>} : memref<2x128x80xf32, #tpu.memory_space<vmem>>, vector<1x1x16xf32>,
        %get3A_367 = vector.shape_cast %get3A_366 : vector<1x1x16xf32> to vector<16xf32>
        %mul3A_368 = arith.mulf %get3A_361, %get3A_367 : vector<16xf32>
        %swap3A_369 = arith.constant 1 : i32
        %swap3A_370 = arith.index_cast %swap3A_369 : i32 to index
        %swap3A_371 = arith.index_cast %scan3A_317 : i32 to index
        %swap3A_372 = arith.constant 32 : index
        %swap3A_373 = tpu.vector_load %arg11[%swap3A_370, %swap3A_371, %swap3A_372] {strides = array<i32>} : memref<2x128x80xf32, #tpu.memory_space<vmem>>, vector<1x1x16xf32>,
        %swap3A_374 = vector.shape_cast %swap3A_373 : vector<1x1x16xf32> to vector<16xf32>
        %swap3A_375 = vector.shape_cast %mul3A_368 : vector<16xf32> to vector<1x1x16xf32>
        tpu.vector_store %arg11[%swap3A_370, %swap3A_371, %swap3A_372], %swap3A_375 {strides = array<i32>} : memref<2x128x80xf32, #tpu.memory_space<vmem>>, vector<1x1x16xf32>,
        %get3A_376 = arith.constant 1 : i32
        %get3A_377 = arith.index_cast %get3A_376 : i32 to index
        %get3A_378 = arith.index_cast %scan3A_317 : i32 to index
        %get3A_379 = arith.constant 48 : index
        %get3A_380 = tpu.vector_load %arg11[%get3A_377, %get3A_378, %get3A_379] {strides = array<i32>} : memref<2x128x80xf32, #tpu.memory_space<vmem>>, vector<1x1x16xf32>,
        %get3A_381 = vector.shape_cast %get3A_380 : vector<1x1x16xf32> to vector<16xf32>
        %get3A_382 = arith.constant 1 : i32
        %get3A_383 = arith.index_cast %get3A_382 : i32 to index
        %get3A_384 = arith.index_cast %scan3A_317 : i32 to index
        %get3A_385 = arith.constant 48 : index
        %get3A_386 = tpu.vector_load %arg12[%get3A_383, %get3A_384, %get3A_385] {strides = array<i32>} : memref<2x128x80xf32, #tpu.memory_space<vmem>>, vector<1x1x16xf32>,
        %get3A_387 = vector.shape_cast %get3A_386 : vector<1x1x16xf32> to vector<16xf32>
        %mul3A_388 = arith.mulf %get3A_381, %get3A_387 : vector<16xf32>
        %swap3A_389 = arith.constant 1 : i32
        %swap3A_390 = arith.index_cast %swap3A_389 : i32 to index
        %swap3A_391 = arith.index_cast %scan3A_317 : i32 to index
        %swap3A_392 = arith.constant 48 : index
        %swap3A_393 = tpu.vector_load %arg11[%swap3A_390, %swap3A_391, %swap3A_392] {strides = array<i32>} : memref<2x128x80xf32, #tpu.memory_space<vmem>>, vector<1x1x16xf32>,
        %swap3A_394 = vector.shape_cast %swap3A_393 : vector<1x1x16xf32> to vector<16xf32>
        %swap3A_395 = vector.shape_cast %mul3A_388 : vector<16xf32> to vector<1x1x16xf32>
        tpu.vector_store %arg11[%swap3A_390, %swap3A_391, %swap3A_392], %swap3A_395 {strides = array<i32>} : memref<2x128x80xf32, #tpu.memory_space<vmem>>, vector<1x1x16xf32>,
        %get3A_396 = arith.constant 1 : i32
        %get3A_397 = arith.index_cast %get3A_396 : i32 to index
        %get3A_398 = arith.index_cast %scan3A_317 : i32 to index
        %get3A_399 = arith.constant 64 : index
        %get3A_400 = tpu.vector_load %arg11[%get3A_397, %get3A_398, %get3A_399] {strides = array<i32>} : memref<2x128x80xf32, #tpu.memory_space<vmem>>, vector<1x1x16xf32>,
        %get3A_401 = vector.shape_cast %get3A_400 : vector<1x1x16xf32> to vector<16xf32>
        %get3A_402 = arith.constant 1 : i32
        %get3A_403 = arith.index_cast %get3A_402 : i32 to index
        %get3A_404 = arith.index_cast %scan3A_317 : i32 to index
        %get3A_405 = arith.constant 64 : index
        %get3A_406 = tpu.vector_load %arg12[%get3A_403, %get3A_404, %get3A_405] {strides = array<i32>} : memref<2x128x80xf32, #tpu.memory_space<vmem>>, vector<1x1x16xf32>,
        %get3A_407 = vector.shape_cast %get3A_406 : vector<1x1x16xf32> to vector<16xf32>
        %mul3A_408 = arith.mulf %get3A_401, %get3A_407 : vector<16xf32>
        %swap3A_409 = arith.constant 1 : i32
        %swap3A_410 = arith.index_cast %swap3A_409 : i32 to index
        %swap3A_411 = arith.index_cast %scan3A_317 : i32 to index
        %swap3A_412 = arith.constant 64 : index
        %swap3A_413 = tpu.vector_load %arg11[%swap3A_410, %swap3A_411, %swap3A_412] {strides = array<i32>} : memref<2x128x80xf32, #tpu.memory_space<vmem>>, vector<1x1x16xf32>,
        %swap3A_414 = vector.shape_cast %swap3A_413 : vector<1x1x16xf32> to vector<16xf32>
        %swap3A_415 = vector.shape_cast %mul3A_408 : vector<16xf32> to vector<1x1x16xf32>
        tpu.vector_store %arg11[%swap3A_410, %swap3A_411, %swap3A_412], %swap3A_415 {strides = array<i32>} : memref<2x128x80xf32, #tpu.memory_space<vmem>>, vector<1x1x16xf32>,
      }
      %scan3A_308 = arith.constant 128 : i32
      %run_scoped3A_309 = arith.constant 1 : i32
      "tpu.region"() ({
        %run_scoped3A_317 = tpu.sem_alloc : memref<!tpu.dma_semaphore, #tpu.memory_space<semaphore_mem>>
        %dma_start3A_318 = arith.constant 0 : i32
        %dma_start3A_319 = arith.constant 0 : i32
        %dma_start3A_320 = tpu.memref_slice %arg11[%run_scoped3A_309, %dma_start3A_318, %dma_start3A_319] : memref<2x128x80xf32, #tpu.memory_space<vmem>> -> memref<1x128x80xf32, #tpu.memory_space<vmem>>
        %dma_start3A_321 = tpu.memref_squeeze %dma_start3A_320 : memref<1x128x80xf32, #tpu.memory_space<vmem>> -> memref<128x80xf32, #tpu.memory_space<vmem>>
        %dma_start3A_322 = arith.constant 0 : i32
        %dma_start3A_323 = arith.constant 0 : i32
        %dma_start3A_324 = tpu.memref_slice %arg19[%dma_start3A_322, %dma_start3A_323] : memref<10240x80xf32, #tpu.memory_space<vmem_shared>> -> memref<10240x80xf32, #tpu.memory_space<vmem_shared>>
        tpu.enqueue_indirect_dma source(%dma_start3A_321 : memref<128x80xf32, #tpu.memory_space<vmem>>) target(%dma_start3A_324 : memref<10240x80xf32, #tpu.memory_space<vmem_shared>>) offsets(%arg10 : memref<128xi32, #tpu.memory_space<vmem>>) semaphore(%run_scoped3A_317 : memref<!tpu.dma_semaphore, #tpu.memory_space<semaphore_mem>>) {add = true}
        %dma_wait3A_325 = arith.constant 0 : i32
        %dma_wait3A_326 = arith.constant 0 : i32
        %dma_wait3A_327 = tpu.memref_slice %arg11[%run_scoped3A_309, %dma_wait3A_325, %dma_wait3A_326] : memref<2x128x80xf32, #tpu.memory_space<vmem>> -> memref<1x128x80xf32, #tpu.memory_space<vmem>>
        %dma_wait3A_328 = tpu.memref_squeeze %dma_wait3A_327 : memref<1x128x80xf32, #tpu.memory_space<vmem>> -> memref<128x80xf32, #tpu.memory_space<vmem>>
        %dma_wait3A_329 = arith.constant 0 : i32
        %dma_wait3A_330 = arith.constant 0 : i32
        %dma_wait3A_331 = tpu.memref_slice %arg19[%dma_wait3A_329, %dma_wait3A_330] : memref<10240x80xf32, #tpu.memory_space<vmem_shared>> -> memref<10240x80xf32, #tpu.memory_space<vmem_shared>>
        tpu.wait_indirect_dma semaphore(%run_scoped3A_317 : memref<!tpu.dma_semaphore, #tpu.memory_space<semaphore_mem>>) src(%dma_wait3A_328 : memref<128x80xf32, #tpu.memory_space<vmem>>) dst(%dma_wait3A_331 : memref<10240x80xf32, #tpu.memory_space<vmem_shared>>)
        tpu.yield
      }) : () -> ()
      %add3A_310 = arith.constant 2 : i32
      %add3A_311 = arith.addi %add3A_270, %add3A_310 : i32
      %lt3A_312 = arith.constant 160 : i32
      %lt3A_313 = arith.cmpi slt, %add3A_311, %lt3A_312 : i32
      %convert_element_type3A_314 = arith.extui %lt3A_313 : i1 to i32
      %cond3A_315 = arith.constant 0 : i32
      %cond3A_316 = arith.cmpi ne, %convert_element_type3A_314, %cond3A_315 : i32
      scf.if %cond3A_316 {
        %add3A_317 = arith.constant 2 : i32
        %add3A_318 = arith.addi %add3A_270, %add3A_317 : i32
        %dma_start3A_319 = arith.constant 0 : i32
        %dma_start3A_320 = tpu.memref_slice %arg2[%add3A_111, %arg1, %add3A_318, %dma_start3A_319] : memref<4x16x160x128xi32, #tpu.memory_space<hbm>> -> memref<1x1x1x128xi32, #tpu.memory_space<hbm>>
        %dma_start3A_321 = tpu.memref_squeeze %dma_start3A_320 : memref<1x1x1x128xi32, #tpu.memory_space<hbm>> -> memref<128xi32, #tpu.memory_space<hbm>>
        %dma_start3A_322 = arith.constant 0 : i32
        %dma_start3A_323 = tpu.memref_slice %arg2[%add3A_111, %arg1, %add3A_318, %dma_start3A_322] : memref<4x16x160x128xi32, #tpu.memory_space<hbm>> -> memref<1x1x1x128xi32, #tpu.memory_space<hbm>>
        %dma_start3A_324 = tpu.memref_squeeze %dma_start3A_323 : memref<1x1x1x128xi32, #tpu.memory_space<hbm>> -> memref<128xi32, #tpu.memory_space<hbm>>
        tpu.enqueue_dma source(%dma_start3A_324 : memref<128xi32, #tpu.memory_space<hbm>>) target(%arg8 : memref<128xi32, #tpu.memory_space<vmem>>) target_semaphore(%arg18 : memref<!tpu.dma_semaphore, #tpu.memory_space<semaphore_mem>>)
        %dma_start3A_325 = arith.constant 0 : i32
        %dma_start3A_326 = tpu.memref_slice %arg3[%arg1, %add3A_318, %dma_start3A_325] : memref<16x160x128xi32, #tpu.memory_space<hbm>> -> memref<1x1x128xi32, #tpu.memory_space<hbm>>
        %dma_start3A_327 = tpu.memref_squeeze %dma_start3A_326 : memref<1x1x128xi32, #tpu.memory_space<hbm>> -> memref<128xi32, #tpu.memory_space<hbm>>
        %dma_start3A_328 = arith.constant 0 : i32
        %dma_start3A_329 = tpu.memref_slice %arg3[%arg1, %add3A_318, %dma_start3A_328] : memref<16x160x128xi32, #tpu.memory_space<hbm>> -> memref<1x1x128xi32, #tpu.memory_space<hbm>>
        %dma_start3A_330 = tpu.memref_squeeze %dma_start3A_329 : memref<1x1x128xi32, #tpu.memory_space<hbm>> -> memref<128xi32, #tpu.memory_space<hbm>>
        tpu.enqueue_dma source(%dma_start3A_330 : memref<128xi32, #tpu.memory_space<hbm>>) target(%arg10 : memref<128xi32, #tpu.memory_space<vmem>>) target_semaphore(%arg18 : memref<!tpu.dma_semaphore, #tpu.memory_space<semaphore_mem>>)
      } else {
      }
    }
    %scan3A_188 = arith.constant 80 : i32
    %barrier3A_189 = arith.constant 0 : index
    tpu.barrier barrier_id(%barrier3A_189)
    %mul3A_190 = arith.constant 640 : i32
    %mul3A_191 = arith.muli %arg1, %mul3A_190 : i32
    %add3A_192 = arith.constant 0 : i32
    %add3A_193 = arith.addi %mul3A_191, %add3A_192 : i32
    %run_scoped3A_194 = arith.constant 0 : i32
    "tpu.region"() ({
      %run_scoped3A_220 = tpu.sem_alloc : memref<!tpu.dma_semaphore, #tpu.memory_space<semaphore_mem>>
      %dma_start3A_221 = arith.constant 0 : i32
      %dma_start3A_222 = arith.constant 0 : i32
      %dma_start3A_223 = tpu.memref_slice %arg11[%run_scoped3A_194, %dma_start3A_221, %dma_start3A_222] : memref<2x128x80xf32, #tpu.memory_space<vmem>> -> memref<1x128x80xf32, #tpu.memory_space<vmem>>
      %dma_start3A_224 = tpu.memref_squeeze %dma_start3A_223 : memref<1x128x80xf32, #tpu.memory_space<vmem>> -> memref<128x80xf32, #tpu.memory_space<vmem>>
      %dma_start3A_225 = arith.constant 0 : i32
      %dma_start3A_226 = tpu.memref_slice %arg19[%add3A_193, %dma_start3A_225] : memref<10240x80xf32, #tpu.memory_space<vmem_shared>> -> memref<128x80xf32, #tpu.memory_space<vmem_shared>>
      %dma_start3A_227 = arith.constant 0 : i32
      %dma_start3A_228 = arith.constant 0 : i32
      %dma_start3A_229 = tpu.memref_slice %arg11[%run_scoped3A_194, %dma_start3A_227, %dma_start3A_228] : memref<2x128x80xf32, #tpu.memory_space<vmem>> -> memref<1x128x80xf32, #tpu.memory_space<vmem>>
      %dma_start3A_230 = tpu.memref_squeeze %dma_start3A_229 : memref<1x128x80xf32, #tpu.memory_space<vmem>> -> memref<128x80xf32, #tpu.memory_space<vmem>>
      %dma_start3A_231 = arith.constant 0 : i32
      %dma_start3A_232 = tpu.memref_slice %arg19[%add3A_193, %dma_start3A_231] : memref<10240x80xf32, #tpu.memory_space<vmem_shared>> -> memref<128x80xf32, #tpu.memory_space<vmem_shared>>
      tpu.enqueue_dma source(%dma_start3A_232 : memref<128x80xf32, #tpu.memory_space<vmem_shared>>) target(%dma_start3A_230 : memref<128x80xf32, #tpu.memory_space<vmem>>) target_semaphore(%run_scoped3A_220 : memref<!tpu.dma_semaphore, #tpu.memory_space<semaphore_mem>>)
      %dma_wait3A = arith.constant 0 : i32
      %dma_wait3A_233 = arith.constant 0 : i32
      %dma_wait3A_234 = tpu.memref_slice %arg11[%run_scoped3A_194, %dma_wait3A, %dma_wait3A_233] : memref<2x128x80xf32, #tpu.memory_space<vmem>> -> memref<1x128x80xf32, #tpu.memory_space<vmem>>
      %dma_wait3A_235 = tpu.memref_squeeze %dma_wait3A_234 : memref<1x128x80xf32, #tpu.memory_space<vmem>> -> memref<128x80xf32, #tpu.memory_space<vmem>>
      %dma_wait3A_236 = arith.constant 0 : i32
      %dma_wait3A_237 = tpu.memref_slice %arg19[%add3A_193, %dma_wait3A_236] : memref<10240x80xf32, #tpu.memory_space<vmem_shared>> -> memref<128x80xf32, #tpu.memory_space<vmem_shared>>
      %dma_wait3A_238 = arith.constant 0 : i32
      %dma_wait3A_239 = arith.constant 0 : i32
      %dma_wait3A_240 = tpu.memref_slice %arg11[%run_scoped3A_194, %dma_wait3A_238, %dma_wait3A_239] : memref<2x128x80xf32, #tpu.memory_space<vmem>> -> memref<1x128x80xf32, #tpu.memory_space<vmem>>
      %dma_wait3A_241 = tpu.memref_squeeze %dma_wait3A_240 : memref<1x128x80xf32, #tpu.memory_space<vmem>> -> memref<128x80xf32, #tpu.memory_space<vmem>>
      %dma_wait3A_242 = arith.constant 0 : i32
      %dma_wait3A_243 = tpu.memref_slice %arg19[%add3A_193, %dma_wait3A_242] : memref<10240x80xf32, #tpu.memory_space<vmem_shared>> -> memref<128x80xf32, #tpu.memory_space<vmem_shared>>
      tpu.wait_dma2 semaphore(%run_scoped3A_220 : memref<!tpu.dma_semaphore, #tpu.memory_space<semaphore_mem>>) src(%dma_wait3A_243 : memref<128x80xf32, #tpu.memory_space<vmem_shared>>) dst(%dma_wait3A_241 : memref<128x80xf32, #tpu.memory_space<vmem>>)
      tpu.yield
    }) : () -> ()
    %run_scoped3A_195 = arith.constant 0 : i32
    "tpu.region"() ({
      %run_scoped3A_220 = tpu.sem_alloc : memref<!tpu.dma_semaphore, #tpu.memory_space<semaphore_mem>>
      %dma_start3A_221 = arith.constant 0 : i32
      %dma_start3A_222 = arith.constant 0 : i32
      %dma_start3A_223 = tpu.memref_slice %arg11[%run_scoped3A_195, %dma_start3A_221, %dma_start3A_222] : memref<2x128x80xf32, #tpu.memory_space<vmem>> -> memref<1x128x80xf32, #tpu.memory_space<vmem>>
      %dma_start3A_224 = tpu.memref_squeeze %dma_start3A_223 : memref<1x128x80xf32, #tpu.memory_space<vmem>> -> memref<128x80xf32, #tpu.memory_space<vmem>>
      %dma_start3A_225 = arith.constant 0 : i32
      %dma_start3A_226 = tpu.memref_slice %arg6[%add3A_111, %add3A_193, %dma_start3A_225] : memref<4x10240x80xf32, #tpu.memory_space<hbm>> -> memref<1x128x80xf32, #tpu.memory_space<hbm>>
      %dma_start3A_227 = tpu.memref_squeeze %dma_start3A_226 : memref<1x128x80xf32, #tpu.memory_space<hbm>> -> memref<128x80xf32, #tpu.memory_space<hbm>>
      %dma_start3A_228 = arith.constant 0 : i32
      %dma_start3A_229 = tpu.memref_slice %arg6[%add3A_111, %add3A_193, %dma_start3A_228] : memref<4x10240x80xf32, #tpu.memory_space<hbm>> -> memref<1x128x80xf32, #tpu.memory_space<hbm>>
      %dma_start3A_230 = tpu.memref_squeeze %dma_start3A_229 : memref<1x128x80xf32, #tpu.memory_space<hbm>> -> memref<128x80xf32, #tpu.memory_space<hbm>>
      %dma_start3A_231 = arith.constant 0 : i32
      %dma_start3A_232 = arith.constant 0 : i32
      %dma_start3A_233 = tpu.memref_slice %arg11[%run_scoped3A_195, %dma_start3A_231, %dma_start3A_232] : memref<2x128x80xf32, #tpu.memory_space<vmem>> -> memref<1x128x80xf32, #tpu.memory_space<vmem>>
      %dma_start3A_234 = tpu.memref_squeeze %dma_start3A_233 : memref<1x128x80xf32, #tpu.memory_space<vmem>> -> memref<128x80xf32, #tpu.memory_space<vmem>>
      tpu.enqueue_dma source(%dma_start3A_234 : memref<128x80xf32, #tpu.memory_space<vmem>>) target(%dma_start3A_230 : memref<128x80xf32, #tpu.memory_space<hbm>>) target_semaphore(%run_scoped3A_220 : memref<!tpu.dma_semaphore, #tpu.memory_space<semaphore_mem>>)
      %dma_wait3A = arith.constant 0 : i32
      %dma_wait3A_235 = arith.constant 0 : i32
      %dma_wait3A_236 = tpu.memref_slice %arg11[%run_scoped3A_195, %dma_wait3A, %dma_wait3A_235] : memref<2x128x80xf32, #tpu.memory_space<vmem>> -> memref<1x128x80xf32, #tpu.memory_space<vmem>>
      %dma_wait3A_237 = tpu.memref_squeeze %dma_wait3A_236 : memref<1x128x80xf32, #tpu.memory_space<vmem>> -> memref<128x80xf32, #tpu.memory_space<vmem>>
      %dma_wait3A_238 = arith.constant 0 : i32
      %dma_wait3A_239 = tpu.memref_slice %arg6[%add3A_111, %add3A_193, %dma_wait3A_238] : memref<4x10240x80xf32, #tpu.memory_space<hbm>> -> memref<1x128x80xf32, #tpu.memory_space<hbm>>
      %dma_wait3A_240 = tpu.memref_squeeze %dma_wait3A_239 : memref<1x128x80xf32, #tpu.memory_space<hbm>> -> memref<128x80xf32, #tpu.memory_space<hbm>>
      %dma_wait3A_241 = arith.constant 0 : i32
      %dma_wait3A_242 = tpu.memref_slice %arg6[%add3A_111, %add3A_193, %dma_wait3A_241] : memref<4x10240x80xf32, #tpu.memory_space<hbm>> -> memref<1x128x80xf32, #tpu.memory_space<hbm>>
      %dma_wait3A_243 = tpu.memref_squeeze %dma_wait3A_242 : memref<1x128x80xf32, #tpu.memory_space<hbm>> -> memref<128x80xf32, #tpu.memory_space<hbm>>
      %dma_wait3A_244 = arith.constant 0 : i32
      %dma_wait3A_245 = arith.constant 0 : i32
      %dma_wait3A_246 = tpu.memref_slice %arg11[%run_scoped3A_195, %dma_wait3A_244, %dma_wait3A_245] : memref<2x128x80xf32, #tpu.memory_space<vmem>> -> memref<1x128x80xf32, #tpu.memory_space<vmem>>
      %dma_wait3A_247 = tpu.memref_squeeze %dma_wait3A_246 : memref<1x128x80xf32, #tpu.memory_space<vmem>> -> memref<128x80xf32, #tpu.memory_space<vmem>>
      tpu.wait_dma2 semaphore(%run_scoped3A_220 : memref<!tpu.dma_semaphore, #tpu.memory_space<semaphore_mem>>) src(%dma_wait3A_247 : memref<128x80xf32, #tpu.memory_space<vmem>>) dst(%dma_wait3A_243 : memref<128x80xf32, #tpu.memory_space<hbm>>)
      tpu.yield
    }) : () -> ()
    %mul3A_196 = arith.constant 640 : i32
    %mul3A_197 = arith.muli %arg1, %mul3A_196 : i32
    %add3A_198 = arith.constant 128 : i32
    %add3A_199 = arith.addi %mul3A_197, %add3A_198 : i32
    %run_scoped3A_200 = arith.constant 0 : i32
    "tpu.region"() ({
      %run_scoped3A_220 = tpu.sem_alloc : memref<!tpu.dma_semaphore, #tpu.memory_space<semaphore_mem>>
      %dma_start3A_221 = arith.constant 0 : i32
      %dma_start3A_222 = arith.constant 0 : i32
      %dma_start3A_223 = tpu.memref_slice %arg11[%run_scoped3A_200, %dma_start3A_221, %dma_start3A_222] : memref<2x128x80xf32, #tpu.memory_space<vmem>> -> memref<1x128x80xf32, #tpu.memory_space<vmem>>
      %dma_start3A_224 = tpu.memref_squeeze %dma_start3A_223 : memref<1x128x80xf32, #tpu.memory_space<vmem>> -> memref<128x80xf32, #tpu.memory_space<vmem>>
      %dma_start3A_225 = arith.constant 0 : i32
      %dma_start3A_226 = tpu.memref_slice %arg19[%add3A_199, %dma_start3A_225] : memref<10240x80xf32, #tpu.memory_space<vmem_shared>> -> memref<128x80xf32, #tpu.memory_space<vmem_shared>>
      %dma_start3A_227 = arith.constant 0 : i32
      %dma_start3A_228 = arith.constant 0 : i32
      %dma_start3A_229 = tpu.memref_slice %arg11[%run_scoped3A_200, %dma_start3A_227, %dma_start3A_228] : memref<2x128x80xf32, #tpu.memory_space<vmem>> -> memref<1x128x80xf32, #tpu.memory_space<vmem>>
      %dma_start3A_230 = tpu.memref_squeeze %dma_start3A_229 : memref<1x128x80xf32, #tpu.memory_space<vmem>> -> memref<128x80xf32, #tpu.memory_space<vmem>>
      %dma_start3A_231 = arith.constant 0 : i32
      %dma_start3A_232 = tpu.memref_slice %arg19[%add3A_199, %dma_start3A_231] : memref<10240x80xf32, #tpu.memory_space<vmem_shared>> -> memref<128x80xf32, #tpu.memory_space<vmem_shared>>
      tpu.enqueue_dma source(%dma_start3A_232 : memref<128x80xf32, #tpu.memory_space<vmem_shared>>) target(%dma_start3A_230 : memref<128x80xf32, #tpu.memory_space<vmem>>) target_semaphore(%run_scoped3A_220 : memref<!tpu.dma_semaphore, #tpu.memory_space<semaphore_mem>>)
      %dma_wait3A = arith.constant 0 : i32
      %dma_wait3A_233 = arith.constant 0 : i32
      %dma_wait3A_234 = tpu.memref_slice %arg11[%run_scoped3A_200, %dma_wait3A, %dma_wait3A_233] : memref<2x128x80xf32, #tpu.memory_space<vmem>> -> memref<1x128x80xf32, #tpu.memory_space<vmem>>
      %dma_wait3A_235 = tpu.memref_squeeze %dma_wait3A_234 : memref<1x128x80xf32, #tpu.memory_space<vmem>> -> memref<128x80xf32, #tpu.memory_space<vmem>>
      %dma_wait3A_236 = arith.constant 0 : i32
      %dma_wait3A_237 = tpu.memref_slice %arg19[%add3A_199, %dma_wait3A_236] : memref<10240x80xf32, #tpu.memory_space<vmem_shared>> -> memref<128x80xf32, #tpu.memory_space<vmem_shared>>
      %dma_wait3A_238 = arith.constant 0 : i32
      %dma_wait3A_239 = arith.constant 0 : i32
      %dma_wait3A_240 = tpu.memref_slice %arg11[%run_scoped3A_200, %dma_wait3A_238, %dma_wait3A_239] : memref<2x128x80xf32, #tpu.memory_space<vmem>> -> memref<1x128x80xf32, #tpu.memory_space<vmem>>
      %dma_wait3A_241 = tpu.memref_squeeze %dma_wait3A_240 : memref<1x128x80xf32, #tpu.memory_space<vmem>> -> memref<128x80xf32, #tpu.memory_space<vmem>>
      %dma_wait3A_242 = arith.constant 0 : i32
      %dma_wait3A_243 = tpu.memref_slice %arg19[%add3A_199, %dma_wait3A_242] : memref<10240x80xf32, #tpu.memory_space<vmem_shared>> -> memref<128x80xf32, #tpu.memory_space<vmem_shared>>
      tpu.wait_dma2 semaphore(%run_scoped3A_220 : memref<!tpu.dma_semaphore, #tpu.memory_space<semaphore_mem>>) src(%dma_wait3A_243 : memref<128x80xf32, #tpu.memory_space<vmem_shared>>) dst(%dma_wait3A_241 : memref<128x80xf32, #tpu.memory_space<vmem>>)
      tpu.yield
    }) : () -> ()
    %run_scoped3A_201 = arith.constant 0 : i32
    "tpu.region"() ({
      %run_scoped3A_220 = tpu.sem_alloc : memref<!tpu.dma_semaphore, #tpu.memory_space<semaphore_mem>>
      %dma_start3A_221 = arith.constant 0 : i32
      %dma_start3A_222 = arith.constant 0 : i32
      %dma_start3A_223 = tpu.memref_slice %arg11[%run_scoped3A_201, %dma_start3A_221, %dma_start3A_222] : memref<2x128x80xf32, #tpu.memory_space<vmem>> -> memref<1x128x80xf32, #tpu.memory_space<vmem>>
      %dma_start3A_224 = tpu.memref_squeeze %dma_start3A_223 : memref<1x128x80xf32, #tpu.memory_space<vmem>> -> memref<128x80xf32, #tpu.memory_space<vmem>>
      %dma_start3A_225 = arith.constant 0 : i32
      %dma_start3A_226 = tpu.memref_slice %arg6[%add3A_111, %add3A_199, %dma_start3A_225] : memref<4x10240x80xf32, #tpu.memory_space<hbm>> -> memref<1x128x80xf32, #tpu.memory_space<hbm>>
      %dma_start3A_227 = tpu.memref_squeeze %dma_start3A_226 : memref<1x128x80xf32, #tpu.memory_space<hbm>> -> memref<128x80xf32, #tpu.memory_space<hbm>>
      %dma_start3A_228 = arith.constant 0 : i32
      %dma_start3A_229 = tpu.memref_slice %arg6[%add3A_111, %add3A_199, %dma_start3A_228] : memref<4x10240x80xf32, #tpu.memory_space<hbm>> -> memref<1x128x80xf32, #tpu.memory_space<hbm>>
      %dma_start3A_230 = tpu.memref_squeeze %dma_start3A_229 : memref<1x128x80xf32, #tpu.memory_space<hbm>> -> memref<128x80xf32, #tpu.memory_space<hbm>>
      %dma_start3A_231 = arith.constant 0 : i32
      %dma_start3A_232 = arith.constant 0 : i32
      %dma_start3A_233 = tpu.memref_slice %arg11[%run_scoped3A_201, %dma_start3A_231, %dma_start3A_232] : memref<2x128x80xf32, #tpu.memory_space<vmem>> -> memref<1x128x80xf32, #tpu.memory_space<vmem>>
      %dma_start3A_234 = tpu.memref_squeeze %dma_start3A_233 : memref<1x128x80xf32, #tpu.memory_space<vmem>> -> memref<128x80xf32, #tpu.memory_space<vmem>>
      tpu.enqueue_dma source(%dma_start3A_234 : memref<128x80xf32, #tpu.memory_space<vmem>>) target(%dma_start3A_230 : memref<128x80xf32, #tpu.memory_space<hbm>>) target_semaphore(%run_scoped3A_220 : memref<!tpu.dma_semaphore, #tpu.memory_space<semaphore_mem>>)
      %dma_wait3A = arith.constant 0 : i32
      %dma_wait3A_235 = arith.constant 0 : i32
      %dma_wait3A_236 = tpu.memref_slice %arg11[%run_scoped3A_201, %dma_wait3A, %dma_wait3A_235] : memref<2x128x80xf32, #tpu.memory_space<vmem>> -> memref<1x128x80xf32, #tpu.memory_space<vmem>>
      %dma_wait3A_237 = tpu.memref_squeeze %dma_wait3A_236 : memref<1x128x80xf32, #tpu.memory_space<vmem>> -> memref<128x80xf32, #tpu.memory_space<vmem>>
      %dma_wait3A_238 = arith.constant 0 : i32
      %dma_wait3A_239 = tpu.memref_slice %arg6[%add3A_111, %add3A_199, %dma_wait3A_238] : memref<4x10240x80xf32, #tpu.memory_space<hbm>> -> memref<1x128x80xf32, #tpu.memory_space<hbm>>
      %dma_wait3A_240 = tpu.memref_squeeze %dma_wait3A_239 : memref<1x128x80xf32, #tpu.memory_space<hbm>> -> memref<128x80xf32, #tpu.memory_space<hbm>>
      %dma_wait3A_241 = arith.constant 0 : i32
      %dma_wait3A_242 = tpu.memref_slice %arg6[%add3A_111, %add3A_199, %dma_wait3A_241] : memref<4x10240x80xf32, #tpu.memory_space<hbm>> -> memref<1x128x80xf32, #tpu.memory_space<hbm>>
      %dma_wait3A_243 = tpu.memref_squeeze %dma_wait3A_242 : memref<1x128x80xf32, #tpu.memory_space<hbm>> -> memref<128x80xf32, #tpu.memory_space<hbm>>
      %dma_wait3A_244 = arith.constant 0 : i32
      %dma_wait3A_245 = arith.constant 0 : i32
      %dma_wait3A_246 = tpu.memref_slice %arg11[%run_scoped3A_201, %dma_wait3A_244, %dma_wait3A_245] : memref<2x128x80xf32, #tpu.memory_space<vmem>> -> memref<1x128x80xf32, #tpu.memory_space<vmem>>
      %dma_wait3A_247 = tpu.memref_squeeze %dma_wait3A_246 : memref<1x128x80xf32, #tpu.memory_space<vmem>> -> memref<128x80xf32, #tpu.memory_space<vmem>>
      tpu.wait_dma2 semaphore(%run_scoped3A_220 : memref<!tpu.dma_semaphore, #tpu.memory_space<semaphore_mem>>) src(%dma_wait3A_247 : memref<128x80xf32, #tpu.memory_space<vmem>>) dst(%dma_wait3A_243 : memref<128x80xf32, #tpu.memory_space<hbm>>)
      tpu.yield
    }) : () -> ()
    %mul3A_202 = arith.constant 640 : i32
    %mul3A_203 = arith.muli %arg1, %mul3A_202 : i32
    %add3A_204 = arith.constant 256 : i32
    %add3A_205 = arith.addi %mul3A_203, %add3A_204 : i32
    %run_scoped3A_206 = arith.constant 0 : i32
    "tpu.region"() ({
      %run_scoped3A_220 = tpu.sem_alloc : memref<!tpu.dma_semaphore, #tpu.memory_space<semaphore_mem>>
      %dma_start3A_221 = arith.constant 0 : i32
      %dma_start3A_222 = arith.constant 0 : i32
      %dma_start3A_223 = tpu.memref_slice %arg11[%run_scoped3A_206, %dma_start3A_221, %dma_start3A_222] : memref<2x128x80xf32, #tpu.memory_space<vmem>> -> memref<1x128x80xf32, #tpu.memory_space<vmem>>
      %dma_start3A_224 = tpu.memref_squeeze %dma_start3A_223 : memref<1x128x80xf32, #tpu.memory_space<vmem>> -> memref<128x80xf32, #tpu.memory_space<vmem>>
      %dma_start3A_225 = arith.constant 0 : i32
      %dma_start3A_226 = tpu.memref_slice %arg19[%add3A_205, %dma_start3A_225] : memref<10240x80xf32, #tpu.memory_space<vmem_shared>> -> memref<128x80xf32, #tpu.memory_space<vmem_shared>>
      %dma_start3A_227 = arith.constant 0 : i32
      %dma_start3A_228 = arith.constant 0 : i32
      %dma_start3A_229 = tpu.memref_slice %arg11[%run_scoped3A_206, %dma_start3A_227, %dma_start3A_228] : memref<2x128x80xf32, #tpu.memory_space<vmem>> -> memref<1x128x80xf32, #tpu.memory_space<vmem>>
      %dma_start3A_230 = tpu.memref_squeeze %dma_start3A_229 : memref<1x128x80xf32, #tpu.memory_space<vmem>> -> memref<128x80xf32, #tpu.memory_space<vmem>>
      %dma_start3A_231 = arith.constant 0 : i32
      %dma_start3A_232 = tpu.memref_slice %arg19[%add3A_205, %dma_start3A_231] : memref<10240x80xf32, #tpu.memory_space<vmem_shared>> -> memref<128x80xf32, #tpu.memory_space<vmem_shared>>
      tpu.enqueue_dma source(%dma_start3A_232 : memref<128x80xf32, #tpu.memory_space<vmem_shared>>) target(%dma_start3A_230 : memref<128x80xf32, #tpu.memory_space<vmem>>) target_semaphore(%run_scoped3A_220 : memref<!tpu.dma_semaphore, #tpu.memory_space<semaphore_mem>>)
      %dma_wait3A = arith.constant 0 : i32
      %dma_wait3A_233 = arith.constant 0 : i32
      %dma_wait3A_234 = tpu.memref_slice %arg11[%run_scoped3A_206, %dma_wait3A, %dma_wait3A_233] : memref<2x128x80xf32, #tpu.memory_space<vmem>> -> memref<1x128x80xf32, #tpu.memory_space<vmem>>
      %dma_wait3A_235 = tpu.memref_squeeze %dma_wait3A_234 : memref<1x128x80xf32, #tpu.memory_space<vmem>> -> memref<128x80xf32, #tpu.memory_space<vmem>>
      %dma_wait3A_236 = arith.constant 0 : i32
      %dma_wait3A_237 = tpu.memref_slice %arg19[%add3A_205, %dma_wait3A_236] : memref<10240x80xf32, #tpu.memory_space<vmem_shared>> -> memref<128x80xf32, #tpu.memory_space<vmem_shared>>
      %dma_wait3A_238 = arith.constant 0 : i32
      %dma_wait3A_239 = arith.constant 0 : i32
      %dma_wait3A_240 = tpu.memref_slice %arg11[%run_scoped3A_206, %dma_wait3A_238, %dma_wait3A_239] : memref<2x128x80xf32, #tpu.memory_space<vmem>> -> memref<1x128x80xf32, #tpu.memory_space<vmem>>
      %dma_wait3A_241 = tpu.memref_squeeze %dma_wait3A_240 : memref<1x128x80xf32, #tpu.memory_space<vmem>> -> memref<128x80xf32, #tpu.memory_space<vmem>>
      %dma_wait3A_242 = arith.constant 0 : i32
      %dma_wait3A_243 = tpu.memref_slice %arg19[%add3A_205, %dma_wait3A_242] : memref<10240x80xf32, #tpu.memory_space<vmem_shared>> -> memref<128x80xf32, #tpu.memory_space<vmem_shared>>
      tpu.wait_dma2 semaphore(%run_scoped3A_220 : memref<!tpu.dma_semaphore, #tpu.memory_space<semaphore_mem>>) src(%dma_wait3A_243 : memref<128x80xf32, #tpu.memory_space<vmem_shared>>) dst(%dma_wait3A_241 : memref<128x80xf32, #tpu.memory_space<vmem>>)
      tpu.yield
    }) : () -> ()
    %run_scoped3A_207 = arith.constant 0 : i32
    "tpu.region"() ({
      %run_scoped3A_220 = tpu.sem_alloc : memref<!tpu.dma_semaphore, #tpu.memory_space<semaphore_mem>>
      %dma_start3A_221 = arith.constant 0 : i32
      %dma_start3A_222 = arith.constant 0 : i32
      %dma_start3A_223 = tpu.memref_slice %arg11[%run_scoped3A_207, %dma_start3A_221, %dma_start3A_222] : memref<2x128x80xf32, #tpu.memory_space<vmem>> -> memref<1x128x80xf32, #tpu.memory_space<vmem>>
      %dma_start3A_224 = tpu.memref_squeeze %dma_start3A_223 : memref<1x128x80xf32, #tpu.memory_space<vmem>> -> memref<128x80xf32, #tpu.memory_space<vmem>>
      %dma_start3A_225 = arith.constant 0 : i32
      %dma_start3A_226 = tpu.memref_slice %arg6[%add3A_111, %add3A_205, %dma_start3A_225] : memref<4x10240x80xf32, #tpu.memory_space<hbm>> -> memref<1x128x80xf32, #tpu.memory_space<hbm>>
      %dma_start3A_227 = tpu.memref_squeeze %dma_start3A_226 : memref<1x128x80xf32, #tpu.memory_space<hbm>> -> memref<128x80xf32, #tpu.memory_space<hbm>>
      %dma_start3A_228 = arith.constant 0 : i32
      %dma_start3A_229 = tpu.memref_slice %arg6[%add3A_111, %add3A_205, %dma_start3A_228] : memref<4x10240x80xf32, #tpu.memory_space<hbm>> -> memref<1x128x80xf32, #tpu.memory_space<hbm>>
      %dma_start3A_230 = tpu.memref_squeeze %dma_start3A_229 : memref<1x128x80xf32, #tpu.memory_space<hbm>> -> memref<128x80xf32, #tpu.memory_space<hbm>>
      %dma_start3A_231 = arith.constant 0 : i32
      %dma_start3A_232 = arith.constant 0 : i32
      %dma_start3A_233 = tpu.memref_slice %arg11[%run_scoped3A_207, %dma_start3A_231, %dma_start3A_232] : memref<2x128x80xf32, #tpu.memory_space<vmem>> -> memref<1x128x80xf32, #tpu.memory_space<vmem>>
      %dma_start3A_234 = tpu.memref_squeeze %dma_start3A_233 : memref<1x128x80xf32, #tpu.memory_space<vmem>> -> memref<128x80xf32, #tpu.memory_space<vmem>>
      tpu.enqueue_dma source(%dma_start3A_234 : memref<128x80xf32, #tpu.memory_space<vmem>>) target(%dma_start3A_230 : memref<128x80xf32, #tpu.memory_space<hbm>>) target_semaphore(%run_scoped3A_220 : memref<!tpu.dma_semaphore, #tpu.memory_space<semaphore_mem>>)
      %dma_wait3A = arith.constant 0 : i32
      %dma_wait3A_235 = arith.constant 0 : i32
      %dma_wait3A_236 = tpu.memref_slice %arg11[%run_scoped3A_207, %dma_wait3A, %dma_wait3A_235] : memref<2x128x80xf32, #tpu.memory_space<vmem>> -> memref<1x128x80xf32, #tpu.memory_space<vmem>>
      %dma_wait3A_237 = tpu.memref_squeeze %dma_wait3A_236 : memref<1x128x80xf32, #tpu.memory_space<vmem>> -> memref<128x80xf32, #tpu.memory_space<vmem>>
      %dma_wait3A_238 = arith.constant 0 : i32
      %dma_wait3A_239 = tpu.memref_slice %arg6[%add3A_111, %add3A_205, %dma_wait3A_238] : memref<4x10240x80xf32, #tpu.memory_space<hbm>> -> memref<1x128x80xf32, #tpu.memory_space<hbm>>
      %dma_wait3A_240 = tpu.memref_squeeze %dma_wait3A_239 : memref<1x128x80xf32, #tpu.memory_space<hbm>> -> memref<128x80xf32, #tpu.memory_space<hbm>>
      %dma_wait3A_241 = arith.constant 0 : i32
      %dma_wait3A_242 = tpu.memref_slice %arg6[%add3A_111, %add3A_205, %dma_wait3A_241] : memref<4x10240x80xf32, #tpu.memory_space<hbm>> -> memref<1x128x80xf32, #tpu.memory_space<hbm>>
      %dma_wait3A_243 = tpu.memref_squeeze %dma_wait3A_242 : memref<1x128x80xf32, #tpu.memory_space<hbm>> -> memref<128x80xf32, #tpu.memory_space<hbm>>
      %dma_wait3A_244 = arith.constant 0 : i32
      %dma_wait3A_245 = arith.constant 0 : i32
      %dma_wait3A_246 = tpu.memref_slice %arg11[%run_scoped3A_207, %dma_wait3A_244, %dma_wait3A_245] : memref<2x128x80xf32, #tpu.memory_space<vmem>> -> memref<1x128x80xf32, #tpu.memory_space<vmem>>
      %dma_wait3A_247 = tpu.memref_squeeze %dma_wait3A_246 : memref<1x128x80xf32, #tpu.memory_space<vmem>> -> memref<128x80xf32, #tpu.memory_space<vmem>>
      tpu.wait_dma2 semaphore(%run_scoped3A_220 : memref<!tpu.dma_semaphore, #tpu.memory_space<semaphore_mem>>) src(%dma_wait3A_247 : memref<128x80xf32, #tpu.memory_space<vmem>>) dst(%dma_wait3A_243 : memref<128x80xf32, #tpu.memory_space<hbm>>)
      tpu.yield
    }) : () -> ()
    %mul3A_208 = arith.constant 640 : i32
    %mul3A_209 = arith.muli %arg1, %mul3A_208 : i32
    %add3A_210 = arith.constant 384 : i32
    %add3A_211 = arith.addi %mul3A_209, %add3A_210 : i32
    %run_scoped3A_212 = arith.constant 0 : i32
    "tpu.region"() ({
      %run_scoped3A_220 = tpu.sem_alloc : memref<!tpu.dma_semaphore, #tpu.memory_space<semaphore_mem>>
      %dma_start3A_221 = arith.constant 0 : i32
      %dma_start3A_222 = arith.constant 0 : i32
      %dma_start3A_223 = tpu.memref_slice %arg11[%run_scoped3A_212, %dma_start3A_221, %dma_start3A_222] : memref<2x128x80xf32, #tpu.memory_space<vmem>> -> memref<1x128x80xf32, #tpu.memory_space<vmem>>
      %dma_start3A_224 = tpu.memref_squeeze %dma_start3A_223 : memref<1x128x80xf32, #tpu.memory_space<vmem>> -> memref<128x80xf32, #tpu.memory_space<vmem>>
      %dma_start3A_225 = arith.constant 0 : i32
      %dma_start3A_226 = tpu.memref_slice %arg19[%add3A_211, %dma_start3A_225] : memref<10240x80xf32, #tpu.memory_space<vmem_shared>> -> memref<128x80xf32, #tpu.memory_space<vmem_shared>>
      %dma_start3A_227 = arith.constant 0 : i32
      %dma_start3A_228 = arith.constant 0 : i32
      %dma_start3A_229 = tpu.memref_slice %arg11[%run_scoped3A_212, %dma_start3A_227, %dma_start3A_228] : memref<2x128x80xf32, #tpu.memory_space<vmem>> -> memref<1x128x80xf32, #tpu.memory_space<vmem>>
      %dma_start3A_230 = tpu.memref_squeeze %dma_start3A_229 : memref<1x128x80xf32, #tpu.memory_space<vmem>> -> memref<128x80xf32, #tpu.memory_space<vmem>>
      %dma_start3A_231 = arith.constant 0 : i32
      %dma_start3A_232 = tpu.memref_slice %arg19[%add3A_211, %dma_start3A_231] : memref<10240x80xf32, #tpu.memory_space<vmem_shared>> -> memref<128x80xf32, #tpu.memory_space<vmem_shared>>
      tpu.enqueue_dma source(%dma_start3A_232 : memref<128x80xf32, #tpu.memory_space<vmem_shared>>) target(%dma_start3A_230 : memref<128x80xf32, #tpu.memory_space<vmem>>) target_semaphore(%run_scoped3A_220 : memref<!tpu.dma_semaphore, #tpu.memory_space<semaphore_mem>>)
      %dma_wait3A = arith.constant 0 : i32
      %dma_wait3A_233 = arith.constant 0 : i32
      %dma_wait3A_234 = tpu.memref_slice %arg11[%run_scoped3A_212, %dma_wait3A, %dma_wait3A_233] : memref<2x128x80xf32, #tpu.memory_space<vmem>> -> memref<1x128x80xf32, #tpu.memory_space<vmem>>
      %dma_wait3A_235 = tpu.memref_squeeze %dma_wait3A_234 : memref<1x128x80xf32, #tpu.memory_space<vmem>> -> memref<128x80xf32, #tpu.memory_space<vmem>>
      %dma_wait3A_236 = arith.constant 0 : i32
      %dma_wait3A_237 = tpu.memref_slice %arg19[%add3A_211, %dma_wait3A_236] : memref<10240x80xf32, #tpu.memory_space<vmem_shared>> -> memref<128x80xf32, #tpu.memory_space<vmem_shared>>
      %dma_wait3A_238 = arith.constant 0 : i32
      %dma_wait3A_239 = arith.constant 0 : i32
      %dma_wait3A_240 = tpu.memref_slice %arg11[%run_scoped3A_212, %dma_wait3A_238, %dma_wait3A_239] : memref<2x128x80xf32, #tpu.memory_space<vmem>> -> memref<1x128x80xf32, #tpu.memory_space<vmem>>
      %dma_wait3A_241 = tpu.memref_squeeze %dma_wait3A_240 : memref<1x128x80xf32, #tpu.memory_space<vmem>> -> memref<128x80xf32, #tpu.memory_space<vmem>>
      %dma_wait3A_242 = arith.constant 0 : i32
      %dma_wait3A_243 = tpu.memref_slice %arg19[%add3A_211, %dma_wait3A_242] : memref<10240x80xf32, #tpu.memory_space<vmem_shared>> -> memref<128x80xf32, #tpu.memory_space<vmem_shared>>
      tpu.wait_dma2 semaphore(%run_scoped3A_220 : memref<!tpu.dma_semaphore, #tpu.memory_space<semaphore_mem>>) src(%dma_wait3A_243 : memref<128x80xf32, #tpu.memory_space<vmem_shared>>) dst(%dma_wait3A_241 : memref<128x80xf32, #tpu.memory_space<vmem>>)
      tpu.yield
    }) : () -> ()
    %run_scoped3A_213 = arith.constant 0 : i32
    "tpu.region"() ({
      %run_scoped3A_220 = tpu.sem_alloc : memref<!tpu.dma_semaphore, #tpu.memory_space<semaphore_mem>>
      %dma_start3A_221 = arith.constant 0 : i32
      %dma_start3A_222 = arith.constant 0 : i32
      %dma_start3A_223 = tpu.memref_slice %arg11[%run_scoped3A_213, %dma_start3A_221, %dma_start3A_222] : memref<2x128x80xf32, #tpu.memory_space<vmem>> -> memref<1x128x80xf32, #tpu.memory_space<vmem>>
      %dma_start3A_224 = tpu.memref_squeeze %dma_start3A_223 : memref<1x128x80xf32, #tpu.memory_space<vmem>> -> memref<128x80xf32, #tpu.memory_space<vmem>>
      %dma_start3A_225 = arith.constant 0 : i32
      %dma_start3A_226 = tpu.memref_slice %arg6[%add3A_111, %add3A_211, %dma_start3A_225] : memref<4x10240x80xf32, #tpu.memory_space<hbm>> -> memref<1x128x80xf32, #tpu.memory_space<hbm>>
      %dma_start3A_227 = tpu.memref_squeeze %dma_start3A_226 : memref<1x128x80xf32, #tpu.memory_space<hbm>> -> memref<128x80xf32, #tpu.memory_space<hbm>>
      %dma_start3A_228 = arith.constant 0 : i32
      %dma_start3A_229 = tpu.memref_slice %arg6[%add3A_111, %add3A_211, %dma_start3A_228] : memref<4x10240x80xf32, #tpu.memory_space<hbm>> -> memref<1x128x80xf32, #tpu.memory_space<hbm>>
      %dma_start3A_230 = tpu.memref_squeeze %dma_start3A_229 : memref<1x128x80xf32, #tpu.memory_space<hbm>> -> memref<128x80xf32, #tpu.memory_space<hbm>>
      %dma_start3A_231 = arith.constant 0 : i32
      %dma_start3A_232 = arith.constant 0 : i32
      %dma_start3A_233 = tpu.memref_slice %arg11[%run_scoped3A_213, %dma_start3A_231, %dma_start3A_232] : memref<2x128x80xf32, #tpu.memory_space<vmem>> -> memref<1x128x80xf32, #tpu.memory_space<vmem>>
      %dma_start3A_234 = tpu.memref_squeeze %dma_start3A_233 : memref<1x128x80xf32, #tpu.memory_space<vmem>> -> memref<128x80xf32, #tpu.memory_space<vmem>>
      tpu.enqueue_dma source(%dma_start3A_234 : memref<128x80xf32, #tpu.memory_space<vmem>>) target(%dma_start3A_230 : memref<128x80xf32, #tpu.memory_space<hbm>>) target_semaphore(%run_scoped3A_220 : memref<!tpu.dma_semaphore, #tpu.memory_space<semaphore_mem>>)
      %dma_wait3A = arith.constant 0 : i32
      %dma_wait3A_235 = arith.constant 0 : i32
      %dma_wait3A_236 = tpu.memref_slice %arg11[%run_scoped3A_213, %dma_wait3A, %dma_wait3A_235] : memref<2x128x80xf32, #tpu.memory_space<vmem>> -> memref<1x128x80xf32, #tpu.memory_space<vmem>>
      %dma_wait3A_237 = tpu.memref_squeeze %dma_wait3A_236 : memref<1x128x80xf32, #tpu.memory_space<vmem>> -> memref<128x80xf32, #tpu.memory_space<vmem>>
      %dma_wait3A_238 = arith.constant 0 : i32
      %dma_wait3A_239 = tpu.memref_slice %arg6[%add3A_111, %add3A_211, %dma_wait3A_238] : memref<4x10240x80xf32, #tpu.memory_space<hbm>> -> memref<1x128x80xf32, #tpu.memory_space<hbm>>
      %dma_wait3A_240 = tpu.memref_squeeze %dma_wait3A_239 : memref<1x128x80xf32, #tpu.memory_space<hbm>> -> memref<128x80xf32, #tpu.memory_space<hbm>>
      %dma_wait3A_241 = arith.constant 0 : i32
      %dma_wait3A_242 = tpu.memref_slice %arg6[%add3A_111, %add3A_211, %dma_wait3A_241] : memref<4x10240x80xf32, #tpu.memory_space<hbm>> -> memref<1x128x80xf32, #tpu.memory_space<hbm>>
      %dma_wait3A_243 = tpu.memref_squeeze %dma_wait3A_242 : memref<1x128x80xf32, #tpu.memory_space<hbm>> -> memref<128x80xf32, #tpu.memory_space<hbm>>
      %dma_wait3A_244 = arith.constant 0 : i32
      %dma_wait3A_245 = arith.constant 0 : i32
      %dma_wait3A_246 = tpu.memref_slice %arg11[%run_scoped3A_213, %dma_wait3A_244, %dma_wait3A_245] : memref<2x128x80xf32, #tpu.memory_space<vmem>> -> memref<1x128x80xf32, #tpu.memory_space<vmem>>
      %dma_wait3A_247 = tpu.memref_squeeze %dma_wait3A_246 : memref<1x128x80xf32, #tpu.memory_space<vmem>> -> memref<128x80xf32, #tpu.memory_space<vmem>>
      tpu.wait_dma2 semaphore(%run_scoped3A_220 : memref<!tpu.dma_semaphore, #tpu.memory_space<semaphore_mem>>) src(%dma_wait3A_247 : memref<128x80xf32, #tpu.memory_space<vmem>>) dst(%dma_wait3A_243 : memref<128x80xf32, #tpu.memory_space<hbm>>)
      tpu.yield
    }) : () -> ()
    %mul3A_214 = arith.constant 640 : i32
    %mul3A_215 = arith.muli %arg1, %mul3A_214 : i32
    %add3A_216 = arith.constant 512 : i32
    %add3A_217 = arith.addi %mul3A_215, %add3A_216 : i32
    %run_scoped3A_218 = arith.constant 0 : i32
    "tpu.region"() ({
      %run_scoped3A_220 = tpu.sem_alloc : memref<!tpu.dma_semaphore, #tpu.memory_space<semaphore_mem>>
      %dma_start3A_221 = arith.constant 0 : i32
      %dma_start3A_222 = arith.constant 0 : i32
      %dma_start3A_223 = tpu.memref_slice %arg11[%run_scoped3A_218, %dma_start3A_221, %dma_start3A_222] : memref<2x128x80xf32, #tpu.memory_space<vmem>> -> memref<1x128x80xf32, #tpu.memory_space<vmem>>
      %dma_start3A_224 = tpu.memref_squeeze %dma_start3A_223 : memref<1x128x80xf32, #tpu.memory_space<vmem>> -> memref<128x80xf32, #tpu.memory_space<vmem>>
      %dma_start3A_225 = arith.constant 0 : i32
      %dma_start3A_226 = tpu.memref_slice %arg19[%add3A_217, %dma_start3A_225] : memref<10240x80xf32, #tpu.memory_space<vmem_shared>> -> memref<128x80xf32, #tpu.memory_space<vmem_shared>>
      %dma_start3A_227 = arith.constant 0 : i32
      %dma_start3A_228 = arith.constant 0 : i32
      %dma_start3A_229 = tpu.memref_slice %arg11[%run_scoped3A_218, %dma_start3A_227, %dma_start3A_228] : memref<2x128x80xf32, #tpu.memory_space<vmem>> -> memref<1x128x80xf32, #tpu.memory_space<vmem>>
      %dma_start3A_230 = tpu.memref_squeeze %dma_start3A_229 : memref<1x128x80xf32, #tpu.memory_space<vmem>> -> memref<128x80xf32, #tpu.memory_space<vmem>>
      %dma_start3A_231 = arith.constant 0 : i32
      %dma_start3A_232 = tpu.memref_slice %arg19[%add3A_217, %dma_start3A_231] : memref<10240x80xf32, #tpu.memory_space<vmem_shared>> -> memref<128x80xf32, #tpu.memory_space<vmem_shared>>
      tpu.enqueue_dma source(%dma_start3A_232 : memref<128x80xf32, #tpu.memory_space<vmem_shared>>) target(%dma_start3A_230 : memref<128x80xf32, #tpu.memory_space<vmem>>) target_semaphore(%run_scoped3A_220 : memref<!tpu.dma_semaphore, #tpu.memory_space<semaphore_mem>>)
      %dma_wait3A = arith.constant 0 : i32
      %dma_wait3A_233 = arith.constant 0 : i32
      %dma_wait3A_234 = tpu.memref_slice %arg11[%run_scoped3A_218, %dma_wait3A, %dma_wait3A_233] : memref<2x128x80xf32, #tpu.memory_space<vmem>> -> memref<1x128x80xf32, #tpu.memory_space<vmem>>
      %dma_wait3A_235 = tpu.memref_squeeze %dma_wait3A_234 : memref<1x128x80xf32, #tpu.memory_space<vmem>> -> memref<128x80xf32, #tpu.memory_space<vmem>>
      %dma_wait3A_236 = arith.constant 0 : i32
      %dma_wait3A_237 = tpu.memref_slice %arg19[%add3A_217, %dma_wait3A_236] : memref<10240x80xf32, #tpu.memory_space<vmem_shared>> -> memref<128x80xf32, #tpu.memory_space<vmem_shared>>
      %dma_wait3A_238 = arith.constant 0 : i32
      %dma_wait3A_239 = arith.constant 0 : i32
      %dma_wait3A_240 = tpu.memref_slice %arg11[%run_scoped3A_218, %dma_wait3A_238, %dma_wait3A_239] : memref<2x128x80xf32, #tpu.memory_space<vmem>> -> memref<1x128x80xf32, #tpu.memory_space<vmem>>
      %dma_wait3A_241 = tpu.memref_squeeze %dma_wait3A_240 : memref<1x128x80xf32, #tpu.memory_space<vmem>> -> memref<128x80xf32, #tpu.memory_space<vmem>>
      %dma_wait3A_242 = arith.constant 0 : i32
      %dma_wait3A_243 = tpu.memref_slice %arg19[%add3A_217, %dma_wait3A_242] : memref<10240x80xf32, #tpu.memory_space<vmem_shared>> -> memref<128x80xf32, #tpu.memory_space<vmem_shared>>
      tpu.wait_dma2 semaphore(%run_scoped3A_220 : memref<!tpu.dma_semaphore, #tpu.memory_space<semaphore_mem>>) src(%dma_wait3A_243 : memref<128x80xf32, #tpu.memory_space<vmem_shared>>) dst(%dma_wait3A_241 : memref<128x80xf32, #tpu.memory_space<vmem>>)
      tpu.yield
    }) : () -> ()
    %run_scoped3A_219 = arith.constant 0 : i32
    "tpu.region"() ({
      %run_scoped3A_220 = tpu.sem_alloc : memref<!tpu.dma_semaphore, #tpu.memory_space<semaphore_mem>>
      %dma_start3A_221 = arith.constant 0 : i32
      %dma_start3A_222 = arith.constant 0 : i32
      %dma_start3A_223 = tpu.memref_slice %arg11[%run_scoped3A_219, %dma_start3A_221, %dma_start3A_222] : memref<2x128x80xf32, #tpu.memory_space<vmem>> -> memref<1x128x80xf32, #tpu.memory_space<vmem>>
      %dma_start3A_224 = tpu.memref_squeeze %dma_start3A_223 : memref<1x128x80xf32, #tpu.memory_space<vmem>> -> memref<128x80xf32, #tpu.memory_space<vmem>>
      %dma_start3A_225 = arith.constant 0 : i32
      %dma_start3A_226 = tpu.memref_slice %arg6[%add3A_111, %add3A_217, %dma_start3A_225] : memref<4x10240x80xf32, #tpu.memory_space<hbm>> -> memref<1x128x80xf32, #tpu.memory_space<hbm>>
      %dma_start3A_227 = tpu.memref_squeeze %dma_start3A_226 : memref<1x128x80xf32, #tpu.memory_space<hbm>> -> memref<128x80xf32, #tpu.memory_space<hbm>>
      %dma_start3A_228 = arith.constant 0 : i32
      %dma_start3A_229 = tpu.memref_slice %arg6[%add3A_111, %add3A_217, %dma_start3A_228] : memref<4x10240x80xf32, #tpu.memory_space<hbm>> -> memref<1x128x80xf32, #tpu.memory_space<hbm>>
      %dma_start3A_230 = tpu.memref_squeeze %dma_start3A_229 : memref<1x128x80xf32, #tpu.memory_space<hbm>> -> memref<128x80xf32, #tpu.memory_space<hbm>>
      %dma_start3A_231 = arith.constant 0 : i32
      %dma_start3A_232 = arith.constant 0 : i32
      %dma_start3A_233 = tpu.memref_slice %arg11[%run_scoped3A_219, %dma_start3A_231, %dma_start3A_232] : memref<2x128x80xf32, #tpu.memory_space<vmem>> -> memref<1x128x80xf32, #tpu.memory_space<vmem>>
      %dma_start3A_234 = tpu.memref_squeeze %dma_start3A_233 : memref<1x128x80xf32, #tpu.memory_space<vmem>> -> memref<128x80xf32, #tpu.memory_space<vmem>>
      tpu.enqueue_dma source(%dma_start3A_234 : memref<128x80xf32, #tpu.memory_space<vmem>>) target(%dma_start3A_230 : memref<128x80xf32, #tpu.memory_space<hbm>>) target_semaphore(%run_scoped3A_220 : memref<!tpu.dma_semaphore, #tpu.memory_space<semaphore_mem>>)
      %dma_wait3A = arith.constant 0 : i32
      %dma_wait3A_235 = arith.constant 0 : i32
      %dma_wait3A_236 = tpu.memref_slice %arg11[%run_scoped3A_219, %dma_wait3A, %dma_wait3A_235] : memref<2x128x80xf32, #tpu.memory_space<vmem>> -> memref<1x128x80xf32, #tpu.memory_space<vmem>>
      %dma_wait3A_237 = tpu.memref_squeeze %dma_wait3A_236 : memref<1x128x80xf32, #tpu.memory_space<vmem>> -> memref<128x80xf32, #tpu.memory_space<vmem>>
      %dma_wait3A_238 = arith.constant 0 : i32
      %dma_wait3A_239 = tpu.memref_slice %arg6[%add3A_111, %add3A_217, %dma_wait3A_238] : memref<4x10240x80xf32, #tpu.memory_space<hbm>> -> memref<1x128x80xf32, #tpu.memory_space<hbm>>
      %dma_wait3A_240 = tpu.memref_squeeze %dma_wait3A_239 : memref<1x128x80xf32, #tpu.memory_space<hbm>> -> memref<128x80xf32, #tpu.memory_space<hbm>>
      %dma_wait3A_241 = arith.constant 0 : i32
      %dma_wait3A_242 = tpu.memref_slice %arg6[%add3A_111, %add3A_217, %dma_wait3A_241] : memref<4x10240x80xf32, #tpu.memory_space<hbm>> -> memref<1x128x80xf32, #tpu.memory_space<hbm>>
      %dma_wait3A_243 = tpu.memref_squeeze %dma_wait3A_242 : memref<1x128x80xf32, #tpu.memory_space<hbm>> -> memref<128x80xf32, #tpu.memory_space<hbm>>
      %dma_wait3A_244 = arith.constant 0 : i32
      %dma_wait3A_245 = arith.constant 0 : i32
      %dma_wait3A_246 = tpu.memref_slice %arg11[%run_scoped3A_219, %dma_wait3A_244, %dma_wait3A_245] : memref<2x128x80xf32, #tpu.memory_space<vmem>> -> memref<1x128x80xf32, #tpu.memory_space<vmem>>
      %dma_wait3A_247 = tpu.memref_squeeze %dma_wait3A_246 : memref<1x128x80xf32, #tpu.memory_space<vmem>> -> memref<128x80xf32, #tpu.memory_space<vmem>>
      tpu.wait_dma2 semaphore(%run_scoped3A_220 : memref<!tpu.dma_semaphore, #tpu.memory_space<semaphore_mem>>) src(%dma_wait3A_247 : memref<128x80xf32, #tpu.memory_space<vmem>>) dst(%dma_wait3A_243 : memref<128x80xf32, #tpu.memory_space<hbm>>)
      tpu.yield
    }) : () -> ()
    return
  }
}

module attributes {stable_mosaic.version = 14 : i64} {
  func.func @body(%arg0: i32, %arg1: memref<2048x16xf32, #tpu.memory_space<vmem>>, %arg2: memref<16x152xf32, #tpu.memory_space<vmem>>, %arg3: memref<16x304xf32, #tpu.memory_space<vmem>>, %arg4: memref<2x2048x80xf32, #tpu.memory_space<vmem>>, %arg5: memref<4x2048x80xf32, #tpu.memory_space<vmem>>) attributes {dimension_semantics = [#tpu.dimension_semantics<arbitrary>], iteration_bounds = array<i64: 160>, scalar_prefetch = 0 : i64, scratch_operands = 0 : i64, tpu.core_type = #tpu.core_type<tc>, window_params = [{transform_indices = @transform_0, window_bounds = array<i64: 2048, 16>}, {pipeline_mode = #tpu.pipeline_mode<synchronous>, transform_indices = @transform_1, window_bounds = array<i64: 16, 152>}, {pipeline_mode = #tpu.pipeline_mode<synchronous>, transform_indices = @transform_2, window_bounds = array<i64: 16, 304>}, {transform_indices = @transform_3, window_bounds = array<i64: 2, 2048, 80>}, {transform_indices = @transform_4, window_bounds = array<i64: 4, 2048, 80>}]} {
    %get3A = arith.constant 0 : index
    %get3A_0 = arith.constant 0 : index
    %get3A_1 = vector.load %arg1[%get3A, %get3A_0] : memref<2048x16xf32, #tpu.memory_space<vmem>>, vector<2048x16xf32>
    %get3A_2 = arith.constant 0 : index
    %get3A_3 = arith.constant 0 : index
    %get3A_4 = vector.load %arg2[%get3A_2, %get3A_3] : memref<16x152xf32, #tpu.memory_space<vmem>>, vector<16x152xf32>
    %dot_general3A = arith.constant dense<0.000000e+00> : vector<2048x152xf32>
    %dot_general3A_5 = tpu.matmul %get3A_1, %get3A_4, %dot_general3A {dimension_numbers = #tpu.dot_dimension_numbers<[1], [0], [0], [1], [0, 0, 1, 1], [], []>, transpose_lhs_hint = false} : vector<2048x16xf32>, vector<16x152xf32>, vector<2048x152xf32> -> vector<2048x152xf32>
    %mul3A = arith.constant 0.333333343 : f32
    %mul3A_6 = vector.broadcast %mul3A : f32 to vector<2048x152xf32>
    %mul3A_7 = arith.mulf %dot_general3A_5, %mul3A_6 : vector<2048x152xf32>
    %slice3A = vector.extract_strided_slice %mul3A_7 {offsets = [0, 0], sizes = [2048, 80], strides = [1, 1]} : vector<2048x152xf32> to vector<2048x80xf32>
    %swap3A = arith.constant 0 : index
    %swap3A_8 = arith.constant 0 : index
    %swap3A_9 = arith.constant 0 : index
    %swap3A_10 = vector.load %arg4[%swap3A, %swap3A_8, %swap3A_9] : memref<2x2048x80xf32, #tpu.memory_space<vmem>>, vector<1x2048x80xf32>
    %swap3A_11 = vector.shape_cast %swap3A_10 : vector<1x2048x80xf32> to vector<2048x80xf32>
    %swap3A_12 = vector.shape_cast %slice3A : vector<2048x80xf32> to vector<1x2048x80xf32>
    tpu.vector_store %arg4[%swap3A, %swap3A_8, %swap3A_9], %swap3A_12 {strides = array<i32>} : memref<2x2048x80xf32, #tpu.memory_space<vmem>>, vector<1x2048x80xf32>,
    %slice3A_13 = vector.extract_strided_slice %mul3A_7 {offsets = [0, 80], sizes = [2048, 72], strides = [1, 1]} : vector<2048x152xf32> to vector<2048x72xf32>
    %broadcast_in_dim3A = arith.constant 0.000000e+00 : f32
    %broadcast_in_dim3A_14 = vector.broadcast %broadcast_in_dim3A : f32 to vector<2048x8xf32>
    %concatenate3A = tpu.concatenate %slice3A_13, %broadcast_in_dim3A_14 in 1 : vector<2048x72xf32>, vector<2048x8xf32> -> vector<2048x80xf32>
    %swap3A_15 = arith.constant 1 : index
    %swap3A_16 = arith.constant 0 : index
    %swap3A_17 = arith.constant 0 : index
    %swap3A_18 = vector.load %arg4[%swap3A_15, %swap3A_16, %swap3A_17] : memref<2x2048x80xf32, #tpu.memory_space<vmem>>, vector<1x2048x80xf32>
    %swap3A_19 = vector.shape_cast %swap3A_18 : vector<1x2048x80xf32> to vector<2048x80xf32>
    %swap3A_20 = vector.shape_cast %concatenate3A : vector<2048x80xf32> to vector<1x2048x80xf32>
    tpu.vector_store %arg4[%swap3A_15, %swap3A_16, %swap3A_17], %swap3A_20 {strides = array<i32>} : memref<2x2048x80xf32, #tpu.memory_space<vmem>>, vector<1x2048x80xf32>,
    %get3A_21 = arith.constant 0 : index
    %get3A_22 = arith.constant 0 : index
    %get3A_23 = vector.load %arg3[%get3A_21, %get3A_22] : memref<16x304xf32, #tpu.memory_space<vmem>>, vector<16x304xf32>
    %dot_general3A_24 = arith.constant dense<0.000000e+00> : vector<2048x304xf32>
    %dot_general3A_25 = tpu.matmul %get3A_1, %get3A_23, %dot_general3A_24 {dimension_numbers = #tpu.dot_dimension_numbers<[1], [0], [0], [1], [0, 0, 1, 1], [], []>, transpose_lhs_hint = false} : vector<2048x16xf32>, vector<16x304xf32>, vector<2048x304xf32> -> vector<2048x304xf32>
    %mul3A_26 = arith.constant 0.333333343 : f32
    %mul3A_27 = vector.broadcast %mul3A_26 : f32 to vector<2048x304xf32>
    %mul3A_28 = arith.mulf %dot_general3A_25, %mul3A_27 : vector<2048x304xf32>
    %slice3A_29 = vector.extract_strided_slice %mul3A_28 {offsets = [0, 0], sizes = [2048, 80], strides = [1, 1]} : vector<2048x304xf32> to vector<2048x80xf32>
    %swap3A_30 = arith.constant 0 : index
    %swap3A_31 = arith.constant 0 : index
    %swap3A_32 = arith.constant 0 : index
    %swap3A_33 = vector.load %arg5[%swap3A_30, %swap3A_31, %swap3A_32] : memref<4x2048x80xf32, #tpu.memory_space<vmem>>, vector<1x2048x80xf32>
    %swap3A_34 = vector.shape_cast %swap3A_33 : vector<1x2048x80xf32> to vector<2048x80xf32>
    %swap3A_35 = vector.shape_cast %slice3A_29 : vector<2048x80xf32> to vector<1x2048x80xf32>
    tpu.vector_store %arg5[%swap3A_30, %swap3A_31, %swap3A_32], %swap3A_35 {strides = array<i32>} : memref<4x2048x80xf32, #tpu.memory_space<vmem>>, vector<1x2048x80xf32>,
    %slice3A_36 = vector.extract_strided_slice %mul3A_28 {offsets = [0, 80], sizes = [2048, 80], strides = [1, 1]} : vector<2048x304xf32> to vector<2048x80xf32>
    %swap3A_37 = arith.constant 1 : index
    %swap3A_38 = arith.constant 0 : index
    %swap3A_39 = arith.constant 0 : index
    %swap3A_40 = vector.load %arg5[%swap3A_37, %swap3A_38, %swap3A_39] : memref<4x2048x80xf32, #tpu.memory_space<vmem>>, vector<1x2048x80xf32>
    %swap3A_41 = vector.shape_cast %swap3A_40 : vector<1x2048x80xf32> to vector<2048x80xf32>
    %swap3A_42 = vector.shape_cast %slice3A_36 : vector<2048x80xf32> to vector<1x2048x80xf32>
    tpu.vector_store %arg5[%swap3A_37, %swap3A_38, %swap3A_39], %swap3A_42 {strides = array<i32>} : memref<4x2048x80xf32, #tpu.memory_space<vmem>>, vector<1x2048x80xf32>,
    %slice3A_43 = vector.extract_strided_slice %mul3A_28 {offsets = [0, 160], sizes = [2048, 80], strides = [1, 1]} : vector<2048x304xf32> to vector<2048x80xf32>
    %swap3A_44 = arith.constant 2 : index
    %swap3A_45 = arith.constant 0 : index
    %swap3A_46 = arith.constant 0 : index
    %swap3A_47 = vector.load %arg5[%swap3A_44, %swap3A_45, %swap3A_46] : memref<4x2048x80xf32, #tpu.memory_space<vmem>>, vector<1x2048x80xf32>
    %swap3A_48 = vector.shape_cast %swap3A_47 : vector<1x2048x80xf32> to vector<2048x80xf32>
    %swap3A_49 = vector.shape_cast %slice3A_43 : vector<2048x80xf32> to vector<1x2048x80xf32>
    tpu.vector_store %arg5[%swap3A_44, %swap3A_45, %swap3A_46], %swap3A_49 {strides = array<i32>} : memref<4x2048x80xf32, #tpu.memory_space<vmem>>, vector<1x2048x80xf32>,
    %slice3A_50 = vector.extract_strided_slice %mul3A_28 {offsets = [0, 240], sizes = [2048, 64], strides = [1, 1]} : vector<2048x304xf32> to vector<2048x64xf32>
    %broadcast_in_dim3A_51 = arith.constant 0.000000e+00 : f32
    %broadcast_in_dim3A_52 = vector.broadcast %broadcast_in_dim3A_51 : f32 to vector<2048x16xf32>
    %concatenate3A_53 = tpu.concatenate %slice3A_50, %broadcast_in_dim3A_52 in 1 : vector<2048x64xf32>, vector<2048x16xf32> -> vector<2048x80xf32>
    %swap3A_54 = arith.constant 3 : index
    %swap3A_55 = arith.constant 0 : index
    %swap3A_56 = arith.constant 0 : index
    %swap3A_57 = vector.load %arg5[%swap3A_54, %swap3A_55, %swap3A_56] : memref<4x2048x80xf32, #tpu.memory_space<vmem>>, vector<1x2048x80xf32>
    %swap3A_58 = vector.shape_cast %swap3A_57 : vector<1x2048x80xf32> to vector<2048x80xf32>
    %swap3A_59 = vector.shape_cast %concatenate3A_53 : vector<2048x80xf32> to vector<1x2048x80xf32>
    tpu.vector_store %arg5[%swap3A_54, %swap3A_55, %swap3A_56], %swap3A_59 {strides = array<i32>} : memref<4x2048x80xf32, #tpu.memory_space<vmem>>, vector<1x2048x80xf32>,
    return
  }
  func.func @transform_0(%arg0: i32) -> (i32, i32) {
    %c0_i32 = arith.constant 0 : i32
    %c0_i32_0 = arith.constant 0 : i32
    return %arg0, %c0_i32 : i32, i32
  }
  func.func @transform_1(%arg0: i32) -> (i32, i32) {
    %c0_i32 = arith.constant 0 : i32
    %c0_i32_0 = arith.constant 0 : i32
    %c0_i32_1 = arith.constant 0 : i32
    return %c0_i32, %c0_i32_0 : i32, i32
  }
  func.func @transform_2(%arg0: i32) -> (i32, i32) {
    %c0_i32 = arith.constant 0 : i32
    %c0_i32_0 = arith.constant 0 : i32
    %c0_i32_1 = arith.constant 0 : i32
    return %c0_i32, %c0_i32_0 : i32, i32
  }
  func.func @transform_3(%arg0: i32) -> (i32, i32, i32) {
    %c0_i32 = arith.constant 0 : i32
    %c0_i32_0 = arith.constant 0 : i32
    %c0_i32_1 = arith.constant 0 : i32
    return %c0_i32, %arg0, %c0_i32_0 : i32, i32, i32
  }
  func.func @transform_4(%arg0: i32) -> (i32, i32, i32) {
    %c0_i32 = arith.constant 0 : i32
    %c0_i32_0 = arith.constant 0 : i32
    %c0_i32_1 = arith.constant 0 : i32
    return %c0_i32, %arg0, %c0_i32_0 : i32, i32, i32
  }
}

module attributes {stable_mosaic.version = 14 : i64} {
  func.func @body(%arg0: i32, %arg1: memref<2000x152xf32, #tpu.memory_space<vmem>>, %arg2: memref<2000x1xi32, #tpu.memory_space<vmem>>, %arg3: memref<2000x3xf32, #tpu.memory_space<vmem>>, %arg4: memref<100x152xf32, #tpu.memory_space<vmem>>, %arg5: memref<3x152xf32, #tpu.memory_space<vmem>>, %arg6: memref<152x152xf32, #tpu.memory_space<vmem>>, %arg7: memref<2000x152xf32, #tpu.memory_space<vmem>>, %arg8: memref<2x2000x80xf32, #tpu.memory_space<vmem>>) attributes {dimension_semantics = [#tpu.dimension_semantics<arbitrary>], iteration_bounds = array<i64: 5>, scalar_prefetch = 0 : i64, scratch_operands = 0 : i64, tpu.core_type = #tpu.core_type<tc>, window_params = [{transform_indices = @transform_0, window_bounds = array<i64: 2000, 152>}, {transform_indices = @transform_1, window_bounds = array<i64: 2000, 1>}, {transform_indices = @transform_2, window_bounds = array<i64: 2000, 3>}, {pipeline_mode = #tpu.pipeline_mode<synchronous>, transform_indices = @transform_3, window_bounds = array<i64: 100, 152>}, {pipeline_mode = #tpu.pipeline_mode<synchronous>, transform_indices = @transform_4, window_bounds = array<i64: 3, 152>}, {pipeline_mode = #tpu.pipeline_mode<synchronous>, transform_indices = @transform_5, window_bounds = array<i64: 152, 152>}, {transform_indices = @transform_6, window_bounds = array<i64: 2000, 152>}, {transform_indices = @transform_7, window_bounds = array<i64: 2, 2000, 80>}]} {
    %get3A = arith.constant 0 : index
    %get3A_0 = arith.constant 0 : index
    %get3A_1 = vector.load %arg2[%get3A, %get3A_0] : memref<2000x1xi32, #tpu.memory_space<vmem>>, vector<2000x1xi32>
    %iota3A = tpu.iota {dimensions = array<i32: 1>} : vector<2000x100xi32>
    %eq3A = vector.broadcast %get3A_1 : vector<2000x1xi32> to vector<2000x100xi32>
    %eq3A_2 = arith.cmpi eq, %eq3A, %iota3A : vector<2000x100xi32>
    %convert_element_type3A = arith.extui %eq3A_2 : vector<2000x100xi1> to vector<2000x100xi32>
    %convert_element_type3A_3 = arith.sitofp %convert_element_type3A : vector<2000x100xi32> to vector<2000x100xf32>
    %get3A_4 = arith.constant 0 : index
    %get3A_5 = arith.constant 0 : index
    %get3A_6 = vector.load %arg1[%get3A_4, %get3A_5] : memref<2000x152xf32, #tpu.memory_space<vmem>>, vector<2000x152xf32>
    %get3A_7 = arith.constant 0 : index
    %get3A_8 = arith.constant 0 : index
    %get3A_9 = vector.load %arg4[%get3A_7, %get3A_8] : memref<100x152xf32, #tpu.memory_space<vmem>>, vector<100x152xf32>
    %dot_general3A = arith.constant dense<0.000000e+00> : vector<2000x152xf32>
    %dot_general3A_10 = tpu.matmul %convert_element_type3A_3, %get3A_9, %dot_general3A {dimension_numbers = #tpu.dot_dimension_numbers<[1], [0], [0], [1], [0, 0, 1, 1], [], []>, transpose_lhs_hint = false} : vector<2000x100xf32>, vector<100x152xf32>, vector<2000x152xf32> -> vector<2000x152xf32>
    %add3A = arith.addf %get3A_6, %dot_general3A_10 : vector<2000x152xf32>
    %get3A_11 = arith.constant 0 : index
    %get3A_12 = arith.constant 0 : index
    %get3A_13 = vector.load %arg3[%get3A_11, %get3A_12] : memref<2000x3xf32, #tpu.memory_space<vmem>>, vector<2000x3xf32>
    %get3A_14 = arith.constant 0 : index
    %get3A_15 = arith.constant 0 : index
    %get3A_16 = vector.load %arg5[%get3A_14, %get3A_15] : memref<3x152xf32, #tpu.memory_space<vmem>>, vector<3x152xf32>
    %dot_general3A_17 = arith.constant dense<0.000000e+00> : vector<2000x152xf32>
    %dot_general3A_18 = tpu.matmul %get3A_13, %get3A_16, %dot_general3A_17 {dimension_numbers = #tpu.dot_dimension_numbers<[1], [0], [0], [1], [0, 0, 1, 1], [], []>, transpose_lhs_hint = false} : vector<2000x3xf32>, vector<3x152xf32>, vector<2000x152xf32> -> vector<2000x152xf32>
    %add3A_19 = arith.addf %add3A, %dot_general3A_18 : vector<2000x152xf32>
    %swap3A = arith.constant 0 : index
    %swap3A_20 = arith.constant 0 : index
    %swap3A_21 = vector.load %arg7[%swap3A, %swap3A_20] : memref<2000x152xf32, #tpu.memory_space<vmem>>, vector<2000x152xf32>
    tpu.vector_store %arg7[%swap3A, %swap3A_20], %add3A_19 {strides = array<i32>} : memref<2000x152xf32, #tpu.memory_space<vmem>>, vector<2000x152xf32>,
    %get3A_22 = arith.constant 0 : index
    %get3A_23 = arith.constant 0 : index
    %get3A_24 = vector.load %arg6[%get3A_22, %get3A_23] : memref<152x152xf32, #tpu.memory_space<vmem>>, vector<152x152xf32>
    %dot_general3A_25 = arith.constant dense<0.000000e+00> : vector<2000x152xf32>
    %dot_general3A_26 = tpu.matmul %add3A_19, %get3A_24, %dot_general3A_25 {dimension_numbers = #tpu.dot_dimension_numbers<[1], [0], [0], [1], [0, 0, 1, 1], [], []>, transpose_lhs_hint = false} : vector<2000x152xf32>, vector<152x152xf32>, vector<2000x152xf32> -> vector<2000x152xf32>
    %slice3A = vector.extract_strided_slice %dot_general3A_26 {offsets = [0, 0], sizes = [2000, 80], strides = [1, 1]} : vector<2000x152xf32> to vector<2000x80xf32>
    %swap3A_27 = arith.constant 0 : index
    %swap3A_28 = arith.constant 0 : index
    %swap3A_29 = arith.constant 0 : index
    %swap3A_30 = vector.load %arg8[%swap3A_27, %swap3A_28, %swap3A_29] : memref<2x2000x80xf32, #tpu.memory_space<vmem>>, vector<1x2000x80xf32>
    %swap3A_31 = vector.shape_cast %swap3A_30 : vector<1x2000x80xf32> to vector<2000x80xf32>
    %swap3A_32 = vector.shape_cast %slice3A : vector<2000x80xf32> to vector<1x2000x80xf32>
    tpu.vector_store %arg8[%swap3A_27, %swap3A_28, %swap3A_29], %swap3A_32 {strides = array<i32>} : memref<2x2000x80xf32, #tpu.memory_space<vmem>>, vector<1x2000x80xf32>,
    %slice3A_33 = vector.extract_strided_slice %dot_general3A_26 {offsets = [0, 80], sizes = [2000, 72], strides = [1, 1]} : vector<2000x152xf32> to vector<2000x72xf32>
    %broadcast_in_dim3A = arith.constant 0.000000e+00 : f32
    %broadcast_in_dim3A_34 = vector.broadcast %broadcast_in_dim3A : f32 to vector<2000x8xf32>
    %concatenate3A = tpu.concatenate %slice3A_33, %broadcast_in_dim3A_34 in 1 : vector<2000x72xf32>, vector<2000x8xf32> -> vector<2000x80xf32>
    %swap3A_35 = arith.constant 1 : index
    %swap3A_36 = arith.constant 0 : index
    %swap3A_37 = arith.constant 0 : index
    %swap3A_38 = vector.load %arg8[%swap3A_35, %swap3A_36, %swap3A_37] : memref<2x2000x80xf32, #tpu.memory_space<vmem>>, vector<1x2000x80xf32>
    %swap3A_39 = vector.shape_cast %swap3A_38 : vector<1x2000x80xf32> to vector<2000x80xf32>
    %swap3A_40 = vector.shape_cast %concatenate3A : vector<2000x80xf32> to vector<1x2000x80xf32>
    tpu.vector_store %arg8[%swap3A_35, %swap3A_36, %swap3A_37], %swap3A_40 {strides = array<i32>} : memref<2x2000x80xf32, #tpu.memory_space<vmem>>, vector<1x2000x80xf32>,
    return
  }
  func.func @transform_0(%arg0: i32) -> (i32, i32) {
    %c0_i32 = arith.constant 0 : i32
    %c0_i32_0 = arith.constant 0 : i32
    return %arg0, %c0_i32 : i32, i32
  }
  func.func @transform_1(%arg0: i32) -> (i32, i32) {
    %c0_i32 = arith.constant 0 : i32
    %c0_i32_0 = arith.constant 0 : i32
    return %arg0, %c0_i32 : i32, i32
  }
  func.func @transform_2(%arg0: i32) -> (i32, i32) {
    %c0_i32 = arith.constant 0 : i32
    %c0_i32_0 = arith.constant 0 : i32
    return %arg0, %c0_i32 : i32, i32
  }
  func.func @transform_3(%arg0: i32) -> (i32, i32) {
    %c0_i32 = arith.constant 0 : i32
    %c0_i32_0 = arith.constant 0 : i32
    %c0_i32_1 = arith.constant 0 : i32
    return %c0_i32, %c0_i32_0 : i32, i32
  }
  func.func @transform_4(%arg0: i32) -> (i32, i32) {
    %c0_i32 = arith.constant 0 : i32
    %c0_i32_0 = arith.constant 0 : i32
    %c0_i32_1 = arith.constant 0 : i32
    return %c0_i32, %c0_i32_0 : i32, i32
  }
  func.func @transform_5(%arg0: i32) -> (i32, i32) {
    %c0_i32 = arith.constant 0 : i32
    %c0_i32_0 = arith.constant 0 : i32
    %c0_i32_1 = arith.constant 0 : i32
    return %c0_i32, %c0_i32_0 : i32, i32
  }
  func.func @transform_6(%arg0: i32) -> (i32, i32) {
    %c0_i32 = arith.constant 0 : i32
    %c0_i32_0 = arith.constant 0 : i32
    return %arg0, %c0_i32 : i32, i32
  }
  func.func @transform_7(%arg0: i32) -> (i32, i32, i32) {
    %c0_i32 = arith.constant 0 : i32
    %c0_i32_0 = arith.constant 0 : i32
    %c0_i32_1 = arith.constant 0 : i32
    return %c0_i32, %arg0, %c0_i32_0 : i32, i32, i32
  }
}

module attributes {stable_mosaic.version = 14 : i64} {
  func.func @body(%arg0: i32, %arg1: memref<2x2000x80xf32, #tpu.memory_space<vmem>>, %arg2: memref<2000x152xf32, #tpu.memory_space<vmem>>, %arg3: memref<152x152xf32, #tpu.memory_space<vmem>>, %arg4: memref<152x152xf32, #tpu.memory_space<vmem>>, %arg5: memref<152x304xf32, #tpu.memory_space<vmem>>, %arg6: memref<2000x152xf32, #tpu.memory_space<vmem>>, %arg7: memref<4x2000x80xf32, #tpu.memory_space<vmem>>) attributes {dimension_semantics = [#tpu.dimension_semantics<arbitrary>], iteration_bounds = array<i64: 5>, scalar_prefetch = 0 : i64, scratch_operands = 0 : i64, tpu.core_type = #tpu.core_type<tc>, window_params = [{transform_indices = @transform_0, window_bounds = array<i64: 2, 2000, 80>}, {transform_indices = @transform_1, window_bounds = array<i64: 2000, 152>}, {pipeline_mode = #tpu.pipeline_mode<synchronous>, transform_indices = @transform_2, window_bounds = array<i64: 152, 152>}, {pipeline_mode = #tpu.pipeline_mode<synchronous>, transform_indices = @transform_3, window_bounds = array<i64: 152, 152>}, {pipeline_mode = #tpu.pipeline_mode<synchronous>, transform_indices = @transform_4, window_bounds = array<i64: 152, 304>}, {transform_indices = @transform_5, window_bounds = array<i64: 2000, 152>}, {transform_indices = @transform_6, window_bounds = array<i64: 4, 2000, 80>}]} {
    %get3A = arith.constant 0 : index
    %get3A_0 = arith.constant 0 : index
    %get3A_1 = arith.constant 0 : index
    %get3A_2 = vector.load %arg1[%get3A, %get3A_0, %get3A_1] : memref<2x2000x80xf32, #tpu.memory_space<vmem>>, vector<1x2000x80xf32>
    %get3A_3 = vector.shape_cast %get3A_2 : vector<1x2000x80xf32> to vector<2000x80xf32>
    %get3A_4 = arith.constant 1 : index
    %get3A_5 = arith.constant 0 : index
    %get3A_6 = arith.constant 0 : index
    %get3A_7 = vector.load %arg1[%get3A_4, %get3A_5, %get3A_6] : memref<2x2000x80xf32, #tpu.memory_space<vmem>>, vector<1x2000x80xf32>
    %get3A_8 = vector.shape_cast %get3A_7 : vector<1x2000x80xf32> to vector<2000x80xf32>
    %slice3A = vector.extract_strided_slice %get3A_8 {offsets = [0, 0], sizes = [2000, 72], strides = [1, 1]} : vector<2000x80xf32> to vector<2000x72xf32>
    %concatenate3A = tpu.concatenate %get3A_3, %slice3A in 1 : vector<2000x80xf32>, vector<2000x72xf32> -> vector<2000x152xf32>
    %get3A_9 = arith.constant 0 : index
    %get3A_10 = arith.constant 0 : index
    %get3A_11 = vector.load %arg3[%get3A_9, %get3A_10] : memref<152x152xf32, #tpu.memory_space<vmem>>, vector<152x152xf32>
    %dot_general3A = arith.constant dense<0.000000e+00> : vector<2000x152xf32>
    %dot_general3A_12 = tpu.matmul %concatenate3A, %get3A_11, %dot_general3A {dimension_numbers = #tpu.dot_dimension_numbers<[1], [0], [0], [1], [0, 0, 1, 1], [], []>, transpose_lhs_hint = false} : vector<2000x152xf32>, vector<152x152xf32>, vector<2000x152xf32> -> vector<2000x152xf32>
    %logistic3A = arith.negf %dot_general3A_12 : vector<2000x152xf32>
    %logistic3A_13 = math.exp %logistic3A : vector<2000x152xf32>
    %logistic3A_14 = arith.constant 1.000000e+00 : f32
    %logistic3A_15 = vector.broadcast %logistic3A_14 : f32 to vector<2000x152xf32>
    %logistic3A_16 = arith.addf %logistic3A_15, %logistic3A_13 : vector<2000x152xf32>
    %logistic3A_17 = arith.divf %logistic3A_15, %logistic3A_16 : vector<2000x152xf32>
    %get3A_18 = arith.constant 0 : index
    %get3A_19 = arith.constant 0 : index
    %get3A_20 = vector.load %arg2[%get3A_18, %get3A_19] : memref<2000x152xf32, #tpu.memory_space<vmem>>, vector<2000x152xf32>
    %get3A_21 = arith.constant 0 : index
    %get3A_22 = arith.constant 0 : index
    %get3A_23 = vector.load %arg4[%get3A_21, %get3A_22] : memref<152x152xf32, #tpu.memory_space<vmem>>, vector<152x152xf32>
    %dot_general3A_24 = arith.constant dense<0.000000e+00> : vector<2000x152xf32>
    %dot_general3A_25 = tpu.matmul %get3A_20, %get3A_23, %dot_general3A_24 {dimension_numbers = #tpu.dot_dimension_numbers<[1], [0], [0], [1], [0, 0, 1, 1], [], []>, transpose_lhs_hint = false} : vector<2000x152xf32>, vector<152x152xf32>, vector<2000x152xf32> -> vector<2000x152xf32>
    %mul3A = arith.mulf %concatenate3A, %logistic3A_17 : vector<2000x152xf32>
    %add3A = arith.addf %dot_general3A_25, %mul3A : vector<2000x152xf32>
    %swap3A = arith.constant 0 : index
    %swap3A_26 = arith.constant 0 : index
    %swap3A_27 = vector.load %arg6[%swap3A, %swap3A_26] : memref<2000x152xf32, #tpu.memory_space<vmem>>, vector<2000x152xf32>
    tpu.vector_store %arg6[%swap3A, %swap3A_26], %add3A {strides = array<i32>} : memref<2000x152xf32, #tpu.memory_space<vmem>>, vector<2000x152xf32>,
    %get3A_28 = arith.constant 0 : index
    %get3A_29 = arith.constant 0 : index
    %get3A_30 = vector.load %arg5[%get3A_28, %get3A_29] : memref<152x304xf32, #tpu.memory_space<vmem>>, vector<152x304xf32>
    %dot_general3A_31 = arith.constant dense<0.000000e+00> : vector<2000x304xf32>
    %dot_general3A_32 = tpu.matmul %add3A, %get3A_30, %dot_general3A_31 {dimension_numbers = #tpu.dot_dimension_numbers<[1], [0], [0], [1], [0, 0, 1, 1], [], []>, transpose_lhs_hint = false} : vector<2000x152xf32>, vector<152x304xf32>, vector<2000x304xf32> -> vector<2000x304xf32>
    %slice3A_33 = vector.extract_strided_slice %dot_general3A_32 {offsets = [0, 0], sizes = [2000, 80], strides = [1, 1]} : vector<2000x304xf32> to vector<2000x80xf32>
    %swap3A_34 = arith.constant 0 : index
    %swap3A_35 = arith.constant 0 : index
    %swap3A_36 = arith.constant 0 : index
    %swap3A_37 = vector.load %arg7[%swap3A_34, %swap3A_35, %swap3A_36] : memref<4x2000x80xf32, #tpu.memory_space<vmem>>, vector<1x2000x80xf32>
    %swap3A_38 = vector.shape_cast %swap3A_37 : vector<1x2000x80xf32> to vector<2000x80xf32>
    %swap3A_39 = vector.shape_cast %slice3A_33 : vector<2000x80xf32> to vector<1x2000x80xf32>
    tpu.vector_store %arg7[%swap3A_34, %swap3A_35, %swap3A_36], %swap3A_39 {strides = array<i32>} : memref<4x2000x80xf32, #tpu.memory_space<vmem>>, vector<1x2000x80xf32>,
    %slice3A_40 = vector.extract_strided_slice %dot_general3A_32 {offsets = [0, 80], sizes = [2000, 80], strides = [1, 1]} : vector<2000x304xf32> to vector<2000x80xf32>
    %swap3A_41 = arith.constant 1 : index
    %swap3A_42 = arith.constant 0 : index
    %swap3A_43 = arith.constant 0 : index
    %swap3A_44 = vector.load %arg7[%swap3A_41, %swap3A_42, %swap3A_43] : memref<4x2000x80xf32, #tpu.memory_space<vmem>>, vector<1x2000x80xf32>
    %swap3A_45 = vector.shape_cast %swap3A_44 : vector<1x2000x80xf32> to vector<2000x80xf32>
    %swap3A_46 = vector.shape_cast %slice3A_40 : vector<2000x80xf32> to vector<1x2000x80xf32>
    tpu.vector_store %arg7[%swap3A_41, %swap3A_42, %swap3A_43], %swap3A_46 {strides = array<i32>} : memref<4x2000x80xf32, #tpu.memory_space<vmem>>, vector<1x2000x80xf32>,
    %slice3A_47 = vector.extract_strided_slice %dot_general3A_32 {offsets = [0, 160], sizes = [2000, 80], strides = [1, 1]} : vector<2000x304xf32> to vector<2000x80xf32>
    %swap3A_48 = arith.constant 2 : index
    %swap3A_49 = arith.constant 0 : index
    %swap3A_50 = arith.constant 0 : index
    %swap3A_51 = vector.load %arg7[%swap3A_48, %swap3A_49, %swap3A_50] : memref<4x2000x80xf32, #tpu.memory_space<vmem>>, vector<1x2000x80xf32>
    %swap3A_52 = vector.shape_cast %swap3A_51 : vector<1x2000x80xf32> to vector<2000x80xf32>
    %swap3A_53 = vector.shape_cast %slice3A_47 : vector<2000x80xf32> to vector<1x2000x80xf32>
    tpu.vector_store %arg7[%swap3A_48, %swap3A_49, %swap3A_50], %swap3A_53 {strides = array<i32>} : memref<4x2000x80xf32, #tpu.memory_space<vmem>>, vector<1x2000x80xf32>,
    %slice3A_54 = vector.extract_strided_slice %dot_general3A_32 {offsets = [0, 240], sizes = [2000, 64], strides = [1, 1]} : vector<2000x304xf32> to vector<2000x64xf32>
    %broadcast_in_dim3A = arith.constant 0.000000e+00 : f32
    %broadcast_in_dim3A_55 = vector.broadcast %broadcast_in_dim3A : f32 to vector<2000x16xf32>
    %concatenate3A_56 = tpu.concatenate %slice3A_54, %broadcast_in_dim3A_55 in 1 : vector<2000x64xf32>, vector<2000x16xf32> -> vector<2000x80xf32>
    %swap3A_57 = arith.constant 3 : index
    %swap3A_58 = arith.constant 0 : index
    %swap3A_59 = arith.constant 0 : index
    %swap3A_60 = vector.load %arg7[%swap3A_57, %swap3A_58, %swap3A_59] : memref<4x2000x80xf32, #tpu.memory_space<vmem>>, vector<1x2000x80xf32>
    %swap3A_61 = vector.shape_cast %swap3A_60 : vector<1x2000x80xf32> to vector<2000x80xf32>
    %swap3A_62 = vector.shape_cast %concatenate3A_56 : vector<2000x80xf32> to vector<1x2000x80xf32>
    tpu.vector_store %arg7[%swap3A_57, %swap3A_58, %swap3A_59], %swap3A_62 {strides = array<i32>} : memref<4x2000x80xf32, #tpu.memory_space<vmem>>, vector<1x2000x80xf32>,
    return
  }
  func.func @transform_0(%arg0: i32) -> (i32, i32, i32) {
    %c0_i32 = arith.constant 0 : i32
    %c0_i32_0 = arith.constant 0 : i32
    %c0_i32_1 = arith.constant 0 : i32
    return %c0_i32, %arg0, %c0_i32_0 : i32, i32, i32
  }
  func.func @transform_1(%arg0: i32) -> (i32, i32) {
    %c0_i32 = arith.constant 0 : i32
    %c0_i32_0 = arith.constant 0 : i32
    return %arg0, %c0_i32 : i32, i32
  }
  func.func @transform_2(%arg0: i32) -> (i32, i32) {
    %c0_i32 = arith.constant 0 : i32
    %c0_i32_0 = arith.constant 0 : i32
    %c0_i32_1 = arith.constant 0 : i32
    return %c0_i32, %c0_i32_0 : i32, i32
  }
  func.func @transform_3(%arg0: i32) -> (i32, i32) {
    %c0_i32 = arith.constant 0 : i32
    %c0_i32_0 = arith.constant 0 : i32
    %c0_i32_1 = arith.constant 0 : i32
    return %c0_i32, %c0_i32_0 : i32, i32
  }
  func.func @transform_4(%arg0: i32) -> (i32, i32) {
    %c0_i32 = arith.constant 0 : i32
    %c0_i32_0 = arith.constant 0 : i32
    %c0_i32_1 = arith.constant 0 : i32
    return %c0_i32, %c0_i32_0 : i32, i32
  }
  func.func @transform_5(%arg0: i32) -> (i32, i32) {
    %c0_i32 = arith.constant 0 : i32
    %c0_i32_0 = arith.constant 0 : i32
    return %arg0, %c0_i32 : i32, i32
  }
  func.func @transform_6(%arg0: i32) -> (i32, i32, i32) {
    %c0_i32 = arith.constant 0 : i32
    %c0_i32_0 = arith.constant 0 : i32
    %c0_i32_1 = arith.constant 0 : i32
    return %c0_i32, %arg0, %c0_i32_0 : i32, i32, i32
  }
}

module attributes {stable_mosaic.version = 14 : i64} {
  func.func @body(%arg0: i32, %arg1: memref<4x2000x80xf32, #tpu.memory_space<vmem>>, %arg2: memref<2000x152xf32, #tpu.memory_space<vmem>>, %arg3: memref<304x304xf32, #tpu.memory_space<vmem>>, %arg4: memref<152x304xf32, #tpu.memory_space<vmem>>, %arg5: memref<2000x304xf32, #tpu.memory_space<vmem>>) attributes {dimension_semantics = [#tpu.dimension_semantics<arbitrary>], iteration_bounds = array<i64: 5>, scalar_prefetch = 0 : i64, scratch_operands = 0 : i64, tpu.core_type = #tpu.core_type<tc>, window_params = [{transform_indices = @transform_0, window_bounds = array<i64: 4, 2000, 80>}, {transform_indices = @transform_1, window_bounds = array<i64: 2000, 152>}, {pipeline_mode = #tpu.pipeline_mode<synchronous>, transform_indices = @transform_2, window_bounds = array<i64: 304, 304>}, {pipeline_mode = #tpu.pipeline_mode<synchronous>, transform_indices = @transform_3, window_bounds = array<i64: 152, 304>}, {transform_indices = @transform_4, window_bounds = array<i64: 2000, 304>}]} {
    %get3A = arith.constant 0 : index
    %get3A_0 = arith.constant 0 : index
    %get3A_1 = arith.constant 0 : index
    %get3A_2 = vector.load %arg1[%get3A, %get3A_0, %get3A_1] : memref<4x2000x80xf32, #tpu.memory_space<vmem>>, vector<1x2000x80xf32>
    %get3A_3 = vector.shape_cast %get3A_2 : vector<1x2000x80xf32> to vector<2000x80xf32>
    %get3A_4 = arith.constant 1 : index
    %get3A_5 = arith.constant 0 : index
    %get3A_6 = arith.constant 0 : index
    %get3A_7 = vector.load %arg1[%get3A_4, %get3A_5, %get3A_6] : memref<4x2000x80xf32, #tpu.memory_space<vmem>>, vector<1x2000x80xf32>
    %get3A_8 = vector.shape_cast %get3A_7 : vector<1x2000x80xf32> to vector<2000x80xf32>
    %get3A_9 = arith.constant 2 : index
    %get3A_10 = arith.constant 0 : index
    %get3A_11 = arith.constant 0 : index
    %get3A_12 = vector.load %arg1[%get3A_9, %get3A_10, %get3A_11] : memref<4x2000x80xf32, #tpu.memory_space<vmem>>, vector<1x2000x80xf32>
    %get3A_13 = vector.shape_cast %get3A_12 : vector<1x2000x80xf32> to vector<2000x80xf32>
    %get3A_14 = arith.constant 3 : index
    %get3A_15 = arith.constant 0 : index
    %get3A_16 = arith.constant 0 : index
    %get3A_17 = vector.load %arg1[%get3A_14, %get3A_15, %get3A_16] : memref<4x2000x80xf32, #tpu.memory_space<vmem>>, vector<1x2000x80xf32>
    %get3A_18 = vector.shape_cast %get3A_17 : vector<1x2000x80xf32> to vector<2000x80xf32>
    %slice3A = vector.extract_strided_slice %get3A_18 {offsets = [0, 0], sizes = [2000, 64], strides = [1, 1]} : vector<2000x80xf32> to vector<2000x64xf32>
    %concatenate3A = tpu.concatenate %get3A_3, %get3A_8, %get3A_13, %slice3A in 1 : vector<2000x80xf32>, vector<2000x80xf32>, vector<2000x80xf32>, vector<2000x64xf32> -> vector<2000x304xf32>
    %get3A_19 = arith.constant 0 : index
    %get3A_20 = arith.constant 0 : index
    %get3A_21 = vector.load %arg3[%get3A_19, %get3A_20] : memref<304x304xf32, #tpu.memory_space<vmem>>, vector<304x304xf32>
    %dot_general3A = arith.constant dense<0.000000e+00> : vector<2000x304xf32>
    %dot_general3A_22 = tpu.matmul %concatenate3A, %get3A_21, %dot_general3A {dimension_numbers = #tpu.dot_dimension_numbers<[1], [0], [0], [1], [0, 0, 1, 1], [], []>, transpose_lhs_hint = false} : vector<2000x304xf32>, vector<304x304xf32>, vector<2000x304xf32> -> vector<2000x304xf32>
    %logistic3A = arith.negf %dot_general3A_22 : vector<2000x304xf32>
    %logistic3A_23 = math.exp %logistic3A : vector<2000x304xf32>
    %logistic3A_24 = arith.constant 1.000000e+00 : f32
    %logistic3A_25 = vector.broadcast %logistic3A_24 : f32 to vector<2000x304xf32>
    %logistic3A_26 = arith.addf %logistic3A_25, %logistic3A_23 : vector<2000x304xf32>
    %logistic3A_27 = arith.divf %logistic3A_25, %logistic3A_26 : vector<2000x304xf32>
    %get3A_28 = arith.constant 0 : index
    %get3A_29 = arith.constant 0 : index
    %get3A_30 = vector.load %arg2[%get3A_28, %get3A_29] : memref<2000x152xf32, #tpu.memory_space<vmem>>, vector<2000x152xf32>
    %get3A_31 = arith.constant 0 : index
    %get3A_32 = arith.constant 0 : index
    %get3A_33 = vector.load %arg4[%get3A_31, %get3A_32] : memref<152x304xf32, #tpu.memory_space<vmem>>, vector<152x304xf32>
    %dot_general3A_34 = arith.constant dense<0.000000e+00> : vector<2000x304xf32>
    %dot_general3A_35 = tpu.matmul %get3A_30, %get3A_33, %dot_general3A_34 {dimension_numbers = #tpu.dot_dimension_numbers<[1], [0], [0], [1], [0, 0, 1, 1], [], []>, transpose_lhs_hint = false} : vector<2000x152xf32>, vector<152x304xf32>, vector<2000x304xf32> -> vector<2000x304xf32>
    %mul3A = arith.mulf %concatenate3A, %logistic3A_27 : vector<2000x304xf32>
    %add3A = arith.addf %dot_general3A_35, %mul3A : vector<2000x304xf32>
    %swap3A = arith.constant 0 : index
    %swap3A_36 = arith.constant 0 : index
    %swap3A_37 = vector.load %arg5[%swap3A, %swap3A_36] : memref<2000x304xf32, #tpu.memory_space<vmem>>, vector<2000x304xf32>
    tpu.vector_store %arg5[%swap3A, %swap3A_36], %add3A {strides = array<i32>} : memref<2000x304xf32, #tpu.memory_space<vmem>>, vector<2000x304xf32>,
    return
  }
  func.func @transform_0(%arg0: i32) -> (i32, i32, i32) {
    %c0_i32 = arith.constant 0 : i32
    %c0_i32_0 = arith.constant 0 : i32
    %c0_i32_1 = arith.constant 0 : i32
    return %c0_i32, %arg0, %c0_i32_0 : i32, i32, i32
  }
  func.func @transform_1(%arg0: i32) -> (i32, i32) {
    %c0_i32 = arith.constant 0 : i32
    %c0_i32_0 = arith.constant 0 : i32
    return %arg0, %c0_i32 : i32, i32
  }
  func.func @transform_2(%arg0: i32) -> (i32, i32) {
    %c0_i32 = arith.constant 0 : i32
    %c0_i32_0 = arith.constant 0 : i32
    %c0_i32_1 = arith.constant 0 : i32
    return %c0_i32, %c0_i32_0 : i32, i32
  }
  func.func @transform_3(%arg0: i32) -> (i32, i32) {
    %c0_i32 = arith.constant 0 : i32
    %c0_i32_0 = arith.constant 0 : i32
    %c0_i32_1 = arith.constant 0 : i32
    return %c0_i32, %c0_i32_0 : i32, i32
  }
  func.func @transform_4(%arg0: i32) -> (i32, i32) {
    %c0_i32 = arith.constant 0 : i32
    %c0_i32_0 = arith.constant 0 : i32
    return %arg0, %c0_i32 : i32, i32
  }
}

</mosaic_0001>

<sc_bundles>
// kernel: kernel.11.cloned.1.call-start
scs
__scs_entry_jumppad:
0x0: {  	(pc) =	sbr.rel $0x88, $3  }
0x1: {  	(tag) =	ssettag $0x0;
	lr =	simm.s32 $0x1  }
0x2: {  	[smem:$0x3F92] =	sst lr;
	_ =	strace $0xD0000000  }
0x3: {  	_ = 	snop  }
0x4: {  	_ = 	snop  }
0x5: {  	_ = 	snop  }
0x6: {  	_ = 	snop  }
0x7: {  	_ = 	snop  }
__scs_overlays_trampoline_lowered:
0x8: {  	[smem:$0x3FA1] =	sst s0  }
0x9: {  	[smem:$0x3FA2] =	sst s1  }
0xa: {  	[smem:$0x3FA3] =	sst s2  }
0xb: {  	[smem:$0x3FA4] =	sst s3  }
0xc: {  	[smem:$0x3FA5] =	sst s4  }
0xd: {  	[smem:$0x3FA6] =	sst s5  }
0xe: {  	[smem:$0x3FA7] =	sst s6  }
0xf: {  	[smem:$0x3FA8] =	sst s7  }
0x10: {  	[smem:$0x3FA9] =	sst s8  }
0x11: {  	[smem:$0x3FAA] =	sst s9;
	s0 =	simm.s32 @!p0 $0x0  }
0x12: {  	s1 =	sld [smem:$0x3F90];
	s0 =	simm.s32 @p0 $0x1  }
0x13: {  	[smem:$0x3FAB] =	sst s0;
	s0 =	simm.s32 @!p1 $0x0  }
0x14: {  	s2 =	sld [smem:$0x3F8F];
	s0 =	simm.s32 @p1 $0x1  }
0x15: {  	[smem:$0x3FAC] =	sst s0;
	s0 =	simm.s32 @!p2 $0x0  }
0x16: {  	s3 =	sld [smem:$0x3FDB];
	s0 =	simm.s32 @p2 $0x1  }
0x17: {  	s4 =	simm.s32 $0x1BF5;
	[smem:$0x3FAE] =	sst s0  }
0x18: {  	s0 =	sld [smem:$0x3F91];
	_ =	swait.ge [sflag:s4], $0x0  }
0x19: {  	s7 =	sld [smem:$0x3F92]  }
0x1a: {  	s8 =	sadd.s32 $0xFFFFE003, lr  }
0x1b: {  	s9 =	sadd.s32 $0xFFFFFEF7, lr;
	s5 =	simm.s32 $0xFFFFFFFF;
	p2 =	slt.u32 s8, $0xFFFFF086  }
0x1c: {  	p1 =	slt.u32 s9, $0xF7A;
	s5 =	simm.s32 @!p2 $0x0  }
0x1d: {  	s5 =	simm.s32 @p1 $0x1;
	p0 =	seq.s32 s7, s2  }
0x1e: {  	s7 =	smul.u32 @!p0 $0xF7A, s2;
	p2 =	seq.s32 @!p0 s5, $0x0  }
0x1f: {  	s9 =	smul.u32 $0xF7A, s1;
	s8 =	simm.s32 @!p0 $0x1BF5;
	p2 =	por !p2, p0  }
0x20: {  	[sflag:s8] =	ssyncset.s32 @!p0 $0xFFFFF086;
	s6 =	sadd.s32 @!p0 s3, s7;
	s7 =	simm.s32 @!p0 $0x108  }
0x21: {  	s3 =	sadd.s32 s3, s9;
	s6 =	sadd.s32 @!p0 $0x88, s6;
	s7 =	simm.s32 @p2 $0x1082  }
0x22: {  	[simem:s7], [sflag:s8] =	dma.local @!p0 [hbm:s6], $0xF7A  }
0x23: {  	s9 =	sor.u32 $0xD0000000, s2;
	s6 =	simm.s32 $0x108;
	_ =	swait.ge @!p0 [sflag:s8], $0x0  }
0x24: {  	s3 =	sadd.s32 $0x88, s3;
	s6 =	simm.s32 @!p1 $0x1082;
	[sflag:s4] =	ssyncset.s32 $0xFFFFF086  }
0x25: {  	[simem:s6], [sflag:s4] =	dma.local [hbm:s3], $0xF7A  }
0x26: {  	[smem:$0x3F92] =	sst s1;
	(tag) =	ssettag s2;
	_ =	strace s9  }
0x27: {  	s1 =	sld [smem:$0x3FA2]  }
0x28: {  	s2 =	sld [smem:$0x3FA3]  }
0x29: {  	s4 =	sld [smem:$0x3FA5]  }
0x2a: {  	p0 =	seq.s32 s5, $0x0;
	s5 =	sld [smem:$0x3FA6]  }
0x2b: {  	s6 =	sld [smem:$0x3FA7]  }
0x2c: {  	s7 =	sld [smem:$0x3FA8]  }
0x2d: {  	s3 =	simm.s32 $0x108;
	s8 =	sld [smem:$0x3FA9]  }
0x2e: {  	s3 =	simm.s32 @!p0 $0x1082;
	s9 =	sld [smem:$0x3FAA]  }
0x2f: {  	lr =	sadd.s32 s0, s3;
	s0 =	sld [smem:$0x3FA1]  }
0x30: {  	s3 =	sld [smem:$0x3FA4]  }
0x31: {  	[smem:$0x3FAD] =	sst s10  }
0x32: {  	s10 =	sld [smem:$0x3FAB];
	_ =	sdelay $0x3  }
0x33: {  	p0 =	seq.s32 s10, $0x1;
	s10 =	sld [smem:$0x3FAD];
	_ =	sdelay $0x3  }
0x34: {  	[smem:$0x3FAD] =	sst s10  }
0x35: {  	s10 =	sld [smem:$0x3FAC];
	_ =	sdelay $0x3  }
0x36: {  	p1 =	seq.s32 s10, $0x1;
	s10 =	sld [smem:$0x3FAD];
	_ =	sdelay $0x3  }
0x37: {  	[smem:$0x3FAD] =	sst s10  }
0x38: {  	s10 =	sld [smem:$0x3FAE]  }
0x39: {  	_ = 	snop;
	(pc) =	sbr.ind lr, $3  }
0x3a: {  	_ = 	snop  }
0x3b: {  	_ = 	snop  }
0x3c: {  	p2 =	seq.s32 s10, $0x1;
	s10 =	sld [smem:$0x3FAD]  }
0x3d: {  	_ =	shalt  }
0x3e: {  	_ =	shalt  }
0x3f: {  	_ =	shalt  }
0x40: {  	_ =	shalt  }
0x41: {  	_ =	shalt  }
0x42: {  	_ =	shalt  }
0x43: {  	_ =	shalt  }
0x44: {  	_ =	shalt  }
0x45: {  	_ =	shalt  }
0x46: {  	_ =	shalt  }
0x47: {  	_ =	shalt  }
0x48: {  	_ =	shalt  }
0x49: {  	_ =	shalt  }
0x4a: {  	_ =	shalt  }
0x4b: {  	_ =	shalt  }
0x4c: {  	_ =	shalt  }
0x4d: {  	_ =	shalt  }
0x4e: {  	_ =	shalt  }
0x4f: {  	_ =	shalt  }
0x50: {  	_ =	shalt  }
0x51: {  	_ =	shalt  }
0x52: {  	_ =	shalt  }
0x53: {  	_ =	shalt  }
0x54: {  	_ =	shalt  }
0x55: {  	_ =	shalt  }
0x56: {  	_ =	shalt  }
0x57: {  	_ =	shalt  }
0x58: {  	_ =	shalt  }
0x59: {  	_ =	shalt  }
0x5a: {  	_ =	shalt  }
0x5b: {  	_ =	shalt  }
0x5c: {  	_ =	shalt  }
0x5d: {  	_ =	shalt  }
0x5e: {  	_ =	shalt  }
0x5f: {  	_ =	shalt  }
0x60: {  	_ =	shalt  }
0x61: {  	_ =	shalt  }
0x62: {  	_ =	shalt  }
0x63: {  	_ =	shalt  }
0x64: {  	_ =	shalt  }
0x65: {  	_ =	shalt  }
0x66: {  	_ =	shalt  }
0x67: {  	_ =	shalt  }
0x68: {  	_ =	shalt  }
0x69: {  	_ =	shalt  }
0x6a: {  	_ =	shalt  }
0x6b: {  	_ =	shalt  }
0x6c: {  	_ =	shalt  }
0x6d: {  	_ =	shalt  }
0x6e: {  	_ =	shalt  }
0x6f: {  	_ =	shalt  }
0x70: {  	_ =	shalt  }
0x71: {  	_ =	shalt  }
0x72: {  	_ =	shalt  }
0x73: {  	_ =	shalt  }
0x74: {  	_ =	shalt  }
0x75: {  	_ =	shalt  }
0x76: {  	_ =	shalt  }
0x77: {  	_ =	shalt  }
0x78: {  	_ =	shalt  }
0x79: {  	_ =	shalt  }
0x7a: {  	_ =	shalt  }
0x7b: {  	_ =	shalt  }
0x7c: {  	_ =	shalt  }
0x7d: {  	_ =	shalt  }
0x7e: {  	_ =	shalt  }
0x7f: {  	_ =	shalt  }
0x80: {  	_ =	shalt  }
0x81: {  	_ =	shalt  }
0x82: {  	_ =	shalt  }
0x83: {  	_ =	shalt  }
0x84: {  	_ =	shalt  }
0x85: {  	_ =	shalt  }
0x86: {  	_ =	shalt  }
0x87: {  	_ =	shalt  }
.Lfunc_end0:
.L_simem_size_0:
called_computation.1_lowered:
.L_overlay_start_0:
0x88: {  	s2 =	sld [smem:$0x3FD9]  }
0x89: {  	s3 =	sld [smem:$0x3FFE];
	_ =	sdelay $0x1  }
0x8a: {  	s1 =	srdreg.scid  }
0x8b: {  	s0 =	sand.u32 $0x1, s1  }
0x8c: {  	s16 =	sshll.u32 s0, $0xA;
	s2 =	sadd.s32 s3, s2  }
0x8d: {  	s2 =	sadd.s32 s2, s16  }
0x8e: {  	[smem:$0x3FB9] =	sst s2  }
0x8f: {  	_ = 	snop  }
0x90: {  	(tm) =	ssettm $0x1  }
0x91: {  	s17 =	sld [smem:$0x3FFB];
	_ =	sdelay $0x3  }
0x92: {  	_ =	strace s17  }
0x93: {  	s2 =	sld [smem:$0x3FFC];
	_ =	sdelay $0x3  }
0x94: {  	_ =	strace s2  }
0x95: {  	s2 =	sld [smem:$0x3FFD];
	_ =	sdelay $0x3  }
0x96: {  	_ =	strace s2  }
0x97: {  	_ =	strace $0x8FFFFFFF  }
0x98: {  	s18 =	sld [smem:$0x3FDB];
	_ =	sdelay $0x1  }
0x99: {  	s19 =	simm.s32 $_scs_section_size  }
0x9a: {  	s4 =	simm.s32 $_size__tile_overlayer_lowered;
	s5 =	simm.s32 $_tile_overlayer_lowered  }
0x9b: {  	s22 =	simm.s32 $0x1BFF;
	s21 =	sshll.u32 s5, $0x1;
	s2 =	sadd.s32 s19, s18  }
0x9c: {  	s6 =	simm.s32 $0x0;
	s20 =	sshll.u32 s4, $0x1;
	s4 =	sadd.s32 s21, s2  }
0x9d: {  	[timem:s6], [sflag:s22] =	dma.local [hbm:s4], s20  }
0x9e: {  	_ =	swait.ge [sflag:s22], s20  }
0x9f: {  	s3 =	ssub.s32 $0x0, s20;
	[sflag:s22] =	ssyncset.done $0x0  }
0xa0: {  	[sflag:s22] =	ssyncadd.s32 s3;
	_ =	sdelay $0x1  }
0xa1: {  	s23 =	simm.s32 $0x1B8B  }
0xa2: {  	_ =	swait.ge [sflag:s23], $0x1  }
0xa3: {  	[sflag:s23] =	ssyncset.done $0x0  }
0xa4: {  	s25 =	simm.s32 $0x1B8E;
	s24 =	sld [smem:$0x3FFE];
	[sflag:s23] =	ssyncadd.s32 $0xFFFFFFFF  }
0xa5: {  	s26 =	simm.s32 $execute0_lowered;
	[smem:$0x3FD2] =	sst s25  }
0xa6: {  	s4 =	sshll.u32 s26, $0x1;
	_ =	strace $0x80000049;
	[dreg:$0x1] =	wrdreg $0xFFFFFFFF  }
0xa7: {  	s28 =	simm.s32 $_size_execute0_lowered;
	s2 =	sadd.s32 s2, s4;
	[dreg:$0x0] =	wrdreg $0x0  }
0xa8: {  	s4 =	sshll.u32 s28, $0x1;
	[dreg:$0x2] =	wrdreg s2  }
0xa9: {  	[dreg:$0x3] =	wrdreg s4  }
0xaa: {  	[dreg:$0x4] =	wrdreg $0xC0  }
0xab: {  	_ =	task [dreg:s6], $0x5FFFF  }
0xac: {  	[dreg:$0x1] =	wrdreg $0xFFFFFFFF  }
0xad: {  	[dreg:$0x0] =	wrdreg $0x60  }
0xae: {  	[dreg:$0x2] =	wrdreg s24  }
0xaf: {  	[dreg:$0x3] =	wrdreg $0xA2000  }
0xb0: {  	[dreg:$0x4] =	wrdreg $0x9  }
0xb1: {  	_ =	task.clear_ibuf [dreg:s6], $0x5FFFF;
	_ =	strace $0x90000049  }
0xb2: {  	s29 =	simm.s32 $0x9;
	_ =	strace $0x8000004B  }
0xb3: {  	_ =	swait.ge [sflag:s29], $0x1  }
0xb4: {  	[sflag:s29] =	ssyncadd.s32 $0xFFFFFFFF  }
0xb5: {  	_ =	strace $0x9000004B  }
0xb6: {  	_ =	sfence  }
0xb7: {  	s30 =	sld [smem:$0x0];
	_ =	sdelay $0x2  }
0xb8: {  	s31 =	sshll.u32 s1, $0xD;
	s1 =	sshrl.u32 s1, $0x2  }
0xb9: {  	s3 =	sand.u32 $0x4000, s31;
	s1 =	sadd.s32 s1, s30  }
0xba: {  	s0 =	sor.u32 s3, s0;
	s1 =	sshll.u32 s1, $0x11  }
0xbb: {  	s0 =	sor.u32 s1, s0  }
0xbc: {  	s0 =	sadd.s32 $0x8F2B, s0  }
0xbd: {  	[sflag:s0] =	ssyncadd.remote.s32 $0x1  }
0xbe: {  	_ =	sfence.sel $0xFFFF  }
0xbf: {  	[dreg:$0x0] =	wrdreg $0xFFFFFFFF;
	(pc) =	sbr.abs _section_cstart, $3  }
0xc0: {  	[dreg:$0x1] =	wrdreg $0xFFFFFFFF  }
0xc1: {  	_ =	task.clear_ibuf [dreg:s6], $0x2FFFF;
	_ =	strace $0x9FFFFFFF  }
0xc2: {  	(tm) =	ssettm $0x7FFFFFFF  }
0xc3: {  	_ =	shalt  }
tec
execute0_lowered:
.L_overlay_start_1:
0x0: {  	(tag) =	ssettag $0x1  }
0x1: {  	s0 =	rddreg [dreg:$0x0]  }
0x2: {  	s2 =	rddreg [dreg:$0x1];
	s1 =	srdreg.scid  }
0x3: {  	s3 =	simm.s32 $0x0;
	s18 =	stileid.u32;
	s31 =	simm.s32 $0x6  }
0x4: {  	s5 =	sand.u32 $0x1, s1;
	[smem:$0x7FF] =	sst s3;
	s4 =	smul.u32 $0x5000, s18  }
0x5: {  	s7 =	smul.u32 $0xC800, s18;
	s8 =	sadd.s32 $0x4200, s0;
	s28 =	sadd.s32 $0x694000, s0  }
0x6: {  	s29 =	sadd.s32 $0x6BC000, s0;
	s1 =	ssub.s32 $0x2, s5;
	_ =	strace $0x8000004A  }
0x7: {  	s9 =	smul.u32 $0x190000, s5;
	s16 =	sshllo.u32 s5, $0x1;
	s6 =	sshrl.u32 s1, $0x1  }
0x8: {  	s19 =	sadd.s32 s7, s2;
	s10 =	sadd.s32 $0x2800, s7;
	s11 =	sadd.s32 $0x5000, s7  }
0x9: {  	s12 =	sadd.s32 $0x7800, s7;
	s14 =	sadd.s32 $0xA000, s7;
	s1 =	ssub.s32 s1, s6  }
0xa: {  	s26 =	sadd.s32 s7, s9;
	s13 =	sadd.s32 s9, s10;
	s6 =	smul.u32 $0x3200000, s5  }
0xb: {  	s17 =	sadd.s32 s9, s12;
	s5 =	smul.u32 $0xA0000, s5;
	s15 =	sshrl.u32 s26, $0x3  }
0xc: {  	[dreg:$0x3] =	wrdreg s19;
	s13 =	sshrl.u32 s13, $0x3;
	s15 =	sadd.s32 s8, s15  }
0xd: {  	s13 =	sadd.s32 s8, s13;
	[dreg:$0x4] =	wrdreg s15;
	s15 =	sadd.s32 s9, s11  }
0xe: {  	[dreg:$0x5] =	wrdreg s13;
	s9 =	sadd.s32 s9, s14;
	s13 =	sshrl.u32 s15, $0x3  }
0xf: {  	s15 =	sshrl.u32 s17, $0x3;
	s17 =	smul.u32 $0xC8000, s16;
	s13 =	sadd.s32 s8, s13  }
0x10: {  	s9 =	sshrl.u32 s9, $0x3;
	s20 =	sadd.s32 s8, s15;
	[dreg:$0x6] =	wrdreg s13  }
0x11: {  	s9 =	sadd.s32 s8, s9;
	[dreg:$0x7] =	wrdreg s20;
	s7 =	sadd.s32 s7, s17  }
0x12: {  	s21 =	sadd.s32 s10, s17;
	[dreg:$0x8] =	wrdreg s9;
	s24 =	sadd.s32 s11, s17  }
0x13: {  	s25 =	sadd.s32 s12, s17;
	s26 =	sadd.s32 s14, s17;
	s17 =	smul.u32 $0x190000, s18  }
0x14: {  	s18 =	sadd.s32 s10, s2;
	s20 =	sadd.s32 s11, s2;
	s10 =	sshrl.u32 s4, $0x3  }
0x15: {  	s11 =	smul.u32 $0x50000, s16;
	s7 =	sshrl.u32 s7, $0x3;
	s22 =	sshrl.u32 s21, $0x3  }
0x16: {  	s9 =	sshrl.u32 s25, $0x3;
	s13 =	sshrl.u32 s26, $0x3;
	[dreg:$0xe] =	wrdreg s18  }
0x17: {  	s25 =	sadd.s32 s14, s2;
	s21 =	sadd.s32 s4, s5;
	[dreg:$0xf] =	wrdreg s20  }
0x18: {  	s7 =	sadd.s32 s8, s7;
	s23 =	sadd.s32 s8, s22;
	[dreg:$0x11] =	wrdreg s25  }
0x19: {  	s15 =	sadd.s32 s8, s13;
	s26 =	sadd.s32 s17, s6;
	[dreg:$0x9] =	wrdreg s7  }
0x1a: {  	s22 =	sadd.s32 $0x68A000, s0;
	s30 =	sadd.s32 s4, s11;
	[dreg:$0xa] =	wrdreg s23  }
0x1b: {  	s11 =	sor.u32 $0x80, s4;
	s7 =	sshrl.u32 s24, $0x3;
	[dreg:$0xd] =	wrdreg s15  }
0x1c: {  	s24 =	sadd.s32 s12, s2;
	s23 =	sadd.s32 $0x744400, s0;
	s12 =	sshrl.u32 s21, $0x3  }
0x1d: {  	s0 =	sadd.s32 $0x694010, s0;
	s7 =	sadd.s32 s8, s7;
	[dreg:$0x10] =	wrdreg s24  }
0x1e: {  	s15 =	sshrl.u32 s30, $0x3;
	s13 =	sadd.s32 s28, s12;
	[dreg:$0xb] =	wrdreg s7  }
0x1f: {  	s24 =	smax.u32 s1, $0x1;
	s1 =	simm.s32 $0x7A00;
	[dreg:$0x14] =	wrdreg s13  }
0x20: {  	s7 =	sadd.s32 s8, s9;
	s9 =	sshrl.u32 s26, $0x3;
	[dreg:$0x19] =	wrdreg s24  }
0x21: {  	s26 =	smul.u32 $0x1900000, s16;
	s16 =	sadd.s32 s28, s15;
	[dreg:$0xc] =	wrdreg s7  }
0x22: {  	s8 =	sadd.s32 s22, s10;
	s13 =	simm.s32 $0x7;
	[dreg:$0x17] =	wrdreg s16  }
0x23: {  	s10 =	simm.s32 $0x0;
	s5 =	sadd.s32 s23, s9;
	[dreg:$0x12] =	wrdreg s8  }
0x24: {  	s25 =	sadd.s32 $0x10, s8;
	s7 =	simm.s32 $0x1;
	s16 =	simm.s32 $0x3  }
0x25: {  	s8 =	simm.s32 $0x2;
	s9 =	simm.s32 $0x4;
	[dreg:$0x13] =	wrdreg s5  }
.Ltmp0:
0x26: {  	s5 =	sadd.s32 s12, s0;
	s14 =	sadd.s32 s17, s26;
	(pc) =	sbr.rel .LBB2_1-.Ltmp0, $4  }
0x27: {  	s0 =	sadd.s32 s15, s0;
	[dreg:$0x1a] =	wrdreg s25;
	s12 =	simm.s32 $0x200  }
0x28: {  	s15 =	simm.s32 $0x80;
	[dreg:$0x15] =	wrdreg s5;
	s17 =	sshrl.u32 s14, $0x3  }
0x29: {  	s25 =	simm.s32 $0x180;
	[dreg:$0x16] =	wrdreg s0;
	s0 =	sadd.s32 s23, s17  }
0x2a: {  	v0 =	vimm.f32 $0.0e+00;
	s14 =	simm.s32 $0x100;
	[dreg:$0x18] =	wrdreg s0;
	s0 =	simm.s32 $0x2A00  }
.LBB2_19:
0x2b: {  	[bflag:$0x0] =	sbarrier.arrive $0xFFFF  }
0x2c: {  	s19 =	rddreg [dreg:$0x3]  }
0x2d: {  	[tilespmem:s12], [sflag:$0x7] =	stream.linear.gather [spmem:s19], $0x2800, $0x38;
	[tilespmem:$0x16A00] =	vst v63  }
0x2e: {  	_ =	swait.ge [sflag:s13], $0x2800  }
0x2f: {  	[sflag:s13] =	ssyncset.done $0x0  }
0x30: {  	s5 =	rddreg [dreg:$0x9];
	[sflag:s13] =	ssyncadd.s32 $0xFFFFD800  }
0x31: {  	[hbm4b:s5+s3] =	stream.linear.scatter [tilespmem:s12], [sflag:$0x7], $0x2800, $0x38;
	[tilespmem:$0x16A00] =	vst v63  }
0x32: {  	_ =	swait.ge [sflag:s13], $0x2800  }
0x33: {  	[sflag:s13] =	ssyncset.done $0x0  }
0x34: {  	s18 =	rddreg [dreg:$0xe];
	[sflag:s13] =	ssyncadd.s32 $0xFFFFD800  }
0x35: {  	[tilespmem:s12], [sflag:$0x7] =	stream.linear.gather [spmem:s18], $0x2800, $0x38;
	[tilespmem:$0x16A00] =	vst v63  }
0x36: {  	_ =	swait.ge [sflag:s13], $0x2800  }
0x37: {  	[sflag:s13] =	ssyncset.done $0x0  }
0x38: {  	s24 =	rddreg [dreg:$0xa];
	[sflag:s13] =	ssyncadd.s32 $0xFFFFD800  }
0x39: {  	[hbm4b:s24+s3] =	stream.linear.scatter [tilespmem:s12], [sflag:$0x7], $0x2800, $0x38;
	[tilespmem:$0x16A00] =	vst v63  }
0x3a: {  	_ =	swait.ge [sflag:s13], $0x2800  }
0x3b: {  	[sflag:s13] =	ssyncset.done $0x0  }
0x3c: {  	s20 =	rddreg [dreg:$0xf];
	[sflag:s13] =	ssyncadd.s32 $0xFFFFD800  }
0x3d: {  	[tilespmem:s12], [sflag:$0x7] =	stream.linear.gather [spmem:s20], $0x2800, $0x38;
	[tilespmem:$0x16A00] =	vst v63  }
0x3e: {  	_ =	swait.ge [sflag:s13], $0x2800  }
0x3f: {  	[sflag:s13] =	ssyncset.done $0x0  }
0x40: {  	s10 =	rddreg [dreg:$0xb];
	[sflag:s13] =	ssyncadd.s32 $0xFFFFD800  }
0x41: {  	[hbm4b:s10+s3] =	stream.linear.scatter [tilespmem:s12], [sflag:$0x7], $0x2800, $0x38;
	[tilespmem:$0x16A00] =	vst v63  }
0x42: {  	_ =	swait.ge [sflag:s13], $0x2800  }
0x43: {  	[sflag:s13] =	ssyncset.done $0x0  }
0x44: {  	s17 =	rddreg [dreg:$0x10];
	[sflag:s13] =	ssyncadd.s32 $0xFFFFD800  }
0x45: {  	[tilespmem:s12], [sflag:$0x7] =	stream.linear.gather [spmem:s17], $0x2800, $0x38;
	[tilespmem:$0x16A00] =	vst v63  }
0x46: {  	_ =	swait.ge [sflag:s13], $0x2800  }
0x47: {  	[sflag:s13] =	ssyncset.done $0x0  }
0x48: {  	s24 =	rddreg [dreg:$0xc];
	[sflag:s13] =	ssyncadd.s32 $0xFFFFD800  }
0x49: {  	[hbm4b:s24+s3] =	stream.linear.scatter [tilespmem:s12], [sflag:$0x7], $0x2800, $0x38;
	[tilespmem:$0x16A00] =	vst v63  }
0x4a: {  	_ =	swait.ge [sflag:s13], $0x2800  }
0x4b: {  	[sflag:s13] =	ssyncset.done $0x0  }
0x4c: {  	s10 =	rddreg [dreg:$0x11];
	[sflag:s13] =	ssyncadd.s32 $0xFFFFD800  }
0x4d: {  	[tilespmem:s12], [sflag:$0x7] =	stream.linear.gather [spmem:s10], $0x2800, $0x38;
	[tilespmem:$0x16A00] =	vst v63  }
0x4e: {  	_ =	swait.ge [sflag:s13], $0x2800  }
0x4f: {  	[sflag:s13] =	ssyncset.done $0x0  }
0x50: {  	s17 =	rddreg [dreg:$0xd];
	[sflag:s13] =	ssyncadd.s32 $0xFFFFD800  }
0x51: {  	[hbm4b:s17+s3] =	stream.linear.scatter [tilespmem:s12], [sflag:$0x7], $0x2800, $0x38;
	[tilespmem:$0x16A00] =	vst v63  }
0x52: {  	_ =	swait.ge [sflag:s13], $0x2800  }
0x53: {  	s10 =	rddreg [dreg:$0x1b]  }
0x54: {  	s24 =	rddreg [dreg:$0x19];
	s10 =	sadd.s32 $0x1, s10  }
0x55: {  	p0 =	sne.s32 s10, s24  }
.Ltmp1:
0x56: {  	_ = 	snop;
	(pc) =	sbr.rel @!p0 .LBB2_20-.Ltmp1, $3  }
0x57: {  	_ =	sdelay $0x1  }
0x58: {  	[sflag:s13] =	ssyncset.done $0x0  }
0x59: {  	[sflag:s13] =	ssyncadd.s32 $0xFFFFD800  }
.LBB2_1:
0x5a: {  	[dreg:$0x1b] =	wrdreg s10;
	s10 =	simm.s32 $0x140;
	s5 =	simm.s32 $0x0  }
.LBB2_2:
0x5b: {  	p0 =	sne.s32 s10, $0x9EC0;
	[tilespmem:s5+$0x240] =	vst v0;
	s17 =	smov.u32 s10;
	s10 =	sadd.s32 $0x140, s10  }
.Ltmp2:
0x5c: {  	[tilespmem:s5+$0x230] =	vst v0;
	(pc) =	sbr.rel @p0 .LBB2_2-.Ltmp2, $4  }
0x5d: {  	[tilespmem:s5+$0x220] =	vst v0  }
0x5e: {  	[tilespmem:s5+$0x200] =	vst v0  }
0x5f: {  	[tilespmem:s5+$0x210] =	vst v0  }
0x60: {  	s5 =	sshra.s32 s17, $0x2  }
0x61: {  	[tilespmem:s5+$0x240] =	vst v0  }
0x62: {  	[tilespmem:s5+$0x230] =	vst v0  }
0x63: {  	[tilespmem:s5+$0x220] =	vst v0  }
0x64: {  	[tilespmem:s5+$0x200] =	vst v0  }
0x65: {  	[tilespmem:s5+$0x210] =	vst v0  }
0x66: {  	[spmem:s19] =	stream.linear.scatter [tilespmem:s12], [sflag:$0x7], $0x2800, $0x38;
	[tilespmem:$0x16A00] =	vst v63  }
0x67: {  	_ =	swait.ge [sflag:s13], $0x2800  }
0x68: {  	[sflag:s13] =	ssyncset.done $0x0  }
0x69: {  	[sflag:s13] =	ssyncadd.s32 $0xFFFFD800  }
0x6a: {  	[spmem:s18] =	stream.linear.scatter [tilespmem:s12], [sflag:$0x7], $0x2800, $0x38;
	[tilespmem:$0x16A00] =	vst v63  }
0x6b: {  	_ =	swait.ge [sflag:s13], $0x2800  }
0x6c: {  	[sflag:s13] =	ssyncset.done $0x0  }
0x6d: {  	[sflag:s13] =	ssyncadd.s32 $0xFFFFD800  }
0x6e: {  	[spmem:s20] =	stream.linear.scatter [tilespmem:s12], [sflag:$0x7], $0x2800, $0x38;
	[tilespmem:$0x16A00] =	vst v63  }
0x6f: {  	_ =	swait.ge [sflag:s13], $0x2800  }
0x70: {  	[sflag:s13] =	ssyncset.done $0x0  }
0x71: {  	s24 =	rddreg [dreg:$0x10];
	[sflag:s13] =	ssyncadd.s32 $0xFFFFD800  }
0x72: {  	[spmem:s24] =	stream.linear.scatter [tilespmem:s12], [sflag:$0x7], $0x2800, $0x38;
	[tilespmem:$0x16A00] =	vst v63  }
0x73: {  	_ =	swait.ge [sflag:s13], $0x2800  }
0x74: {  	[sflag:s13] =	ssyncset.done $0x0  }
0x75: {  	s10 =	rddreg [dreg:$0x11];
	[sflag:s13] =	ssyncadd.s32 $0xFFFFD800  }
0x76: {  	[spmem:s10] =	stream.linear.scatter [tilespmem:s12], [sflag:$0x7], $0x2800, $0x38;
	[tilespmem:$0x16A00] =	vst v63  }
0x77: {  	_ =	swait.ge [sflag:s13], $0x2800  }
0x78: {  	[sflag:s13] =	ssyncset.done $0x0  }
0x79: {  	[sflag:s13] =	ssyncadd.s32 $0xFFFFD800  }
0x7a: {  	[bflag:$0x0] =	sbarrier.arrive $0xFFFF  }
0x7b: {  	s10 =	simm.s32 $0x0;
	s17 =	rddreg [dreg:$0x14]  }
0x7c: {  	[tilespmem:s10], [sflag:$0x7] =	stream.linear.gather [hbm4b:s17+s10], $0x80, $0x38;
	[tilespmem:$0x16A00] =	vst v63  }
0x7d: {  	_ =	swait.ge [sflag:s13], $0x80  }
0x7e: {  	[sflag:s13] =	ssyncset.done $0x0  }
0x7f: {  	s18 =	rddreg [dreg:$0x12];
	[sflag:s13] =	ssyncadd.s32 $0xFFFFFF80  }
0x80: {  	[tilespmem:s14], [sflag:$0x7] =	stream.linear.gather [hbm4b:s18+s10], $0x80, $0x38;
	[tilespmem:$0x16A00] =	vst v63  }
0x81: {  	_ =	swait.ge [sflag:s13], $0x80  }
0x82: {  	[sflag:s13] =	ssyncset.done $0x0  }
0x83: {  	[sflag:s13] =	ssyncadd.s32 $0xFFFFFF80  }
0x84: {  	[tilespmem:s12], [sflag:$0x1] =	stream.indirect.gather [hbm4b:s29+s15], $0x50, s10, s15, $0xb8;
	[tilespmem:$0x16A00] =	vst v63  }
0x85: {  	s17 =	simm.s32 $0x5200;
	s19 =	rddreg [dreg:$0x13]  }
0x86: {  	[tilespmem:s17], [sflag:$0x3] =	stream.linear.gather [hbm4b:s19+s10], $0x2800, $0x38;
	[tilespmem:$0x16A00] =	vst v63  }
0x87: {  	s20 =	rddreg [dreg:$0x15]  }
0x88: {  	[tilespmem:s15], [sflag:$0x6] =	stream.linear.gather [hbm4b:s20+s10], $0x80, $0x38;
	[tilespmem:$0x16A00] =	vst v63  }
0x89: {  	s5 =	simm.s32 $0x0;
	s24 =	rddreg [dreg:$0x1a]  }
0x8a: {  	[tilespmem:s25], [sflag:$0x6] =	stream.linear.gather [hbm4b:s24+s10], $0x80, $0x38;
	[tilespmem:$0x16A00] =	vst v63  }
.LBB2_4:
0x8b: {  	_ =	swait.ge [sflag:s31], $0x80;
	s17 =	sshll.u32 s5, $0x8  }
0x8c: {  	[sflag:s31] =	ssyncset.done $0x0;
	s18 =	sadd.s32 s17, s11  }
0x8d: {  	[sflag:s31] =	ssyncadd.s32 $0xFFFFFF80;
	s18 =	smul.u32 $0x50, s18  }
0x8e: {  	_ =	swait.ge [sflag:s31], $0x80  }
0x8f: {  	[sflag:s31] =	ssyncset.done $0x0;
	s18 =	sadd.s32 s6, s18  }
0x90: {  	[sflag:s31] =	ssyncadd.s32 $0xFFFFFF80;
	s18 =	sshrl.u32 s18, $0x3  }
0x91: {  	[tilespmem:s0], [sflag:$0x2] =	stream.indirect.gather [hbm4b:s29+s15], $0x50, s15, s15, $0xb8;
	[tilespmem:$0x16A00] =	vst v63  }
0x92: {  	s18 =	sadd.s32 s23, s18  }
0x93: {  	[tilespmem:s1], [sflag:$0x4] =	stream.linear.gather [hbm4b:s18+s10], $0x2800, $0x38;
	[tilespmem:$0x16A00] =	vst v63  }
0x94: {  	_ =	swait.ge [sflag:s7], $0x2800  }
0x95: {  	[sflag:s7] =	ssyncset.done $0x0  }
0x96: {  	[sflag:s7] =	ssyncadd.s32 $0xFFFFD800  }
0x97: {  	_ =	swait.ge [sflag:s16], $0x2800  }
0x98: {  	[sflag:s16] =	ssyncset.done $0x0  }
0x99: {  	s18 =	simm.s32 $0x0;
	[sflag:s16] =	ssyncadd.s32 $0xFFFFD800  }
0x9a: {  	v4 =	vld [tilespmem:s18+$0x5200]  }
0x9b: {  	v5 =	vld [tilespmem:s18+$0x5210]  }
0x9c: {  	v3 =	vld [tilespmem:s18+$0x5220]  }
0x9d: {  	v2 =	vld [tilespmem:s18+$0x5230]  }
0x9e: {  	v1 =	vld [tilespmem:s18+$0x5240]  }
0x9f: {  	v8 =	vld [tilespmem:s18+$0x200]  }
0xa0: {  	v9 =	vld [tilespmem:s18+$0x210]  }
0xa1: {  	v7 =	vld [tilespmem:s18+$0x220]  }
0xa2: {  	s19 =	simm.s32 $0x140;
	v6 =	vld [tilespmem:s18+$0x230]  }
.LBB2_5:
0xa3: {  	s20 =	sshra.s32 s19, $0x2;
	p0 =	sne.s32 s19, $0x9EC0;
	v10 =	vld [tilespmem:s18+$0x240]  }
0xa4: {  	v8 =	vmul.f32 v4, v8;
	v4 =	vld [tilespmem:s20+$0x5200]  }
0xa5: {  	v9 =	vmul.f32 v5, v9;
	v5 =	vld [tilespmem:s20+$0x5210]  }
0xa6: {  	[tilespmem:s18+$0x200] =	vst v8;
	v7 =	vmul.f32 v3, v7;
	v3 =	vld [tilespmem:s20+$0x5220]  }
0xa7: {  	[tilespmem:s18+$0x210] =	vst v9;
	v6 =	vmul.f32 v2, v6;
	v2 =	vld [tilespmem:s20+$0x5230]  }
.Ltmp3:
0xa8: {  	[tilespmem:s18+$0x220] =	vst v7;
	v7 =	vmul.f32 v1, v10;
	v1 =	vld [tilespmem:s20+$0x5240];
	(pc) =	sbr.rel @p0 .LBB2_5-.Ltmp3, $4  }
0xa9: {  	v8 =	vld [tilespmem:s20+$0x200];
	[tilespmem:s18+$0x230] =	vst v6  }
0xaa: {  	v9 =	vld [tilespmem:s20+$0x210];
	[tilespmem:s18+$0x240] =	vst v7;
	s18 =	smov.u32 s20  }
0xab: {  	v7 =	vld [tilespmem:s18+$0x220]  }
0xac: {  	s19 =	sadd.s32 $0x140, s19;
	v6 =	vld [tilespmem:s18+$0x230]  }
0xad: {  	v10 =	vld [tilespmem:s18+$0x240]  }
0xae: {  	v4 =	vmul.f32 v4, v8  }
0xaf: {  	v5 =	vmul.f32 v5, v9  }
0xb0: {  	[tilespmem:s18+$0x200] =	vst v4;
	v3 =	vmul.f32 v3, v7  }
0xb1: {  	[tilespmem:s18+$0x210] =	vst v5;
	v2 =	vmul.f32 v2, v6  }
0xb2: {  	[tilespmem:s18+$0x220] =	vst v3;
	v1 =	vmul.f32 v1, v10  }
0xb3: {  	p0 =	seq.s32 s5, $0x4F;
	[tilespmem:s18+$0x230] =	vst v2  }
0xb4: {  	[tilespmem:s18+$0x240] =	vst v1;
	s18 =	sadd.s32 @!p0 $0x100, s17  }
0xb5: {  	[spmem:s2] =	stream.indirect.scatter.add.f32 [tilespmem:s12], [sflag:$0x7], $0x50, s14, s15, $0xb8;
	[tilespmem:$0x16A00] =	vst v63  }
0xb6: {  	s19 =	sadd.s32 @!p0 s21, s18;
	_ =	swait.ge [sflag:s13], $0x2800  }
0xb7: {  	s20 =	simm.s32 @!p0 $0x0;
	s19 =	sshrl.u32 @!p0 s19, $0x3;
	[sflag:s13] =	ssyncset.done $0x0  }
0xb8: {  	s18 =	sadd.s32 @!p0 s4, s18;
	s19 =	sadd.s32 @!p0 s28, s19;
	[sflag:s13] =	ssyncadd.s32 $0xFFFFD800  }
0xb9: {  	[tilespmem:s20], [sflag:$0x5] =	stream.linear.gather @!p0 [hbm4b:s19+s20], $0x80, $0x38;
	[tilespmem:$0x16A00] =	vst v63  }
0xba: {  	s19 =	sshrl.u32 @!p0 s18, $0x3  }
0xbb: {  	s24 =	simm.s32 @!p0 $0x100;
	s19 =	sadd.s32 @!p0 s22, s19  }
0xbc: {  	[tilespmem:s24], [sflag:$0x5] =	stream.linear.gather @!p0 [hbm4b:s19+s20], $0x80, $0x38;
	[tilespmem:$0x16A00] =	vst v63  }
0xbd: {  	s19 =	simm.s32 @!p0 $0x5  }
0xbe: {  	_ =	swait.ge @!p0 [sflag:s19], $0x80  }
0xbf: {  	[sflag:s19] =	ssyncset.done @!p0 $0x0  }
0xc0: {  	s18 =	smul.u32 @!p0 $0x50, s18;
	[sflag:s19] =	ssyncadd.s32 @!p0 $0xFFFFFF80  }
0xc1: {  	_ =	swait.ge @!p0 [sflag:s19], $0x80  }
0xc2: {  	s24 =	simm.s32 @!p0 $0x200;
	s18 =	sadd.s32 @!p0 s6, s18;
	[sflag:s19] =	ssyncset.done @!p0 $0x0  }
0xc3: {  	s18 =	sshrl.u32 @!p0 s18, $0x3;
	[sflag:s19] =	ssyncadd.s32 @!p0 $0xFFFFFF80;
	s19 =	simm.s32 @!p0 $0x80  }
0xc4: {  	[tilespmem:s24], [sflag:$0x1] =	stream.indirect.gather @!p0 [hbm4b:s29+s19], $0x50, s20, s19, $0xb8;
	[tilespmem:$0x16A00] =	vst v63  }
0xc5: {  	s18 =	sadd.s32 @!p0 s23, s18;
	s19 =	simm.s32 @!p0 $0x5200  }
0xc6: {  	[tilespmem:s19], [sflag:$0x3] =	stream.linear.gather @!p0 [hbm4b:s18+s20], $0x2800, $0x38;
	[tilespmem:$0x16A00] =	vst v63  }
0xc7: {  	_ =	swait.ge [sflag:s8], $0x2800  }
0xc8: {  	[sflag:s8] =	ssyncset.done $0x0  }
0xc9: {  	[sflag:s8] =	ssyncadd.s32 $0xFFFFD800  }
0xca: {  	_ =	swait.ge [sflag:s9], $0x2800  }
0xcb: {  	[sflag:s9] =	ssyncset.done $0x0  }
0xcc: {  	s18 =	simm.s32 $0x0;
	[sflag:s9] =	ssyncadd.s32 $0xFFFFD800  }
0xcd: {  	v4 =	vld [tilespmem:s18+$0x7A00]  }
0xce: {  	v5 =	vld [tilespmem:s18+$0x7A10]  }
0xcf: {  	v3 =	vld [tilespmem:s18+$0x7A20]  }
0xd0: {  	v2 =	vld [tilespmem:s18+$0x7A30]  }
0xd1: {  	v1 =	vld [tilespmem:s18+$0x7A40]  }
0xd2: {  	v8 =	vld [tilespmem:s18+$0x2A00]  }
0xd3: {  	v9 =	vld [tilespmem:s18+$0x2A10]  }
0xd4: {  	v7 =	vld [tilespmem:s18+$0x2A20]  }
0xd5: {  	s19 =	simm.s32 $0x140;
	v6 =	vld [tilespmem:s18+$0x2A30]  }
.LBB2_7:
0xd6: {  	s20 =	sshra.s32 s19, $0x2;
	p1 =	sne.s32 s19, $0x9EC0;
	v10 =	vld [tilespmem:s18+$0x2A40]  }
0xd7: {  	v8 =	vmul.f32 v4, v8;
	v4 =	vld [tilespmem:s20+$0x7A00]  }
0xd8: {  	v9 =	vmul.f32 v5, v9;
	v5 =	vld [tilespmem:s20+$0x7A10]  }
0xd9: {  	[tilespmem:s18+$0x2A00] =	vst v8;
	v7 =	vmul.f32 v3, v7;
	v3 =	vld [tilespmem:s20+$0x7A20]  }
0xda: {  	[tilespmem:s18+$0x2A10] =	vst v9;
	v6 =	vmul.f32 v2, v6;
	v2 =	vld [tilespmem:s20+$0x7A30]  }
.Ltmp4:
0xdb: {  	[tilespmem:s18+$0x2A20] =	vst v7;
	v7 =	vmul.f32 v1, v10;
	v1 =	vld [tilespmem:s20+$0x7A40];
	(pc) =	sbr.rel @p1 .LBB2_7-.Ltmp4, $4  }
0xdc: {  	v8 =	vld [tilespmem:s20+$0x2A00];
	[tilespmem:s18+$0x2A30] =	vst v6  }
0xdd: {  	v9 =	vld [tilespmem:s20+$0x2A10];
	[tilespmem:s18+$0x2A40] =	vst v7;
	s18 =	smov.u32 s20  }
0xde: {  	v7 =	vld [tilespmem:s18+$0x2A20]  }
0xdf: {  	s19 =	sadd.s32 $0x140, s19;
	v6 =	vld [tilespmem:s18+$0x2A30]  }
0xe0: {  	v10 =	vld [tilespmem:s18+$0x2A40]  }
0xe1: {  	v4 =	vmul.f32 v4, v8  }
0xe2: {  	v5 =	vmul.f32 v5, v9  }
0xe3: {  	[tilespmem:s18+$0x2A00] =	vst v4;
	v3 =	vmul.f32 v3, v7  }
0xe4: {  	[tilespmem:s18+$0x2A10] =	vst v5;
	v2 =	vmul.f32 v2, v6  }
0xe5: {  	[tilespmem:s18+$0x2A20] =	vst v3;
	v1 =	vmul.f32 v1, v10  }
0xe6: {  	[tilespmem:s18+$0x2A30] =	vst v2  }
.Ltmp5:
0xe7: {  	[tilespmem:s18+$0x2A40] =	vst v1;
	(pc) =	sbr.rel @p0 .LBB2_10-.Ltmp5, $4  }
0xe8: {  	[spmem:s2] =	stream.indirect.scatter.add.f32 [tilespmem:s0], [sflag:$0x7], $0x50, s25, s15, $0xb8;
	[tilespmem:$0x16A00] =	vst v63  }
0xe9: {  	_ =	swait.ge [sflag:s13], $0x2800  }
0xea: {  	[sflag:s13] =	ssyncset.done $0x0  }
0xeb: {  	[sflag:s13] =	ssyncadd.s32 $0xFFFFD800  }
0xec: {  	s17 =	sadd.s32 $0x180, s17  }
0xed: {  	s18 =	sadd.s32 s21, s17  }
.Ltmp6:
0xee: {  	s17 =	sadd.s32 s4, s17;
	s18 =	sshrl.u32 s18, $0x3;
	(pc) =	sbr.rel .LBB2_4-.Ltmp6, $4  }
0xef: {  	s17 =	sshrl.u32 s17, $0x3;
	s18 =	sadd.s32 s28, s18  }
0xf0: {  	[tilespmem:s15], [sflag:$0x6] =	stream.linear.gather [hbm4b:s18+s3], $0x80, $0x38;
	[tilespmem:$0x16A00] =	vst v63  }
0xf1: {  	s5 =	sadd.s32 $0x1, s5;
	s17 =	sadd.s32 s22, s17  }
0xf2: {  	[tilespmem:s25], [sflag:$0x6] =	stream.linear.gather [hbm4b:s17+s3], $0x80, $0x38;
	[tilespmem:$0x16A00] =	vst v63  }
.LBB2_10:
0xf3: {  	[bflag:$0x0] =	sbarrier.arrive $0xFFFF  }
0xf4: {  	s18 =	rddreg [dreg:$0x3]  }
0xf5: {  	[tilespmem:s12], [sflag:$0x7] =	stream.linear.gather [spmem:s18], $0x2800, $0x38;
	[tilespmem:$0x16A00] =	vst v63  }
0xf6: {  	_ =	swait.ge [sflag:s13], $0x2800  }
0xf7: {  	[sflag:s13] =	ssyncset.done $0x0  }
0xf8: {  	s5 =	simm.s32 $0x0;
	s10 =	rddreg [dreg:$0x4];
	[sflag:s13] =	ssyncadd.s32 $0xFFFFD800  }
0xf9: {  	[hbm4b:s10+s5] =	stream.linear.scatter [tilespmem:s12], [sflag:$0x7], $0x2800, $0x38;
	[tilespmem:$0x16A00] =	vst v63  }
0xfa: {  	_ =	swait.ge [sflag:s13], $0x2800  }
0xfb: {  	[sflag:s13] =	ssyncset.done $0x0  }
0xfc: {  	s19 =	rddreg [dreg:$0xe];
	[sflag:s13] =	ssyncadd.s32 $0xFFFFD800  }
0xfd: {  	[tilespmem:s12], [sflag:$0x7] =	stream.linear.gather [spmem:s19], $0x2800, $0x38;
	[tilespmem:$0x16A00] =	vst v63  }
0xfe: {  	_ =	swait.ge [sflag:s13], $0x2800  }
0xff: {  	[sflag:s13] =	ssyncset.done $0x0  }
0x100: {  	s20 =	rddreg [dreg:$0x5];
	[sflag:s13] =	ssyncadd.s32 $0xFFFFD800  }
0x101: {  	[hbm4b:s20+s5] =	stream.linear.scatter [tilespmem:s12], [sflag:$0x7], $0x2800, $0x38;
	[tilespmem:$0x16A00] =	vst v63  }
0x102: {  	_ =	swait.ge [sflag:s13], $0x2800  }
0x103: {  	[sflag:s13] =	ssyncset.done $0x0  }
0x104: {  	s20 =	rddreg [dreg:$0xf];
	[sflag:s13] =	ssyncadd.s32 $0xFFFFD800  }
0x105: {  	[tilespmem:s12], [sflag:$0x7] =	stream.linear.gather [spmem:s20], $0x2800, $0x38;
	[tilespmem:$0x16A00] =	vst v63  }
0x106: {  	_ =	swait.ge [sflag:s13], $0x2800  }
0x107: {  	[sflag:s13] =	ssyncset.done $0x0  }
0x108: {  	s24 =	rddreg [dreg:$0x6];
	[sflag:s13] =	ssyncadd.s32 $0xFFFFD800  }
0x109: {  	[hbm4b:s24+s5] =	stream.linear.scatter [tilespmem:s12], [sflag:$0x7], $0x2800, $0x38;
	[tilespmem:$0x16A00] =	vst v63  }
0x10a: {  	_ =	swait.ge [sflag:s13], $0x2800  }
0x10b: {  	[sflag:s13] =	ssyncset.done $0x0  }
0x10c: {  	s17 =	rddreg [dreg:$0x10];
	[sflag:s13] =	ssyncadd.s32 $0xFFFFD800  }
0x10d: {  	[tilespmem:s12], [sflag:$0x7] =	stream.linear.gather [spmem:s17], $0x2800, $0x38;
	[tilespmem:$0x16A00] =	vst v63  }
0x10e: {  	_ =	swait.ge [sflag:s13], $0x2800  }
0x10f: {  	[sflag:s13] =	ssyncset.done $0x0  }
0x110: {  	s24 =	rddreg [dreg:$0x7];
	[sflag:s13] =	ssyncadd.s32 $0xFFFFD800  }
0x111: {  	[hbm4b:s24+s5] =	stream.linear.scatter [tilespmem:s12], [sflag:$0x7], $0x2800, $0x38;
	[tilespmem:$0x16A00] =	vst v63  }
0x112: {  	_ =	swait.ge [sflag:s13], $0x2800  }
0x113: {  	[sflag:s13] =	ssyncset.done $0x0  }
0x114: {  	s17 =	rddreg [dreg:$0x11];
	[sflag:s13] =	ssyncadd.s32 $0xFFFFD800  }
0x115: {  	[tilespmem:s12], [sflag:$0x7] =	stream.linear.gather [spmem:s17], $0x2800, $0x38;
	[tilespmem:$0x16A00] =	vst v63  }
0x116: {  	_ =	swait.ge [sflag:s13], $0x2800  }
0x117: {  	[sflag:s13] =	ssyncset.done $0x0  }
0x118: {  	s24 =	rddreg [dreg:$0x8];
	[sflag:s13] =	ssyncadd.s32 $0xFFFFD800  }
0x119: {  	[hbm4b:s24+s5] =	stream.linear.scatter [tilespmem:s12], [sflag:$0x7], $0x2800, $0x38;
	[tilespmem:$0x16A00] =	vst v63  }
0x11a: {  	_ =	swait.ge [sflag:s13], $0x2800  }
0x11b: {  	[sflag:s13] =	ssyncset.done $0x0  }
0x11c: {  	s10 =	simm.s32 $0x140;
	s5 =	simm.s32 $0x0;
	[sflag:s13] =	ssyncadd.s32 $0xFFFFD800  }
.LBB2_11:
0x11d: {  	p0 =	sne.s32 s10, $0x9EC0;
	[tilespmem:s5+$0x240] =	vst v0;
	s17 =	smov.u32 s10;
	s10 =	sadd.s32 $0x140, s10  }
.Ltmp7:
0x11e: {  	[tilespmem:s5+$0x230] =	vst v0;
	(pc) =	sbr.rel @p0 .LBB2_11-.Ltmp7, $4  }
0x11f: {  	[tilespmem:s5+$0x220] =	vst v0  }
0x120: {  	[tilespmem:s5+$0x200] =	vst v0  }
0x121: {  	[tilespmem:s5+$0x210] =	vst v0  }
0x122: {  	s5 =	sshra.s32 s17, $0x2  }
0x123: {  	[tilespmem:s5+$0x240] =	vst v0  }
0x124: {  	[tilespmem:s5+$0x230] =	vst v0  }
0x125: {  	[tilespmem:s5+$0x220] =	vst v0  }
0x126: {  	[tilespmem:s5+$0x200] =	vst v0  }
0x127: {  	[tilespmem:s5+$0x210] =	vst v0  }
0x128: {  	[spmem:s18] =	stream.linear.scatter [tilespmem:s12], [sflag:$0x7], $0x2800, $0x38;
	[tilespmem:$0x16A00] =	vst v63  }
0x129: {  	_ =	swait.ge [sflag:s13], $0x2800  }
0x12a: {  	[sflag:s13] =	ssyncset.done $0x0  }
0x12b: {  	[sflag:s13] =	ssyncadd.s32 $0xFFFFD800  }
0x12c: {  	[spmem:s19] =	stream.linear.scatter [tilespmem:s12], [sflag:$0x7], $0x2800, $0x38;
	[tilespmem:$0x16A00] =	vst v63  }
0x12d: {  	_ =	swait.ge [sflag:s13], $0x2800  }
0x12e: {  	[sflag:s13] =	ssyncset.done $0x0  }
0x12f: {  	[sflag:s13] =	ssyncadd.s32 $0xFFFFD800  }
0x130: {  	[spmem:s20] =	stream.linear.scatter [tilespmem:s12], [sflag:$0x7], $0x2800, $0x38;
	[tilespmem:$0x16A00] =	vst v63  }
0x131: {  	_ =	swait.ge [sflag:s13], $0x2800  }
0x132: {  	[sflag:s13] =	ssyncset.done $0x0  }
0x133: {  	s24 =	rddreg [dreg:$0x10];
	[sflag:s13] =	ssyncadd.s32 $0xFFFFD800  }
0x134: {  	[spmem:s24] =	stream.linear.scatter [tilespmem:s12], [sflag:$0x7], $0x2800, $0x38;
	[tilespmem:$0x16A00] =	vst v63  }
0x135: {  	_ =	swait.ge [sflag:s13], $0x2800  }
0x136: {  	[sflag:s13] =	ssyncset.done $0x0  }
0x137: {  	s10 =	rddreg [dreg:$0x11];
	[sflag:s13] =	ssyncadd.s32 $0xFFFFD800  }
0x138: {  	[spmem:s10] =	stream.linear.scatter [tilespmem:s12], [sflag:$0x7], $0x2800, $0x38;
	[tilespmem:$0x16A00] =	vst v63  }
0x139: {  	_ =	swait.ge [sflag:s13], $0x2800  }
0x13a: {  	[sflag:s13] =	ssyncset.done $0x0  }
0x13b: {  	[sflag:s13] =	ssyncadd.s32 $0xFFFFD800  }
0x13c: {  	[bflag:$0x0] =	sbarrier.arrive $0xFFFF  }
0x13d: {  	s10 =	simm.s32 $0x0;
	s17 =	rddreg [dreg:$0x17]  }
0x13e: {  	[tilespmem:s10], [sflag:$0x7] =	stream.linear.gather [hbm4b:s17+s10], $0x80, $0x38;
	[tilespmem:$0x16A00] =	vst v63  }
0x13f: {  	_ =	swait.ge [sflag:s13], $0x80  }
0x140: {  	[sflag:s13] =	ssyncset.done $0x0  }
0x141: {  	s18 =	rddreg [dreg:$0x12];
	[sflag:s13] =	ssyncadd.s32 $0xFFFFFF80  }
0x142: {  	[tilespmem:s14], [sflag:$0x7] =	stream.linear.gather [hbm4b:s18+s10], $0x80, $0x38;
	[tilespmem:$0x16A00] =	vst v63  }
0x143: {  	_ =	swait.ge [sflag:s13], $0x80  }
0x144: {  	[sflag:s13] =	ssyncset.done $0x0  }
0x145: {  	[sflag:s13] =	ssyncadd.s32 $0xFFFFFF80  }
0x146: {  	[tilespmem:s12], [sflag:$0x1] =	stream.indirect.gather [hbm4b:s29+s15], $0x50, s10, s15, $0xb8;
	[tilespmem:$0x16A00] =	vst v63  }
0x147: {  	s17 =	simm.s32 $0x5200;
	s19 =	rddreg [dreg:$0x18]  }
0x148: {  	[tilespmem:s17], [sflag:$0x3] =	stream.linear.gather [hbm4b:s19+s10], $0x2800, $0x38;
	[tilespmem:$0x16A00] =	vst v63  }
0x149: {  	s20 =	rddreg [dreg:$0x16]  }
0x14a: {  	[tilespmem:s15], [sflag:$0x6] =	stream.linear.gather [hbm4b:s20+s10], $0x80, $0x38;
	[tilespmem:$0x16A00] =	vst v63  }
0x14b: {  	s5 =	simm.s32 $0x0;
	s24 =	rddreg [dreg:$0x1a]  }
0x14c: {  	[tilespmem:s25], [sflag:$0x6] =	stream.linear.gather [hbm4b:s24+s10], $0x80, $0x38;
	[tilespmem:$0x16A00] =	vst v63  }
.LBB2_13:
0x14d: {  	_ =	swait.ge [sflag:s31], $0x80;
	s17 =	sshll.u32 s5, $0x8  }
0x14e: {  	[sflag:s31] =	ssyncset.done $0x0;
	s18 =	sadd.s32 s17, s11  }
0x14f: {  	[sflag:s31] =	ssyncadd.s32 $0xFFFFFF80;
	s18 =	smul.u32 $0x50, s18  }
0x150: {  	_ =	swait.ge [sflag:s31], $0x80  }
0x151: {  	[sflag:s31] =	ssyncset.done $0x0;
	s18 =	sadd.s32 s26, s18  }
0x152: {  	[sflag:s31] =	ssyncadd.s32 $0xFFFFFF80;
	s18 =	sshrl.u32 s18, $0x3  }
0x153: {  	[tilespmem:s0], [sflag:$0x2] =	stream.indirect.gather [hbm4b:s29+s15], $0x50, s15, s15, $0xb8;
	[tilespmem:$0x16A00] =	vst v63  }
0x154: {  	s18 =	sadd.s32 s23, s18  }
0x155: {  	[tilespmem:s1], [sflag:$0x4] =	stream.linear.gather [hbm4b:s18+s10], $0x2800, $0x38;
	[tilespmem:$0x16A00] =	vst v63  }
0x156: {  	_ =	swait.ge [sflag:s7], $0x2800  }
0x157: {  	[sflag:s7] =	ssyncset.done $0x0  }
0x158: {  	[sflag:s7] =	ssyncadd.s32 $0xFFFFD800  }
0x159: {  	_ =	swait.ge [sflag:s16], $0x2800  }
0x15a: {  	[sflag:s16] =	ssyncset.done $0x0  }
0x15b: {  	s18 =	simm.s32 $0x0;
	[sflag:s16] =	ssyncadd.s32 $0xFFFFD800  }
0x15c: {  	v4 =	vld [tilespmem:s18+$0x5200]  }
0x15d: {  	v5 =	vld [tilespmem:s18+$0x5210]  }
0x15e: {  	v3 =	vld [tilespmem:s18+$0x5220]  }
0x15f: {  	v2 =	vld [tilespmem:s18+$0x5230]  }
0x160: {  	v1 =	vld [tilespmem:s18+$0x5240]  }
0x161: {  	v8 =	vld [tilespmem:s18+$0x200]  }
0x162: {  	v9 =	vld [tilespmem:s18+$0x210]  }
0x163: {  	v7 =	vld [tilespmem:s18+$0x220]  }
0x164: {  	s19 =	simm.s32 $0x140;
	v6 =	vld [tilespmem:s18+$0x230]  }
.LBB2_14:
0x165: {  	s20 =	sshra.s32 s19, $0x2;
	p0 =	sne.s32 s19, $0x9EC0;
	v10 =	vld [tilespmem:s18+$0x240]  }
0x166: {  	v8 =	vmul.f32 v4, v8;
	v4 =	vld [tilespmem:s20+$0x5200]  }
0x167: {  	v9 =	vmul.f32 v5, v9;
	v5 =	vld [tilespmem:s20+$0x5210]  }
0x168: {  	[tilespmem:s18+$0x200] =	vst v8;
	v7 =	vmul.f32 v3, v7;
	v3 =	vld [tilespmem:s20+$0x5220]  }
0x169: {  	[tilespmem:s18+$0x210] =	vst v9;
	v6 =	vmul.f32 v2, v6;
	v2 =	vld [tilespmem:s20+$0x5230]  }
.Ltmp8:
0x16a: {  	[tilespmem:s18+$0x220] =	vst v7;
	v7 =	vmul.f32 v1, v10;
	v1 =	vld [tilespmem:s20+$0x5240];
	(pc) =	sbr.rel @p0 .LBB2_14-.Ltmp8, $4  }
0x16b: {  	v8 =	vld [tilespmem:s20+$0x200];
	[tilespmem:s18+$0x230] =	vst v6  }
0x16c: {  	v9 =	vld [tilespmem:s20+$0x210];
	[tilespmem:s18+$0x240] =	vst v7;
	s18 =	smov.u32 s20  }
0x16d: {  	v7 =	vld [tilespmem:s18+$0x220]  }
0x16e: {  	s19 =	sadd.s32 $0x140, s19;
	v6 =	vld [tilespmem:s18+$0x230]  }
0x16f: {  	v10 =	vld [tilespmem:s18+$0x240]  }
0x170: {  	v4 =	vmul.f32 v4, v8  }
0x171: {  	v5 =	vmul.f32 v5, v9  }
0x172: {  	[tilespmem:s18+$0x200] =	vst v4;
	v3 =	vmul.f32 v3, v7  }
0x173: {  	[tilespmem:s18+$0x210] =	vst v5;
	v2 =	vmul.f32 v2, v6  }
0x174: {  	[tilespmem:s18+$0x220] =	vst v3;
	v1 =	vmul.f32 v1, v10  }
0x175: {  	p0 =	seq.s32 s5, $0x4F;
	[tilespmem:s18+$0x230] =	vst v2  }
0x176: {  	[tilespmem:s18+$0x240] =	vst v1;
	s18 =	sadd.s32 @!p0 $0x100, s17  }
0x177: {  	[spmem:s2] =	stream.indirect.scatter.add.f32 [tilespmem:s12], [sflag:$0x7], $0x50, s14, s15, $0xb8;
	[tilespmem:$0x16A00] =	vst v63  }
0x178: {  	s19 =	sadd.s32 @!p0 s30, s18;
	_ =	swait.ge [sflag:s13], $0x2800  }
0x179: {  	s20 =	simm.s32 @!p0 $0x0;
	s19 =	sshrl.u32 @!p0 s19, $0x3;
	[sflag:s13] =	ssyncset.done $0x0  }
0x17a: {  	s18 =	sadd.s32 @!p0 s4, s18;
	s19 =	sadd.s32 @!p0 s28, s19;
	[sflag:s13] =	ssyncadd.s32 $0xFFFFD800  }
0x17b: {  	[tilespmem:s20], [sflag:$0x5] =	stream.linear.gather @!p0 [hbm4b:s19+s20], $0x80, $0x38;
	[tilespmem:$0x16A00] =	vst v63  }
0x17c: {  	s19 =	sshrl.u32 @!p0 s18, $0x3  }
0x17d: {  	s24 =	simm.s32 @!p0 $0x100;
	s19 =	sadd.s32 @!p0 s22, s19  }
0x17e: {  	[tilespmem:s24], [sflag:$0x5] =	stream.linear.gather @!p0 [hbm4b:s19+s20], $0x80, $0x38;
	[tilespmem:$0x16A00] =	vst v63  }
0x17f: {  	s19 =	simm.s32 @!p0 $0x5  }
0x180: {  	_ =	swait.ge @!p0 [sflag:s19], $0x80  }
0x181: {  	[sflag:s19] =	ssyncset.done @!p0 $0x0  }
0x182: {  	s18 =	smul.u32 @!p0 $0x50, s18;
	[sflag:s19] =	ssyncadd.s32 @!p0 $0xFFFFFF80  }
0x183: {  	_ =	swait.ge @!p0 [sflag:s19], $0x80  }
0x184: {  	s24 =	simm.s32 @!p0 $0x200;
	s18 =	sadd.s32 @!p0 s26, s18;
	[sflag:s19] =	ssyncset.done @!p0 $0x0  }
0x185: {  	s18 =	sshrl.u32 @!p0 s18, $0x3;
	[sflag:s19] =	ssyncadd.s32 @!p0 $0xFFFFFF80;
	s19 =	simm.s32 @!p0 $0x80  }
0x186: {  	[tilespmem:s24], [sflag:$0x1] =	stream.indirect.gather @!p0 [hbm4b:s29+s19], $0x50, s20, s19, $0xb8;
	[tilespmem:$0x16A00] =	vst v63  }
0x187: {  	s18 =	sadd.s32 @!p0 s23, s18;
	s19 =	simm.s32 @!p0 $0x5200  }
0x188: {  	[tilespmem:s19], [sflag:$0x3] =	stream.linear.gather @!p0 [hbm4b:s18+s20], $0x2800, $0x38;
	[tilespmem:$0x16A00] =	vst v63  }
0x189: {  	_ =	swait.ge [sflag:s8], $0x2800  }
0x18a: {  	[sflag:s8] =	ssyncset.done $0x0  }
0x18b: {  	[sflag:s8] =	ssyncadd.s32 $0xFFFFD800  }
0x18c: {  	_ =	swait.ge [sflag:s9], $0x2800  }
0x18d: {  	[sflag:s9] =	ssyncset.done $0x0  }
0x18e: {  	s18 =	simm.s32 $0x0;
	[sflag:s9] =	ssyncadd.s32 $0xFFFFD800  }
0x18f: {  	v4 =	vld [tilespmem:s18+$0x7A00]  }
0x190: {  	v5 =	vld [tilespmem:s18+$0x7A10]  }
0x191: {  	v3 =	vld [tilespmem:s18+$0x7A20]  }
0x192: {  	v2 =	vld [tilespmem:s18+$0x7A30]  }
0x193: {  	v1 =	vld [tilespmem:s18+$0x7A40]  }
0x194: {  	v8 =	vld [tilespmem:s18+$0x2A00]  }
0x195: {  	v9 =	vld [tilespmem:s18+$0x2A10]  }
0x196: {  	v7 =	vld [tilespmem:s18+$0x2A20]  }
0x197: {  	s19 =	simm.s32 $0x140;
	v6 =	vld [tilespmem:s18+$0x2A30]  }
.LBB2_16:
0x198: {  	s20 =	sshra.s32 s19, $0x2;
	p1 =	sne.s32 s19, $0x9EC0;
	v10 =	vld [tilespmem:s18+$0x2A40]  }
0x199: {  	v8 =	vmul.f32 v4, v8;
	v4 =	vld [tilespmem:s20+$0x7A00]  }
0x19a: {  	v9 =	vmul.f32 v5, v9;
	v5 =	vld [tilespmem:s20+$0x7A10]  }
0x19b: {  	[tilespmem:s18+$0x2A00] =	vst v8;
	v7 =	vmul.f32 v3, v7;
	v3 =	vld [tilespmem:s20+$0x7A20]  }
0x19c: {  	[tilespmem:s18+$0x2A10] =	vst v9;
	v6 =	vmul.f32 v2, v6;
	v2 =	vld [tilespmem:s20+$0x7A30]  }
.Ltmp9:
0x19d: {  	[tilespmem:s18+$0x2A20] =	vst v7;
	v7 =	vmul.f32 v1, v10;
	v1 =	vld [tilespmem:s20+$0x7A40];
	(pc) =	sbr.rel @p1 .LBB2_16-.Ltmp9, $4  }
0x19e: {  	v8 =	vld [tilespmem:s20+$0x2A00];
	[tilespmem:s18+$0x2A30] =	vst v6  }
0x19f: {  	v9 =	vld [tilespmem:s20+$0x2A10];
	[tilespmem:s18+$0x2A40] =	vst v7;
	s18 =	smov.u32 s20  }
0x1a0: {  	v7 =	vld [tilespmem:s18+$0x2A20]  }
0x1a1: {  	s19 =	sadd.s32 $0x140, s19;
	v6 =	vld [tilespmem:s18+$0x2A30]  }
0x1a2: {  	v10 =	vld [tilespmem:s18+$0x2A40]  }
0x1a3: {  	v4 =	vmul.f32 v4, v8  }
0x1a4: {  	v5 =	vmul.f32 v5, v9  }
0x1a5: {  	[tilespmem:s18+$0x2A00] =	vst v4;
	v3 =	vmul.f32 v3, v7  }
0x1a6: {  	[tilespmem:s18+$0x2A10] =	vst v5;
	v2 =	vmul.f32 v2, v6  }
0x1a7: {  	[tilespmem:s18+$0x2A20] =	vst v3;
	v1 =	vmul.f32 v1, v10  }
0x1a8: {  	[tilespmem:s18+$0x2A30] =	vst v2  }
.Ltmp10:
0x1a9: {  	[tilespmem:s18+$0x2A40] =	vst v1;
	(pc) =	sbr.rel @p0 .LBB2_19-.Ltmp10, $4  }
0x1aa: {  	[spmem:s2] =	stream.indirect.scatter.add.f32 [tilespmem:s0], [sflag:$0x7], $0x50, s25, s15, $0xb8;
	[tilespmem:$0x16A00] =	vst v63  }
0x1ab: {  	_ =	swait.ge [sflag:s13], $0x2800  }
0x1ac: {  	[sflag:s13] =	ssyncset.done $0x0  }
0x1ad: {  	[sflag:s13] =	ssyncadd.s32 $0xFFFFD800  }
0x1ae: {  	s17 =	sadd.s32 $0x180, s17  }
0x1af: {  	s18 =	sadd.s32 s30, s17  }
.Ltmp11:
0x1b0: {  	s17 =	sadd.s32 s4, s17;
	s18 =	sshrl.u32 s18, $0x3;
	(pc) =	sbr.rel .LBB2_13-.Ltmp11, $4  }
0x1b1: {  	s17 =	sshrl.u32 s17, $0x3;
	s18 =	sadd.s32 s28, s18  }
0x1b2: {  	[tilespmem:s15], [sflag:$0x6] =	stream.linear.gather [hbm4b:s18+s3], $0x80, $0x38;
	[tilespmem:$0x16A00] =	vst v63  }
0x1b3: {  	s5 =	sadd.s32 $0x1, s5;
	s17 =	sadd.s32 s22, s17  }
0x1b4: {  	[tilespmem:s25], [sflag:$0x6] =	stream.linear.gather [hbm4b:s17+s3], $0x80, $0x38;
	[tilespmem:$0x16A00] =	vst v63  }
.LBB2_20:
0x1b5: {  	_ =	sfence.sel $0x180000  }
0x1b6: {  	[bflag:$0x0] =	sbarrier.arrive $0xFFFF  }
0x1b7: {  	_ =	strace $0x9000004A  }
0x1b8: {  	s0 =	stileid.u32;
	[bflag:$0x2] =	sbarrier.arrive $0xFFFF  }
0x1b9: {  	p0 =	sne.s32 s0, $0x0;
	s0 =	rddreg [dreg:$0x2]  }
0x1ba: {  	s0 =	sadd.s32 @!p0 $0x100000, s0  }
0x1bb: {  	[sflag:s0] =	ssyncadd.tile.s32 @!p0 $0x1;
	_ =	shalt  }
.Lfunc_end2:
_tile_overlayer_lowered:
.L_overlay_start_2:
0x1bc: {  	(tag) =	ssettag $0x2  }
0x1bd: {  	s0 =	rddreg [dreg:$0x0];
	s2 =	stileid.u32  }
0x1be: {  	s1 =	rddreg [dreg:$0x1];
	p0 =	sne.s32 s2, $0x0  }
0x1bf: {  	s3 =	rddreg [dreg:$0x2];
	[bflag:$0x3] =	sbarrier.arrive $0xFFFF;
	s2 =	simm.s32 @!p0 $0x1C07  }
0x1c0: {  	[timem:s3], [sflag:s2] =	dma.local @!p0 [hbm:s0], s1  }
0x1c1: {  	s0 =	simm.s32 @!p0 $0x7  }
0x1c2: {  	_ =	swait.ge @!p0 [sflag:s0], s1  }
0x1c3: {  	s1 =	ssub.s32 @!p0 $0x0, s1;
	[sflag:s0] =	ssyncset.done @!p0 $0x0  }
0x1c4: {  	[sflag:s0] =	ssyncadd.s32 @!p0 s1  }
0x1c5: {  	[bflag:$0x3] =	sbarrier.arrive $0xFFFF  }
0x1c6: {  	_ =	shalt  }

// kernel: kernel.8.cloned.1.call-start
scs
__scs_entry_jumppad:
0x0: {  	(pc) =	sbr.rel $0x88, $3  }
0x1: {  	(tag) =	ssettag $0x0;
	lr =	simm.s32 $0x1  }
0x2: {  	[smem:$0x3F92] =	sst lr;
	_ =	strace $0xD0000000  }
0x3: {  	_ = 	snop  }
0x4: {  	_ = 	snop  }
0x5: {  	_ = 	snop  }
0x6: {  	_ = 	snop  }
0x7: {  	_ = 	snop  }
__scs_overlays_trampoline_lowered:
0x8: {  	[smem:$0x3FA1] =	sst s0  }
0x9: {  	[smem:$0x3FA2] =	sst s1  }
0xa: {  	[smem:$0x3FA3] =	sst s2  }
0xb: {  	[smem:$0x3FA4] =	sst s3  }
0xc: {  	[smem:$0x3FA5] =	sst s4  }
0xd: {  	[smem:$0x3FA6] =	sst s5  }
0xe: {  	[smem:$0x3FA7] =	sst s6  }
0xf: {  	[smem:$0x3FA8] =	sst s7  }
0x10: {  	[smem:$0x3FA9] =	sst s8  }
0x11: {  	[smem:$0x3FAA] =	sst s9;
	s0 =	simm.s32 @!p0 $0x0  }
0x12: {  	s1 =	sld [smem:$0x3F90];
	s0 =	simm.s32 @p0 $0x1  }
0x13: {  	[smem:$0x3FAB] =	sst s0;
	s0 =	simm.s32 @!p1 $0x0  }
0x14: {  	s2 =	sld [smem:$0x3F8F];
	s0 =	simm.s32 @p1 $0x1  }
0x15: {  	[smem:$0x3FAC] =	sst s0;
	s0 =	simm.s32 @!p2 $0x0  }
0x16: {  	s3 =	sld [smem:$0x3FDB];
	s0 =	simm.s32 @p2 $0x1  }
0x17: {  	s4 =	simm.s32 $0x1BF5;
	[smem:$0x3FAE] =	sst s0  }
0x18: {  	s0 =	sld [smem:$0x3F91];
	_ =	swait.ge [sflag:s4], $0x0  }
0x19: {  	s7 =	sld [smem:$0x3F92]  }
0x1a: {  	s8 =	sadd.s32 $0xFFFFE003, lr  }
0x1b: {  	s9 =	sadd.s32 $0xFFFFFEF7, lr;
	s5 =	simm.s32 $0xFFFFFFFF;
	p2 =	slt.u32 s8, $0xFFFFF086  }
0x1c: {  	p1 =	slt.u32 s9, $0xF7A;
	s5 =	simm.s32 @!p2 $0x0  }
0x1d: {  	s5 =	simm.s32 @p1 $0x1;
	p0 =	seq.s32 s7, s2  }
0x1e: {  	s7 =	smul.u32 @!p0 $0xF7A, s2;
	p2 =	seq.s32 @!p0 s5, $0x0  }
0x1f: {  	s9 =	smul.u32 $0xF7A, s1;
	s8 =	simm.s32 @!p0 $0x1BF5;
	p2 =	por !p2, p0  }
0x20: {  	[sflag:s8] =	ssyncset.s32 @!p0 $0xFFFFF086;
	s6 =	sadd.s32 @!p0 s3, s7;
	s7 =	simm.s32 @!p0 $0x108  }
0x21: {  	s3 =	sadd.s32 s3, s9;
	s6 =	sadd.s32 @!p0 $0x88, s6;
	s7 =	simm.s32 @p2 $0x1082  }
0x22: {  	[simem:s7], [sflag:s8] =	dma.local @!p0 [hbm:s6], $0xF7A  }
0x23: {  	s9 =	sor.u32 $0xD0000000, s2;
	s6 =	simm.s32 $0x108;
	_ =	swait.ge @!p0 [sflag:s8], $0x0  }
0x24: {  	s3 =	sadd.s32 $0x88, s3;
	s6 =	simm.s32 @!p1 $0x1082;
	[sflag:s4] =	ssyncset.s32 $0xFFFFF086  }
0x25: {  	[simem:s6], [sflag:s4] =	dma.local [hbm:s3], $0xF7A  }
0x26: {  	[smem:$0x3F92] =	sst s1;
	(tag) =	ssettag s2;
	_ =	strace s9  }
0x27: {  	s1 =	sld [smem:$0x3FA2]  }
0x28: {  	s2 =	sld [smem:$0x3FA3]  }
0x29: {  	s4 =	sld [smem:$0x3FA5]  }
0x2a: {  	p0 =	seq.s32 s5, $0x0;
	s5 =	sld [smem:$0x3FA6]  }
0x2b: {  	s6 =	sld [smem:$0x3FA7]  }
0x2c: {  	s7 =	sld [smem:$0x3FA8]  }
0x2d: {  	s3 =	simm.s32 $0x108;
	s8 =	sld [smem:$0x3FA9]  }
0x2e: {  	s3 =	simm.s32 @!p0 $0x1082;
	s9 =	sld [smem:$0x3FAA]  }
0x2f: {  	lr =	sadd.s32 s0, s3;
	s0 =	sld [smem:$0x3FA1]  }
0x30: {  	s3 =	sld [smem:$0x3FA4]  }
0x31: {  	[smem:$0x3FAD] =	sst s10  }
0x32: {  	s10 =	sld [smem:$0x3FAB];
	_ =	sdelay $0x3  }
0x33: {  	p0 =	seq.s32 s10, $0x1;
	s10 =	sld [smem:$0x3FAD];
	_ =	sdelay $0x3  }
0x34: {  	[smem:$0x3FAD] =	sst s10  }
0x35: {  	s10 =	sld [smem:$0x3FAC];
	_ =	sdelay $0x3  }
0x36: {  	p1 =	seq.s32 s10, $0x1;
	s10 =	sld [smem:$0x3FAD];
	_ =	sdelay $0x3  }
0x37: {  	[smem:$0x3FAD] =	sst s10  }
0x38: {  	s10 =	sld [smem:$0x3FAE]  }
0x39: {  	_ = 	snop;
	(pc) =	sbr.ind lr, $3  }
0x3a: {  	_ = 	snop  }
0x3b: {  	_ = 	snop  }
0x3c: {  	p2 =	seq.s32 s10, $0x1;
	s10 =	sld [smem:$0x3FAD]  }
0x3d: {  	_ =	shalt  }
0x3e: {  	_ =	shalt  }
0x3f: {  	_ =	shalt  }
0x40: {  	_ =	shalt  }
0x41: {  	_ =	shalt  }
0x42: {  	_ =	shalt  }
0x43: {  	_ =	shalt  }
0x44: {  	_ =	shalt  }
0x45: {  	_ =	shalt  }
0x46: {  	_ =	shalt  }
0x47: {  	_ =	shalt  }
0x48: {  	_ =	shalt  }
0x49: {  	_ =	shalt  }
0x4a: {  	_ =	shalt  }
0x4b: {  	_ =	shalt  }
0x4c: {  	_ =	shalt  }
0x4d: {  	_ =	shalt  }
0x4e: {  	_ =	shalt  }
0x4f: {  	_ =	shalt  }
0x50: {  	_ =	shalt  }
0x51: {  	_ =	shalt  }
0x52: {  	_ =	shalt  }
0x53: {  	_ =	shalt  }
0x54: {  	_ =	shalt  }
0x55: {  	_ =	shalt  }
0x56: {  	_ =	shalt  }
0x57: {  	_ =	shalt  }
0x58: {  	_ =	shalt  }
0x59: {  	_ =	shalt  }
0x5a: {  	_ =	shalt  }
0x5b: {  	_ =	shalt  }
0x5c: {  	_ =	shalt  }
0x5d: {  	_ =	shalt  }
0x5e: {  	_ =	shalt  }
0x5f: {  	_ =	shalt  }
0x60: {  	_ =	shalt  }
0x61: {  	_ =	shalt  }
0x62: {  	_ =	shalt  }
0x63: {  	_ =	shalt  }
0x64: {  	_ =	shalt  }
0x65: {  	_ =	shalt  }
0x66: {  	_ =	shalt  }
0x67: {  	_ =	shalt  }
0x68: {  	_ =	shalt  }
0x69: {  	_ =	shalt  }
0x6a: {  	_ =	shalt  }
0x6b: {  	_ =	shalt  }
0x6c: {  	_ =	shalt  }
0x6d: {  	_ =	shalt  }
0x6e: {  	_ =	shalt  }
0x6f: {  	_ =	shalt  }
0x70: {  	_ =	shalt  }
0x71: {  	_ =	shalt  }
0x72: {  	_ =	shalt  }
0x73: {  	_ =	shalt  }
0x74: {  	_ =	shalt  }
0x75: {  	_ =	shalt  }
0x76: {  	_ =	shalt  }
0x77: {  	_ =	shalt  }
0x78: {  	_ =	shalt  }
0x79: {  	_ =	shalt  }
0x7a: {  	_ =	shalt  }
0x7b: {  	_ =	shalt  }
0x7c: {  	_ =	shalt  }
0x7d: {  	_ =	shalt  }
0x7e: {  	_ =	shalt  }
0x7f: {  	_ =	shalt  }
0x80: {  	_ =	shalt  }
0x81: {  	_ =	shalt  }
0x82: {  	_ =	shalt  }
0x83: {  	_ =	shalt  }
0x84: {  	_ =	shalt  }
0x85: {  	_ =	shalt  }
0x86: {  	_ =	shalt  }
0x87: {  	_ =	shalt  }
.Lfunc_end0:
.L_simem_size_0:
called_computation_lowered:
.L_overlay_start_0:
0x88: {  	s2 =	sld [smem:$0x3FD9]  }
0x89: {  	s3 =	sld [smem:$0x3FFE];
	_ =	sdelay $0x1  }
0x8a: {  	s1 =	srdreg.scid  }
0x8b: {  	s0 =	sand.u32 $0x1, s1  }
0x8c: {  	s17 =	sshll.u32 s0, $0xA;
	s2 =	sadd.s32 s3, s2  }
0x8d: {  	s2 =	sadd.s32 s2, s17  }
0x8e: {  	[smem:$0x3FB9] =	sst s2  }
0x8f: {  	_ = 	snop  }
0x90: {  	s2 =	sld [smem:$0x3FD0];
	(tm) =	ssettm $0x1  }
0x91: {  	s18 =	sld [smem:$0x3FFB];
	_ =	sdelay $0x3  }
0x92: {  	_ =	strace s18  }
0x93: {  	s3 =	sld [smem:$0x3FFC];
	_ =	sdelay $0x3  }
0x94: {  	_ =	strace s3  }
0x95: {  	s3 =	sld [smem:$0x3FFD];
	_ =	sdelay $0x3  }
0x96: {  	_ =	strace s3  }
0x97: {  	_ =	strace $0x8FFFFFFF  }
0x98: {  	s19 =	sld [smem:$0x3FDB];
	_ =	sdelay $0x1  }
0x99: {  	s4 =	simm.s32 $_scs_section_size  }
0x9a: {  	s5 =	simm.s32 $_size__tile_overlayer_lowered;
	s6 =	simm.s32 $_tile_overlayer_lowered  }
0x9b: {  	s22 =	simm.s32 $0x1BFF;
	s21 =	sshll.u32 s6, $0x1;
	s3 =	sadd.s32 s4, s19  }
0x9c: {  	s7 =	simm.s32 $0x0;
	s20 =	sshll.u32 s5, $0x1;
	s5 =	sadd.s32 s21, s3  }
0x9d: {  	[timem:s7], [sflag:s22] =	dma.local [hbm:s5], s20  }
0x9e: {  	_ =	swait.ge [sflag:s22], s20  }
0x9f: {  	s4 =	ssub.s32 $0x0, s20;
	[sflag:s22] =	ssyncset.done $0x0  }
0xa0: {  	[sflag:s22] =	ssyncadd.s32 s4;
	_ =	sdelay $0x1  }
0xa1: {  	s23 =	simm.s32 $0x1B8B  }
0xa2: {  	_ =	swait.ge [sflag:s23], $0x1  }
0xa3: {  	[sflag:s23] =	ssyncset.done $0x0  }
0xa4: {  	s25 =	simm.s32 $0x1B8E;
	s24 =	sld [smem:$0x3FFE];
	[sflag:s23] =	ssyncadd.s32 $0xFFFFFFFF  }
0xa5: {  	s26 =	simm.s32 $execute0_lowered;
	[smem:$0x3FD2] =	sst s25  }
0xa6: {  	s5 =	sshll.u32 s26, $0x1;
	_ =	strace $0x80000046;
	[dreg:$0x1] =	wrdreg $0xFFFFFFFF  }
0xa7: {  	s28 =	simm.s32 $_size_execute0_lowered;
	s3 =	sadd.s32 s3, s5;
	[dreg:$0x0] =	wrdreg $0x0  }
0xa8: {  	s5 =	sshll.u32 s28, $0x1;
	[dreg:$0x2] =	wrdreg s3  }
0xa9: {  	[dreg:$0x3] =	wrdreg s5  }
0xaa: {  	[dreg:$0x4] =	wrdreg $0xC0  }
0xab: {  	_ =	task [dreg:s7], $0x5FFFF  }
0xac: {  	[dreg:$0x1] =	wrdreg $0xFFFFFFFF  }
0xad: {  	[dreg:$0x0] =	wrdreg $0x60  }
0xae: {  	[dreg:$0x2] =	wrdreg s24  }
0xaf: {  	[dreg:$0x3] =	wrdreg s2  }
0xb0: {  	[dreg:$0x4] =	wrdreg $0xA2000  }
0xb1: {  	[dreg:$0x5] =	wrdreg $0x9  }
0xb2: {  	_ =	task.clear_ibuf [dreg:s7], $0x6FFFF;
	_ =	strace $0x90000046  }
0xb3: {  	s29 =	simm.s32 $0x9;
	_ =	strace $0x80000048  }
0xb4: {  	_ =	swait.ge [sflag:s29], $0x1  }
0xb5: {  	[sflag:s29] =	ssyncadd.s32 $0xFFFFFFFF  }
0xb6: {  	_ =	strace $0x90000048  }
0xb7: {  	_ =	sfence  }
0xb8: {  	s30 =	sld [smem:$0x0];
	_ =	sdelay $0x2  }
0xb9: {  	s31 =	sshll.u32 s1, $0xD;
	s1 =	sshrl.u32 s1, $0x2  }
0xba: {  	s3 =	sand.u32 $0x4000, s31;
	s1 =	sadd.s32 s1, s30  }
0xbb: {  	s0 =	sor.u32 s3, s0;
	s1 =	sshll.u32 s1, $0x11  }
0xbc: {  	s0 =	sor.u32 s1, s0  }
0xbd: {  	s0 =	sadd.s32 $0x8F2B, s0  }
0xbe: {  	[sflag:s0] =	ssyncadd.remote.s32 $0x1  }
0xbf: {  	_ =	sfence.sel $0xFFFF  }
0xc0: {  	[dreg:$0x0] =	wrdreg $0xFFFFFFFF;
	(pc) =	sbr.abs _section_cstart, $3  }
0xc1: {  	[dreg:$0x1] =	wrdreg $0xFFFFFFFF  }
0xc2: {  	_ =	task.clear_ibuf [dreg:s7], $0x2FFFF;
	_ =	strace $0x9FFFFFFF  }
0xc3: {  	(tm) =	ssettm $0x7FFFFFFF  }
tec
execute0_lowered:
.L_overlay_start_1:
0x0: {  	(tag) =	ssettag $0x1  }
0x1: {  	s0 =	rddreg [dreg:$0x0]  }
0x2: {  	s1 =	rddreg [dreg:$0x1]  }
0x3: {  	s2 =	rddreg [dreg:$0x2]  }
0x4: {  	s4 =	simm.s32 $0x0;
	s3 =	srdreg.scid;
	s11 =	stileid.u32  }
0x5: {  	s29 =	simm.s32 $0x200;
	s30 =	simm.s32 $0x7;
	s31 =	simm.s32 $0x100  }
0x6: {  	[smem:$0x7FF] =	sst s4;
	s3 =	sand.u32 $0x1, s3;
	s5 =	sadd.s32 $0x676000, s0  }
0x7: {  	s9 =	smul.u32 $0xC800, s11;
	s6 =	sadd.s32 $0x68A000, s0;
	s7 =	sadd.s32 $0x36000, s0  }
0x8: {  	s0 =	sadd.s32 $0x712400, s0;
	s21 =	smul.u32 $0x190000, s11;
	s8 =	ssub.s32 $0x2, s3  }
0x9: {  	_ =	strace $0x80000047;
	s14 =	smul.u32 $0x50000, s3;
	s10 =	sshrl.u32 s8, $0x1  }
0xa: {  	s16 =	sadd.s32 $0x2800, s9;
	s12 =	sadd.s32 s9, s2;
	s18 =	sadd.s32 $0x7800, s9  }
0xb: {  	s17 =	sadd.s32 $0x5000, s9;
	s19 =	sadd.s32 $0xA000, s9;
	s13 =	sadd.s32 s18, s2  }
0xc: {  	s10 =	ssub.s32 s8, s10;
	s15 =	sadd.s32 s19, s2;
	[dreg:$0x6] =	wrdreg s13  }
0xd: {  	s8 =	smul.u32 $0x5000, s11;
	s25 =	sadd.s32 s16, s2;
	[dreg:$0x7] =	wrdreg s15  }
0xe: {  	s26 =	sadd.s32 s17, s2;
	s13 =	smul.u32 $0x1900000, s3;
	[dreg:$0x4] =	wrdreg s25  }
0xf: {  	s3 =	smul.u32 $0xC8000, s3;
	[dreg:$0x5] =	wrdreg s26;
	s14 =	sadd.s32 s8, s14  }
0x10: {  	s22 =	sshrl.u32 s8, $0x3;
	s28 =	sor.u32 $0x80, s8;
	s20 =	sshrl.u32 s14, $0x3  }
0x11: {  	s9 =	sadd.s32 s9, s3;
	s16 =	sadd.s32 s3, s16;
	s17 =	sadd.s32 s3, s17  }
0x12: {  	s18 =	sadd.s32 s3, s18;
	s3 =	sadd.s32 s3, s19;
	s15 =	sadd.s32 s6, s22  }
0x13: {  	s24 =	sadd.s32 s21, s13;
	s23 =	sadd.s32 s5, s20;
	[dreg:$0x9] =	wrdreg s15  }
0x14: {  	s19 =	sshrl.u32 s24, $0x3;
	s24 =	sadd.s32 $0x10, s15;
	[dreg:$0x8] =	wrdreg s23  }
0x15: {  	s9 =	sshrl.u32 s9, $0x3;
	s19 =	sadd.s32 s7, s19;
	[dreg:$0x12] =	wrdreg s24  }
0x16: {  	s16 =	sshrl.u32 s16, $0x3;
	s9 =	sadd.s32 s0, s9;
	[dreg:$0xa] =	wrdreg s19  }
0x17: {  	s20 =	sshrl.u32 s18, $0x3;
	s16 =	sadd.s32 s0, s16;
	[dreg:$0xb] =	wrdreg s9  }
0x18: {  	s3 =	sshrl.u32 s3, $0x3;
	s21 =	sadd.s32 s0, s20;
	[dreg:$0xc] =	wrdreg s16  }
0x19: {  	s18 =	simm.s32 $0x6;
	s22 =	sadd.s32 $0x10, s23;
	[dreg:$0xe] =	wrdreg s21  }
0x1a: {  	s23 =	smax.u32 s10, $0x1;
	s20 =	simm.s32 $0x7A00;
	[dreg:$0x10] =	wrdreg s22  }
.Ltmp0:
0x1b: {  	s19 =	sshrl.u32 s17, $0x3;
	[dreg:$0x11] =	wrdreg s23;
	(pc) =	sbr.rel .LBB2_1-.Ltmp0, $4  }
0x1c: {  	s16 =	simm.s32 $0x1;
	s17 =	simm.s32 $0x3;
	s21 =	simm.s32 $0x2  }
0x1d: {  	s22 =	simm.s32 $0x4;
	s23 =	simm.s32 $0x0;
	s9 =	sadd.s32 s0, s19  }
0x1e: {  	s0 =	sadd.s32 s0, s3;
	s3 =	simm.s32 $0x180;
	[dreg:$0xd] =	wrdreg s9  }
0x1f: {  	v0 =	vimm.f32 $0.0e+00;
	s19 =	simm.s32 $0x2A00;
	[dreg:$0xf] =	wrdreg s0;
	s0 =	simm.s32 $0x80  }
.LBB2_10:
0x20: {  	[bflag:$0x0] =	sbarrier.arrive $0xFFFF  }
0x21: {  	[tilespmem:s29], [sflag:$0x7] =	stream.linear.gather [spmem:s15], $0x2800, $0x38;
	[tilespmem:$0x16A00] =	vst v63  }
0x22: {  	_ =	swait.ge [sflag:s30], $0x2800  }
0x23: {  	[sflag:s30] =	ssyncset.done $0x0  }
0x24: {  	s9 =	rddreg [dreg:$0xb];
	[sflag:s30] =	ssyncadd.s32 $0xFFFFD800  }
0x25: {  	[hbm4b:s9+s4] =	stream.linear.scatter [tilespmem:s29], [sflag:$0x7], $0x2800, $0x38;
	[tilespmem:$0x16A00] =	vst v63  }
0x26: {  	_ =	swait.ge [sflag:s30], $0x2800  }
0x27: {  	[sflag:s30] =	ssyncset.done $0x0  }
0x28: {  	s25 =	rddreg [dreg:$0x4];
	[sflag:s30] =	ssyncadd.s32 $0xFFFFD800  }
0x29: {  	[tilespmem:s29], [sflag:$0x7] =	stream.linear.gather [spmem:s25], $0x2800, $0x38;
	[tilespmem:$0x16A00] =	vst v63  }
0x2a: {  	_ =	swait.ge [sflag:s30], $0x2800  }
0x2b: {  	[sflag:s30] =	ssyncset.done $0x0  }
0x2c: {  	s11 =	rddreg [dreg:$0xc];
	[sflag:s30] =	ssyncadd.s32 $0xFFFFD800  }
0x2d: {  	[hbm4b:s11+s4] =	stream.linear.scatter [tilespmem:s29], [sflag:$0x7], $0x2800, $0x38;
	[tilespmem:$0x16A00] =	vst v63  }
0x2e: {  	_ =	swait.ge [sflag:s30], $0x2800  }
0x2f: {  	[sflag:s30] =	ssyncset.done $0x0  }
0x30: {  	s26 =	rddreg [dreg:$0x5];
	[sflag:s30] =	ssyncadd.s32 $0xFFFFD800  }
0x31: {  	[tilespmem:s29], [sflag:$0x7] =	stream.linear.gather [spmem:s26], $0x2800, $0x38;
	[tilespmem:$0x16A00] =	vst v63  }
0x32: {  	_ =	swait.ge [sflag:s30], $0x2800  }
0x33: {  	[sflag:s30] =	ssyncset.done $0x0  }
0x34: {  	s12 =	smov.u32 s15;
	s15 =	rddreg [dreg:$0xd];
	[sflag:s30] =	ssyncadd.s32 $0xFFFFD800  }
0x35: {  	[hbm4b:s15+s4] =	stream.linear.scatter [tilespmem:s29], [sflag:$0x7], $0x2800, $0x38;
	[tilespmem:$0x16A00] =	vst v63  }
0x36: {  	_ =	swait.ge [sflag:s30], $0x2800  }
0x37: {  	[sflag:s30] =	ssyncset.done $0x0  }
0x38: {  	s24 =	rddreg [dreg:$0x6];
	[sflag:s30] =	ssyncadd.s32 $0xFFFFD800  }
0x39: {  	[tilespmem:s29], [sflag:$0x7] =	stream.linear.gather [spmem:s24], $0x2800, $0x38;
	[tilespmem:$0x16A00] =	vst v63  }
0x3a: {  	_ =	swait.ge [sflag:s30], $0x2800  }
0x3b: {  	[sflag:s30] =	ssyncset.done $0x0  }
0x3c: {  	s10 =	rddreg [dreg:$0xe];
	[sflag:s30] =	ssyncadd.s32 $0xFFFFD800  }
0x3d: {  	[hbm4b:s10+s4] =	stream.linear.scatter [tilespmem:s29], [sflag:$0x7], $0x2800, $0x38;
	[tilespmem:$0x16A00] =	vst v63  }
0x3e: {  	_ =	swait.ge [sflag:s30], $0x2800  }
0x3f: {  	[sflag:s30] =	ssyncset.done $0x0  }
0x40: {  	s11 =	rddreg [dreg:$0x7];
	[sflag:s30] =	ssyncadd.s32 $0xFFFFD800  }
0x41: {  	[tilespmem:s29], [sflag:$0x7] =	stream.linear.gather [spmem:s11], $0x2800, $0x38;
	[tilespmem:$0x16A00] =	vst v63  }
0x42: {  	_ =	swait.ge [sflag:s30], $0x2800  }
0x43: {  	[sflag:s30] =	ssyncset.done $0x0  }
0x44: {  	s15 =	rddreg [dreg:$0xf];
	[sflag:s30] =	ssyncadd.s32 $0xFFFFD800  }
0x45: {  	[hbm4b:s15+s4] =	stream.linear.scatter [tilespmem:s29], [sflag:$0x7], $0x2800, $0x38;
	[tilespmem:$0x16A00] =	vst v63  }
0x46: {  	_ =	swait.ge [sflag:s30], $0x2800  }
0x47: {  	s23 =	sadd.s32 $0x1, s23;
	s24 =	rddreg [dreg:$0x11]  }
0x48: {  	p0 =	sne.s32 s23, s24  }
.Ltmp1:
0x49: {  	_ = 	snop;
	(pc) =	sbr.rel @!p0 .LBB2_11-.Ltmp1, $3  }
0x4a: {  	_ =	sdelay $0x1  }
0x4b: {  	[sflag:s30] =	ssyncset.done $0x0  }
0x4c: {  	[sflag:s30] =	ssyncadd.s32 $0xFFFFD800  }
.LBB2_1:
0x4d: {  	s10 =	simm.s32 $0x140;
	s9 =	simm.s32 $0x0  }
.LBB2_2:
0x4e: {  	p0 =	sne.s32 s10, $0x9EC0;
	[tilespmem:s9+$0x240] =	vst v0;
	s24 =	smov.u32 s10;
	s10 =	sadd.s32 $0x140, s10  }
.Ltmp2:
0x4f: {  	[tilespmem:s9+$0x230] =	vst v0;
	(pc) =	sbr.rel @p0 .LBB2_2-.Ltmp2, $4  }
0x50: {  	[tilespmem:s9+$0x220] =	vst v0  }
0x51: {  	[tilespmem:s9+$0x200] =	vst v0  }
0x52: {  	[tilespmem:s9+$0x210] =	vst v0  }
0x53: {  	s9 =	sshra.s32 s24, $0x2  }
0x54: {  	[tilespmem:s9+$0x240] =	vst v0  }
0x55: {  	[tilespmem:s9+$0x230] =	vst v0  }
0x56: {  	[tilespmem:s9+$0x220] =	vst v0  }
0x57: {  	[tilespmem:s9+$0x200] =	vst v0  }
0x58: {  	[tilespmem:s9+$0x210] =	vst v0  }
0x59: {  	[spmem:s12] =	stream.linear.scatter [tilespmem:s29], [sflag:$0x7], $0x2800, $0x38;
	[tilespmem:$0x16A00] =	vst v63  }
0x5a: {  	_ =	swait.ge [sflag:s30], $0x2800  }
0x5b: {  	[sflag:s30] =	ssyncset.done $0x0  }
0x5c: {  	[sflag:s30] =	ssyncadd.s32 $0xFFFFD800  }
0x5d: {  	[spmem:s25] =	stream.linear.scatter [tilespmem:s29], [sflag:$0x7], $0x2800, $0x38;
	[tilespmem:$0x16A00] =	vst v63  }
0x5e: {  	_ =	swait.ge [sflag:s30], $0x2800  }
0x5f: {  	[sflag:s30] =	ssyncset.done $0x0  }
0x60: {  	[sflag:s30] =	ssyncadd.s32 $0xFFFFD800  }
0x61: {  	[spmem:s26] =	stream.linear.scatter [tilespmem:s29], [sflag:$0x7], $0x2800, $0x38;
	[tilespmem:$0x16A00] =	vst v63  }
0x62: {  	_ =	swait.ge [sflag:s30], $0x2800  }
0x63: {  	[sflag:s30] =	ssyncset.done $0x0  }
0x64: {  	s25 =	rddreg [dreg:$0x6];
	[sflag:s30] =	ssyncadd.s32 $0xFFFFD800  }
0x65: {  	[spmem:s25] =	stream.linear.scatter [tilespmem:s29], [sflag:$0x7], $0x2800, $0x38;
	[tilespmem:$0x16A00] =	vst v63  }
0x66: {  	_ =	swait.ge [sflag:s30], $0x2800  }
0x67: {  	[sflag:s30] =	ssyncset.done $0x0  }
0x68: {  	s26 =	rddreg [dreg:$0x7];
	[sflag:s30] =	ssyncadd.s32 $0xFFFFD800  }
0x69: {  	[spmem:s26] =	stream.linear.scatter [tilespmem:s29], [sflag:$0x7], $0x2800, $0x38;
	[tilespmem:$0x16A00] =	vst v63  }
0x6a: {  	_ =	swait.ge [sflag:s30], $0x2800  }
0x6b: {  	[sflag:s30] =	ssyncset.done $0x0  }
0x6c: {  	[sflag:s30] =	ssyncadd.s32 $0xFFFFD800  }
0x6d: {  	[bflag:$0x0] =	sbarrier.arrive $0xFFFF  }
0x6e: {  	s24 =	simm.s32 $0x0;
	s10 =	rddreg [dreg:$0x8]  }
0x6f: {  	[tilespmem:s24], [sflag:$0x7] =	stream.linear.gather [hbm4b:s10+s24], $0x80, $0x38;
	[tilespmem:$0x16A00] =	vst v63  }
0x70: {  	_ =	swait.ge [sflag:s30], $0x80  }
0x71: {  	[sflag:s30] =	ssyncset.done $0x0  }
0x72: {  	s11 =	rddreg [dreg:$0x9];
	[sflag:s30] =	ssyncadd.s32 $0xFFFFFF80  }
0x73: {  	[tilespmem:s31], [sflag:$0x7] =	stream.linear.gather [hbm4b:s11+s24], $0x80, $0x38;
	[tilespmem:$0x16A00] =	vst v63  }
0x74: {  	_ =	swait.ge [sflag:s30], $0x80  }
0x75: {  	[sflag:s30] =	ssyncset.done $0x0  }
0x76: {  	[sflag:s30] =	ssyncadd.s32 $0xFFFFFF80  }
0x77: {  	[tilespmem:s29], [sflag:$0x1] =	stream.indirect.gather [hbm4b:s1+s0], $0x50, s24, s0, $0xb8;
	[tilespmem:$0x16A00] =	vst v63  }
0x78: {  	s15 =	smov.u32 s12;
	s10 =	simm.s32 $0x5200;
	s12 =	rddreg [dreg:$0xa]  }
0x79: {  	[tilespmem:s10], [sflag:$0x3] =	stream.linear.gather [hbm4b:s12+s24], $0x2800, $0x38;
	[tilespmem:$0x16A00] =	vst v63  }
0x7a: {  	s25 =	rddreg [dreg:$0x10]  }
0x7b: {  	[tilespmem:s0], [sflag:$0x6] =	stream.linear.gather [hbm4b:s25+s24], $0x80, $0x38;
	[tilespmem:$0x16A00] =	vst v63  }
0x7c: {  	s26 =	rddreg [dreg:$0x12];
	s25 =	simm.s32 $0x0  }
0x7d: {  	[tilespmem:s3], [sflag:$0x6] =	stream.linear.gather [hbm4b:s26+s24], $0x80, $0x38;
	[tilespmem:$0x16A00] =	vst v63  }
.LBB2_4:
0x7e: {  	_ =	swait.ge [sflag:s18], $0x80;
	s26 =	sshll.u32 s25, $0x8  }
0x7f: {  	[sflag:s18] =	ssyncset.done $0x0;
	s9 =	sadd.s32 s26, s28  }
0x80: {  	[sflag:s18] =	ssyncadd.s32 $0xFFFFFF80;
	s9 =	smul.u32 $0x50, s9  }
0x81: {  	_ =	swait.ge [sflag:s18], $0x80  }
0x82: {  	[sflag:s18] =	ssyncset.done $0x0;
	s9 =	sadd.s32 s13, s9  }
0x83: {  	[sflag:s18] =	ssyncadd.s32 $0xFFFFFF80;
	s9 =	sshrl.u32 s9, $0x3  }
0x84: {  	[tilespmem:s19], [sflag:$0x2] =	stream.indirect.gather [hbm4b:s1+s0], $0x50, s0, s0, $0xb8;
	[tilespmem:$0x16A00] =	vst v63  }
0x85: {  	s9 =	sadd.s32 s7, s9  }
0x86: {  	[tilespmem:s20], [sflag:$0x4] =	stream.linear.gather [hbm4b:s9+s24], $0x2800, $0x38;
	[tilespmem:$0x16A00] =	vst v63  }
0x87: {  	_ =	swait.ge [sflag:s16], $0x2800  }
0x88: {  	[sflag:s16] =	ssyncset.done $0x0  }
0x89: {  	[sflag:s16] =	ssyncadd.s32 $0xFFFFD800  }
0x8a: {  	_ =	swait.ge [sflag:s17], $0x2800  }
0x8b: {  	[sflag:s17] =	ssyncset.done $0x0  }
0x8c: {  	s9 =	simm.s32 $0x0;
	[sflag:s17] =	ssyncadd.s32 $0xFFFFD800  }
0x8d: {  	v4 =	vld [tilespmem:s9+$0x5200]  }
0x8e: {  	v5 =	vld [tilespmem:s9+$0x5210]  }
0x8f: {  	v3 =	vld [tilespmem:s9+$0x5220]  }
0x90: {  	v2 =	vld [tilespmem:s9+$0x5230]  }
0x91: {  	v1 =	vld [tilespmem:s9+$0x5240]  }
0x92: {  	v8 =	vld [tilespmem:s9+$0x200]  }
0x93: {  	v9 =	vld [tilespmem:s9+$0x210]  }
0x94: {  	v7 =	vld [tilespmem:s9+$0x220]  }
0x95: {  	s10 =	simm.s32 $0x140;
	v6 =	vld [tilespmem:s9+$0x230]  }
.LBB2_5:
0x96: {  	s11 =	sshra.s32 s10, $0x2;
	p0 =	sne.s32 s10, $0x9EC0;
	v10 =	vld [tilespmem:s9+$0x240]  }
0x97: {  	v8 =	vmul.f32 v4, v8;
	v4 =	vld [tilespmem:s11+$0x5200]  }
0x98: {  	v9 =	vmul.f32 v5, v9;
	v5 =	vld [tilespmem:s11+$0x5210]  }
0x99: {  	[tilespmem:s9+$0x200] =	vst v8;
	v7 =	vmul.f32 v3, v7;
	v3 =	vld [tilespmem:s11+$0x5220]  }
0x9a: {  	[tilespmem:s9+$0x210] =	vst v9;
	v6 =	vmul.f32 v2, v6;
	v2 =	vld [tilespmem:s11+$0x5230]  }
.Ltmp3:
0x9b: {  	[tilespmem:s9+$0x220] =	vst v7;
	v7 =	vmul.f32 v1, v10;
	v1 =	vld [tilespmem:s11+$0x5240];
	(pc) =	sbr.rel @p0 .LBB2_5-.Ltmp3, $4  }
0x9c: {  	v8 =	vld [tilespmem:s11+$0x200];
	[tilespmem:s9+$0x230] =	vst v6  }
0x9d: {  	v9 =	vld [tilespmem:s11+$0x210];
	[tilespmem:s9+$0x240] =	vst v7;
	s9 =	smov.u32 s11  }
0x9e: {  	v7 =	vld [tilespmem:s9+$0x220]  }
0x9f: {  	s10 =	sadd.s32 $0x140, s10;
	v6 =	vld [tilespmem:s9+$0x230]  }
0xa0: {  	v10 =	vld [tilespmem:s9+$0x240]  }
0xa1: {  	v4 =	vmul.f32 v4, v8  }
0xa2: {  	v5 =	vmul.f32 v5, v9  }
0xa3: {  	[tilespmem:s9+$0x200] =	vst v4;
	v3 =	vmul.f32 v3, v7  }
0xa4: {  	[tilespmem:s9+$0x210] =	vst v5;
	v2 =	vmul.f32 v2, v6  }
0xa5: {  	[tilespmem:s9+$0x220] =	vst v3;
	v1 =	vmul.f32 v1, v10  }
0xa6: {  	p0 =	seq.s32 s25, $0x4F;
	[tilespmem:s9+$0x230] =	vst v2  }
0xa7: {  	[tilespmem:s9+$0x240] =	vst v1;
	s9 =	sadd.s32 @!p0 $0x100, s26  }
0xa8: {  	[spmem:s2] =	stream.indirect.scatter.add.f32 [tilespmem:s29], [sflag:$0x7], $0x50, s31, s0, $0xb8;
	[tilespmem:$0x16A00] =	vst v63  }
0xa9: {  	s10 =	sadd.s32 @!p0 s14, s9;
	_ =	swait.ge [sflag:s30], $0x2800  }
0xaa: {  	s11 =	simm.s32 @!p0 $0x0;
	s10 =	sshrl.u32 @!p0 s10, $0x3;
	[sflag:s30] =	ssyncset.done $0x0  }
0xab: {  	s9 =	sadd.s32 @!p0 s8, s9;
	s10 =	sadd.s32 @!p0 s5, s10;
	[sflag:s30] =	ssyncadd.s32 $0xFFFFD800  }
0xac: {  	[tilespmem:s11], [sflag:$0x5] =	stream.linear.gather @!p0 [hbm4b:s10+s11], $0x80, $0x38;
	[tilespmem:$0x16A00] =	vst v63  }
0xad: {  	s10 =	sshrl.u32 @!p0 s9, $0x3  }
0xae: {  	s12 =	simm.s32 @!p0 $0x100;
	s10 =	sadd.s32 @!p0 s6, s10  }
0xaf: {  	[tilespmem:s12], [sflag:$0x5] =	stream.linear.gather @!p0 [hbm4b:s10+s11], $0x80, $0x38;
	[tilespmem:$0x16A00] =	vst v63  }
0xb0: {  	s10 =	simm.s32 @!p0 $0x5  }
0xb1: {  	_ =	swait.ge @!p0 [sflag:s10], $0x80  }
0xb2: {  	[sflag:s10] =	ssyncset.done @!p0 $0x0  }
0xb3: {  	s9 =	smul.u32 @!p0 $0x50, s9;
	[sflag:s10] =	ssyncadd.s32 @!p0 $0xFFFFFF80  }
0xb4: {  	_ =	swait.ge @!p0 [sflag:s10], $0x80  }
0xb5: {  	s12 =	simm.s32 @!p0 $0x200;
	s9 =	sadd.s32 @!p0 s13, s9;
	[sflag:s10] =	ssyncset.done @!p0 $0x0  }
0xb6: {  	s9 =	sshrl.u32 @!p0 s9, $0x3;
	[sflag:s10] =	ssyncadd.s32 @!p0 $0xFFFFFF80;
	s10 =	simm.s32 @!p0 $0x80  }
0xb7: {  	[tilespmem:s12], [sflag:$0x1] =	stream.indirect.gather @!p0 [hbm4b:s1+s10], $0x50, s11, s10, $0xb8;
	[tilespmem:$0x16A00] =	vst v63  }
0xb8: {  	s9 =	sadd.s32 @!p0 s7, s9;
	s10 =	simm.s32 @!p0 $0x5200  }
0xb9: {  	[tilespmem:s10], [sflag:$0x3] =	stream.linear.gather @!p0 [hbm4b:s9+s11], $0x2800, $0x38;
	[tilespmem:$0x16A00] =	vst v63  }
0xba: {  	_ =	swait.ge [sflag:s21], $0x2800  }
0xbb: {  	[sflag:s21] =	ssyncset.done $0x0  }
0xbc: {  	[sflag:s21] =	ssyncadd.s32 $0xFFFFD800  }
0xbd: {  	_ =	swait.ge [sflag:s22], $0x2800  }
0xbe: {  	[sflag:s22] =	ssyncset.done $0x0  }
0xbf: {  	s9 =	simm.s32 $0x0;
	[sflag:s22] =	ssyncadd.s32 $0xFFFFD800  }
0xc0: {  	v4 =	vld [tilespmem:s9+$0x7A00]  }
0xc1: {  	v5 =	vld [tilespmem:s9+$0x7A10]  }
0xc2: {  	v3 =	vld [tilespmem:s9+$0x7A20]  }
0xc3: {  	v2 =	vld [tilespmem:s9+$0x7A30]  }
0xc4: {  	v1 =	vld [tilespmem:s9+$0x7A40]  }
0xc5: {  	v8 =	vld [tilespmem:s9+$0x2A00]  }
0xc6: {  	v9 =	vld [tilespmem:s9+$0x2A10]  }
0xc7: {  	v7 =	vld [tilespmem:s9+$0x2A20]  }
0xc8: {  	s10 =	simm.s32 $0x140;
	v6 =	vld [tilespmem:s9+$0x2A30]  }
.LBB2_7:
0xc9: {  	s11 =	sshra.s32 s10, $0x2;
	p1 =	sne.s32 s10, $0x9EC0;
	v10 =	vld [tilespmem:s9+$0x2A40]  }
0xca: {  	v8 =	vmul.f32 v4, v8;
	v4 =	vld [tilespmem:s11+$0x7A00]  }
0xcb: {  	v9 =	vmul.f32 v5, v9;
	v5 =	vld [tilespmem:s11+$0x7A10]  }
0xcc: {  	[tilespmem:s9+$0x2A00] =	vst v8;
	v7 =	vmul.f32 v3, v7;
	v3 =	vld [tilespmem:s11+$0x7A20]  }
0xcd: {  	[tilespmem:s9+$0x2A10] =	vst v9;
	v6 =	vmul.f32 v2, v6;
	v2 =	vld [tilespmem:s11+$0x7A30]  }
.Ltmp4:
0xce: {  	[tilespmem:s9+$0x2A20] =	vst v7;
	v7 =	vmul.f32 v1, v10;
	v1 =	vld [tilespmem:s11+$0x7A40];
	(pc) =	sbr.rel @p1 .LBB2_7-.Ltmp4, $4  }
0xcf: {  	v8 =	vld [tilespmem:s11+$0x2A00];
	[tilespmem:s9+$0x2A30] =	vst v6  }
0xd0: {  	v9 =	vld [tilespmem:s11+$0x2A10];
	[tilespmem:s9+$0x2A40] =	vst v7;
	s9 =	smov.u32 s11  }
0xd1: {  	v7 =	vld [tilespmem:s9+$0x2A20]  }
0xd2: {  	s10 =	sadd.s32 $0x140, s10;
	v6 =	vld [tilespmem:s9+$0x2A30]  }
0xd3: {  	v10 =	vld [tilespmem:s9+$0x2A40]  }
0xd4: {  	v4 =	vmul.f32 v4, v8  }
0xd5: {  	v5 =	vmul.f32 v5, v9  }
0xd6: {  	[tilespmem:s9+$0x2A00] =	vst v4;
	v3 =	vmul.f32 v3, v7  }
0xd7: {  	[tilespmem:s9+$0x2A10] =	vst v5;
	v2 =	vmul.f32 v2, v6  }
0xd8: {  	[tilespmem:s9+$0x2A20] =	vst v3;
	v1 =	vmul.f32 v1, v10  }
0xd9: {  	[tilespmem:s9+$0x2A30] =	vst v2  }
.Ltmp5:
0xda: {  	[tilespmem:s9+$0x2A40] =	vst v1;
	(pc) =	sbr.rel @p0 .LBB2_10-.Ltmp5, $4  }
0xdb: {  	[spmem:s2] =	stream.indirect.scatter.add.f32 [tilespmem:s19], [sflag:$0x7], $0x50, s3, s0, $0xb8;
	[tilespmem:$0x16A00] =	vst v63  }
0xdc: {  	_ =	swait.ge [sflag:s30], $0x2800  }
0xdd: {  	[sflag:s30] =	ssyncset.done $0x0  }
0xde: {  	[sflag:s30] =	ssyncadd.s32 $0xFFFFD800  }
0xdf: {  	s9 =	sadd.s32 $0x180, s26  }
0xe0: {  	s10 =	sadd.s32 s14, s9  }
.Ltmp6:
0xe1: {  	s9 =	sadd.s32 s8, s9;
	s10 =	sshrl.u32 s10, $0x3;
	(pc) =	sbr.rel .LBB2_4-.Ltmp6, $4  }
0xe2: {  	s9 =	sshrl.u32 s9, $0x3;
	s10 =	sadd.s32 s5, s10  }
0xe3: {  	[tilespmem:s0], [sflag:$0x6] =	stream.linear.gather [hbm4b:s10+s4], $0x80, $0x38;
	[tilespmem:$0x16A00] =	vst v63  }
0xe4: {  	s25 =	sadd.s32 $0x1, s25;
	s9 =	sadd.s32 s6, s9  }
0xe5: {  	[tilespmem:s3], [sflag:$0x6] =	stream.linear.gather [hbm4b:s9+s4], $0x80, $0x38;
	[tilespmem:$0x16A00] =	vst v63  }
.LBB2_11:
0xe6: {  	_ =	sfence.sel $0x180000  }
0xe7: {  	[bflag:$0x0] =	sbarrier.arrive $0xFFFF  }
0xe8: {  	_ =	strace $0x90000047  }
0xe9: {  	s0 =	stileid.u32;
	[bflag:$0x2] =	sbarrier.arrive $0xFFFF  }
0xea: {  	p0 =	sne.s32 s0, $0x0;
	s0 =	rddreg [dreg:$0x3]  }
0xeb: {  	s0 =	sadd.s32 @!p0 $0x100000, s0  }
0xec: {  	[sflag:s0] =	ssyncadd.tile.s32 @!p0 $0x1;
	_ =	shalt  }
.Lfunc_end2:
_tile_overlayer_lowered:
.L_overlay_start_2:
0xed: {  	(tag) =	ssettag $0x2  }
0xee: {  	s0 =	rddreg [dreg:$0x0];
	s2 =	stileid.u32  }
0xef: {  	s1 =	rddreg [dreg:$0x1];
	p0 =	sne.s32 s2, $0x0  }
0xf0: {  	s3 =	rddreg [dreg:$0x2];
	[bflag:$0x3] =	sbarrier.arrive $0xFFFF;
	s2 =	simm.s32 @!p0 $0x1C07  }
0xf1: {  	[timem:s3], [sflag:s2] =	dma.local @!p0 [hbm:s0], s1  }
0xf2: {  	s0 =	simm.s32 @!p0 $0x7  }
0xf3: {  	_ =	swait.ge @!p0 [sflag:s0], s1  }
0xf4: {  	s1 =	ssub.s32 @!p0 $0x0, s1;
	[sflag:s0] =	ssyncset.done @!p0 $0x0  }
0xf5: {  	[sflag:s0] =	ssyncadd.s32 @!p0 s1  }
0xf6: {  	[bflag:$0x3] =	sbarrier.arrive $0xFFFF  }
0xf7: {  	_ =	shalt  }

</sc_bundles>
